<compile_context>
chip_gen: v7x
topology: tpu7x:2x2x1
jax: 0.10.2.dev20260603
libtpu: 0.0.44.dev20260713+nightly
codegen_flags: <defaults>
</compile_context>

<pallas_src>
import functools

import jax
import jax.numpy as jnp
from jax import lax
from jax.experimental import pallas as pl
from jax.experimental.pallas import tpu as pltpu
from jax.experimental.pallas import tpu_sc as plsc

_PITCH_VOCAB, _BUCKET_VOCAB, _PEDAL_VOCAB = 128, 8, 3
_PITCH_DIM, _BUCKET_DIM, _PEDAL_DIM = 16, 4, 2
_FEAT = _PITCH_DIM + _BUCKET_DIM + _PEDAL_DIM + 2
_EPS = 1e-5

_PED_PAD = 8
_OFF_PT = 0
_OFF_BT = _OFF_PT + _PITCH_VOCAB * _PITCH_DIM
_OFF_DT = _OFF_BT + _BUCKET_VOCAB * _BUCKET_DIM
_OFF_PS = _OFF_DT + _PED_PAD * _PEDAL_DIM
_OFF_PQ = _OFF_PS + _PITCH_VOCAB
_OFF_BS = _OFF_PQ + _PITCH_VOCAB
_OFF_BQ = _OFF_BS + _BUCKET_VOCAB
_OFF_DS = _OFF_BQ + _BUCKET_VOCAB
_OFF_DQ = _OFF_DS + _PED_PAD
_OFF_G = _OFF_DQ + _PED_PAD
_OFF_B = _OFF_G + _FEAT
_TAB_LEN = ((_OFF_B + _FEAT + 15) // 16) * 16

_L = 16
_BL = 128
_LS = 8


def _rsqrt(x):
    i = lax.bitcast_convert_type(x, jnp.int32)
    y = lax.bitcast_convert_type(
        jnp.int32(0x5F3759DF) - lax.shift_right_arithmetic(i, 1), jnp.float32)
    for _ in range(1):
        y = y * (1.5 - 0.5 * x * y * y)
    return y


def _sc_body(nltiles, nc,
             tab_hbm, pitch_hbm, bucket_hbm, pedal_hbm, vel_hbm, qlen_hbm,
             out_hbm, tab_v, p_v, b_v, e_v, v_v, q_v, out_v,
             sem_in0, sem_in1, sem_out0, sem_out1):
    wid = lax.axis_index("s") * nc + lax.axis_index("c")
    sem_in = (sem_in0, sem_in1)
    sem_out = (sem_out0, sem_out1)
    ntf = _FEAT // _LS

    pltpu.sync_copy(tab_hbm, tab_v)

    gb = [plsc.load_gather(tab_v, [jnp.full((_L,), _OFF_G + f, jnp.int32)])
          for f in range(_FEAT)]
    bb = [plsc.load_gather(tab_v, [jnp.full((_L,), _OFF_B + f, jnp.int32)])
          for f in range(_FEAT)]

    def issue_in(lt, par):
        pltpu.async_copy(pitch_hbm.at[lt, wid], p_v.at[par], sem_in[par])
        pltpu.async_copy(bucket_hbm.at[lt, wid], b_v.at[par], sem_in[par])
        pltpu.async_copy(pedal_hbm.at[lt, wid], e_v.at[par], sem_in[par])
        pltpu.async_copy(vel_hbm.at[lt, wid], v_v.at[par], sem_in[par])
        pltpu.async_copy(qlen_hbm.at[lt, wid], q_v.at[par], sem_in[par])

    def wait_in(lt, par):
        pltpu.make_async_copy(pitch_hbm.at[lt, wid], p_v.at[par],
                              sem_in[par]).wait()
        pltpu.make_async_copy(bucket_hbm.at[lt, wid], b_v.at[par],
                              sem_in[par]).wait()
        pltpu.make_async_copy(pedal_hbm.at[lt, wid], e_v.at[par],
                              sem_in[par]).wait()
        pltpu.make_async_copy(vel_hbm.at[lt, wid], v_v.at[par],
                              sem_in[par]).wait()
        pltpu.make_async_copy(qlen_hbm.at[lt, wid], q_v.at[par],
                              sem_in[par]).wait()

    def issue_out(lt, par):
        for tf in range(ntf):
            pltpu.async_copy(out_v.at[par, :, tf],
                             out_hbm.at[pl.ds(lt * _LS, _LS), tf, wid],
                             sem_out[par])

    def wait_out(lt, par):
        for tf in range(ntf):
            pltpu.make_async_copy(out_v.at[par, :, tf],
                                  out_hbm.at[pl.ds(lt * _LS, _LS), tf, wid],
                                  sem_out[par]).wait()

    def shifted(off):
        return tab_v.at[pl.ds(off, _TAB_LEN - off)]

    pt_refs = [shifted(_PITCH_VOCAB * d) for d in range(_PITCH_DIM)]
    bt_refs = [shifted(_OFF_BT + _BUCKET_VOCAB * d)
               for d in range(_BUCKET_DIM)]
    dt_refs = [shifted(_OFF_DT + _PED_PAD * d) for d in range(_PEDAL_DIM)]
    ps_ref, pq_ref = shifted(_OFF_PS), shifted(_OFF_PQ)
    bs_ref, bq_ref = shifted(_OFF_BS), shifted(_OFF_BQ)
    ds_ref, dq_ref = shifted(_OFF_DS), shifted(_OFF_DQ)

    def compute_chunk(par):

        def group_body(g, carry2):
            ls = g >> 3
            bl0 = (g & 7) * _L
            sl = pl.ds(bl0, _L)
            p = p_v[par, ls, sl]
            b = b_v[par, ls, sl]
            e = e_v[par, ls, sl]
            v = v_v[par, ls, sl]
            q = q_v[par, ls, sl]
            xs = [plsc.load_gather(pt_refs[d], [p]) for d in range(_PITCH_DIM)]
            xs += [plsc.load_gather(bt_refs[d], [b]) for d in range(_BUCKET_DIM)]
            xs += [plsc.load_gather(dt_refs[d], [e]) for d in range(_PEDAL_DIM)]
            xs += [v, q]
            s = (plsc.load_gather(ps_ref, [p])
                 + plsc.load_gather(bs_ref, [b])
                 + plsc.load_gather(ds_ref, [e]) + v + q)
            sq = (plsc.load_gather(pq_ref, [p])
                  + plsc.load_gather(bq_ref, [b])
                  + plsc.load_gather(dq_ref, [e]) + v * v + q * q)
            mu = s * (1.0 / _FEAT)
            var = sq * (1.0 / _FEAT) - mu * mu
            inv = _rsqrt(var + _EPS)
            u = -mu * inv
            for f in range(_FEAT):
                y = (xs[f] * inv + u) * gb[f] + bb[f]
                out_v[par, ls, f // _LS, f % _LS, sl] = y
            return carry2

        lax.fori_loop(0, _LS * (_BL // _L), group_body, 0, unroll=1)

    issue_in(0, 0)

    def pipe_body(c, carry):
        for par in (0, 1):
            lt = c + par
            wait_in(lt, par)
            issue_in(lt + 1, 1 - par)

            @pl.when(lt >= 2)
            def _():
                wait_out(lt - 2, par)

            compute_chunk(par)
            issue_out(lt, par)
        return carry

    lax.fori_loop(0, (nltiles - 1) // 2, lambda i, car: pipe_body(i * 2, car),
                  0, unroll=False)

    lt_last = nltiles - 1
    par_last = lt_last % 2
    wait_in(lt_last, par_last)

    @pl.when(lt_last >= 2)
    def _():
        wait_out(lt_last - 2, par_last)

    compute_chunk(par_last)
    issue_out(lt_last, par_last)
    wait_out(lt_last - 1, 1 - par_last)
    wait_out(lt_last, par_last)


def kernel(pitch, bucket, pedal, velocity, qlen, pitch_table, bucket_table,
           pedal_table, ln_gamma, ln_beta):
    batch, seqlen = pitch.shape

    pt = pitch_table.astype(jnp.float32)
    bt = bucket_table.astype(jnp.float32)
    dt = pedal_table.astype(jnp.float32)
    g32 = ln_gamma.astype(jnp.float32)
    b32 = ln_beta.astype(jnp.float32)
    dt_pad = jnp.pad(dt, ((0, _PED_PAD - _PEDAL_VOCAB), (0, 0)))
    zpad = jnp.zeros((_PED_PAD - _PEDAL_VOCAB,), jnp.float32)
    tab = jnp.concatenate([
        pt.T.reshape(-1), bt.T.reshape(-1), dt_pad.T.reshape(-1),
        pt.sum(1), (pt * pt).sum(1),
        bt.sum(1), (bt * bt).sum(1),
        dt.sum(1), zpad, (dt * dt).sum(1), zpad,
        g32, b32,
        jnp.zeros((_TAB_LEN - _OFF_B - _FEAT,), jnp.float32),
    ])

    info = plsc.get_sparse_core_info()
    nc, ns = info.num_cores, info.num_subcores
    nw = nc * ns
    nbtiles = batch // _BL
    nltiles = seqlen // _LS
    ntf = _FEAT // _LS
    assert nbtiles == nw and batch % _BL == 0 and seqlen % _LS == 0

    def tile_view(x, dtype):
        return (x.astype(dtype).transpose(1, 0)
                .reshape(nltiles, _LS, nbtiles, _BL).transpose(0, 2, 1, 3))

    mesh = plsc.VectorSubcoreMesh(core_axis_name="c", subcore_axis_name="s")
    run = pl.kernel(
        functools.partial(_sc_body, nltiles, nc),
        mesh=mesh,
        compiler_params=pltpu.CompilerParams(
            needs_layout_passes=False, disable_bounds_checks=True),
        out_type=jax.ShapeDtypeStruct((seqlen, ntf, nbtiles, _LS, _BL),
                                      jnp.float32),
        scratch_types=[
            pltpu.VMEM((_TAB_LEN,), jnp.float32),
            pltpu.VMEM((2, _LS, _BL), jnp.int32),
            pltpu.VMEM((2, _LS, _BL), jnp.int32),
            pltpu.VMEM((2, _LS, _BL), jnp.int32),
            pltpu.VMEM((2, _LS, _BL), jnp.float32),
            pltpu.VMEM((2, _LS, _BL), jnp.float32),
            pltpu.VMEM((2, _LS, ntf, _LS, _BL), jnp.float32),
            pltpu.SemaphoreType.DMA,
            pltpu.SemaphoreType.DMA,
            pltpu.SemaphoreType.DMA,
            pltpu.SemaphoreType.DMA,
        ],
    )
    out = run(tab,
              tile_view(pitch, jnp.int32),
              tile_view(bucket, jnp.int32),
              tile_view(pedal, jnp.int32),
              tile_view(velocity, jnp.float32),
              tile_view(qlen, jnp.float32))
    return (out.transpose(2, 4, 0, 1, 3)
            .reshape(batch, seqlen, _FEAT))

# --- scband reference (transcript-rebuilt; emitter-appended) ---
"""Pipeline reference for scband-note-feature-embedder-22720376996624 (READ-ONLY COPY).

The authoritative reference and input builder live on the scoring server;
editing this copy changes nothing except your own understanding.
"""

import jax, jax.numpy as jnp
import numpy as np

PITCH_VOCAB, BUCKET_VOCAB, PEDAL_VOCAB = 128, 8, 3
PITCH_DIM, BUCKET_DIM, PEDAL_DIM = 16, 4, 2
FEAT_DIM = PITCH_DIM + BUCKET_DIM + PEDAL_DIM + 2
B, L = 4096, 200

def setup_inputs(seed: int = 0) -> dict:
    key = jax.random.key(seed)
    k1, k2, k3, k4, k5, k6, k7, k8 = jax.random.split(key, 8)
    pitch = jax.random.randint(k1, (B, L), 0, PITCH_VOCAB, dtype=jnp.int64 if jax.config.jax_enable_x64 else jnp.int32)
    bucket = jax.random.randint(k2, (B, L), 0, BUCKET_VOCAB, dtype=pitch.dtype)
    pedal = jax.random.randint(k3, (B, L), 0, PEDAL_VOCAB, dtype=pitch.dtype)
    velocity = jax.random.uniform(k4, (B, L), dtype=jnp.float32)
    qlen = jax.random.uniform(k5, (B, L), dtype=jnp.float32)
    pitch_table = jax.random.normal(k6, (PITCH_VOCAB, PITCH_DIM), dtype=jnp.float32)
    bucket_table = jax.random.normal(k7, (BUCKET_VOCAB, BUCKET_DIM), dtype=jnp.float32)
    pedal_table = jax.random.normal(k8, (PEDAL_VOCAB, PEDAL_DIM), dtype=jnp.float32)
    ln_gamma = jnp.ones((FEAT_DIM,), dtype=jnp.float32)
    ln_beta = jnp.zeros((FEAT_DIM,), dtype=jnp.float32)
    return {"pitch": pitch, "bucket": bucket, "pedal": pedal, "velocity": velocity, "qlen": qlen,
            "pitch_table": pitch_table, "bucket_table": bucket_table, "pedal_table": pedal_table,
            "ln_gamma": ln_gamma, "ln_beta": ln_beta}

def _layer_norm(x, gamma, beta, eps=1e-5):
    mu = jnp.mean(x, axis=-1, keepdims=True)
    var = jnp.mean((x - mu) ** 2, axis=-1, keepdims=True)
    return (x - mu) / jnp.sqrt(var + eps) * gamma + beta

def reference(pitch, bucket, pedal, velocity, qlen, pitch_table, bucket_table, pedal_table, ln_gamma, ln_beta):
    pe = jnp.take(pitch_table, pitch, axis=0)
    be = jnp.take(bucket_table, bucket, axis=0)
    de = jnp.take(pedal_table, pedal, axis=0)
    feat = jnp.concatenate([pe, be, de, velocity[..., None], qlen[..., None]], axis=-1)
    feat = _layer_norm(feat, ln_gamma, ln_beta)
    return feat

if __name__ == "__main__":
    import jax
    _d = setup_inputs()
    print(jax.jit(kernel)(*tuple(_d.values())))

</pallas_src>

<mosaic_0001>
#map = affine_map<(d0, d1) -> (0)>
#map1 = affine_map<(d0, d1) -> (0, 0, 0, 0)>
#map2 = affine_map<(d0, d1) -> (0, 0, 0, 0, 0)>
module attributes {stable_mosaic.version = 14 : i64} {
  func.func @_sc_body(%arg0: i32, %arg1: i32, %arg2: memref<2432xf32, #tpu.memory_space<hbm>>, %arg3: memref<25x32x8x128xi32, #tpu.memory_space<hbm>>, %arg4: memref<25x32x8x128xi32, #tpu.memory_space<hbm>>, %arg5: memref<25x32x8x128xi32, #tpu.memory_space<hbm>>, %arg6: memref<25x32x8x128xf32, #tpu.memory_space<hbm>>, %arg7: memref<25x32x8x128xf32, #tpu.memory_space<hbm>>, %arg8: memref<200x3x32x8x128xf32, #tpu.memory_space<hbm>>, %arg9: memref<2432xf32, #tpu.memory_space<vmem>>, %arg10: memref<2x8x128xi32, #tpu.memory_space<vmem>>, %arg11: memref<2x8x128xi32, #tpu.memory_space<vmem>>, %arg12: memref<2x8x128xi32, #tpu.memory_space<vmem>>, %arg13: memref<2x8x128xf32, #tpu.memory_space<vmem>>, %arg14: memref<2x8x128xf32, #tpu.memory_space<vmem>>, %arg15: memref<2x8x3x8x128xf32, #tpu.memory_space<vmem>>, %arg16: memref<!tpu.dma_semaphore, #tpu.memory_space<semaphore_mem>>, %arg17: memref<!tpu.dma_semaphore, #tpu.memory_space<semaphore_mem>>, %arg18: memref<!tpu.dma_semaphore, #tpu.memory_space<semaphore_mem>>, %arg19: memref<!tpu.dma_semaphore, #tpu.memory_space<semaphore_mem>>) attributes {dimension_semantics = [#tpu.dimension_semantics<core_parallel>, #tpu.dimension_semantics<subcore_parallel>], iteration_bounds = array<i64: 2, 16>, scalar_prefetch = 0 : i64, scratch_operands = 11 : i64, tpu.core_type = #tpu.core_type<sc_vector_subcore>, window_params = [{transform_indices = #map}, {transform_indices = #map1}, {transform_indices = #map1}, {transform_indices = #map1}, {transform_indices = #map1}, {transform_indices = #map1}, {transform_indices = #map2}]} {
    %mul3A = arith.constant 2 : i32
    %mul3A_0 = arith.muli %arg1, %mul3A : i32
    %add3A = arith.addi %mul3A_0, %arg0 : i32
    "tpu.region"() ({
      %run_scoped3A = tpu.sem_alloc : memref<!tpu.dma_semaphore, #tpu.memory_space<semaphore_mem>>
      tpu.enqueue_dma source(%arg2 : memref<2432xf32, #tpu.memory_space<hbm>>) target(%arg9 : memref<2432xf32, #tpu.memory_space<vmem>>) target_semaphore(%run_scoped3A : memref<!tpu.dma_semaphore, #tpu.memory_space<semaphore_mem>>)
      tpu.wait_dma2 semaphore(%run_scoped3A : memref<!tpu.dma_semaphore, #tpu.memory_space<semaphore_mem>>) src(%arg2 : memref<2432xf32, #tpu.memory_space<hbm>>) dst(%arg9 : memref<2432xf32, #tpu.memory_space<vmem>>)
      tpu.yield
    }) : () -> ()
    %broadcast_in_dim3A = arith.constant 2384 : i32
    %broadcast_in_dim3A_1 = vector.broadcast %broadcast_in_dim3A : i32 to vector<16xi32>
    %gather3A = tpu.vector_load_idx %arg9[%broadcast_in_dim3A_1] : memref<2432xf32, #tpu.memory_space<vmem>>[vector<16xi32>], vector<16xf32>,
    %broadcast_in_dim3A_2 = arith.constant 2385 : i32
    %broadcast_in_dim3A_3 = vector.broadcast %broadcast_in_dim3A_2 : i32 to vector<16xi32>
    %gather3A_4 = tpu.vector_load_idx %arg9[%broadcast_in_dim3A_3] : memref<2432xf32, #tpu.memory_space<vmem>>[vector<16xi32>], vector<16xf32>,
    %broadcast_in_dim3A_5 = arith.constant 2386 : i32
    %broadcast_in_dim3A_6 = vector.broadcast %broadcast_in_dim3A_5 : i32 to vector<16xi32>
    %gather3A_7 = tpu.vector_load_idx %arg9[%broadcast_in_dim3A_6] : memref<2432xf32, #tpu.memory_space<vmem>>[vector<16xi32>], vector<16xf32>,
    %broadcast_in_dim3A_8 = arith.constant 2387 : i32
    %broadcast_in_dim3A_9 = vector.broadcast %broadcast_in_dim3A_8 : i32 to vector<16xi32>
    %gather3A_10 = tpu.vector_load_idx %arg9[%broadcast_in_dim3A_9] : memref<2432xf32, #tpu.memory_space<vmem>>[vector<16xi32>], vector<16xf32>,
    %broadcast_in_dim3A_11 = arith.constant 2388 : i32
    %broadcast_in_dim3A_12 = vector.broadcast %broadcast_in_dim3A_11 : i32 to vector<16xi32>
    %gather3A_13 = tpu.vector_load_idx %arg9[%broadcast_in_dim3A_12] : memref<2432xf32, #tpu.memory_space<vmem>>[vector<16xi32>], vector<16xf32>,
    %broadcast_in_dim3A_14 = arith.constant 2389 : i32
    %broadcast_in_dim3A_15 = vector.broadcast %broadcast_in_dim3A_14 : i32 to vector<16xi32>
    %gather3A_16 = tpu.vector_load_idx %arg9[%broadcast_in_dim3A_15] : memref<2432xf32, #tpu.memory_space<vmem>>[vector<16xi32>], vector<16xf32>,
    %broadcast_in_dim3A_17 = arith.constant 2390 : i32
    %broadcast_in_dim3A_18 = vector.broadcast %broadcast_in_dim3A_17 : i32 to vector<16xi32>
    %gather3A_19 = tpu.vector_load_idx %arg9[%broadcast_in_dim3A_18] : memref<2432xf32, #tpu.memory_space<vmem>>[vector<16xi32>], vector<16xf32>,
    %broadcast_in_dim3A_20 = arith.constant 2391 : i32
    %broadcast_in_dim3A_21 = vector.broadcast %broadcast_in_dim3A_20 : i32 to vector<16xi32>
    %gather3A_22 = tpu.vector_load_idx %arg9[%broadcast_in_dim3A_21] : memref<2432xf32, #tpu.memory_space<vmem>>[vector<16xi32>], vector<16xf32>,
    %broadcast_in_dim3A_23 = arith.constant 2392 : i32
    %broadcast_in_dim3A_24 = vector.broadcast %broadcast_in_dim3A_23 : i32 to vector<16xi32>
    %gather3A_25 = tpu.vector_load_idx %arg9[%broadcast_in_dim3A_24] : memref<2432xf32, #tpu.memory_space<vmem>>[vector<16xi32>], vector<16xf32>,
    %broadcast_in_dim3A_26 = arith.constant 2393 : i32
    %broadcast_in_dim3A_27 = vector.broadcast %broadcast_in_dim3A_26 : i32 to vector<16xi32>
    %gather3A_28 = tpu.vector_load_idx %arg9[%broadcast_in_dim3A_27] : memref<2432xf32, #tpu.memory_space<vmem>>[vector<16xi32>], vector<16xf32>,
    %broadcast_in_dim3A_29 = arith.constant 2394 : i32
    %broadcast_in_dim3A_30 = vector.broadcast %broadcast_in_dim3A_29 : i32 to vector<16xi32>
    %gather3A_31 = tpu.vector_load_idx %arg9[%broadcast_in_dim3A_30] : memref<2432xf32, #tpu.memory_space<vmem>>[vector<16xi32>], vector<16xf32>,
    %broadcast_in_dim3A_32 = arith.constant 2395 : i32
    %broadcast_in_dim3A_33 = vector.broadcast %broadcast_in_dim3A_32 : i32 to vector<16xi32>
    %gather3A_34 = tpu.vector_load_idx %arg9[%broadcast_in_dim3A_33] : memref<2432xf32, #tpu.memory_space<vmem>>[vector<16xi32>], vector<16xf32>,
    %broadcast_in_dim3A_35 = arith.constant 2396 : i32
    %broadcast_in_dim3A_36 = vector.broadcast %broadcast_in_dim3A_35 : i32 to vector<16xi32>
    %gather3A_37 = tpu.vector_load_idx %arg9[%broadcast_in_dim3A_36] : memref<2432xf32, #tpu.memory_space<vmem>>[vector<16xi32>], vector<16xf32>,
    %broadcast_in_dim3A_38 = arith.constant 2397 : i32
    %broadcast_in_dim3A_39 = vector.broadcast %broadcast_in_dim3A_38 : i32 to vector<16xi32>
    %gather3A_40 = tpu.vector_load_idx %arg9[%broadcast_in_dim3A_39] : memref<2432xf32, #tpu.memory_space<vmem>>[vector<16xi32>], vector<16xf32>,
    %broadcast_in_dim3A_41 = arith.constant 2398 : i32
    %broadcast_in_dim3A_42 = vector.broadcast %broadcast_in_dim3A_41 : i32 to vector<16xi32>
    %gather3A_43 = tpu.vector_load_idx %arg9[%broadcast_in_dim3A_42] : memref<2432xf32, #tpu.memory_space<vmem>>[vector<16xi32>], vector<16xf32>,
    %broadcast_in_dim3A_44 = arith.constant 2399 : i32
    %broadcast_in_dim3A_45 = vector.broadcast %broadcast_in_dim3A_44 : i32 to vector<16xi32>
    %gather3A_46 = tpu.vector_load_idx %arg9[%broadcast_in_dim3A_45] : memref<2432xf32, #tpu.memory_space<vmem>>[vector<16xi32>], vector<16xf32>,
    %broadcast_in_dim3A_47 = arith.constant 2400 : i32
    %broadcast_in_dim3A_48 = vector.broadcast %broadcast_in_dim3A_47 : i32 to vector<16xi32>
    %gather3A_49 = tpu.vector_load_idx %arg9[%broadcast_in_dim3A_48] : memref<2432xf32, #tpu.memory_space<vmem>>[vector<16xi32>], vector<16xf32>,
    %broadcast_in_dim3A_50 = arith.constant 2401 : i32
    %broadcast_in_dim3A_51 = vector.broadcast %broadcast_in_dim3A_50 : i32 to vector<16xi32>
    %gather3A_52 = tpu.vector_load_idx %arg9[%broadcast_in_dim3A_51] : memref<2432xf32, #tpu.memory_space<vmem>>[vector<16xi32>], vector<16xf32>,
    %broadcast_in_dim3A_53 = arith.constant 2402 : i32
    %broadcast_in_dim3A_54 = vector.broadcast %broadcast_in_dim3A_53 : i32 to vector<16xi32>
    %gather3A_55 = tpu.vector_load_idx %arg9[%broadcast_in_dim3A_54] : memref<2432xf32, #tpu.memory_space<vmem>>[vector<16xi32>], vector<16xf32>,
    %broadcast_in_dim3A_56 = arith.constant 2403 : i32
    %broadcast_in_dim3A_57 = vector.broadcast %broadcast_in_dim3A_56 : i32 to vector<16xi32>
    %gather3A_58 = tpu.vector_load_idx %arg9[%broadcast_in_dim3A_57] : memref<2432xf32, #tpu.memory_space<vmem>>[vector<16xi32>], vector<16xf32>,
    %broadcast_in_dim3A_59 = arith.constant 2404 : i32
    %broadcast_in_dim3A_60 = vector.broadcast %broadcast_in_dim3A_59 : i32 to vector<16xi32>
    %gather3A_61 = tpu.vector_load_idx %arg9[%broadcast_in_dim3A_60] : memref<2432xf32, #tpu.memory_space<vmem>>[vector<16xi32>], vector<16xf32>,
    %broadcast_in_dim3A_62 = arith.constant 2405 : i32
    %broadcast_in_dim3A_63 = vector.broadcast %broadcast_in_dim3A_62 : i32 to vector<16xi32>
    %gather3A_64 = tpu.vector_load_idx %arg9[%broadcast_in_dim3A_63] : memref<2432xf32, #tpu.memory_space<vmem>>[vector<16xi32>], vector<16xf32>,
    %broadcast_in_dim3A_65 = arith.constant 2406 : i32
    %broadcast_in_dim3A_66 = vector.broadcast %broadcast_in_dim3A_65 : i32 to vector<16xi32>
    %gather3A_67 = tpu.vector_load_idx %arg9[%broadcast_in_dim3A_66] : memref<2432xf32, #tpu.memory_space<vmem>>[vector<16xi32>], vector<16xf32>,
    %broadcast_in_dim3A_68 = arith.constant 2407 : i32
    %broadcast_in_dim3A_69 = vector.broadcast %broadcast_in_dim3A_68 : i32 to vector<16xi32>
    %gather3A_70 = tpu.vector_load_idx %arg9[%broadcast_in_dim3A_69] : memref<2432xf32, #tpu.memory_space<vmem>>[vector<16xi32>], vector<16xf32>,
    %broadcast_in_dim3A_71 = arith.constant 2408 : i32
    %broadcast_in_dim3A_72 = vector.broadcast %broadcast_in_dim3A_71 : i32 to vector<16xi32>
    %gather3A_73 = tpu.vector_load_idx %arg9[%broadcast_in_dim3A_72] : memref<2432xf32, #tpu.memory_space<vmem>>[vector<16xi32>], vector<16xf32>,
    %broadcast_in_dim3A_74 = arith.constant 2409 : i32
    %broadcast_in_dim3A_75 = vector.broadcast %broadcast_in_dim3A_74 : i32 to vector<16xi32>
    %gather3A_76 = tpu.vector_load_idx %arg9[%broadcast_in_dim3A_75] : memref<2432xf32, #tpu.memory_space<vmem>>[vector<16xi32>], vector<16xf32>,
    %broadcast_in_dim3A_77 = arith.constant 2410 : i32
    %broadcast_in_dim3A_78 = vector.broadcast %broadcast_in_dim3A_77 : i32 to vector<16xi32>
    %gather3A_79 = tpu.vector_load_idx %arg9[%broadcast_in_dim3A_78] : memref<2432xf32, #tpu.memory_space<vmem>>[vector<16xi32>], vector<16xf32>,
    %broadcast_in_dim3A_80 = arith.constant 2411 : i32
    %broadcast_in_dim3A_81 = vector.broadcast %broadcast_in_dim3A_80 : i32 to vector<16xi32>
    %gather3A_82 = tpu.vector_load_idx %arg9[%broadcast_in_dim3A_81] : memref<2432xf32, #tpu.memory_space<vmem>>[vector<16xi32>], vector<16xf32>,
    %broadcast_in_dim3A_83 = arith.constant 2412 : i32
    %broadcast_in_dim3A_84 = vector.broadcast %broadcast_in_dim3A_83 : i32 to vector<16xi32>
    %gather3A_85 = tpu.vector_load_idx %arg9[%broadcast_in_dim3A_84] : memref<2432xf32, #tpu.memory_space<vmem>>[vector<16xi32>], vector<16xf32>,
    %broadcast_in_dim3A_86 = arith.constant 2413 : i32
    %broadcast_in_dim3A_87 = vector.broadcast %broadcast_in_dim3A_86 : i32 to vector<16xi32>
    %gather3A_88 = tpu.vector_load_idx %arg9[%broadcast_in_dim3A_87] : memref<2432xf32, #tpu.memory_space<vmem>>[vector<16xi32>], vector<16xf32>,
    %broadcast_in_dim3A_89 = arith.constant 2414 : i32
    %broadcast_in_dim3A_90 = vector.broadcast %broadcast_in_dim3A_89 : i32 to vector<16xi32>
    %gather3A_91 = tpu.vector_load_idx %arg9[%broadcast_in_dim3A_90] : memref<2432xf32, #tpu.memory_space<vmem>>[vector<16xi32>], vector<16xf32>,
    %broadcast_in_dim3A_92 = arith.constant 2415 : i32
    %broadcast_in_dim3A_93 = vector.broadcast %broadcast_in_dim3A_92 : i32 to vector<16xi32>
    %gather3A_94 = tpu.vector_load_idx %arg9[%broadcast_in_dim3A_93] : memref<2432xf32, #tpu.memory_space<vmem>>[vector<16xi32>], vector<16xf32>,
    %broadcast_in_dim3A_95 = arith.constant 2416 : i32
    %broadcast_in_dim3A_96 = vector.broadcast %broadcast_in_dim3A_95 : i32 to vector<16xi32>
    %gather3A_97 = tpu.vector_load_idx %arg9[%broadcast_in_dim3A_96] : memref<2432xf32, #tpu.memory_space<vmem>>[vector<16xi32>], vector<16xf32>,
    %broadcast_in_dim3A_98 = arith.constant 2417 : i32
    %broadcast_in_dim3A_99 = vector.broadcast %broadcast_in_dim3A_98 : i32 to vector<16xi32>
    %gather3A_100 = tpu.vector_load_idx %arg9[%broadcast_in_dim3A_99] : memref<2432xf32, #tpu.memory_space<vmem>>[vector<16xi32>], vector<16xf32>,
    %broadcast_in_dim3A_101 = arith.constant 2418 : i32
    %broadcast_in_dim3A_102 = vector.broadcast %broadcast_in_dim3A_101 : i32 to vector<16xi32>
    %gather3A_103 = tpu.vector_load_idx %arg9[%broadcast_in_dim3A_102] : memref<2432xf32, #tpu.memory_space<vmem>>[vector<16xi32>], vector<16xf32>,
    %broadcast_in_dim3A_104 = arith.constant 2419 : i32
    %broadcast_in_dim3A_105 = vector.broadcast %broadcast_in_dim3A_104 : i32 to vector<16xi32>
    %gather3A_106 = tpu.vector_load_idx %arg9[%broadcast_in_dim3A_105] : memref<2432xf32, #tpu.memory_space<vmem>>[vector<16xi32>], vector<16xf32>,
    %broadcast_in_dim3A_107 = arith.constant 2420 : i32
    %broadcast_in_dim3A_108 = vector.broadcast %broadcast_in_dim3A_107 : i32 to vector<16xi32>
    %gather3A_109 = tpu.vector_load_idx %arg9[%broadcast_in_dim3A_108] : memref<2432xf32, #tpu.memory_space<vmem>>[vector<16xi32>], vector<16xf32>,
    %broadcast_in_dim3A_110 = arith.constant 2421 : i32
    %broadcast_in_dim3A_111 = vector.broadcast %broadcast_in_dim3A_110 : i32 to vector<16xi32>
    %gather3A_112 = tpu.vector_load_idx %arg9[%broadcast_in_dim3A_111] : memref<2432xf32, #tpu.memory_space<vmem>>[vector<16xi32>], vector<16xf32>,
    %broadcast_in_dim3A_113 = arith.constant 2422 : i32
    %broadcast_in_dim3A_114 = vector.broadcast %broadcast_in_dim3A_113 : i32 to vector<16xi32>
    %gather3A_115 = tpu.vector_load_idx %arg9[%broadcast_in_dim3A_114] : memref<2432xf32, #tpu.memory_space<vmem>>[vector<16xi32>], vector<16xf32>,
    %broadcast_in_dim3A_116 = arith.constant 2423 : i32
    %broadcast_in_dim3A_117 = vector.broadcast %broadcast_in_dim3A_116 : i32 to vector<16xi32>
    %gather3A_118 = tpu.vector_load_idx %arg9[%broadcast_in_dim3A_117] : memref<2432xf32, #tpu.memory_space<vmem>>[vector<16xi32>], vector<16xf32>,
    %broadcast_in_dim3A_119 = arith.constant 2424 : i32
    %broadcast_in_dim3A_120 = vector.broadcast %broadcast_in_dim3A_119 : i32 to vector<16xi32>
    %gather3A_121 = tpu.vector_load_idx %arg9[%broadcast_in_dim3A_120] : memref<2432xf32, #tpu.memory_space<vmem>>[vector<16xi32>], vector<16xf32>,
    %broadcast_in_dim3A_122 = arith.constant 2425 : i32
    %broadcast_in_dim3A_123 = vector.broadcast %broadcast_in_dim3A_122 : i32 to vector<16xi32>
    %gather3A_124 = tpu.vector_load_idx %arg9[%broadcast_in_dim3A_123] : memref<2432xf32, #tpu.memory_space<vmem>>[vector<16xi32>], vector<16xf32>,
    %broadcast_in_dim3A_125 = arith.constant 2426 : i32
    %broadcast_in_dim3A_126 = vector.broadcast %broadcast_in_dim3A_125 : i32 to vector<16xi32>
    %gather3A_127 = tpu.vector_load_idx %arg9[%broadcast_in_dim3A_126] : memref<2432xf32, #tpu.memory_space<vmem>>[vector<16xi32>], vector<16xf32>,
    %broadcast_in_dim3A_128 = arith.constant 2427 : i32
    %broadcast_in_dim3A_129 = vector.broadcast %broadcast_in_dim3A_128 : i32 to vector<16xi32>
    %gather3A_130 = tpu.vector_load_idx %arg9[%broadcast_in_dim3A_129] : memref<2432xf32, #tpu.memory_space<vmem>>[vector<16xi32>], vector<16xf32>,
    %broadcast_in_dim3A_131 = arith.constant 2428 : i32
    %broadcast_in_dim3A_132 = vector.broadcast %broadcast_in_dim3A_131 : i32 to vector<16xi32>
    %gather3A_133 = tpu.vector_load_idx %arg9[%broadcast_in_dim3A_132] : memref<2432xf32, #tpu.memory_space<vmem>>[vector<16xi32>], vector<16xf32>,
    %broadcast_in_dim3A_134 = arith.constant 2429 : i32
    %broadcast_in_dim3A_135 = vector.broadcast %broadcast_in_dim3A_134 : i32 to vector<16xi32>
    %gather3A_136 = tpu.vector_load_idx %arg9[%broadcast_in_dim3A_135] : memref<2432xf32, #tpu.memory_space<vmem>>[vector<16xi32>], vector<16xf32>,
    %broadcast_in_dim3A_137 = arith.constant 2430 : i32
    %broadcast_in_dim3A_138 = vector.broadcast %broadcast_in_dim3A_137 : i32 to vector<16xi32>
    %gather3A_139 = tpu.vector_load_idx %arg9[%broadcast_in_dim3A_138] : memref<2432xf32, #tpu.memory_space<vmem>>[vector<16xi32>], vector<16xf32>,
    %broadcast_in_dim3A_140 = arith.constant 2431 : i32
    %broadcast_in_dim3A_141 = vector.broadcast %broadcast_in_dim3A_140 : i32 to vector<16xi32>
    %gather3A_142 = tpu.vector_load_idx %arg9[%broadcast_in_dim3A_141] : memref<2432xf32, #tpu.memory_space<vmem>>[vector<16xi32>], vector<16xf32>,
    %dma_start3A = arith.constant 0 : i32
    %dma_start3A_143 = arith.constant 0 : i32
    %dma_start3A_144 = arith.constant 0 : i32
    %dma_start3A_145 = arith.constant 0 : i32
    %dma_start3A_146 = tpu.memref_slice %arg10[%dma_start3A_143, %dma_start3A_144, %dma_start3A_145] : memref<2x8x128xi32, #tpu.memory_space<vmem>> -> memref<1x8x128xi32, #tpu.memory_space<vmem>>
    %dma_start3A_147 = tpu.memref_squeeze %dma_start3A_146 : memref<1x8x128xi32, #tpu.memory_space<vmem>> -> memref<8x128xi32, #tpu.memory_space<vmem>>
    %dma_start3A_148 = arith.constant 0 : i32
    %dma_start3A_149 = arith.constant 0 : i32
    %dma_start3A_150 = tpu.memref_slice %arg3[%dma_start3A, %add3A, %dma_start3A_148, %dma_start3A_149] : memref<25x32x8x128xi32, #tpu.memory_space<hbm>> -> memref<1x1x8x128xi32, #tpu.memory_space<hbm>>
    %dma_start3A_151 = tpu.memref_squeeze %dma_start3A_150 : memref<1x1x8x128xi32, #tpu.memory_space<hbm>> -> memref<8x128xi32, #tpu.memory_space<hbm>>
    %dma_start3A_152 = arith.constant 0 : i32
    %dma_start3A_153 = arith.constant 0 : i32
    %dma_start3A_154 = tpu.memref_slice %arg10[%dma_start3A_143, %dma_start3A_152, %dma_start3A_153] : memref<2x8x128xi32, #tpu.memory_space<vmem>> -> memref<1x8x128xi32, #tpu.memory_space<vmem>>
    %dma_start3A_155 = tpu.memref_squeeze %dma_start3A_154 : memref<1x8x128xi32, #tpu.memory_space<vmem>> -> memref<8x128xi32, #tpu.memory_space<vmem>>
    %dma_start3A_156 = arith.constant 0 : i32
    %dma_start3A_157 = arith.constant 0 : i32
    %dma_start3A_158 = tpu.memref_slice %arg3[%dma_start3A, %add3A, %dma_start3A_156, %dma_start3A_157] : memref<25x32x8x128xi32, #tpu.memory_space<hbm>> -> memref<1x1x8x128xi32, #tpu.memory_space<hbm>>
    %dma_start3A_159 = tpu.memref_squeeze %dma_start3A_158 : memref<1x1x8x128xi32, #tpu.memory_space<hbm>> -> memref<8x128xi32, #tpu.memory_space<hbm>>
    tpu.enqueue_dma source(%dma_start3A_159 : memref<8x128xi32, #tpu.memory_space<hbm>>) target(%dma_start3A_155 : memref<8x128xi32, #tpu.memory_space<vmem>>) target_semaphore(%arg16 : memref<!tpu.dma_semaphore, #tpu.memory_space<semaphore_mem>>)
    %dma_start3A_160 = arith.constant 0 : i32
    %dma_start3A_161 = arith.constant 0 : i32
    %dma_start3A_162 = arith.constant 0 : i32
    %dma_start3A_163 = arith.constant 0 : i32
    %dma_start3A_164 = tpu.memref_slice %arg11[%dma_start3A_161, %dma_start3A_162, %dma_start3A_163] : memref<2x8x128xi32, #tpu.memory_space<vmem>> -> memref<1x8x128xi32, #tpu.memory_space<vmem>>
    %dma_start3A_165 = tpu.memref_squeeze %dma_start3A_164 : memref<1x8x128xi32, #tpu.memory_space<vmem>> -> memref<8x128xi32, #tpu.memory_space<vmem>>
    %dma_start3A_166 = arith.constant 0 : i32
    %dma_start3A_167 = arith.constant 0 : i32
    %dma_start3A_168 = tpu.memref_slice %arg4[%dma_start3A_160, %add3A, %dma_start3A_166, %dma_start3A_167] : memref<25x32x8x128xi32, #tpu.memory_space<hbm>> -> memref<1x1x8x128xi32, #tpu.memory_space<hbm>>
    %dma_start3A_169 = tpu.memref_squeeze %dma_start3A_168 : memref<1x1x8x128xi32, #tpu.memory_space<hbm>> -> memref<8x128xi32, #tpu.memory_space<hbm>>
    %dma_start3A_170 = arith.constant 0 : i32
    %dma_start3A_171 = arith.constant 0 : i32
    %dma_start3A_172 = tpu.memref_slice %arg11[%dma_start3A_161, %dma_start3A_170, %dma_start3A_171] : memref<2x8x128xi32, #tpu.memory_space<vmem>> -> memref<1x8x128xi32, #tpu.memory_space<vmem>>
    %dma_start3A_173 = tpu.memref_squeeze %dma_start3A_172 : memref<1x8x128xi32, #tpu.memory_space<vmem>> -> memref<8x128xi32, #tpu.memory_space<vmem>>
    %dma_start3A_174 = arith.constant 0 : i32
    %dma_start3A_175 = arith.constant 0 : i32
    %dma_start3A_176 = tpu.memref_slice %arg4[%dma_start3A_160, %add3A, %dma_start3A_174, %dma_start3A_175] : memref<25x32x8x128xi32, #tpu.memory_space<hbm>> -> memref<1x1x8x128xi32, #tpu.memory_space<hbm>>
    %dma_start3A_177 = tpu.memref_squeeze %dma_start3A_176 : memref<1x1x8x128xi32, #tpu.memory_space<hbm>> -> memref<8x128xi32, #tpu.memory_space<hbm>>
    tpu.enqueue_dma source(%dma_start3A_177 : memref<8x128xi32, #tpu.memory_space<hbm>>) target(%dma_start3A_173 : memref<8x128xi32, #tpu.memory_space<vmem>>) target_semaphore(%arg16 : memref<!tpu.dma_semaphore, #tpu.memory_space<semaphore_mem>>)
    %dma_start3A_178 = arith.constant 0 : i32
    %dma_start3A_179 = arith.constant 0 : i32
    %dma_start3A_180 = arith.constant 0 : i32
    %dma_start3A_181 = arith.constant 0 : i32
    %dma_start3A_182 = tpu.memref_slice %arg12[%dma_start3A_179, %dma_start3A_180, %dma_start3A_181] : memref<2x8x128xi32, #tpu.memory_space<vmem>> -> memref<1x8x128xi32, #tpu.memory_space<vmem>>
    %dma_start3A_183 = tpu.memref_squeeze %dma_start3A_182 : memref<1x8x128xi32, #tpu.memory_space<vmem>> -> memref<8x128xi32, #tpu.memory_space<vmem>>
    %dma_start3A_184 = arith.constant 0 : i32
    %dma_start3A_185 = arith.constant 0 : i32
    %dma_start3A_186 = tpu.memref_slice %arg5[%dma_start3A_178, %add3A, %dma_start3A_184, %dma_start3A_185] : memref<25x32x8x128xi32, #tpu.memory_space<hbm>> -> memref<1x1x8x128xi32, #tpu.memory_space<hbm>>
    %dma_start3A_187 = tpu.memref_squeeze %dma_start3A_186 : memref<1x1x8x128xi32, #tpu.memory_space<hbm>> -> memref<8x128xi32, #tpu.memory_space<hbm>>
    %dma_start3A_188 = arith.constant 0 : i32
    %dma_start3A_189 = arith.constant 0 : i32
    %dma_start3A_190 = tpu.memref_slice %arg12[%dma_start3A_179, %dma_start3A_188, %dma_start3A_189] : memref<2x8x128xi32, #tpu.memory_space<vmem>> -> memref<1x8x128xi32, #tpu.memory_space<vmem>>
    %dma_start3A_191 = tpu.memref_squeeze %dma_start3A_190 : memref<1x8x128xi32, #tpu.memory_space<vmem>> -> memref<8x128xi32, #tpu.memory_space<vmem>>
    %dma_start3A_192 = arith.constant 0 : i32
    %dma_start3A_193 = arith.constant 0 : i32
    %dma_start3A_194 = tpu.memref_slice %arg5[%dma_start3A_178, %add3A, %dma_start3A_192, %dma_start3A_193] : memref<25x32x8x128xi32, #tpu.memory_space<hbm>> -> memref<1x1x8x128xi32, #tpu.memory_space<hbm>>
    %dma_start3A_195 = tpu.memref_squeeze %dma_start3A_194 : memref<1x1x8x128xi32, #tpu.memory_space<hbm>> -> memref<8x128xi32, #tpu.memory_space<hbm>>
    tpu.enqueue_dma source(%dma_start3A_195 : memref<8x128xi32, #tpu.memory_space<hbm>>) target(%dma_start3A_191 : memref<8x128xi32, #tpu.memory_space<vmem>>) target_semaphore(%arg16 : memref<!tpu.dma_semaphore, #tpu.memory_space<semaphore_mem>>)
    %dma_start3A_196 = arith.constant 0 : i32
    %dma_start3A_197 = arith.constant 0 : i32
    %dma_start3A_198 = arith.constant 0 : i32
    %dma_start3A_199 = arith.constant 0 : i32
    %dma_start3A_200 = tpu.memref_slice %arg13[%dma_start3A_197, %dma_start3A_198, %dma_start3A_199] : memref<2x8x128xf32, #tpu.memory_space<vmem>> -> memref<1x8x128xf32, #tpu.memory_space<vmem>>
    %dma_start3A_201 = tpu.memref_squeeze %dma_start3A_200 : memref<1x8x128xf32, #tpu.memory_space<vmem>> -> memref<8x128xf32, #tpu.memory_space<vmem>>
    %dma_start3A_202 = arith.constant 0 : i32
    %dma_start3A_203 = arith.constant 0 : i32
    %dma_start3A_204 = tpu.memref_slice %arg6[%dma_start3A_196, %add3A, %dma_start3A_202, %dma_start3A_203] : memref<25x32x8x128xf32, #tpu.memory_space<hbm>> -> memref<1x1x8x128xf32, #tpu.memory_space<hbm>>
    %dma_start3A_205 = tpu.memref_squeeze %dma_start3A_204 : memref<1x1x8x128xf32, #tpu.memory_space<hbm>> -> memref<8x128xf32, #tpu.memory_space<hbm>>
    %dma_start3A_206 = arith.constant 0 : i32
    %dma_start3A_207 = arith.constant 0 : i32
    %dma_start3A_208 = tpu.memref_slice %arg13[%dma_start3A_197, %dma_start3A_206, %dma_start3A_207] : memref<2x8x128xf32, #tpu.memory_space<vmem>> -> memref<1x8x128xf32, #tpu.memory_space<vmem>>
    %dma_start3A_209 = tpu.memref_squeeze %dma_start3A_208 : memref<1x8x128xf32, #tpu.memory_space<vmem>> -> memref<8x128xf32, #tpu.memory_space<vmem>>
    %dma_start3A_210 = arith.constant 0 : i32
    %dma_start3A_211 = arith.constant 0 : i32
    %dma_start3A_212 = tpu.memref_slice %arg6[%dma_start3A_196, %add3A, %dma_start3A_210, %dma_start3A_211] : memref<25x32x8x128xf32, #tpu.memory_space<hbm>> -> memref<1x1x8x128xf32, #tpu.memory_space<hbm>>
    %dma_start3A_213 = tpu.memref_squeeze %dma_start3A_212 : memref<1x1x8x128xf32, #tpu.memory_space<hbm>> -> memref<8x128xf32, #tpu.memory_space<hbm>>
    tpu.enqueue_dma source(%dma_start3A_213 : memref<8x128xf32, #tpu.memory_space<hbm>>) target(%dma_start3A_209 : memref<8x128xf32, #tpu.memory_space<vmem>>) target_semaphore(%arg16 : memref<!tpu.dma_semaphore, #tpu.memory_space<semaphore_mem>>)
    %dma_start3A_214 = arith.constant 0 : i32
    %dma_start3A_215 = arith.constant 0 : i32
    %dma_start3A_216 = arith.constant 0 : i32
    %dma_start3A_217 = arith.constant 0 : i32
    %dma_start3A_218 = tpu.memref_slice %arg14[%dma_start3A_215, %dma_start3A_216, %dma_start3A_217] : memref<2x8x128xf32, #tpu.memory_space<vmem>> -> memref<1x8x128xf32, #tpu.memory_space<vmem>>
    %dma_start3A_219 = tpu.memref_squeeze %dma_start3A_218 : memref<1x8x128xf32, #tpu.memory_space<vmem>> -> memref<8x128xf32, #tpu.memory_space<vmem>>
    %dma_start3A_220 = arith.constant 0 : i32
    %dma_start3A_221 = arith.constant 0 : i32
    %dma_start3A_222 = tpu.memref_slice %arg7[%dma_start3A_214, %add3A, %dma_start3A_220, %dma_start3A_221] : memref<25x32x8x128xf32, #tpu.memory_space<hbm>> -> memref<1x1x8x128xf32, #tpu.memory_space<hbm>>
    %dma_start3A_223 = tpu.memref_squeeze %dma_start3A_222 : memref<1x1x8x128xf32, #tpu.memory_space<hbm>> -> memref<8x128xf32, #tpu.memory_space<hbm>>
    %dma_start3A_224 = arith.constant 0 : i32
    %dma_start3A_225 = arith.constant 0 : i32
    %dma_start3A_226 = tpu.memref_slice %arg14[%dma_start3A_215, %dma_start3A_224, %dma_start3A_225] : memref<2x8x128xf32, #tpu.memory_space<vmem>> -> memref<1x8x128xf32, #tpu.memory_space<vmem>>
    %dma_start3A_227 = tpu.memref_squeeze %dma_start3A_226 : memref<1x8x128xf32, #tpu.memory_space<vmem>> -> memref<8x128xf32, #tpu.memory_space<vmem>>
    %dma_start3A_228 = arith.constant 0 : i32
    %dma_start3A_229 = arith.constant 0 : i32
    %dma_start3A_230 = tpu.memref_slice %arg7[%dma_start3A_214, %add3A, %dma_start3A_228, %dma_start3A_229] : memref<25x32x8x128xf32, #tpu.memory_space<hbm>> -> memref<1x1x8x128xf32, #tpu.memory_space<hbm>>
    %dma_start3A_231 = tpu.memref_squeeze %dma_start3A_230 : memref<1x1x8x128xf32, #tpu.memory_space<hbm>> -> memref<8x128xf32, #tpu.memory_space<hbm>>
    tpu.enqueue_dma source(%dma_start3A_231 : memref<8x128xf32, #tpu.memory_space<hbm>>) target(%dma_start3A_227 : memref<8x128xf32, #tpu.memory_space<vmem>>) target_semaphore(%arg16 : memref<!tpu.dma_semaphore, #tpu.memory_space<semaphore_mem>>)
    %scan3A = arith.constant 0 : i32
    %scan3A_232 = arith.constant 0 : i32
    %scan3A_233 = arith.constant 12 : i32
    %scan3A_234 = arith.addi %scan3A_232, %scan3A_233 : i32
    %scan3A_235 = arith.constant 1 : i32
    scf.for %scan3A_608 = %scan3A_232 to %scan3A_234 step %scan3A_235  : i32 {
      %mul3A_609 = arith.constant 2 : i32
      %mul3A_610 = arith.muli %scan3A_608, %mul3A_609 : i32
      %add3A_611 = arith.constant 0 : i32
      %add3A_612 = arith.addi %mul3A_610, %add3A_611 : i32
      %dma_wait3A_613 = arith.constant 0 : i32
      %dma_wait3A_614 = arith.constant 0 : i32
      %dma_wait3A_615 = arith.constant 0 : i32
      %dma_wait3A_616 = tpu.memref_slice %arg10[%dma_wait3A_613, %dma_wait3A_614, %dma_wait3A_615] : memref<2x8x128xi32, #tpu.memory_space<vmem>> -> memref<1x8x128xi32, #tpu.memory_space<vmem>>
      %dma_wait3A_617 = tpu.memref_squeeze %dma_wait3A_616 : memref<1x8x128xi32, #tpu.memory_space<vmem>> -> memref<8x128xi32, #tpu.memory_space<vmem>>
      %dma_wait3A_618 = arith.constant 0 : i32
      %dma_wait3A_619 = arith.constant 0 : i32
      %dma_wait3A_620 = tpu.memref_slice %arg3[%add3A_612, %add3A, %dma_wait3A_618, %dma_wait3A_619] : memref<25x32x8x128xi32, #tpu.memory_space<hbm>> -> memref<1x1x8x128xi32, #tpu.memory_space<hbm>>
      %dma_wait3A_621 = tpu.memref_squeeze %dma_wait3A_620 : memref<1x1x8x128xi32, #tpu.memory_space<hbm>> -> memref<8x128xi32, #tpu.memory_space<hbm>>
      %dma_wait3A_622 = arith.constant 0 : i32
      %dma_wait3A_623 = arith.constant 0 : i32
      %dma_wait3A_624 = tpu.memref_slice %arg10[%dma_wait3A_613, %dma_wait3A_622, %dma_wait3A_623] : memref<2x8x128xi32, #tpu.memory_space<vmem>> -> memref<1x8x128xi32, #tpu.memory_space<vmem>>
      %dma_wait3A_625 = tpu.memref_squeeze %dma_wait3A_624 : memref<1x8x128xi32, #tpu.memory_space<vmem>> -> memref<8x128xi32, #tpu.memory_space<vmem>>
      %dma_wait3A_626 = arith.constant 0 : i32
      %dma_wait3A_627 = arith.constant 0 : i32
      %dma_wait3A_628 = tpu.memref_slice %arg3[%add3A_612, %add3A, %dma_wait3A_626, %dma_wait3A_627] : memref<25x32x8x128xi32, #tpu.memory_space<hbm>> -> memref<1x1x8x128xi32, #tpu.memory_space<hbm>>
      %dma_wait3A_629 = tpu.memref_squeeze %dma_wait3A_628 : memref<1x1x8x128xi32, #tpu.memory_space<hbm>> -> memref<8x128xi32, #tpu.memory_space<hbm>>
      tpu.wait_dma2 semaphore(%arg16 : memref<!tpu.dma_semaphore, #tpu.memory_space<semaphore_mem>>) src(%dma_wait3A_629 : memref<8x128xi32, #tpu.memory_space<hbm>>) dst(%dma_wait3A_625 : memref<8x128xi32, #tpu.memory_space<vmem>>)
      %dma_wait3A_630 = arith.constant 0 : i32
      %dma_wait3A_631 = arith.constant 0 : i32
      %dma_wait3A_632 = arith.constant 0 : i32
      %dma_wait3A_633 = tpu.memref_slice %arg11[%dma_wait3A_630, %dma_wait3A_631, %dma_wait3A_632] : memref<2x8x128xi32, #tpu.memory_space<vmem>> -> memref<1x8x128xi32, #tpu.memory_space<vmem>>
      %dma_wait3A_634 = tpu.memref_squeeze %dma_wait3A_633 : memref<1x8x128xi32, #tpu.memory_space<vmem>> -> memref<8x128xi32, #tpu.memory_space<vmem>>
      %dma_wait3A_635 = arith.constant 0 : i32
      %dma_wait3A_636 = arith.constant 0 : i32
      %dma_wait3A_637 = tpu.memref_slice %arg4[%add3A_612, %add3A, %dma_wait3A_635, %dma_wait3A_636] : memref<25x32x8x128xi32, #tpu.memory_space<hbm>> -> memref<1x1x8x128xi32, #tpu.memory_space<hbm>>
      %dma_wait3A_638 = tpu.memref_squeeze %dma_wait3A_637 : memref<1x1x8x128xi32, #tpu.memory_space<hbm>> -> memref<8x128xi32, #tpu.memory_space<hbm>>
      %dma_wait3A_639 = arith.constant 0 : i32
      %dma_wait3A_640 = arith.constant 0 : i32
      %dma_wait3A_641 = tpu.memref_slice %arg11[%dma_wait3A_630, %dma_wait3A_639, %dma_wait3A_640] : memref<2x8x128xi32, #tpu.memory_space<vmem>> -> memref<1x8x128xi32, #tpu.memory_space<vmem>>
      %dma_wait3A_642 = tpu.memref_squeeze %dma_wait3A_641 : memref<1x8x128xi32, #tpu.memory_space<vmem>> -> memref<8x128xi32, #tpu.memory_space<vmem>>
      %dma_wait3A_643 = arith.constant 0 : i32
      %dma_wait3A_644 = arith.constant 0 : i32
      %dma_wait3A_645 = tpu.memref_slice %arg4[%add3A_612, %add3A, %dma_wait3A_643, %dma_wait3A_644] : memref<25x32x8x128xi32, #tpu.memory_space<hbm>> -> memref<1x1x8x128xi32, #tpu.memory_space<hbm>>
      %dma_wait3A_646 = tpu.memref_squeeze %dma_wait3A_645 : memref<1x1x8x128xi32, #tpu.memory_space<hbm>> -> memref<8x128xi32, #tpu.memory_space<hbm>>
      tpu.wait_dma2 semaphore(%arg16 : memref<!tpu.dma_semaphore, #tpu.memory_space<semaphore_mem>>) src(%dma_wait3A_646 : memref<8x128xi32, #tpu.memory_space<hbm>>) dst(%dma_wait3A_642 : memref<8x128xi32, #tpu.memory_space<vmem>>)
      %dma_wait3A_647 = arith.constant 0 : i32
      %dma_wait3A_648 = arith.constant 0 : i32
      %dma_wait3A_649 = arith.constant 0 : i32
      %dma_wait3A_650 = tpu.memref_slice %arg12[%dma_wait3A_647, %dma_wait3A_648, %dma_wait3A_649] : memref<2x8x128xi32, #tpu.memory_space<vmem>> -> memref<1x8x128xi32, #tpu.memory_space<vmem>>
      %dma_wait3A_651 = tpu.memref_squeeze %dma_wait3A_650 : memref<1x8x128xi32, #tpu.memory_space<vmem>> -> memref<8x128xi32, #tpu.memory_space<vmem>>
      %dma_wait3A_652 = arith.constant 0 : i32
      %dma_wait3A_653 = arith.constant 0 : i32
      %dma_wait3A_654 = tpu.memref_slice %arg5[%add3A_612, %add3A, %dma_wait3A_652, %dma_wait3A_653] : memref<25x32x8x128xi32, #tpu.memory_space<hbm>> -> memref<1x1x8x128xi32, #tpu.memory_space<hbm>>
      %dma_wait3A_655 = tpu.memref_squeeze %dma_wait3A_654 : memref<1x1x8x128xi32, #tpu.memory_space<hbm>> -> memref<8x128xi32, #tpu.memory_space<hbm>>
      %dma_wait3A_656 = arith.constant 0 : i32
      %dma_wait3A_657 = arith.constant 0 : i32
      %dma_wait3A_658 = tpu.memref_slice %arg12[%dma_wait3A_647, %dma_wait3A_656, %dma_wait3A_657] : memref<2x8x128xi32, #tpu.memory_space<vmem>> -> memref<1x8x128xi32, #tpu.memory_space<vmem>>
      %dma_wait3A_659 = tpu.memref_squeeze %dma_wait3A_658 : memref<1x8x128xi32, #tpu.memory_space<vmem>> -> memref<8x128xi32, #tpu.memory_space<vmem>>
      %dma_wait3A_660 = arith.constant 0 : i32
      %dma_wait3A_661 = arith.constant 0 : i32
      %dma_wait3A_662 = tpu.memref_slice %arg5[%add3A_612, %add3A, %dma_wait3A_660, %dma_wait3A_661] : memref<25x32x8x128xi32, #tpu.memory_space<hbm>> -> memref<1x1x8x128xi32, #tpu.memory_space<hbm>>
      %dma_wait3A_663 = tpu.memref_squeeze %dma_wait3A_662 : memref<1x1x8x128xi32, #tpu.memory_space<hbm>> -> memref<8x128xi32, #tpu.memory_space<hbm>>
      tpu.wait_dma2 semaphore(%arg16 : memref<!tpu.dma_semaphore, #tpu.memory_space<semaphore_mem>>) src(%dma_wait3A_663 : memref<8x128xi32, #tpu.memory_space<hbm>>) dst(%dma_wait3A_659 : memref<8x128xi32, #tpu.memory_space<vmem>>)
      %dma_wait3A_664 = arith.constant 0 : i32
      %dma_wait3A_665 = arith.constant 0 : i32
      %dma_wait3A_666 = arith.constant 0 : i32
      %dma_wait3A_667 = tpu.memref_slice %arg13[%dma_wait3A_664, %dma_wait3A_665, %dma_wait3A_666] : memref<2x8x128xf32, #tpu.memory_space<vmem>> -> memref<1x8x128xf32, #tpu.memory_space<vmem>>
      %dma_wait3A_668 = tpu.memref_squeeze %dma_wait3A_667 : memref<1x8x128xf32, #tpu.memory_space<vmem>> -> memref<8x128xf32, #tpu.memory_space<vmem>>
      %dma_wait3A_669 = arith.constant 0 : i32
      %dma_wait3A_670 = arith.constant 0 : i32
      %dma_wait3A_671 = tpu.memref_slice %arg6[%add3A_612, %add3A, %dma_wait3A_669, %dma_wait3A_670] : memref<25x32x8x128xf32, #tpu.memory_space<hbm>> -> memref<1x1x8x128xf32, #tpu.memory_space<hbm>>
      %dma_wait3A_672 = tpu.memref_squeeze %dma_wait3A_671 : memref<1x1x8x128xf32, #tpu.memory_space<hbm>> -> memref<8x128xf32, #tpu.memory_space<hbm>>
      %dma_wait3A_673 = arith.constant 0 : i32
      %dma_wait3A_674 = arith.constant 0 : i32
      %dma_wait3A_675 = tpu.memref_slice %arg13[%dma_wait3A_664, %dma_wait3A_673, %dma_wait3A_674] : memref<2x8x128xf32, #tpu.memory_space<vmem>> -> memref<1x8x128xf32, #tpu.memory_space<vmem>>
      %dma_wait3A_676 = tpu.memref_squeeze %dma_wait3A_675 : memref<1x8x128xf32, #tpu.memory_space<vmem>> -> memref<8x128xf32, #tpu.memory_space<vmem>>
      %dma_wait3A_677 = arith.constant 0 : i32
      %dma_wait3A_678 = arith.constant 0 : i32
      %dma_wait3A_679 = tpu.memref_slice %arg6[%add3A_612, %add3A, %dma_wait3A_677, %dma_wait3A_678] : memref<25x32x8x128xf32, #tpu.memory_space<hbm>> -> memref<1x1x8x128xf32, #tpu.memory_space<hbm>>
      %dma_wait3A_680 = tpu.memref_squeeze %dma_wait3A_679 : memref<1x1x8x128xf32, #tpu.memory_space<hbm>> -> memref<8x128xf32, #tpu.memory_space<hbm>>
      tpu.wait_dma2 semaphore(%arg16 : memref<!tpu.dma_semaphore, #tpu.memory_space<semaphore_mem>>) src(%dma_wait3A_680 : memref<8x128xf32, #tpu.memory_space<hbm>>) dst(%dma_wait3A_676 : memref<8x128xf32, #tpu.memory_space<vmem>>)
      %dma_wait3A_681 = arith.constant 0 : i32
      %dma_wait3A_682 = arith.constant 0 : i32
      %dma_wait3A_683 = arith.constant 0 : i32
      %dma_wait3A_684 = tpu.memref_slice %arg14[%dma_wait3A_681, %dma_wait3A_682, %dma_wait3A_683] : memref<2x8x128xf32, #tpu.memory_space<vmem>> -> memref<1x8x128xf32, #tpu.memory_space<vmem>>
      %dma_wait3A_685 = tpu.memref_squeeze %dma_wait3A_684 : memref<1x8x128xf32, #tpu.memory_space<vmem>> -> memref<8x128xf32, #tpu.memory_space<vmem>>
      %dma_wait3A_686 = arith.constant 0 : i32
      %dma_wait3A_687 = arith.constant 0 : i32
      %dma_wait3A_688 = tpu.memref_slice %arg7[%add3A_612, %add3A, %dma_wait3A_686, %dma_wait3A_687] : memref<25x32x8x128xf32, #tpu.memory_space<hbm>> -> memref<1x1x8x128xf32, #tpu.memory_space<hbm>>
      %dma_wait3A_689 = tpu.memref_squeeze %dma_wait3A_688 : memref<1x1x8x128xf32, #tpu.memory_space<hbm>> -> memref<8x128xf32, #tpu.memory_space<hbm>>
      %dma_wait3A_690 = arith.constant 0 : i32
      %dma_wait3A_691 = arith.constant 0 : i32
      %dma_wait3A_692 = tpu.memref_slice %arg14[%dma_wait3A_681, %dma_wait3A_690, %dma_wait3A_691] : memref<2x8x128xf32, #tpu.memory_space<vmem>> -> memref<1x8x128xf32, #tpu.memory_space<vmem>>
      %dma_wait3A_693 = tpu.memref_squeeze %dma_wait3A_692 : memref<1x8x128xf32, #tpu.memory_space<vmem>> -> memref<8x128xf32, #tpu.memory_space<vmem>>
      %dma_wait3A_694 = arith.constant 0 : i32
      %dma_wait3A_695 = arith.constant 0 : i32
      %dma_wait3A_696 = tpu.memref_slice %arg7[%add3A_612, %add3A, %dma_wait3A_694, %dma_wait3A_695] : memref<25x32x8x128xf32, #tpu.memory_space<hbm>> -> memref<1x1x8x128xf32, #tpu.memory_space<hbm>>
      %dma_wait3A_697 = tpu.memref_squeeze %dma_wait3A_696 : memref<1x1x8x128xf32, #tpu.memory_space<hbm>> -> memref<8x128xf32, #tpu.memory_space<hbm>>
      tpu.wait_dma2 semaphore(%arg16 : memref<!tpu.dma_semaphore, #tpu.memory_space<semaphore_mem>>) src(%dma_wait3A_697 : memref<8x128xf32, #tpu.memory_space<hbm>>) dst(%dma_wait3A_693 : memref<8x128xf32, #tpu.memory_space<vmem>>)
      %add3A_698 = arith.constant 1 : i32
      %add3A_699 = arith.addi %add3A_612, %add3A_698 : i32
      %dma_start3A_700 = arith.constant 1 : i32
      %dma_start3A_701 = arith.constant 0 : i32
      %dma_start3A_702 = arith.constant 0 : i32
      %dma_start3A_703 = tpu.memref_slice %arg10[%dma_start3A_700, %dma_start3A_701, %dma_start3A_702] : memref<2x8x128xi32, #tpu.memory_space<vmem>> -> memref<1x8x128xi32, #tpu.memory_space<vmem>>
      %dma_start3A_704 = tpu.memref_squeeze %dma_start3A_703 : memref<1x8x128xi32, #tpu.memory_space<vmem>> -> memref<8x128xi32, #tpu.memory_space<vmem>>
      %dma_start3A_705 = arith.constant 0 : i32
      %dma_start3A_706 = arith.constant 0 : i32
      %dma_start3A_707 = tpu.memref_slice %arg3[%add3A_699, %add3A, %dma_start3A_705, %dma_start3A_706] : memref<25x32x8x128xi32, #tpu.memory_space<hbm>> -> memref<1x1x8x128xi32, #tpu.memory_space<hbm>>
      %dma_start3A_708 = tpu.memref_squeeze %dma_start3A_707 : memref<1x1x8x128xi32, #tpu.memory_space<hbm>> -> memref<8x128xi32, #tpu.memory_space<hbm>>
      %dma_start3A_709 = arith.constant 0 : i32
      %dma_start3A_710 = arith.constant 0 : i32
      %dma_start3A_711 = tpu.memref_slice %arg10[%dma_start3A_700, %dma_start3A_709, %dma_start3A_710] : memref<2x8x128xi32, #tpu.memory_space<vmem>> -> memref<1x8x128xi32, #tpu.memory_space<vmem>>
      %dma_start3A_712 = tpu.memref_squeeze %dma_start3A_711 : memref<1x8x128xi32, #tpu.memory_space<vmem>> -> memref<8x128xi32, #tpu.memory_space<vmem>>
      %dma_start3A_713 = arith.constant 0 : i32
      %dma_start3A_714 = arith.constant 0 : i32
      %dma_start3A_715 = tpu.memref_slice %arg3[%add3A_699, %add3A, %dma_start3A_713, %dma_start3A_714] : memref<25x32x8x128xi32, #tpu.memory_space<hbm>> -> memref<1x1x8x128xi32, #tpu.memory_space<hbm>>
      %dma_start3A_716 = tpu.memref_squeeze %dma_start3A_715 : memref<1x1x8x128xi32, #tpu.memory_space<hbm>> -> memref<8x128xi32, #tpu.memory_space<hbm>>
      tpu.enqueue_dma source(%dma_start3A_716 : memref<8x128xi32, #tpu.memory_space<hbm>>) target(%dma_start3A_712 : memref<8x128xi32, #tpu.memory_space<vmem>>) target_semaphore(%arg17 : memref<!tpu.dma_semaphore, #tpu.memory_space<semaphore_mem>>)
      %dma_start3A_717 = arith.constant 1 : i32
      %dma_start3A_718 = arith.constant 0 : i32
      %dma_start3A_719 = arith.constant 0 : i32
      %dma_start3A_720 = tpu.memref_slice %arg11[%dma_start3A_717, %dma_start3A_718, %dma_start3A_719] : memref<2x8x128xi32, #tpu.memory_space<vmem>> -> memref<1x8x128xi32, #tpu.memory_space<vmem>>
      %dma_start3A_721 = tpu.memref_squeeze %dma_start3A_720 : memref<1x8x128xi32, #tpu.memory_space<vmem>> -> memref<8x128xi32, #tpu.memory_space<vmem>>
      %dma_start3A_722 = arith.constant 0 : i32
      %dma_start3A_723 = arith.constant 0 : i32
      %dma_start3A_724 = tpu.memref_slice %arg4[%add3A_699, %add3A, %dma_start3A_722, %dma_start3A_723] : memref<25x32x8x128xi32, #tpu.memory_space<hbm>> -> memref<1x1x8x128xi32, #tpu.memory_space<hbm>>
      %dma_start3A_725 = tpu.memref_squeeze %dma_start3A_724 : memref<1x1x8x128xi32, #tpu.memory_space<hbm>> -> memref<8x128xi32, #tpu.memory_space<hbm>>
      %dma_start3A_726 = arith.constant 0 : i32
      %dma_start3A_727 = arith.constant 0 : i32
      %dma_start3A_728 = tpu.memref_slice %arg11[%dma_start3A_717, %dma_start3A_726, %dma_start3A_727] : memref<2x8x128xi32, #tpu.memory_space<vmem>> -> memref<1x8x128xi32, #tpu.memory_space<vmem>>
      %dma_start3A_729 = tpu.memref_squeeze %dma_start3A_728 : memref<1x8x128xi32, #tpu.memory_space<vmem>> -> memref<8x128xi32, #tpu.memory_space<vmem>>
      %dma_start3A_730 = arith.constant 0 : i32
      %dma_start3A_731 = arith.constant 0 : i32
      %dma_start3A_732 = tpu.memref_slice %arg4[%add3A_699, %add3A, %dma_start3A_730, %dma_start3A_731] : memref<25x32x8x128xi32, #tpu.memory_space<hbm>> -> memref<1x1x8x128xi32, #tpu.memory_space<hbm>>
      %dma_start3A_733 = tpu.memref_squeeze %dma_start3A_732 : memref<1x1x8x128xi32, #tpu.memory_space<hbm>> -> memref<8x128xi32, #tpu.memory_space<hbm>>
      tpu.enqueue_dma source(%dma_start3A_733 : memref<8x128xi32, #tpu.memory_space<hbm>>) target(%dma_start3A_729 : memref<8x128xi32, #tpu.memory_space<vmem>>) target_semaphore(%arg17 : memref<!tpu.dma_semaphore, #tpu.memory_space<semaphore_mem>>)
      %dma_start3A_734 = arith.constant 1 : i32
      %dma_start3A_735 = arith.constant 0 : i32
      %dma_start3A_736 = arith.constant 0 : i32
      %dma_start3A_737 = tpu.memref_slice %arg12[%dma_start3A_734, %dma_start3A_735, %dma_start3A_736] : memref<2x8x128xi32, #tpu.memory_space<vmem>> -> memref<1x8x128xi32, #tpu.memory_space<vmem>>
      %dma_start3A_738 = tpu.memref_squeeze %dma_start3A_737 : memref<1x8x128xi32, #tpu.memory_space<vmem>> -> memref<8x128xi32, #tpu.memory_space<vmem>>
      %dma_start3A_739 = arith.constant 0 : i32
      %dma_start3A_740 = arith.constant 0 : i32
      %dma_start3A_741 = tpu.memref_slice %arg5[%add3A_699, %add3A, %dma_start3A_739, %dma_start3A_740] : memref<25x32x8x128xi32, #tpu.memory_space<hbm>> -> memref<1x1x8x128xi32, #tpu.memory_space<hbm>>
      %dma_start3A_742 = tpu.memref_squeeze %dma_start3A_741 : memref<1x1x8x128xi32, #tpu.memory_space<hbm>> -> memref<8x128xi32, #tpu.memory_space<hbm>>
      %dma_start3A_743 = arith.constant 0 : i32
      %dma_start3A_744 = arith.constant 0 : i32
      %dma_start3A_745 = tpu.memref_slice %arg12[%dma_start3A_734, %dma_start3A_743, %dma_start3A_744] : memref<2x8x128xi32, #tpu.memory_space<vmem>> -> memref<1x8x128xi32, #tpu.memory_space<vmem>>
      %dma_start3A_746 = tpu.memref_squeeze %dma_start3A_745 : memref<1x8x128xi32, #tpu.memory_space<vmem>> -> memref<8x128xi32, #tpu.memory_space<vmem>>
      %dma_start3A_747 = arith.constant 0 : i32
      %dma_start3A_748 = arith.constant 0 : i32
      %dma_start3A_749 = tpu.memref_slice %arg5[%add3A_699, %add3A, %dma_start3A_747, %dma_start3A_748] : memref<25x32x8x128xi32, #tpu.memory_space<hbm>> -> memref<1x1x8x128xi32, #tpu.memory_space<hbm>>
      %dma_start3A_750 = tpu.memref_squeeze %dma_start3A_749 : memref<1x1x8x128xi32, #tpu.memory_space<hbm>> -> memref<8x128xi32, #tpu.memory_space<hbm>>
      tpu.enqueue_dma source(%dma_start3A_750 : memref<8x128xi32, #tpu.memory_space<hbm>>) target(%dma_start3A_746 : memref<8x128xi32, #tpu.memory_space<vmem>>) target_semaphore(%arg17 : memref<!tpu.dma_semaphore, #tpu.memory_space<semaphore_mem>>)
      %dma_start3A_751 = arith.constant 1 : i32
      %dma_start3A_752 = arith.constant 0 : i32
      %dma_start3A_753 = arith.constant 0 : i32
      %dma_start3A_754 = tpu.memref_slice %arg13[%dma_start3A_751, %dma_start3A_752, %dma_start3A_753] : memref<2x8x128xf32, #tpu.memory_space<vmem>> -> memref<1x8x128xf32, #tpu.memory_space<vmem>>
      %dma_start3A_755 = tpu.memref_squeeze %dma_start3A_754 : memref<1x8x128xf32, #tpu.memory_space<vmem>> -> memref<8x128xf32, #tpu.memory_space<vmem>>
      %dma_start3A_756 = arith.constant 0 : i32
      %dma_start3A_757 = arith.constant 0 : i32
      %dma_start3A_758 = tpu.memref_slice %arg6[%add3A_699, %add3A, %dma_start3A_756, %dma_start3A_757] : memref<25x32x8x128xf32, #tpu.memory_space<hbm>> -> memref<1x1x8x128xf32, #tpu.memory_space<hbm>>
      %dma_start3A_759 = tpu.memref_squeeze %dma_start3A_758 : memref<1x1x8x128xf32, #tpu.memory_space<hbm>> -> memref<8x128xf32, #tpu.memory_space<hbm>>
      %dma_start3A_760 = arith.constant 0 : i32
      %dma_start3A_761 = arith.constant 0 : i32
      %dma_start3A_762 = tpu.memref_slice %arg13[%dma_start3A_751, %dma_start3A_760, %dma_start3A_761] : memref<2x8x128xf32, #tpu.memory_space<vmem>> -> memref<1x8x128xf32, #tpu.memory_space<vmem>>
      %dma_start3A_763 = tpu.memref_squeeze %dma_start3A_762 : memref<1x8x128xf32, #tpu.memory_space<vmem>> -> memref<8x128xf32, #tpu.memory_space<vmem>>
      %dma_start3A_764 = arith.constant 0 : i32
      %dma_start3A_765 = arith.constant 0 : i32
      %dma_start3A_766 = tpu.memref_slice %arg6[%add3A_699, %add3A, %dma_start3A_764, %dma_start3A_765] : memref<25x32x8x128xf32, #tpu.memory_space<hbm>> -> memref<1x1x8x128xf32, #tpu.memory_space<hbm>>
      %dma_start3A_767 = tpu.memref_squeeze %dma_start3A_766 : memref<1x1x8x128xf32, #tpu.memory_space<hbm>> -> memref<8x128xf32, #tpu.memory_space<hbm>>
      tpu.enqueue_dma source(%dma_start3A_767 : memref<8x128xf32, #tpu.memory_space<hbm>>) target(%dma_start3A_763 : memref<8x128xf32, #tpu.memory_space<vmem>>) target_semaphore(%arg17 : memref<!tpu.dma_semaphore, #tpu.memory_space<semaphore_mem>>)
      %dma_start3A_768 = arith.constant 1 : i32
      %dma_start3A_769 = arith.constant 0 : i32
      %dma_start3A_770 = arith.constant 0 : i32
      %dma_start3A_771 = tpu.memref_slice %arg14[%dma_start3A_768, %dma_start3A_769, %dma_start3A_770] : memref<2x8x128xf32, #tpu.memory_space<vmem>> -> memref<1x8x128xf32, #tpu.memory_space<vmem>>
      %dma_start3A_772 = tpu.memref_squeeze %dma_start3A_771 : memref<1x8x128xf32, #tpu.memory_space<vmem>> -> memref<8x128xf32, #tpu.memory_space<vmem>>
      %dma_start3A_773 = arith.constant 0 : i32
      %dma_start3A_774 = arith.constant 0 : i32
      %dma_start3A_775 = tpu.memref_slice %arg7[%add3A_699, %add3A, %dma_start3A_773, %dma_start3A_774] : memref<25x32x8x128xf32, #tpu.memory_space<hbm>> -> memref<1x1x8x128xf32, #tpu.memory_space<hbm>>
      %dma_start3A_776 = tpu.memref_squeeze %dma_start3A_775 : memref<1x1x8x128xf32, #tpu.memory_space<hbm>> -> memref<8x128xf32, #tpu.memory_space<hbm>>
      %dma_start3A_777 = arith.constant 0 : i32
      %dma_start3A_778 = arith.constant 0 : i32
      %dma_start3A_779 = tpu.memref_slice %arg14[%dma_start3A_768, %dma_start3A_777, %dma_start3A_778] : memref<2x8x128xf32, #tpu.memory_space<vmem>> -> memref<1x8x128xf32, #tpu.memory_space<vmem>>
      %dma_start3A_780 = tpu.memref_squeeze %dma_start3A_779 : memref<1x8x128xf32, #tpu.memory_space<vmem>> -> memref<8x128xf32, #tpu.memory_space<vmem>>
      %dma_start3A_781 = arith.constant 0 : i32
      %dma_start3A_782 = arith.constant 0 : i32
      %dma_start3A_783 = tpu.memref_slice %arg7[%add3A_699, %add3A, %dma_start3A_781, %dma_start3A_782] : memref<25x32x8x128xf32, #tpu.memory_space<hbm>> -> memref<1x1x8x128xf32, #tpu.memory_space<hbm>>
      %dma_start3A_784 = tpu.memref_squeeze %dma_start3A_783 : memref<1x1x8x128xf32, #tpu.memory_space<hbm>> -> memref<8x128xf32, #tpu.memory_space<hbm>>
      tpu.enqueue_dma source(%dma_start3A_784 : memref<8x128xf32, #tpu.memory_space<hbm>>) target(%dma_start3A_780 : memref<8x128xf32, #tpu.memory_space<vmem>>) target_semaphore(%arg17 : memref<!tpu.dma_semaphore, #tpu.memory_space<semaphore_mem>>)
      %ge3A = arith.constant 2 : i32
      %ge3A_785 = arith.cmpi sge, %add3A_612, %ge3A : i32
      %convert_element_type3A = arith.extui %ge3A_785 : i1 to i32
      %cond3A = arith.constant 0 : i32
      %cond3A_786 = arith.cmpi ne, %convert_element_type3A, %cond3A : i32
      scf.if %cond3A_786 {
        %sub3A = arith.constant 2 : i32
        %sub3A_1116 = arith.subi %add3A_612, %sub3A : i32
        %mul3A_1117 = arith.constant 8 : i32
        %mul3A_1118 = arith.muli %sub3A_1116, %mul3A_1117 : i32
        %dma_wait3A_1119 = arith.constant 0 : i32
        %dma_wait3A_1120 = arith.constant 0 : i32
        %dma_wait3A_1121 = arith.constant 0 : i32
        %dma_wait3A_1122 = arith.constant 0 : i32
        %dma_wait3A_1123 = arith.constant 0 : i32
        %dma_wait3A_1124 = arith.constant 0 : i32
        %dma_wait3A_1125 = tpu.memref_slice %arg15[%dma_wait3A_1119, %dma_wait3A_1122, %dma_wait3A_1120, %dma_wait3A_1123, %dma_wait3A_1124] : memref<2x8x3x8x128xf32, #tpu.memory_space<vmem>> -> memref<1x8x1x8x128xf32, #tpu.memory_space<vmem>>
        %dma_wait3A_1126 = tpu.memref_squeeze %dma_wait3A_1125 : memref<1x8x1x8x128xf32, #tpu.memory_space<vmem>> -> memref<8x8x128xf32, #tpu.memory_space<vmem>>
        %dma_wait3A_1127 = arith.constant 0 : i32
        %dma_wait3A_1128 = arith.constant 0 : i32
        %dma_wait3A_1129 = tpu.memref_slice %arg8[%mul3A_1118, %dma_wait3A_1121, %add3A, %dma_wait3A_1127, %dma_wait3A_1128] : memref<200x3x32x8x128xf32, #tpu.memory_space<hbm>> -> memref<8x1x1x8x128xf32, #tpu.memory_space<hbm>>
        %dma_wait3A_1130 = tpu.memref_squeeze %dma_wait3A_1129 : memref<8x1x1x8x128xf32, #tpu.memory_space<hbm>> -> memref<8x8x128xf32, #tpu.memory_space<hbm>>
        %dma_wait3A_1131 = arith.constant 0 : i32
        %dma_wait3A_1132 = arith.constant 0 : i32
        %dma_wait3A_1133 = tpu.memref_slice %arg8[%mul3A_1118, %dma_wait3A_1121, %add3A, %dma_wait3A_1131, %dma_wait3A_1132] : memref<200x3x32x8x128xf32, #tpu.memory_space<hbm>> -> memref<8x1x1x8x128xf32, #tpu.memory_space<hbm>>
        %dma_wait3A_1134 = tpu.memref_squeeze %dma_wait3A_1133 : memref<8x1x1x8x128xf32, #tpu.memory_space<hbm>> -> memref<8x8x128xf32, #tpu.memory_space<hbm>>
        %dma_wait3A_1135 = arith.constant 0 : i32
        %dma_wait3A_1136 = arith.constant 0 : i32
        %dma_wait3A_1137 = arith.constant 0 : i32
        %dma_wait3A_1138 = tpu.memref_slice %arg15[%dma_wait3A_1119, %dma_wait3A_1135, %dma_wait3A_1120, %dma_wait3A_1136, %dma_wait3A_1137] : memref<2x8x3x8x128xf32, #tpu.memory_space<vmem>> -> memref<1x8x1x8x128xf32, #tpu.memory_space<vmem>>
        %dma_wait3A_1139 = tpu.memref_squeeze %dma_wait3A_1138 : memref<1x8x1x8x128xf32, #tpu.memory_space<vmem>> -> memref<8x8x128xf32, #tpu.memory_space<vmem>>
        tpu.wait_dma2 semaphore(%arg18 : memref<!tpu.dma_semaphore, #tpu.memory_space<semaphore_mem>>) src(%dma_wait3A_1139 : memref<8x8x128xf32, #tpu.memory_space<vmem>>) dst(%dma_wait3A_1134 : memref<8x8x128xf32, #tpu.memory_space<hbm>>)
        %mul3A_1140 = arith.constant 8 : i32
        %mul3A_1141 = arith.muli %sub3A_1116, %mul3A_1140 : i32
        %dma_wait3A_1142 = arith.constant 0 : i32
        %dma_wait3A_1143 = arith.constant 1 : i32
        %dma_wait3A_1144 = arith.constant 1 : i32
        %dma_wait3A_1145 = arith.constant 0 : i32
        %dma_wait3A_1146 = arith.constant 0 : i32
        %dma_wait3A_1147 = arith.constant 0 : i32
        %dma_wait3A_1148 = tpu.memref_slice %arg15[%dma_wait3A_1142, %dma_wait3A_1145, %dma_wait3A_1143, %dma_wait3A_1146, %dma_wait3A_1147] : memref<2x8x3x8x128xf32, #tpu.memory_space<vmem>> -> memref<1x8x1x8x128xf32, #tpu.memory_space<vmem>>
        %dma_wait3A_1149 = tpu.memref_squeeze %dma_wait3A_1148 : memref<1x8x1x8x128xf32, #tpu.memory_space<vmem>> -> memref<8x8x128xf32, #tpu.memory_space<vmem>>
        %dma_wait3A_1150 = arith.constant 0 : i32
        %dma_wait3A_1151 = arith.constant 0 : i32
        %dma_wait3A_1152 = tpu.memref_slice %arg8[%mul3A_1141, %dma_wait3A_1144, %add3A, %dma_wait3A_1150, %dma_wait3A_1151] : memref<200x3x32x8x128xf32, #tpu.memory_space<hbm>> -> memref<8x1x1x8x128xf32, #tpu.memory_space<hbm>>
        %dma_wait3A_1153 = tpu.memref_squeeze %dma_wait3A_1152 : memref<8x1x1x8x128xf32, #tpu.memory_space<hbm>> -> memref<8x8x128xf32, #tpu.memory_space<hbm>>
        %dma_wait3A_1154 = arith.constant 0 : i32
        %dma_wait3A_1155 = arith.constant 0 : i32
        %dma_wait3A_1156 = tpu.memref_slice %arg8[%mul3A_1141, %dma_wait3A_1144, %add3A, %dma_wait3A_1154, %dma_wait3A_1155] : memref<200x3x32x8x128xf32, #tpu.memory_space<hbm>> -> memref<8x1x1x8x128xf32, #tpu.memory_space<hbm>>
        %dma_wait3A_1157 = tpu.memref_squeeze %dma_wait3A_1156 : memref<8x1x1x8x128xf32, #tpu.memory_space<hbm>> -> memref<8x8x128xf32, #tpu.memory_space<hbm>>
        %dma_wait3A_1158 = arith.constant 0 : i32
        %dma_wait3A_1159 = arith.constant 0 : i32
        %dma_wait3A_1160 = arith.constant 0 : i32
        %dma_wait3A_1161 = tpu.memref_slice %arg15[%dma_wait3A_1142, %dma_wait3A_1158, %dma_wait3A_1143, %dma_wait3A_1159, %dma_wait3A_1160] : memref<2x8x3x8x128xf32, #tpu.memory_space<vmem>> -> memref<1x8x1x8x128xf32, #tpu.memory_space<vmem>>
        %dma_wait3A_1162 = tpu.memref_squeeze %dma_wait3A_1161 : memref<1x8x1x8x128xf32, #tpu.memory_space<vmem>> -> memref<8x8x128xf32, #tpu.memory_space<vmem>>
        tpu.wait_dma2 semaphore(%arg18 : memref<!tpu.dma_semaphore, #tpu.memory_space<semaphore_mem>>) src(%dma_wait3A_1162 : memref<8x8x128xf32, #tpu.memory_space<vmem>>) dst(%dma_wait3A_1157 : memref<8x8x128xf32, #tpu.memory_space<hbm>>)
        %mul3A_1163 = arith.constant 8 : i32
        %mul3A_1164 = arith.muli %sub3A_1116, %mul3A_1163 : i32
        %dma_wait3A_1165 = arith.constant 0 : i32
        %dma_wait3A_1166 = arith.constant 2 : i32
        %dma_wait3A_1167 = arith.constant 2 : i32
        %dma_wait3A_1168 = arith.constant 0 : i32
        %dma_wait3A_1169 = arith.constant 0 : i32
        %dma_wait3A_1170 = arith.constant 0 : i32
        %dma_wait3A_1171 = tpu.memref_slice %arg15[%dma_wait3A_1165, %dma_wait3A_1168, %dma_wait3A_1166, %dma_wait3A_1169, %dma_wait3A_1170] : memref<2x8x3x8x128xf32, #tpu.memory_space<vmem>> -> memref<1x8x1x8x128xf32, #tpu.memory_space<vmem>>
        %dma_wait3A_1172 = tpu.memref_squeeze %dma_wait3A_1171 : memref<1x8x1x8x128xf32, #tpu.memory_space<vmem>> -> memref<8x8x128xf32, #tpu.memory_space<vmem>>
        %dma_wait3A_1173 = arith.constant 0 : i32
        %dma_wait3A_1174 = arith.constant 0 : i32
        %dma_wait3A_1175 = tpu.memref_slice %arg8[%mul3A_1164, %dma_wait3A_1167, %add3A, %dma_wait3A_1173, %dma_wait3A_1174] : memref<200x3x32x8x128xf32, #tpu.memory_space<hbm>> -> memref<8x1x1x8x128xf32, #tpu.memory_space<hbm>>
        %dma_wait3A_1176 = tpu.memref_squeeze %dma_wait3A_1175 : memref<8x1x1x8x128xf32, #tpu.memory_space<hbm>> -> memref<8x8x128xf32, #tpu.memory_space<hbm>>
        %dma_wait3A_1177 = arith.constant 0 : i32
        %dma_wait3A_1178 = arith.constant 0 : i32
        %dma_wait3A_1179 = tpu.memref_slice %arg8[%mul3A_1164, %dma_wait3A_1167, %add3A, %dma_wait3A_1177, %dma_wait3A_1178] : memref<200x3x32x8x128xf32, #tpu.memory_space<hbm>> -> memref<8x1x1x8x128xf32, #tpu.memory_space<hbm>>
        %dma_wait3A_1180 = tpu.memref_squeeze %dma_wait3A_1179 : memref<8x1x1x8x128xf32, #tpu.memory_space<hbm>> -> memref<8x8x128xf32, #tpu.memory_space<hbm>>
        %dma_wait3A_1181 = arith.constant 0 : i32
        %dma_wait3A_1182 = arith.constant 0 : i32
        %dma_wait3A_1183 = arith.constant 0 : i32
        %dma_wait3A_1184 = tpu.memref_slice %arg15[%dma_wait3A_1165, %dma_wait3A_1181, %dma_wait3A_1166, %dma_wait3A_1182, %dma_wait3A_1183] : memref<2x8x3x8x128xf32, #tpu.memory_space<vmem>> -> memref<1x8x1x8x128xf32, #tpu.memory_space<vmem>>
        %dma_wait3A_1185 = tpu.memref_squeeze %dma_wait3A_1184 : memref<1x8x1x8x128xf32, #tpu.memory_space<vmem>> -> memref<8x8x128xf32, #tpu.memory_space<vmem>>
        tpu.wait_dma2 semaphore(%arg18 : memref<!tpu.dma_semaphore, #tpu.memory_space<semaphore_mem>>) src(%dma_wait3A_1185 : memref<8x8x128xf32, #tpu.memory_space<vmem>>) dst(%dma_wait3A_1180 : memref<8x8x128xf32, #tpu.memory_space<hbm>>)
      } else {
      }
      %scan3A_787 = arith.constant 0 : i32
      %scan3A_788 = arith.constant 0 : i32
      %scan3A_789 = arith.constant 64 : i32
      %scan3A_790 = arith.addi %scan3A_788, %scan3A_789 : i32
      %scan3A_791 = arith.constant 1 : i32
      scf.for %scan3A_1116 = %scan3A_788 to %scan3A_790 step %scan3A_791  : i32 {
        %shift_right_arithmetic3A = arith.constant 3 : i32
        %shift_right_arithmetic3A_1117 = arith.shrsi %scan3A_1116, %shift_right_arithmetic3A : i32
        %and3A = arith.constant 7 : i32
        %and3A_1118 = arith.andi %scan3A_1116, %and3A : i32
        %mul3A_1119 = arith.constant 16 : i32
        %mul3A_1120 = arith.muli %and3A_1118, %mul3A_1119 : i32
        %get3A = arith.constant 0 : i32
        %get3A_1121 = arith.index_cast %get3A : i32 to index
        %get3A_1122 = arith.index_cast %shift_right_arithmetic3A_1117 : i32 to index
        %get3A_1123 = arith.index_cast %mul3A_1120 : i32 to index
        %get3A_1124 = tpu.vector_load %arg10[%get3A_1121, %get3A_1122, %get3A_1123] {strides = array<i32>} : memref<2x8x128xi32, #tpu.memory_space<vmem>>, vector<16xi32>,
        %get3A_1125 = arith.constant 0 : i32
        %get3A_1126 = arith.index_cast %get3A_1125 : i32 to index
        %get3A_1127 = arith.index_cast %shift_right_arithmetic3A_1117 : i32 to index
        %get3A_1128 = arith.index_cast %mul3A_1120 : i32 to index
        %get3A_1129 = tpu.vector_load %arg11[%get3A_1126, %get3A_1127, %get3A_1128] {strides = array<i32>} : memref<2x8x128xi32, #tpu.memory_space<vmem>>, vector<16xi32>,
        %get3A_1130 = arith.constant 0 : i32
        %get3A_1131 = arith.index_cast %get3A_1130 : i32 to index
        %get3A_1132 = arith.index_cast %shift_right_arithmetic3A_1117 : i32 to index
        %get3A_1133 = arith.index_cast %mul3A_1120 : i32 to index
        %get3A_1134 = tpu.vector_load %arg12[%get3A_1131, %get3A_1132, %get3A_1133] {strides = array<i32>} : memref<2x8x128xi32, #tpu.memory_space<vmem>>, vector<16xi32>,
        %get3A_1135 = arith.constant 0 : i32
        %get3A_1136 = arith.index_cast %get3A_1135 : i32 to index
        %get3A_1137 = arith.index_cast %shift_right_arithmetic3A_1117 : i32 to index
        %get3A_1138 = arith.index_cast %mul3A_1120 : i32 to index
        %get3A_1139 = tpu.vector_load %arg13[%get3A_1136, %get3A_1137, %get3A_1138] {strides = array<i32>} : memref<2x8x128xf32, #tpu.memory_space<vmem>>, vector<16xf32>,
        %get3A_1140 = arith.constant 0 : i32
        %get3A_1141 = arith.index_cast %get3A_1140 : i32 to index
        %get3A_1142 = arith.index_cast %shift_right_arithmetic3A_1117 : i32 to index
        %get3A_1143 = arith.index_cast %mul3A_1120 : i32 to index
        %get3A_1144 = tpu.vector_load %arg14[%get3A_1141, %get3A_1142, %get3A_1143] {strides = array<i32>} : memref<2x8x128xf32, #tpu.memory_space<vmem>>, vector<16xf32>,
        %gather3A_1145 = arith.constant 0 : i32
        %gather3A_1146 = tpu.memref_slice %arg9[%gather3A_1145] : memref<2432xf32, #tpu.memory_space<vmem>> -> memref<2432xf32, #tpu.memory_space<vmem>>
        %gather3A_1147 = tpu.vector_load_idx %gather3A_1146[%get3A_1124] : memref<2432xf32, #tpu.memory_space<vmem>>[vector<16xi32>], vector<16xf32>,
        %gather3A_1148 = arith.constant 128 : i32
        %gather3A_1149 = tpu.memref_slice %arg9[%gather3A_1148] : memref<2432xf32, #tpu.memory_space<vmem>> -> memref<2304xf32, #tpu.memory_space<vmem>>
        %gather3A_1150 = tpu.vector_load_idx %gather3A_1149[%get3A_1124] : memref<2304xf32, #tpu.memory_space<vmem>>[vector<16xi32>], vector<16xf32>,
        %gather3A_1151 = arith.constant 256 : i32
        %gather3A_1152 = tpu.memref_slice %arg9[%gather3A_1151] : memref<2432xf32, #tpu.memory_space<vmem>> -> memref<2176xf32, #tpu.memory_space<vmem>>
        %gather3A_1153 = tpu.vector_load_idx %gather3A_1152[%get3A_1124] : memref<2176xf32, #tpu.memory_space<vmem>>[vector<16xi32>], vector<16xf32>,
        %gather3A_1154 = arith.constant 384 : i32
        %gather3A_1155 = tpu.memref_slice %arg9[%gather3A_1154] : memref<2432xf32, #tpu.memory_space<vmem>> -> memref<2048xf32, #tpu.memory_space<vmem>>
        %gather3A_1156 = tpu.vector_load_idx %gather3A_1155[%get3A_1124] : memref<2048xf32, #tpu.memory_space<vmem>>[vector<16xi32>], vector<16xf32>,
        %gather3A_1157 = arith.constant 512 : i32
        %gather3A_1158 = tpu.memref_slice %arg9[%gather3A_1157] : memref<2432xf32, #tpu.memory_space<vmem>> -> memref<1920xf32, #tpu.memory_space<vmem>>
        %gather3A_1159 = tpu.vector_load_idx %gather3A_1158[%get3A_1124] : memref<1920xf32, #tpu.memory_space<vmem>>[vector<16xi32>], vector<16xf32>,
        %gather3A_1160 = arith.constant 640 : i32
        %gather3A_1161 = tpu.memref_slice %arg9[%gather3A_1160] : memref<2432xf32, #tpu.memory_space<vmem>> -> memref<1792xf32, #tpu.memory_space<vmem>>
        %gather3A_1162 = tpu.vector_load_idx %gather3A_1161[%get3A_1124] : memref<1792xf32, #tpu.memory_space<vmem>>[vector<16xi32>], vector<16xf32>,
        %gather3A_1163 = arith.constant 768 : i32
        %gather3A_1164 = tpu.memref_slice %arg9[%gather3A_1163] : memref<2432xf32, #tpu.memory_space<vmem>> -> memref<1664xf32, #tpu.memory_space<vmem>>
        %gather3A_1165 = tpu.vector_load_idx %gather3A_1164[%get3A_1124] : memref<1664xf32, #tpu.memory_space<vmem>>[vector<16xi32>], vector<16xf32>,
        %gather3A_1166 = arith.constant 896 : i32
        %gather3A_1167 = tpu.memref_slice %arg9[%gather3A_1166] : memref<2432xf32, #tpu.memory_space<vmem>> -> memref<1536xf32, #tpu.memory_space<vmem>>
        %gather3A_1168 = tpu.vector_load_idx %gather3A_1167[%get3A_1124] : memref<1536xf32, #tpu.memory_space<vmem>>[vector<16xi32>], vector<16xf32>,
        %gather3A_1169 = arith.constant 1024 : i32
        %gather3A_1170 = tpu.memref_slice %arg9[%gather3A_1169] : memref<2432xf32, #tpu.memory_space<vmem>> -> memref<1408xf32, #tpu.memory_space<vmem>>
        %gather3A_1171 = tpu.vector_load_idx %gather3A_1170[%get3A_1124] : memref<1408xf32, #tpu.memory_space<vmem>>[vector<16xi32>], vector<16xf32>,
        %gather3A_1172 = arith.constant 1152 : i32
        %gather3A_1173 = tpu.memref_slice %arg9[%gather3A_1172] : memref<2432xf32, #tpu.memory_space<vmem>> -> memref<1280xf32, #tpu.memory_space<vmem>>
        %gather3A_1174 = tpu.vector_load_idx %gather3A_1173[%get3A_1124] : memref<1280xf32, #tpu.memory_space<vmem>>[vector<16xi32>], vector<16xf32>,
        %gather3A_1175 = arith.constant 1280 : i32
        %gather3A_1176 = tpu.memref_slice %arg9[%gather3A_1175] : memref<2432xf32, #tpu.memory_space<vmem>> -> memref<1152xf32, #tpu.memory_space<vmem>>
        %gather3A_1177 = tpu.vector_load_idx %gather3A_1176[%get3A_1124] : memref<1152xf32, #tpu.memory_space<vmem>>[vector<16xi32>], vector<16xf32>,
        %gather3A_1178 = arith.constant 1408 : i32
        %gather3A_1179 = tpu.memref_slice %arg9[%gather3A_1178] : memref<2432xf32, #tpu.memory_space<vmem>> -> memref<1024xf32, #tpu.memory_space<vmem>>
        %gather3A_1180 = tpu.vector_load_idx %gather3A_1179[%get3A_1124] : memref<1024xf32, #tpu.memory_space<vmem>>[vector<16xi32>], vector<16xf32>,
        %gather3A_1181 = arith.constant 1536 : i32
        %gather3A_1182 = tpu.memref_slice %arg9[%gather3A_1181] : memref<2432xf32, #tpu.memory_space<vmem>> -> memref<896xf32, #tpu.memory_space<vmem>>
        %gather3A_1183 = tpu.vector_load_idx %gather3A_1182[%get3A_1124] : memref<896xf32, #tpu.memory_space<vmem>>[vector<16xi32>], vector<16xf32>,
        %gather3A_1184 = arith.constant 1664 : i32
        %gather3A_1185 = tpu.memref_slice %arg9[%gather3A_1184] : memref<2432xf32, #tpu.memory_space<vmem>> -> memref<768xf32, #tpu.memory_space<vmem>>
        %gather3A_1186 = tpu.vector_load_idx %gather3A_1185[%get3A_1124] : memref<768xf32, #tpu.memory_space<vmem>>[vector<16xi32>], vector<16xf32>,
        %gather3A_1187 = arith.constant 1792 : i32
        %gather3A_1188 = tpu.memref_slice %arg9[%gather3A_1187] : memref<2432xf32, #tpu.memory_space<vmem>> -> memref<640xf32, #tpu.memory_space<vmem>>
        %gather3A_1189 = tpu.vector_load_idx %gather3A_1188[%get3A_1124] : memref<640xf32, #tpu.memory_space<vmem>>[vector<16xi32>], vector<16xf32>,
        %gather3A_1190 = arith.constant 1920 : i32
        %gather3A_1191 = tpu.memref_slice %arg9[%gather3A_1190] : memref<2432xf32, #tpu.memory_space<vmem>> -> memref<512xf32, #tpu.memory_space<vmem>>
        %gather3A_1192 = tpu.vector_load_idx %gather3A_1191[%get3A_1124] : memref<512xf32, #tpu.memory_space<vmem>>[vector<16xi32>], vector<16xf32>,
        %gather3A_1193 = arith.constant 2048 : i32
        %gather3A_1194 = tpu.memref_slice %arg9[%gather3A_1193] : memref<2432xf32, #tpu.memory_space<vmem>> -> memref<384xf32, #tpu.memory_space<vmem>>
        %gather3A_1195 = tpu.vector_load_idx %gather3A_1194[%get3A_1129] : memref<384xf32, #tpu.memory_space<vmem>>[vector<16xi32>], vector<16xf32>,
        %gather3A_1196 = arith.constant 2056 : i32
        %gather3A_1197 = tpu.memref_slice %arg9[%gather3A_1196] : memref<2432xf32, #tpu.memory_space<vmem>> -> memref<376xf32, #tpu.memory_space<vmem>>
        %gather3A_1198 = tpu.vector_load_idx %gather3A_1197[%get3A_1129] : memref<376xf32, #tpu.memory_space<vmem>>[vector<16xi32>], vector<16xf32>,
        %gather3A_1199 = arith.constant 2064 : i32
        %gather3A_1200 = tpu.memref_slice %arg9[%gather3A_1199] : memref<2432xf32, #tpu.memory_space<vmem>> -> memref<368xf32, #tpu.memory_space<vmem>>
        %gather3A_1201 = tpu.vector_load_idx %gather3A_1200[%get3A_1129] : memref<368xf32, #tpu.memory_space<vmem>>[vector<16xi32>], vector<16xf32>,
        %gather3A_1202 = arith.constant 2072 : i32
        %gather3A_1203 = tpu.memref_slice %arg9[%gather3A_1202] : memref<2432xf32, #tpu.memory_space<vmem>> -> memref<360xf32, #tpu.memory_space<vmem>>
        %gather3A_1204 = tpu.vector_load_idx %gather3A_1203[%get3A_1129] : memref<360xf32, #tpu.memory_space<vmem>>[vector<16xi32>], vector<16xf32>,
        %gather3A_1205 = arith.constant 2080 : i32
        %gather3A_1206 = tpu.memref_slice %arg9[%gather3A_1205] : memref<2432xf32, #tpu.memory_space<vmem>> -> memref<352xf32, #tpu.memory_space<vmem>>
        %gather3A_1207 = tpu.vector_load_idx %gather3A_1206[%get3A_1134] : memref<352xf32, #tpu.memory_space<vmem>>[vector<16xi32>], vector<16xf32>,
        %gather3A_1208 = arith.constant 2088 : i32
        %gather3A_1209 = tpu.memref_slice %arg9[%gather3A_1208] : memref<2432xf32, #tpu.memory_space<vmem>> -> memref<344xf32, #tpu.memory_space<vmem>>
        %gather3A_1210 = tpu.vector_load_idx %gather3A_1209[%get3A_1134] : memref<344xf32, #tpu.memory_space<vmem>>[vector<16xi32>], vector<16xf32>,
        %gather3A_1211 = arith.constant 2096 : i32
        %gather3A_1212 = tpu.memref_slice %arg9[%gather3A_1211] : memref<2432xf32, #tpu.memory_space<vmem>> -> memref<336xf32, #tpu.memory_space<vmem>>
        %gather3A_1213 = tpu.vector_load_idx %gather3A_1212[%get3A_1124] : memref<336xf32, #tpu.memory_space<vmem>>[vector<16xi32>], vector<16xf32>,
        %gather3A_1214 = arith.constant 2352 : i32
        %gather3A_1215 = tpu.memref_slice %arg9[%gather3A_1214] : memref<2432xf32, #tpu.memory_space<vmem>> -> memref<80xf32, #tpu.memory_space<vmem>>
        %gather3A_1216 = tpu.vector_load_idx %gather3A_1215[%get3A_1129] : memref<80xf32, #tpu.memory_space<vmem>>[vector<16xi32>], vector<16xf32>,
        %add3A_1217 = arith.addf %gather3A_1213, %gather3A_1216 : vector<16xf32>
        %gather3A_1218 = arith.constant 2368 : i32
        %gather3A_1219 = tpu.memref_slice %arg9[%gather3A_1218] : memref<2432xf32, #tpu.memory_space<vmem>> -> memref<64xf32, #tpu.memory_space<vmem>>
        %gather3A_1220 = tpu.vector_load_idx %gather3A_1219[%get3A_1134] : memref<64xf32, #tpu.memory_space<vmem>>[vector<16xi32>], vector<16xf32>,
        %add3A_1221 = arith.addf %add3A_1217, %gather3A_1220 : vector<16xf32>
        %add3A_1222 = arith.addf %add3A_1221, %get3A_1139 : vector<16xf32>
        %add3A_1223 = arith.addf %add3A_1222, %get3A_1144 : vector<16xf32>
        %gather3A_1224 = arith.constant 2224 : i32
        %gather3A_1225 = tpu.memref_slice %arg9[%gather3A_1224] : memref<2432xf32, #tpu.memory_space<vmem>> -> memref<208xf32, #tpu.memory_space<vmem>>
        %gather3A_1226 = tpu.vector_load_idx %gather3A_1225[%get3A_1124] : memref<208xf32, #tpu.memory_space<vmem>>[vector<16xi32>], vector<16xf32>,
        %gather3A_1227 = arith.constant 2360 : i32
        %gather3A_1228 = tpu.memref_slice %arg9[%gather3A_1227] : memref<2432xf32, #tpu.memory_space<vmem>> -> memref<72xf32, #tpu.memory_space<vmem>>
        %gather3A_1229 = tpu.vector_load_idx %gather3A_1228[%get3A_1129] : memref<72xf32, #tpu.memory_space<vmem>>[vector<16xi32>], vector<16xf32>,
        %add3A_1230 = arith.addf %gather3A_1226, %gather3A_1229 : vector<16xf32>
        %gather3A_1231 = arith.constant 2376 : i32
        %gather3A_1232 = tpu.memref_slice %arg9[%gather3A_1231] : memref<2432xf32, #tpu.memory_space<vmem>> -> memref<56xf32, #tpu.memory_space<vmem>>
        %gather3A_1233 = tpu.vector_load_idx %gather3A_1232[%get3A_1134] : memref<56xf32, #tpu.memory_space<vmem>>[vector<16xi32>], vector<16xf32>,
        %add3A_1234 = arith.addf %add3A_1230, %gather3A_1233 : vector<16xf32>
        %mul3A_1235 = arith.mulf %get3A_1139, %get3A_1139 : vector<16xf32>
        %add3A_1236 = arith.addf %add3A_1234, %mul3A_1235 : vector<16xf32>
        %mul3A_1237 = arith.mulf %get3A_1144, %get3A_1144 : vector<16xf32>
        %add3A_1238 = arith.addf %add3A_1236, %mul3A_1237 : vector<16xf32>
        %mul3A_1239 = arith.constant 0.0416666679 : f32
        %mul3A_1240 = vector.broadcast %mul3A_1239 : f32 to vector<16xf32>
        %mul3A_1241 = arith.mulf %add3A_1223, %mul3A_1240 : vector<16xf32>
        %mul3A_1242 = arith.constant 0.0416666679 : f32
        %mul3A_1243 = vector.broadcast %mul3A_1242 : f32 to vector<16xf32>
        %mul3A_1244 = arith.mulf %add3A_1238, %mul3A_1243 : vector<16xf32>
        %mul3A_1245 = arith.mulf %mul3A_1241, %mul3A_1241 : vector<16xf32>
        %sub3A = arith.subf %mul3A_1244, %mul3A_1245 : vector<16xf32>
        %add3A_1246 = arith.constant 9.99999974E-6 : f32
        %add3A_1247 = vector.broadcast %add3A_1246 : f32 to vector<16xf32>
        %add3A_1248 = arith.addf %sub3A, %add3A_1247 : vector<16xf32>
        %bitcast_convert_type3A = tpu.bitcast %add3A_1248 : vector<16xf32> -> vector<16xi32>
        %shift_right_arithmetic3A_1249 = arith.constant 1 : i32
        %shift_right_arithmetic3A_1250 = vector.broadcast %shift_right_arithmetic3A_1249 : i32 to vector<16xi32>
        %shift_right_arithmetic3A_1251 = arith.shrsi %bitcast_convert_type3A, %shift_right_arithmetic3A_1250 : vector<16xi32>
        %sub3A_1252 = arith.constant 1597463007 : i32
        %sub3A_1253 = vector.broadcast %sub3A_1252 : i32 to vector<16xi32>
        %sub3A_1254 = arith.subi %sub3A_1253, %shift_right_arithmetic3A_1251 : vector<16xi32>
        %bitcast_convert_type3A_1255 = tpu.bitcast %sub3A_1254 : vector<16xi32> -> vector<16xf32>
        %mul3A_1256 = arith.constant 5.000000e-01 : f32
        %mul3A_1257 = vector.broadcast %mul3A_1256 : f32 to vector<16xf32>
        %mul3A_1258 = arith.mulf %mul3A_1257, %add3A_1248 : vector<16xf32>
        %mul3A_1259 = arith.mulf %mul3A_1258, %bitcast_convert_type3A_1255 : vector<16xf32>
        %mul3A_1260 = arith.mulf %mul3A_1259, %bitcast_convert_type3A_1255 : vector<16xf32>
        %sub3A_1261 = arith.constant 1.500000e+00 : f32
        %sub3A_1262 = vector.broadcast %sub3A_1261 : f32 to vector<16xf32>
        %sub3A_1263 = arith.subf %sub3A_1262, %mul3A_1260 : vector<16xf32>
        %mul3A_1264 = arith.mulf %bitcast_convert_type3A_1255, %sub3A_1263 : vector<16xf32>
        %neg3A = arith.constant 0.000000e+00 : f32
        %neg3A_1265 = vector.broadcast %neg3A : f32 to vector<16xf32>
        %neg3A_1266 = arith.subf %neg3A_1265, %mul3A_1241 : vector<16xf32>
        %mul3A_1267 = arith.mulf %neg3A_1266, %mul3A_1264 : vector<16xf32>
        %mul3A_1268 = arith.mulf %gather3A_1147, %mul3A_1264 : vector<16xf32>
        %add3A_1269 = arith.addf %mul3A_1268, %mul3A_1267 : vector<16xf32>
        %mul3A_1270 = arith.mulf %add3A_1269, %gather3A : vector<16xf32>
        %add3A_1271 = arith.addf %mul3A_1270, %gather3A_73 : vector<16xf32>
        %swap3A = arith.constant 0 : i32
        %swap3A_1272 = arith.constant 0 : i32
        %swap3A_1273 = arith.constant 0 : i32
        %swap3A_1274 = arith.index_cast %swap3A : i32 to index
        %swap3A_1275 = arith.index_cast %shift_right_arithmetic3A_1117 : i32 to index
        %swap3A_1276 = arith.index_cast %swap3A_1272 : i32 to index
        %swap3A_1277 = arith.index_cast %swap3A_1273 : i32 to index
        %swap3A_1278 = arith.index_cast %mul3A_1120 : i32 to index
        %swap3A_1279 = tpu.vector_load %arg15[%swap3A_1274, %swap3A_1275, %swap3A_1276, %swap3A_1277, %swap3A_1278] {strides = array<i32>} : memref<2x8x3x8x128xf32, #tpu.memory_space<vmem>>, vector<16xf32>,
        tpu.vector_store %arg15[%swap3A_1274, %swap3A_1275, %swap3A_1276, %swap3A_1277, %swap3A_1278], %add3A_1271 {strides = array<i32>} : memref<2x8x3x8x128xf32, #tpu.memory_space<vmem>>, vector<16xf32>,
        %mul3A_1280 = arith.mulf %gather3A_1150, %mul3A_1264 : vector<16xf32>
        %add3A_1281 = arith.addf %mul3A_1280, %mul3A_1267 : vector<16xf32>
        %mul3A_1282 = arith.mulf %add3A_1281, %gather3A_4 : vector<16xf32>
        %add3A_1283 = arith.addf %mul3A_1282, %gather3A_76 : vector<16xf32>
        %swap3A_1284 = arith.constant 0 : i32
        %swap3A_1285 = arith.constant 0 : i32
        %swap3A_1286 = arith.constant 1 : i32
        %swap3A_1287 = arith.index_cast %swap3A_1284 : i32 to index
        %swap3A_1288 = arith.index_cast %shift_right_arithmetic3A_1117 : i32 to index
        %swap3A_1289 = arith.index_cast %swap3A_1285 : i32 to index
        %swap3A_1290 = arith.index_cast %swap3A_1286 : i32 to index
        %swap3A_1291 = arith.index_cast %mul3A_1120 : i32 to index
        %swap3A_1292 = tpu.vector_load %arg15[%swap3A_1287, %swap3A_1288, %swap3A_1289, %swap3A_1290, %swap3A_1291] {strides = array<i32>} : memref<2x8x3x8x128xf32, #tpu.memory_space<vmem>>, vector<16xf32>,
        tpu.vector_store %arg15[%swap3A_1287, %swap3A_1288, %swap3A_1289, %swap3A_1290, %swap3A_1291], %add3A_1283 {strides = array<i32>} : memref<2x8x3x8x128xf32, #tpu.memory_space<vmem>>, vector<16xf32>,
        %mul3A_1293 = arith.mulf %gather3A_1153, %mul3A_1264 : vector<16xf32>
        %add3A_1294 = arith.addf %mul3A_1293, %mul3A_1267 : vector<16xf32>
        %mul3A_1295 = arith.mulf %add3A_1294, %gather3A_7 : vector<16xf32>
        %add3A_1296 = arith.addf %mul3A_1295, %gather3A_79 : vector<16xf32>
        %swap3A_1297 = arith.constant 0 : i32
        %swap3A_1298 = arith.constant 0 : i32
        %swap3A_1299 = arith.constant 2 : i32
        %swap3A_1300 = arith.index_cast %swap3A_1297 : i32 to index
        %swap3A_1301 = arith.index_cast %shift_right_arithmetic3A_1117 : i32 to index
        %swap3A_1302 = arith.index_cast %swap3A_1298 : i32 to index
        %swap3A_1303 = arith.index_cast %swap3A_1299 : i32 to index
        %swap3A_1304 = arith.index_cast %mul3A_1120 : i32 to index
        %swap3A_1305 = tpu.vector_load %arg15[%swap3A_1300, %swap3A_1301, %swap3A_1302, %swap3A_1303, %swap3A_1304] {strides = array<i32>} : memref<2x8x3x8x128xf32, #tpu.memory_space<vmem>>, vector<16xf32>,
        tpu.vector_store %arg15[%swap3A_1300, %swap3A_1301, %swap3A_1302, %swap3A_1303, %swap3A_1304], %add3A_1296 {strides = array<i32>} : memref<2x8x3x8x128xf32, #tpu.memory_space<vmem>>, vector<16xf32>,
        %mul3A_1306 = arith.mulf %gather3A_1156, %mul3A_1264 : vector<16xf32>
        %add3A_1307 = arith.addf %mul3A_1306, %mul3A_1267 : vector<16xf32>
        %mul3A_1308 = arith.mulf %add3A_1307, %gather3A_10 : vector<16xf32>
        %add3A_1309 = arith.addf %mul3A_1308, %gather3A_82 : vector<16xf32>
        %swap3A_1310 = arith.constant 0 : i32
        %swap3A_1311 = arith.constant 0 : i32
        %swap3A_1312 = arith.constant 3 : i32
        %swap3A_1313 = arith.index_cast %swap3A_1310 : i32 to index
        %swap3A_1314 = arith.index_cast %shift_right_arithmetic3A_1117 : i32 to index
        %swap3A_1315 = arith.index_cast %swap3A_1311 : i32 to index
        %swap3A_1316 = arith.index_cast %swap3A_1312 : i32 to index
        %swap3A_1317 = arith.index_cast %mul3A_1120 : i32 to index
        %swap3A_1318 = tpu.vector_load %arg15[%swap3A_1313, %swap3A_1314, %swap3A_1315, %swap3A_1316, %swap3A_1317] {strides = array<i32>} : memref<2x8x3x8x128xf32, #tpu.memory_space<vmem>>, vector<16xf32>,
        tpu.vector_store %arg15[%swap3A_1313, %swap3A_1314, %swap3A_1315, %swap3A_1316, %swap3A_1317], %add3A_1309 {strides = array<i32>} : memref<2x8x3x8x128xf32, #tpu.memory_space<vmem>>, vector<16xf32>,
        %mul3A_1319 = arith.mulf %gather3A_1159, %mul3A_1264 : vector<16xf32>
        %add3A_1320 = arith.addf %mul3A_1319, %mul3A_1267 : vector<16xf32>
        %mul3A_1321 = arith.mulf %add3A_1320, %gather3A_13 : vector<16xf32>
        %add3A_1322 = arith.addf %mul3A_1321, %gather3A_85 : vector<16xf32>
        %swap3A_1323 = arith.constant 0 : i32
        %swap3A_1324 = arith.constant 0 : i32
        %swap3A_1325 = arith.constant 4 : i32
        %swap3A_1326 = arith.index_cast %swap3A_1323 : i32 to index
        %swap3A_1327 = arith.index_cast %shift_right_arithmetic3A_1117 : i32 to index
        %swap3A_1328 = arith.index_cast %swap3A_1324 : i32 to index
        %swap3A_1329 = arith.index_cast %swap3A_1325 : i32 to index
        %swap3A_1330 = arith.index_cast %mul3A_1120 : i32 to index
        %swap3A_1331 = tpu.vector_load %arg15[%swap3A_1326, %swap3A_1327, %swap3A_1328, %swap3A_1329, %swap3A_1330] {strides = array<i32>} : memref<2x8x3x8x128xf32, #tpu.memory_space<vmem>>, vector<16xf32>,
        tpu.vector_store %arg15[%swap3A_1326, %swap3A_1327, %swap3A_1328, %swap3A_1329, %swap3A_1330], %add3A_1322 {strides = array<i32>} : memref<2x8x3x8x128xf32, #tpu.memory_space<vmem>>, vector<16xf32>,
        %mul3A_1332 = arith.mulf %gather3A_1162, %mul3A_1264 : vector<16xf32>
        %add3A_1333 = arith.addf %mul3A_1332, %mul3A_1267 : vector<16xf32>
        %mul3A_1334 = arith.mulf %add3A_1333, %gather3A_16 : vector<16xf32>
        %add3A_1335 = arith.addf %mul3A_1334, %gather3A_88 : vector<16xf32>
        %swap3A_1336 = arith.constant 0 : i32
        %swap3A_1337 = arith.constant 0 : i32
        %swap3A_1338 = arith.constant 5 : i32
        %swap3A_1339 = arith.index_cast %swap3A_1336 : i32 to index
        %swap3A_1340 = arith.index_cast %shift_right_arithmetic3A_1117 : i32 to index
        %swap3A_1341 = arith.index_cast %swap3A_1337 : i32 to index
        %swap3A_1342 = arith.index_cast %swap3A_1338 : i32 to index
        %swap3A_1343 = arith.index_cast %mul3A_1120 : i32 to index
        %swap3A_1344 = tpu.vector_load %arg15[%swap3A_1339, %swap3A_1340, %swap3A_1341, %swap3A_1342, %swap3A_1343] {strides = array<i32>} : memref<2x8x3x8x128xf32, #tpu.memory_space<vmem>>, vector<16xf32>,
        tpu.vector_store %arg15[%swap3A_1339, %swap3A_1340, %swap3A_1341, %swap3A_1342, %swap3A_1343], %add3A_1335 {strides = array<i32>} : memref<2x8x3x8x128xf32, #tpu.memory_space<vmem>>, vector<16xf32>,
        %mul3A_1345 = arith.mulf %gather3A_1165, %mul3A_1264 : vector<16xf32>
        %add3A_1346 = arith.addf %mul3A_1345, %mul3A_1267 : vector<16xf32>
        %mul3A_1347 = arith.mulf %add3A_1346, %gather3A_19 : vector<16xf32>
        %add3A_1348 = arith.addf %mul3A_1347, %gather3A_91 : vector<16xf32>
        %swap3A_1349 = arith.constant 0 : i32
        %swap3A_1350 = arith.constant 0 : i32
        %swap3A_1351 = arith.constant 6 : i32
        %swap3A_1352 = arith.index_cast %swap3A_1349 : i32 to index
        %swap3A_1353 = arith.index_cast %shift_right_arithmetic3A_1117 : i32 to index
        %swap3A_1354 = arith.index_cast %swap3A_1350 : i32 to index
        %swap3A_1355 = arith.index_cast %swap3A_1351 : i32 to index
        %swap3A_1356 = arith.index_cast %mul3A_1120 : i32 to index
        %swap3A_1357 = tpu.vector_load %arg15[%swap3A_1352, %swap3A_1353, %swap3A_1354, %swap3A_1355, %swap3A_1356] {strides = array<i32>} : memref<2x8x3x8x128xf32, #tpu.memory_space<vmem>>, vector<16xf32>,
        tpu.vector_store %arg15[%swap3A_1352, %swap3A_1353, %swap3A_1354, %swap3A_1355, %swap3A_1356], %add3A_1348 {strides = array<i32>} : memref<2x8x3x8x128xf32, #tpu.memory_space<vmem>>, vector<16xf32>,
        %mul3A_1358 = arith.mulf %gather3A_1168, %mul3A_1264 : vector<16xf32>
        %add3A_1359 = arith.addf %mul3A_1358, %mul3A_1267 : vector<16xf32>
        %mul3A_1360 = arith.mulf %add3A_1359, %gather3A_22 : vector<16xf32>
        %add3A_1361 = arith.addf %mul3A_1360, %gather3A_94 : vector<16xf32>
        %swap3A_1362 = arith.constant 0 : i32
        %swap3A_1363 = arith.constant 0 : i32
        %swap3A_1364 = arith.constant 7 : i32
        %swap3A_1365 = arith.index_cast %swap3A_1362 : i32 to index
        %swap3A_1366 = arith.index_cast %shift_right_arithmetic3A_1117 : i32 to index
        %swap3A_1367 = arith.index_cast %swap3A_1363 : i32 to index
        %swap3A_1368 = arith.index_cast %swap3A_1364 : i32 to index
        %swap3A_1369 = arith.index_cast %mul3A_1120 : i32 to index
        %swap3A_1370 = tpu.vector_load %arg15[%swap3A_1365, %swap3A_1366, %swap3A_1367, %swap3A_1368, %swap3A_1369] {strides = array<i32>} : memref<2x8x3x8x128xf32, #tpu.memory_space<vmem>>, vector<16xf32>,
        tpu.vector_store %arg15[%swap3A_1365, %swap3A_1366, %swap3A_1367, %swap3A_1368, %swap3A_1369], %add3A_1361 {strides = array<i32>} : memref<2x8x3x8x128xf32, #tpu.memory_space<vmem>>, vector<16xf32>,
        %mul3A_1371 = arith.mulf %gather3A_1171, %mul3A_1264 : vector<16xf32>
        %add3A_1372 = arith.addf %mul3A_1371, %mul3A_1267 : vector<16xf32>
        %mul3A_1373 = arith.mulf %add3A_1372, %gather3A_25 : vector<16xf32>
        %add3A_1374 = arith.addf %mul3A_1373, %gather3A_97 : vector<16xf32>
        %swap3A_1375 = arith.constant 0 : i32
        %swap3A_1376 = arith.constant 1 : i32
        %swap3A_1377 = arith.constant 0 : i32
        %swap3A_1378 = arith.index_cast %swap3A_1375 : i32 to index
        %swap3A_1379 = arith.index_cast %shift_right_arithmetic3A_1117 : i32 to index
        %swap3A_1380 = arith.index_cast %swap3A_1376 : i32 to index
        %swap3A_1381 = arith.index_cast %swap3A_1377 : i32 to index
        %swap3A_1382 = arith.index_cast %mul3A_1120 : i32 to index
        %swap3A_1383 = tpu.vector_load %arg15[%swap3A_1378, %swap3A_1379, %swap3A_1380, %swap3A_1381, %swap3A_1382] {strides = array<i32>} : memref<2x8x3x8x128xf32, #tpu.memory_space<vmem>>, vector<16xf32>,
        tpu.vector_store %arg15[%swap3A_1378, %swap3A_1379, %swap3A_1380, %swap3A_1381, %swap3A_1382], %add3A_1374 {strides = array<i32>} : memref<2x8x3x8x128xf32, #tpu.memory_space<vmem>>, vector<16xf32>,
        %mul3A_1384 = arith.mulf %gather3A_1174, %mul3A_1264 : vector<16xf32>
        %add3A_1385 = arith.addf %mul3A_1384, %mul3A_1267 : vector<16xf32>
        %mul3A_1386 = arith.mulf %add3A_1385, %gather3A_28 : vector<16xf32>
        %add3A_1387 = arith.addf %mul3A_1386, %gather3A_100 : vector<16xf32>
        %swap3A_1388 = arith.constant 0 : i32
        %swap3A_1389 = arith.constant 1 : i32
        %swap3A_1390 = arith.constant 1 : i32
        %swap3A_1391 = arith.index_cast %swap3A_1388 : i32 to index
        %swap3A_1392 = arith.index_cast %shift_right_arithmetic3A_1117 : i32 to index
        %swap3A_1393 = arith.index_cast %swap3A_1389 : i32 to index
        %swap3A_1394 = arith.index_cast %swap3A_1390 : i32 to index
        %swap3A_1395 = arith.index_cast %mul3A_1120 : i32 to index
        %swap3A_1396 = tpu.vector_load %arg15[%swap3A_1391, %swap3A_1392, %swap3A_1393, %swap3A_1394, %swap3A_1395] {strides = array<i32>} : memref<2x8x3x8x128xf32, #tpu.memory_space<vmem>>, vector<16xf32>,
        tpu.vector_store %arg15[%swap3A_1391, %swap3A_1392, %swap3A_1393, %swap3A_1394, %swap3A_1395], %add3A_1387 {strides = array<i32>} : memref<2x8x3x8x128xf32, #tpu.memory_space<vmem>>, vector<16xf32>,
        %mul3A_1397 = arith.mulf %gather3A_1177, %mul3A_1264 : vector<16xf32>
        %add3A_1398 = arith.addf %mul3A_1397, %mul3A_1267 : vector<16xf32>
        %mul3A_1399 = arith.mulf %add3A_1398, %gather3A_31 : vector<16xf32>
        %add3A_1400 = arith.addf %mul3A_1399, %gather3A_103 : vector<16xf32>
        %swap3A_1401 = arith.constant 0 : i32
        %swap3A_1402 = arith.constant 1 : i32
        %swap3A_1403 = arith.constant 2 : i32
        %swap3A_1404 = arith.index_cast %swap3A_1401 : i32 to index
        %swap3A_1405 = arith.index_cast %shift_right_arithmetic3A_1117 : i32 to index
        %swap3A_1406 = arith.index_cast %swap3A_1402 : i32 to index
        %swap3A_1407 = arith.index_cast %swap3A_1403 : i32 to index
        %swap3A_1408 = arith.index_cast %mul3A_1120 : i32 to index
        %swap3A_1409 = tpu.vector_load %arg15[%swap3A_1404, %swap3A_1405, %swap3A_1406, %swap3A_1407, %swap3A_1408] {strides = array<i32>} : memref<2x8x3x8x128xf32, #tpu.memory_space<vmem>>, vector<16xf32>,
        tpu.vector_store %arg15[%swap3A_1404, %swap3A_1405, %swap3A_1406, %swap3A_1407, %swap3A_1408], %add3A_1400 {strides = array<i32>} : memref<2x8x3x8x128xf32, #tpu.memory_space<vmem>>, vector<16xf32>,
        %mul3A_1410 = arith.mulf %gather3A_1180, %mul3A_1264 : vector<16xf32>
        %add3A_1411 = arith.addf %mul3A_1410, %mul3A_1267 : vector<16xf32>
        %mul3A_1412 = arith.mulf %add3A_1411, %gather3A_34 : vector<16xf32>
        %add3A_1413 = arith.addf %mul3A_1412, %gather3A_106 : vector<16xf32>
        %swap3A_1414 = arith.constant 0 : i32
        %swap3A_1415 = arith.constant 1 : i32
        %swap3A_1416 = arith.constant 3 : i32
        %swap3A_1417 = arith.index_cast %swap3A_1414 : i32 to index
        %swap3A_1418 = arith.index_cast %shift_right_arithmetic3A_1117 : i32 to index
        %swap3A_1419 = arith.index_cast %swap3A_1415 : i32 to index
        %swap3A_1420 = arith.index_cast %swap3A_1416 : i32 to index
        %swap3A_1421 = arith.index_cast %mul3A_1120 : i32 to index
        %swap3A_1422 = tpu.vector_load %arg15[%swap3A_1417, %swap3A_1418, %swap3A_1419, %swap3A_1420, %swap3A_1421] {strides = array<i32>} : memref<2x8x3x8x128xf32, #tpu.memory_space<vmem>>, vector<16xf32>,
        tpu.vector_store %arg15[%swap3A_1417, %swap3A_1418, %swap3A_1419, %swap3A_1420, %swap3A_1421], %add3A_1413 {strides = array<i32>} : memref<2x8x3x8x128xf32, #tpu.memory_space<vmem>>, vector<16xf32>,
        %mul3A_1423 = arith.mulf %gather3A_1183, %mul3A_1264 : vector<16xf32>
        %add3A_1424 = arith.addf %mul3A_1423, %mul3A_1267 : vector<16xf32>
        %mul3A_1425 = arith.mulf %add3A_1424, %gather3A_37 : vector<16xf32>
        %add3A_1426 = arith.addf %mul3A_1425, %gather3A_109 : vector<16xf32>
        %swap3A_1427 = arith.constant 0 : i32
        %swap3A_1428 = arith.constant 1 : i32
        %swap3A_1429 = arith.constant 4 : i32
        %swap3A_1430 = arith.index_cast %swap3A_1427 : i32 to index
        %swap3A_1431 = arith.index_cast %shift_right_arithmetic3A_1117 : i32 to index
        %swap3A_1432 = arith.index_cast %swap3A_1428 : i32 to index
        %swap3A_1433 = arith.index_cast %swap3A_1429 : i32 to index
        %swap3A_1434 = arith.index_cast %mul3A_1120 : i32 to index
        %swap3A_1435 = tpu.vector_load %arg15[%swap3A_1430, %swap3A_1431, %swap3A_1432, %swap3A_1433, %swap3A_1434] {strides = array<i32>} : memref<2x8x3x8x128xf32, #tpu.memory_space<vmem>>, vector<16xf32>,
        tpu.vector_store %arg15[%swap3A_1430, %swap3A_1431, %swap3A_1432, %swap3A_1433, %swap3A_1434], %add3A_1426 {strides = array<i32>} : memref<2x8x3x8x128xf32, #tpu.memory_space<vmem>>, vector<16xf32>,
        %mul3A_1436 = arith.mulf %gather3A_1186, %mul3A_1264 : vector<16xf32>
        %add3A_1437 = arith.addf %mul3A_1436, %mul3A_1267 : vector<16xf32>
        %mul3A_1438 = arith.mulf %add3A_1437, %gather3A_40 : vector<16xf32>
        %add3A_1439 = arith.addf %mul3A_1438, %gather3A_112 : vector<16xf32>
        %swap3A_1440 = arith.constant 0 : i32
        %swap3A_1441 = arith.constant 1 : i32
        %swap3A_1442 = arith.constant 5 : i32
        %swap3A_1443 = arith.index_cast %swap3A_1440 : i32 to index
        %swap3A_1444 = arith.index_cast %shift_right_arithmetic3A_1117 : i32 to index
        %swap3A_1445 = arith.index_cast %swap3A_1441 : i32 to index
        %swap3A_1446 = arith.index_cast %swap3A_1442 : i32 to index
        %swap3A_1447 = arith.index_cast %mul3A_1120 : i32 to index
        %swap3A_1448 = tpu.vector_load %arg15[%swap3A_1443, %swap3A_1444, %swap3A_1445, %swap3A_1446, %swap3A_1447] {strides = array<i32>} : memref<2x8x3x8x128xf32, #tpu.memory_space<vmem>>, vector<16xf32>,
        tpu.vector_store %arg15[%swap3A_1443, %swap3A_1444, %swap3A_1445, %swap3A_1446, %swap3A_1447], %add3A_1439 {strides = array<i32>} : memref<2x8x3x8x128xf32, #tpu.memory_space<vmem>>, vector<16xf32>,
        %mul3A_1449 = arith.mulf %gather3A_1189, %mul3A_1264 : vector<16xf32>
        %add3A_1450 = arith.addf %mul3A_1449, %mul3A_1267 : vector<16xf32>
        %mul3A_1451 = arith.mulf %add3A_1450, %gather3A_43 : vector<16xf32>
        %add3A_1452 = arith.addf %mul3A_1451, %gather3A_115 : vector<16xf32>
        %swap3A_1453 = arith.constant 0 : i32
        %swap3A_1454 = arith.constant 1 : i32
        %swap3A_1455 = arith.constant 6 : i32
        %swap3A_1456 = arith.index_cast %swap3A_1453 : i32 to index
        %swap3A_1457 = arith.index_cast %shift_right_arithmetic3A_1117 : i32 to index
        %swap3A_1458 = arith.index_cast %swap3A_1454 : i32 to index
        %swap3A_1459 = arith.index_cast %swap3A_1455 : i32 to index
        %swap3A_1460 = arith.index_cast %mul3A_1120 : i32 to index
        %swap3A_1461 = tpu.vector_load %arg15[%swap3A_1456, %swap3A_1457, %swap3A_1458, %swap3A_1459, %swap3A_1460] {strides = array<i32>} : memref<2x8x3x8x128xf32, #tpu.memory_space<vmem>>, vector<16xf32>,
        tpu.vector_store %arg15[%swap3A_1456, %swap3A_1457, %swap3A_1458, %swap3A_1459, %swap3A_1460], %add3A_1452 {strides = array<i32>} : memref<2x8x3x8x128xf32, #tpu.memory_space<vmem>>, vector<16xf32>,
        %mul3A_1462 = arith.mulf %gather3A_1192, %mul3A_1264 : vector<16xf32>
        %add3A_1463 = arith.addf %mul3A_1462, %mul3A_1267 : vector<16xf32>
        %mul3A_1464 = arith.mulf %add3A_1463, %gather3A_46 : vector<16xf32>
        %add3A_1465 = arith.addf %mul3A_1464, %gather3A_118 : vector<16xf32>
        %swap3A_1466 = arith.constant 0 : i32
        %swap3A_1467 = arith.constant 1 : i32
        %swap3A_1468 = arith.constant 7 : i32
        %swap3A_1469 = arith.index_cast %swap3A_1466 : i32 to index
        %swap3A_1470 = arith.index_cast %shift_right_arithmetic3A_1117 : i32 to index
        %swap3A_1471 = arith.index_cast %swap3A_1467 : i32 to index
        %swap3A_1472 = arith.index_cast %swap3A_1468 : i32 to index
        %swap3A_1473 = arith.index_cast %mul3A_1120 : i32 to index
        %swap3A_1474 = tpu.vector_load %arg15[%swap3A_1469, %swap3A_1470, %swap3A_1471, %swap3A_1472, %swap3A_1473] {strides = array<i32>} : memref<2x8x3x8x128xf32, #tpu.memory_space<vmem>>, vector<16xf32>,
        tpu.vector_store %arg15[%swap3A_1469, %swap3A_1470, %swap3A_1471, %swap3A_1472, %swap3A_1473], %add3A_1465 {strides = array<i32>} : memref<2x8x3x8x128xf32, #tpu.memory_space<vmem>>, vector<16xf32>,
        %mul3A_1475 = arith.mulf %gather3A_1195, %mul3A_1264 : vector<16xf32>
        %add3A_1476 = arith.addf %mul3A_1475, %mul3A_1267 : vector<16xf32>
        %mul3A_1477 = arith.mulf %add3A_1476, %gather3A_49 : vector<16xf32>
        %add3A_1478 = arith.addf %mul3A_1477, %gather3A_121 : vector<16xf32>
        %swap3A_1479 = arith.constant 0 : i32
        %swap3A_1480 = arith.constant 2 : i32
        %swap3A_1481 = arith.constant 0 : i32
        %swap3A_1482 = arith.index_cast %swap3A_1479 : i32 to index
        %swap3A_1483 = arith.index_cast %shift_right_arithmetic3A_1117 : i32 to index
        %swap3A_1484 = arith.index_cast %swap3A_1480 : i32 to index
        %swap3A_1485 = arith.index_cast %swap3A_1481 : i32 to index
        %swap3A_1486 = arith.index_cast %mul3A_1120 : i32 to index
        %swap3A_1487 = tpu.vector_load %arg15[%swap3A_1482, %swap3A_1483, %swap3A_1484, %swap3A_1485, %swap3A_1486] {strides = array<i32>} : memref<2x8x3x8x128xf32, #tpu.memory_space<vmem>>, vector<16xf32>,
        tpu.vector_store %arg15[%swap3A_1482, %swap3A_1483, %swap3A_1484, %swap3A_1485, %swap3A_1486], %add3A_1478 {strides = array<i32>} : memref<2x8x3x8x128xf32, #tpu.memory_space<vmem>>, vector<16xf32>,
        %mul3A_1488 = arith.mulf %gather3A_1198, %mul3A_1264 : vector<16xf32>
        %add3A_1489 = arith.addf %mul3A_1488, %mul3A_1267 : vector<16xf32>
        %mul3A_1490 = arith.mulf %add3A_1489, %gather3A_52 : vector<16xf32>
        %add3A_1491 = arith.addf %mul3A_1490, %gather3A_124 : vector<16xf32>
        %swap3A_1492 = arith.constant 0 : i32
        %swap3A_1493 = arith.constant 2 : i32
        %swap3A_1494 = arith.constant 1 : i32
        %swap3A_1495 = arith.index_cast %swap3A_1492 : i32 to index
        %swap3A_1496 = arith.index_cast %shift_right_arithmetic3A_1117 : i32 to index
        %swap3A_1497 = arith.index_cast %swap3A_1493 : i32 to index
        %swap3A_1498 = arith.index_cast %swap3A_1494 : i32 to index
        %swap3A_1499 = arith.index_cast %mul3A_1120 : i32 to index
        %swap3A_1500 = tpu.vector_load %arg15[%swap3A_1495, %swap3A_1496, %swap3A_1497, %swap3A_1498, %swap3A_1499] {strides = array<i32>} : memref<2x8x3x8x128xf32, #tpu.memory_space<vmem>>, vector<16xf32>,
        tpu.vector_store %arg15[%swap3A_1495, %swap3A_1496, %swap3A_1497, %swap3A_1498, %swap3A_1499], %add3A_1491 {strides = array<i32>} : memref<2x8x3x8x128xf32, #tpu.memory_space<vmem>>, vector<16xf32>,
        %mul3A_1501 = arith.mulf %gather3A_1201, %mul3A_1264 : vector<16xf32>
        %add3A_1502 = arith.addf %mul3A_1501, %mul3A_1267 : vector<16xf32>
        %mul3A_1503 = arith.mulf %add3A_1502, %gather3A_55 : vector<16xf32>
        %add3A_1504 = arith.addf %mul3A_1503, %gather3A_127 : vector<16xf32>
        %swap3A_1505 = arith.constant 0 : i32
        %swap3A_1506 = arith.constant 2 : i32
        %swap3A_1507 = arith.constant 2 : i32
        %swap3A_1508 = arith.index_cast %swap3A_1505 : i32 to index
        %swap3A_1509 = arith.index_cast %shift_right_arithmetic3A_1117 : i32 to index
        %swap3A_1510 = arith.index_cast %swap3A_1506 : i32 to index
        %swap3A_1511 = arith.index_cast %swap3A_1507 : i32 to index
        %swap3A_1512 = arith.index_cast %mul3A_1120 : i32 to index
        %swap3A_1513 = tpu.vector_load %arg15[%swap3A_1508, %swap3A_1509, %swap3A_1510, %swap3A_1511, %swap3A_1512] {strides = array<i32>} : memref<2x8x3x8x128xf32, #tpu.memory_space<vmem>>, vector<16xf32>,
        tpu.vector_store %arg15[%swap3A_1508, %swap3A_1509, %swap3A_1510, %swap3A_1511, %swap3A_1512], %add3A_1504 {strides = array<i32>} : memref<2x8x3x8x128xf32, #tpu.memory_space<vmem>>, vector<16xf32>,
        %mul3A_1514 = arith.mulf %gather3A_1204, %mul3A_1264 : vector<16xf32>
        %add3A_1515 = arith.addf %mul3A_1514, %mul3A_1267 : vector<16xf32>
        %mul3A_1516 = arith.mulf %add3A_1515, %gather3A_58 : vector<16xf32>
        %add3A_1517 = arith.addf %mul3A_1516, %gather3A_130 : vector<16xf32>
        %swap3A_1518 = arith.constant 0 : i32
        %swap3A_1519 = arith.constant 2 : i32
        %swap3A_1520 = arith.constant 3 : i32
        %swap3A_1521 = arith.index_cast %swap3A_1518 : i32 to index
        %swap3A_1522 = arith.index_cast %shift_right_arithmetic3A_1117 : i32 to index
        %swap3A_1523 = arith.index_cast %swap3A_1519 : i32 to index
        %swap3A_1524 = arith.index_cast %swap3A_1520 : i32 to index
        %swap3A_1525 = arith.index_cast %mul3A_1120 : i32 to index
        %swap3A_1526 = tpu.vector_load %arg15[%swap3A_1521, %swap3A_1522, %swap3A_1523, %swap3A_1524, %swap3A_1525] {strides = array<i32>} : memref<2x8x3x8x128xf32, #tpu.memory_space<vmem>>, vector<16xf32>,
        tpu.vector_store %arg15[%swap3A_1521, %swap3A_1522, %swap3A_1523, %swap3A_1524, %swap3A_1525], %add3A_1517 {strides = array<i32>} : memref<2x8x3x8x128xf32, #tpu.memory_space<vmem>>, vector<16xf32>,
        %mul3A_1527 = arith.mulf %gather3A_1207, %mul3A_1264 : vector<16xf32>
        %add3A_1528 = arith.addf %mul3A_1527, %mul3A_1267 : vector<16xf32>
        %mul3A_1529 = arith.mulf %add3A_1528, %gather3A_61 : vector<16xf32>
        %add3A_1530 = arith.addf %mul3A_1529, %gather3A_133 : vector<16xf32>
        %swap3A_1531 = arith.constant 0 : i32
        %swap3A_1532 = arith.constant 2 : i32
        %swap3A_1533 = arith.constant 4 : i32
        %swap3A_1534 = arith.index_cast %swap3A_1531 : i32 to index
        %swap3A_1535 = arith.index_cast %shift_right_arithmetic3A_1117 : i32 to index
        %swap3A_1536 = arith.index_cast %swap3A_1532 : i32 to index
        %swap3A_1537 = arith.index_cast %swap3A_1533 : i32 to index
        %swap3A_1538 = arith.index_cast %mul3A_1120 : i32 to index
        %swap3A_1539 = tpu.vector_load %arg15[%swap3A_1534, %swap3A_1535, %swap3A_1536, %swap3A_1537, %swap3A_1538] {strides = array<i32>} : memref<2x8x3x8x128xf32, #tpu.memory_space<vmem>>, vector<16xf32>,
        tpu.vector_store %arg15[%swap3A_1534, %swap3A_1535, %swap3A_1536, %swap3A_1537, %swap3A_1538], %add3A_1530 {strides = array<i32>} : memref<2x8x3x8x128xf32, #tpu.memory_space<vmem>>, vector<16xf32>,
        %mul3A_1540 = arith.mulf %gather3A_1210, %mul3A_1264 : vector<16xf32>
        %add3A_1541 = arith.addf %mul3A_1540, %mul3A_1267 : vector<16xf32>
        %mul3A_1542 = arith.mulf %add3A_1541, %gather3A_64 : vector<16xf32>
        %add3A_1543 = arith.addf %mul3A_1542, %gather3A_136 : vector<16xf32>
        %swap3A_1544 = arith.constant 0 : i32
        %swap3A_1545 = arith.constant 2 : i32
        %swap3A_1546 = arith.constant 5 : i32
        %swap3A_1547 = arith.index_cast %swap3A_1544 : i32 to index
        %swap3A_1548 = arith.index_cast %shift_right_arithmetic3A_1117 : i32 to index
        %swap3A_1549 = arith.index_cast %swap3A_1545 : i32 to index
        %swap3A_1550 = arith.index_cast %swap3A_1546 : i32 to index
        %swap3A_1551 = arith.index_cast %mul3A_1120 : i32 to index
        %swap3A_1552 = tpu.vector_load %arg15[%swap3A_1547, %swap3A_1548, %swap3A_1549, %swap3A_1550, %swap3A_1551] {strides = array<i32>} : memref<2x8x3x8x128xf32, #tpu.memory_space<vmem>>, vector<16xf32>,
        tpu.vector_store %arg15[%swap3A_1547, %swap3A_1548, %swap3A_1549, %swap3A_1550, %swap3A_1551], %add3A_1543 {strides = array<i32>} : memref<2x8x3x8x128xf32, #tpu.memory_space<vmem>>, vector<16xf32>,
        %mul3A_1553 = arith.mulf %get3A_1139, %mul3A_1264 : vector<16xf32>
        %add3A_1554 = arith.addf %mul3A_1553, %mul3A_1267 : vector<16xf32>
        %mul3A_1555 = arith.mulf %add3A_1554, %gather3A_67 : vector<16xf32>
        %add3A_1556 = arith.addf %mul3A_1555, %gather3A_139 : vector<16xf32>
        %swap3A_1557 = arith.constant 0 : i32
        %swap3A_1558 = arith.constant 2 : i32
        %swap3A_1559 = arith.constant 6 : i32
        %swap3A_1560 = arith.index_cast %swap3A_1557 : i32 to index
        %swap3A_1561 = arith.index_cast %shift_right_arithmetic3A_1117 : i32 to index
        %swap3A_1562 = arith.index_cast %swap3A_1558 : i32 to index
        %swap3A_1563 = arith.index_cast %swap3A_1559 : i32 to index
        %swap3A_1564 = arith.index_cast %mul3A_1120 : i32 to index
        %swap3A_1565 = tpu.vector_load %arg15[%swap3A_1560, %swap3A_1561, %swap3A_1562, %swap3A_1563, %swap3A_1564] {strides = array<i32>} : memref<2x8x3x8x128xf32, #tpu.memory_space<vmem>>, vector<16xf32>,
        tpu.vector_store %arg15[%swap3A_1560, %swap3A_1561, %swap3A_1562, %swap3A_1563, %swap3A_1564], %add3A_1556 {strides = array<i32>} : memref<2x8x3x8x128xf32, #tpu.memory_space<vmem>>, vector<16xf32>,
        %mul3A_1566 = arith.mulf %get3A_1144, %mul3A_1264 : vector<16xf32>
        %add3A_1567 = arith.addf %mul3A_1566, %mul3A_1267 : vector<16xf32>
        %mul3A_1568 = arith.mulf %add3A_1567, %gather3A_70 : vector<16xf32>
        %add3A_1569 = arith.addf %mul3A_1568, %gather3A_142 : vector<16xf32>
        %swap3A_1570 = arith.constant 0 : i32
        %swap3A_1571 = arith.constant 2 : i32
        %swap3A_1572 = arith.constant 7 : i32
        %swap3A_1573 = arith.index_cast %swap3A_1570 : i32 to index
        %swap3A_1574 = arith.index_cast %shift_right_arithmetic3A_1117 : i32 to index
        %swap3A_1575 = arith.index_cast %swap3A_1571 : i32 to index
        %swap3A_1576 = arith.index_cast %swap3A_1572 : i32 to index
        %swap3A_1577 = arith.index_cast %mul3A_1120 : i32 to index
        %swap3A_1578 = tpu.vector_load %arg15[%swap3A_1573, %swap3A_1574, %swap3A_1575, %swap3A_1576, %swap3A_1577] {strides = array<i32>} : memref<2x8x3x8x128xf32, #tpu.memory_space<vmem>>, vector<16xf32>,
        tpu.vector_store %arg15[%swap3A_1573, %swap3A_1574, %swap3A_1575, %swap3A_1576, %swap3A_1577], %add3A_1569 {strides = array<i32>} : memref<2x8x3x8x128xf32, #tpu.memory_space<vmem>>, vector<16xf32>,
      }
      %scan3A_792 = arith.constant 64 : i32
      %mul3A_793 = arith.constant 8 : i32
      %mul3A_794 = arith.muli %add3A_612, %mul3A_793 : i32
      %dma_start3A_795 = arith.constant 0 : i32
      %dma_start3A_796 = arith.constant 0 : i32
      %dma_start3A_797 = arith.constant 0 : i32
      %dma_start3A_798 = arith.constant 0 : i32
      %dma_start3A_799 = arith.constant 0 : i32
      %dma_start3A_800 = arith.constant 0 : i32
      %dma_start3A_801 = tpu.memref_slice %arg15[%dma_start3A_795, %dma_start3A_798, %dma_start3A_796, %dma_start3A_799, %dma_start3A_800] : memref<2x8x3x8x128xf32, #tpu.memory_space<vmem>> -> memref<1x8x1x8x128xf32, #tpu.memory_space<vmem>>
      %dma_start3A_802 = tpu.memref_squeeze %dma_start3A_801 : memref<1x8x1x8x128xf32, #tpu.memory_space<vmem>> -> memref<8x8x128xf32, #tpu.memory_space<vmem>>
      %dma_start3A_803 = arith.constant 0 : i32
      %dma_start3A_804 = arith.constant 0 : i32
      %dma_start3A_805 = tpu.memref_slice %arg8[%mul3A_794, %dma_start3A_797, %add3A, %dma_start3A_803, %dma_start3A_804] : memref<200x3x32x8x128xf32, #tpu.memory_space<hbm>> -> memref<8x1x1x8x128xf32, #tpu.memory_space<hbm>>
      %dma_start3A_806 = tpu.memref_squeeze %dma_start3A_805 : memref<8x1x1x8x128xf32, #tpu.memory_space<hbm>> -> memref<8x8x128xf32, #tpu.memory_space<hbm>>
      %dma_start3A_807 = arith.constant 0 : i32
      %dma_start3A_808 = arith.constant 0 : i32
      %dma_start3A_809 = tpu.memref_slice %arg8[%mul3A_794, %dma_start3A_797, %add3A, %dma_start3A_807, %dma_start3A_808] : memref<200x3x32x8x128xf32, #tpu.memory_space<hbm>> -> memref<8x1x1x8x128xf32, #tpu.memory_space<hbm>>
      %dma_start3A_810 = tpu.memref_squeeze %dma_start3A_809 : memref<8x1x1x8x128xf32, #tpu.memory_space<hbm>> -> memref<8x8x128xf32, #tpu.memory_space<hbm>>
      %dma_start3A_811 = arith.constant 0 : i32
      %dma_start3A_812 = arith.constant 0 : i32
      %dma_start3A_813 = arith.constant 0 : i32
      %dma_start3A_814 = tpu.memref_slice %arg15[%dma_start3A_795, %dma_start3A_811, %dma_start3A_796, %dma_start3A_812, %dma_start3A_813] : memref<2x8x3x8x128xf32, #tpu.memory_space<vmem>> -> memref<1x8x1x8x128xf32, #tpu.memory_space<vmem>>
      %dma_start3A_815 = tpu.memref_squeeze %dma_start3A_814 : memref<1x8x1x8x128xf32, #tpu.memory_space<vmem>> -> memref<8x8x128xf32, #tpu.memory_space<vmem>>
      tpu.enqueue_dma source(%dma_start3A_815 : memref<8x8x128xf32, #tpu.memory_space<vmem>>) target(%dma_start3A_810 : memref<8x8x128xf32, #tpu.memory_space<hbm>>) target_semaphore(%arg18 : memref<!tpu.dma_semaphore, #tpu.memory_space<semaphore_mem>>)
      %mul3A_816 = arith.constant 8 : i32
      %mul3A_817 = arith.muli %add3A_612, %mul3A_816 : i32
      %dma_start3A_818 = arith.constant 0 : i32
      %dma_start3A_819 = arith.constant 1 : i32
      %dma_start3A_820 = arith.constant 1 : i32
      %dma_start3A_821 = arith.constant 0 : i32
      %dma_start3A_822 = arith.constant 0 : i32
      %dma_start3A_823 = arith.constant 0 : i32
      %dma_start3A_824 = tpu.memref_slice %arg15[%dma_start3A_818, %dma_start3A_821, %dma_start3A_819, %dma_start3A_822, %dma_start3A_823] : memref<2x8x3x8x128xf32, #tpu.memory_space<vmem>> -> memref<1x8x1x8x128xf32, #tpu.memory_space<vmem>>
      %dma_start3A_825 = tpu.memref_squeeze %dma_start3A_824 : memref<1x8x1x8x128xf32, #tpu.memory_space<vmem>> -> memref<8x8x128xf32, #tpu.memory_space<vmem>>
      %dma_start3A_826 = arith.constant 0 : i32
      %dma_start3A_827 = arith.constant 0 : i32
      %dma_start3A_828 = tpu.memref_slice %arg8[%mul3A_817, %dma_start3A_820, %add3A, %dma_start3A_826, %dma_start3A_827] : memref<200x3x32x8x128xf32, #tpu.memory_space<hbm>> -> memref<8x1x1x8x128xf32, #tpu.memory_space<hbm>>
      %dma_start3A_829 = tpu.memref_squeeze %dma_start3A_828 : memref<8x1x1x8x128xf32, #tpu.memory_space<hbm>> -> memref<8x8x128xf32, #tpu.memory_space<hbm>>
      %dma_start3A_830 = arith.constant 0 : i32
      %dma_start3A_831 = arith.constant 0 : i32
      %dma_start3A_832 = tpu.memref_slice %arg8[%mul3A_817, %dma_start3A_820, %add3A, %dma_start3A_830, %dma_start3A_831] : memref<200x3x32x8x128xf32, #tpu.memory_space<hbm>> -> memref<8x1x1x8x128xf32, #tpu.memory_space<hbm>>
      %dma_start3A_833 = tpu.memref_squeeze %dma_start3A_832 : memref<8x1x1x8x128xf32, #tpu.memory_space<hbm>> -> memref<8x8x128xf32, #tpu.memory_space<hbm>>
      %dma_start3A_834 = arith.constant 0 : i32
      %dma_start3A_835 = arith.constant 0 : i32
      %dma_start3A_836 = arith.constant 0 : i32
      %dma_start3A_837 = tpu.memref_slice %arg15[%dma_start3A_818, %dma_start3A_834, %dma_start3A_819, %dma_start3A_835, %dma_start3A_836] : memref<2x8x3x8x128xf32, #tpu.memory_space<vmem>> -> memref<1x8x1x8x128xf32, #tpu.memory_space<vmem>>
      %dma_start3A_838 = tpu.memref_squeeze %dma_start3A_837 : memref<1x8x1x8x128xf32, #tpu.memory_space<vmem>> -> memref<8x8x128xf32, #tpu.memory_space<vmem>>
      tpu.enqueue_dma source(%dma_start3A_838 : memref<8x8x128xf32, #tpu.memory_space<vmem>>) target(%dma_start3A_833 : memref<8x8x128xf32, #tpu.memory_space<hbm>>) target_semaphore(%arg18 : memref<!tpu.dma_semaphore, #tpu.memory_space<semaphore_mem>>)
      %mul3A_839 = arith.constant 8 : i32
      %mul3A_840 = arith.muli %add3A_612, %mul3A_839 : i32
      %dma_start3A_841 = arith.constant 0 : i32
      %dma_start3A_842 = arith.constant 2 : i32
      %dma_start3A_843 = arith.constant 2 : i32
      %dma_start3A_844 = arith.constant 0 : i32
      %dma_start3A_845 = arith.constant 0 : i32
      %dma_start3A_846 = arith.constant 0 : i32
      %dma_start3A_847 = tpu.memref_slice %arg15[%dma_start3A_841, %dma_start3A_844, %dma_start3A_842, %dma_start3A_845, %dma_start3A_846] : memref<2x8x3x8x128xf32, #tpu.memory_space<vmem>> -> memref<1x8x1x8x128xf32, #tpu.memory_space<vmem>>
      %dma_start3A_848 = tpu.memref_squeeze %dma_start3A_847 : memref<1x8x1x8x128xf32, #tpu.memory_space<vmem>> -> memref<8x8x128xf32, #tpu.memory_space<vmem>>
      %dma_start3A_849 = arith.constant 0 : i32
      %dma_start3A_850 = arith.constant 0 : i32
      %dma_start3A_851 = tpu.memref_slice %arg8[%mul3A_840, %dma_start3A_843, %add3A, %dma_start3A_849, %dma_start3A_850] : memref<200x3x32x8x128xf32, #tpu.memory_space<hbm>> -> memref<8x1x1x8x128xf32, #tpu.memory_space<hbm>>
      %dma_start3A_852 = tpu.memref_squeeze %dma_start3A_851 : memref<8x1x1x8x128xf32, #tpu.memory_space<hbm>> -> memref<8x8x128xf32, #tpu.memory_space<hbm>>
      %dma_start3A_853 = arith.constant 0 : i32
      %dma_start3A_854 = arith.constant 0 : i32
      %dma_start3A_855 = tpu.memref_slice %arg8[%mul3A_840, %dma_start3A_843, %add3A, %dma_start3A_853, %dma_start3A_854] : memref<200x3x32x8x128xf32, #tpu.memory_space<hbm>> -> memref<8x1x1x8x128xf32, #tpu.memory_space<hbm>>
      %dma_start3A_856 = tpu.memref_squeeze %dma_start3A_855 : memref<8x1x1x8x128xf32, #tpu.memory_space<hbm>> -> memref<8x8x128xf32, #tpu.memory_space<hbm>>
      %dma_start3A_857 = arith.constant 0 : i32
      %dma_start3A_858 = arith.constant 0 : i32
      %dma_start3A_859 = arith.constant 0 : i32
      %dma_start3A_860 = tpu.memref_slice %arg15[%dma_start3A_841, %dma_start3A_857, %dma_start3A_842, %dma_start3A_858, %dma_start3A_859] : memref<2x8x3x8x128xf32, #tpu.memory_space<vmem>> -> memref<1x8x1x8x128xf32, #tpu.memory_space<vmem>>
      %dma_start3A_861 = tpu.memref_squeeze %dma_start3A_860 : memref<1x8x1x8x128xf32, #tpu.memory_space<vmem>> -> memref<8x8x128xf32, #tpu.memory_space<vmem>>
      tpu.enqueue_dma source(%dma_start3A_861 : memref<8x8x128xf32, #tpu.memory_space<vmem>>) target(%dma_start3A_856 : memref<8x8x128xf32, #tpu.memory_space<hbm>>) target_semaphore(%arg18 : memref<!tpu.dma_semaphore, #tpu.memory_space<semaphore_mem>>)
      %add3A_862 = arith.constant 1 : i32
      %add3A_863 = arith.addi %mul3A_610, %add3A_862 : i32
      %dma_wait3A_864 = arith.constant 1 : i32
      %dma_wait3A_865 = arith.constant 0 : i32
      %dma_wait3A_866 = arith.constant 0 : i32
      %dma_wait3A_867 = tpu.memref_slice %arg10[%dma_wait3A_864, %dma_wait3A_865, %dma_wait3A_866] : memref<2x8x128xi32, #tpu.memory_space<vmem>> -> memref<1x8x128xi32, #tpu.memory_space<vmem>>
      %dma_wait3A_868 = tpu.memref_squeeze %dma_wait3A_867 : memref<1x8x128xi32, #tpu.memory_space<vmem>> -> memref<8x128xi32, #tpu.memory_space<vmem>>
      %dma_wait3A_869 = arith.constant 0 : i32
      %dma_wait3A_870 = arith.constant 0 : i32
      %dma_wait3A_871 = tpu.memref_slice %arg3[%add3A_863, %add3A, %dma_wait3A_869, %dma_wait3A_870] : memref<25x32x8x128xi32, #tpu.memory_space<hbm>> -> memref<1x1x8x128xi32, #tpu.memory_space<hbm>>
      %dma_wait3A_872 = tpu.memref_squeeze %dma_wait3A_871 : memref<1x1x8x128xi32, #tpu.memory_space<hbm>> -> memref<8x128xi32, #tpu.memory_space<hbm>>
      %dma_wait3A_873 = arith.constant 0 : i32
      %dma_wait3A_874 = arith.constant 0 : i32
      %dma_wait3A_875 = tpu.memref_slice %arg10[%dma_wait3A_864, %dma_wait3A_873, %dma_wait3A_874] : memref<2x8x128xi32, #tpu.memory_space<vmem>> -> memref<1x8x128xi32, #tpu.memory_space<vmem>>
      %dma_wait3A_876 = tpu.memref_squeeze %dma_wait3A_875 : memref<1x8x128xi32, #tpu.memory_space<vmem>> -> memref<8x128xi32, #tpu.memory_space<vmem>>
      %dma_wait3A_877 = arith.constant 0 : i32
      %dma_wait3A_878 = arith.constant 0 : i32
      %dma_wait3A_879 = tpu.memref_slice %arg3[%add3A_863, %add3A, %dma_wait3A_877, %dma_wait3A_878] : memref<25x32x8x128xi32, #tpu.memory_space<hbm>> -> memref<1x1x8x128xi32, #tpu.memory_space<hbm>>
      %dma_wait3A_880 = tpu.memref_squeeze %dma_wait3A_879 : memref<1x1x8x128xi32, #tpu.memory_space<hbm>> -> memref<8x128xi32, #tpu.memory_space<hbm>>
      tpu.wait_dma2 semaphore(%arg17 : memref<!tpu.dma_semaphore, #tpu.memory_space<semaphore_mem>>) src(%dma_wait3A_880 : memref<8x128xi32, #tpu.memory_space<hbm>>) dst(%dma_wait3A_876 : memref<8x128xi32, #tpu.memory_space<vmem>>)
      %dma_wait3A_881 = arith.constant 1 : i32
      %dma_wait3A_882 = arith.constant 0 : i32
      %dma_wait3A_883 = arith.constant 0 : i32
      %dma_wait3A_884 = tpu.memref_slice %arg11[%dma_wait3A_881, %dma_wait3A_882, %dma_wait3A_883] : memref<2x8x128xi32, #tpu.memory_space<vmem>> -> memref<1x8x128xi32, #tpu.memory_space<vmem>>
      %dma_wait3A_885 = tpu.memref_squeeze %dma_wait3A_884 : memref<1x8x128xi32, #tpu.memory_space<vmem>> -> memref<8x128xi32, #tpu.memory_space<vmem>>
      %dma_wait3A_886 = arith.constant 0 : i32
      %dma_wait3A_887 = arith.constant 0 : i32
      %dma_wait3A_888 = tpu.memref_slice %arg4[%add3A_863, %add3A, %dma_wait3A_886, %dma_wait3A_887] : memref<25x32x8x128xi32, #tpu.memory_space<hbm>> -> memref<1x1x8x128xi32, #tpu.memory_space<hbm>>
      %dma_wait3A_889 = tpu.memref_squeeze %dma_wait3A_888 : memref<1x1x8x128xi32, #tpu.memory_space<hbm>> -> memref<8x128xi32, #tpu.memory_space<hbm>>
      %dma_wait3A_890 = arith.constant 0 : i32
      %dma_wait3A_891 = arith.constant 0 : i32
      %dma_wait3A_892 = tpu.memref_slice %arg11[%dma_wait3A_881, %dma_wait3A_890, %dma_wait3A_891] : memref<2x8x128xi32, #tpu.memory_space<vmem>> -> memref<1x8x128xi32, #tpu.memory_space<vmem>>
      %dma_wait3A_893 = tpu.memref_squeeze %dma_wait3A_892 : memref<1x8x128xi32, #tpu.memory_space<vmem>> -> memref<8x128xi32, #tpu.memory_space<vmem>>
      %dma_wait3A_894 = arith.constant 0 : i32
      %dma_wait3A_895 = arith.constant 0 : i32
      %dma_wait3A_896 = tpu.memref_slice %arg4[%add3A_863, %add3A, %dma_wait3A_894, %dma_wait3A_895] : memref<25x32x8x128xi32, #tpu.memory_space<hbm>> -> memref<1x1x8x128xi32, #tpu.memory_space<hbm>>
      %dma_wait3A_897 = tpu.memref_squeeze %dma_wait3A_896 : memref<1x1x8x128xi32, #tpu.memory_space<hbm>> -> memref<8x128xi32, #tpu.memory_space<hbm>>
      tpu.wait_dma2 semaphore(%arg17 : memref<!tpu.dma_semaphore, #tpu.memory_space<semaphore_mem>>) src(%dma_wait3A_897 : memref<8x128xi32, #tpu.memory_space<hbm>>) dst(%dma_wait3A_893 : memref<8x128xi32, #tpu.memory_space<vmem>>)
      %dma_wait3A_898 = arith.constant 1 : i32
      %dma_wait3A_899 = arith.constant 0 : i32
      %dma_wait3A_900 = arith.constant 0 : i32
      %dma_wait3A_901 = tpu.memref_slice %arg12[%dma_wait3A_898, %dma_wait3A_899, %dma_wait3A_900] : memref<2x8x128xi32, #tpu.memory_space<vmem>> -> memref<1x8x128xi32, #tpu.memory_space<vmem>>
      %dma_wait3A_902 = tpu.memref_squeeze %dma_wait3A_901 : memref<1x8x128xi32, #tpu.memory_space<vmem>> -> memref<8x128xi32, #tpu.memory_space<vmem>>
      %dma_wait3A_903 = arith.constant 0 : i32
      %dma_wait3A_904 = arith.constant 0 : i32
      %dma_wait3A_905 = tpu.memref_slice %arg5[%add3A_863, %add3A, %dma_wait3A_903, %dma_wait3A_904] : memref<25x32x8x128xi32, #tpu.memory_space<hbm>> -> memref<1x1x8x128xi32, #tpu.memory_space<hbm>>
      %dma_wait3A_906 = tpu.memref_squeeze %dma_wait3A_905 : memref<1x1x8x128xi32, #tpu.memory_space<hbm>> -> memref<8x128xi32, #tpu.memory_space<hbm>>
      %dma_wait3A_907 = arith.constant 0 : i32
      %dma_wait3A_908 = arith.constant 0 : i32
      %dma_wait3A_909 = tpu.memref_slice %arg12[%dma_wait3A_898, %dma_wait3A_907, %dma_wait3A_908] : memref<2x8x128xi32, #tpu.memory_space<vmem>> -> memref<1x8x128xi32, #tpu.memory_space<vmem>>
      %dma_wait3A_910 = tpu.memref_squeeze %dma_wait3A_909 : memref<1x8x128xi32, #tpu.memory_space<vmem>> -> memref<8x128xi32, #tpu.memory_space<vmem>>
      %dma_wait3A_911 = arith.constant 0 : i32
      %dma_wait3A_912 = arith.constant 0 : i32
      %dma_wait3A_913 = tpu.memref_slice %arg5[%add3A_863, %add3A, %dma_wait3A_911, %dma_wait3A_912] : memref<25x32x8x128xi32, #tpu.memory_space<hbm>> -> memref<1x1x8x128xi32, #tpu.memory_space<hbm>>
      %dma_wait3A_914 = tpu.memref_squeeze %dma_wait3A_913 : memref<1x1x8x128xi32, #tpu.memory_space<hbm>> -> memref<8x128xi32, #tpu.memory_space<hbm>>
      tpu.wait_dma2 semaphore(%arg17 : memref<!tpu.dma_semaphore, #tpu.memory_space<semaphore_mem>>) src(%dma_wait3A_914 : memref<8x128xi32, #tpu.memory_space<hbm>>) dst(%dma_wait3A_910 : memref<8x128xi32, #tpu.memory_space<vmem>>)
      %dma_wait3A_915 = arith.constant 1 : i32
      %dma_wait3A_916 = arith.constant 0 : i32
      %dma_wait3A_917 = arith.constant 0 : i32
      %dma_wait3A_918 = tpu.memref_slice %arg13[%dma_wait3A_915, %dma_wait3A_916, %dma_wait3A_917] : memref<2x8x128xf32, #tpu.memory_space<vmem>> -> memref<1x8x128xf32, #tpu.memory_space<vmem>>
      %dma_wait3A_919 = tpu.memref_squeeze %dma_wait3A_918 : memref<1x8x128xf32, #tpu.memory_space<vmem>> -> memref<8x128xf32, #tpu.memory_space<vmem>>
      %dma_wait3A_920 = arith.constant 0 : i32
      %dma_wait3A_921 = arith.constant 0 : i32
      %dma_wait3A_922 = tpu.memref_slice %arg6[%add3A_863, %add3A, %dma_wait3A_920, %dma_wait3A_921] : memref<25x32x8x128xf32, #tpu.memory_space<hbm>> -> memref<1x1x8x128xf32, #tpu.memory_space<hbm>>
      %dma_wait3A_923 = tpu.memref_squeeze %dma_wait3A_922 : memref<1x1x8x128xf32, #tpu.memory_space<hbm>> -> memref<8x128xf32, #tpu.memory_space<hbm>>
      %dma_wait3A_924 = arith.constant 0 : i32
      %dma_wait3A_925 = arith.constant 0 : i32
      %dma_wait3A_926 = tpu.memref_slice %arg13[%dma_wait3A_915, %dma_wait3A_924, %dma_wait3A_925] : memref<2x8x128xf32, #tpu.memory_space<vmem>> -> memref<1x8x128xf32, #tpu.memory_space<vmem>>
      %dma_wait3A_927 = tpu.memref_squeeze %dma_wait3A_926 : memref<1x8x128xf32, #tpu.memory_space<vmem>> -> memref<8x128xf32, #tpu.memory_space<vmem>>
      %dma_wait3A_928 = arith.constant 0 : i32
      %dma_wait3A_929 = arith.constant 0 : i32
      %dma_wait3A_930 = tpu.memref_slice %arg6[%add3A_863, %add3A, %dma_wait3A_928, %dma_wait3A_929] : memref<25x32x8x128xf32, #tpu.memory_space<hbm>> -> memref<1x1x8x128xf32, #tpu.memory_space<hbm>>
      %dma_wait3A_931 = tpu.memref_squeeze %dma_wait3A_930 : memref<1x1x8x128xf32, #tpu.memory_space<hbm>> -> memref<8x128xf32, #tpu.memory_space<hbm>>
      tpu.wait_dma2 semaphore(%arg17 : memref<!tpu.dma_semaphore, #tpu.memory_space<semaphore_mem>>) src(%dma_wait3A_931 : memref<8x128xf32, #tpu.memory_space<hbm>>) dst(%dma_wait3A_927 : memref<8x128xf32, #tpu.memory_space<vmem>>)
      %dma_wait3A_932 = arith.constant 1 : i32
      %dma_wait3A_933 = arith.constant 0 : i32
      %dma_wait3A_934 = arith.constant 0 : i32
      %dma_wait3A_935 = tpu.memref_slice %arg14[%dma_wait3A_932, %dma_wait3A_933, %dma_wait3A_934] : memref<2x8x128xf32, #tpu.memory_space<vmem>> -> memref<1x8x128xf32, #tpu.memory_space<vmem>>
      %dma_wait3A_936 = tpu.memref_squeeze %dma_wait3A_935 : memref<1x8x128xf32, #tpu.memory_space<vmem>> -> memref<8x128xf32, #tpu.memory_space<vmem>>
      %dma_wait3A_937 = arith.constant 0 : i32
      %dma_wait3A_938 = arith.constant 0 : i32
      %dma_wait3A_939 = tpu.memref_slice %arg7[%add3A_863, %add3A, %dma_wait3A_937, %dma_wait3A_938] : memref<25x32x8x128xf32, #tpu.memory_space<hbm>> -> memref<1x1x8x128xf32, #tpu.memory_space<hbm>>
      %dma_wait3A_940 = tpu.memref_squeeze %dma_wait3A_939 : memref<1x1x8x128xf32, #tpu.memory_space<hbm>> -> memref<8x128xf32, #tpu.memory_space<hbm>>
      %dma_wait3A_941 = arith.constant 0 : i32
      %dma_wait3A_942 = arith.constant 0 : i32
      %dma_wait3A_943 = tpu.memref_slice %arg14[%dma_wait3A_932, %dma_wait3A_941, %dma_wait3A_942] : memref<2x8x128xf32, #tpu.memory_space<vmem>> -> memref<1x8x128xf32, #tpu.memory_space<vmem>>
      %dma_wait3A_944 = tpu.memref_squeeze %dma_wait3A_943 : memref<1x8x128xf32, #tpu.memory_space<vmem>> -> memref<8x128xf32, #tpu.memory_space<vmem>>
      %dma_wait3A_945 = arith.constant 0 : i32
      %dma_wait3A_946 = arith.constant 0 : i32
      %dma_wait3A_947 = tpu.memref_slice %arg7[%add3A_863, %add3A, %dma_wait3A_945, %dma_wait3A_946] : memref<25x32x8x128xf32, #tpu.memory_space<hbm>> -> memref<1x1x8x128xf32, #tpu.memory_space<hbm>>
      %dma_wait3A_948 = tpu.memref_squeeze %dma_wait3A_947 : memref<1x1x8x128xf32, #tpu.memory_space<hbm>> -> memref<8x128xf32, #tpu.memory_space<hbm>>
      tpu.wait_dma2 semaphore(%arg17 : memref<!tpu.dma_semaphore, #tpu.memory_space<semaphore_mem>>) src(%dma_wait3A_948 : memref<8x128xf32, #tpu.memory_space<hbm>>) dst(%dma_wait3A_944 : memref<8x128xf32, #tpu.memory_space<vmem>>)
      %add3A_949 = arith.constant 1 : i32
      %add3A_950 = arith.addi %add3A_863, %add3A_949 : i32
      %dma_start3A_951 = arith.constant 0 : i32
      %dma_start3A_952 = arith.constant 0 : i32
      %dma_start3A_953 = arith.constant 0 : i32
      %dma_start3A_954 = tpu.memref_slice %arg10[%dma_start3A_951, %dma_start3A_952, %dma_start3A_953] : memref<2x8x128xi32, #tpu.memory_space<vmem>> -> memref<1x8x128xi32, #tpu.memory_space<vmem>>
      %dma_start3A_955 = tpu.memref_squeeze %dma_start3A_954 : memref<1x8x128xi32, #tpu.memory_space<vmem>> -> memref<8x128xi32, #tpu.memory_space<vmem>>
      %dma_start3A_956 = arith.constant 0 : i32
      %dma_start3A_957 = arith.constant 0 : i32
      %dma_start3A_958 = tpu.memref_slice %arg3[%add3A_950, %add3A, %dma_start3A_956, %dma_start3A_957] : memref<25x32x8x128xi32, #tpu.memory_space<hbm>> -> memref<1x1x8x128xi32, #tpu.memory_space<hbm>>
      %dma_start3A_959 = tpu.memref_squeeze %dma_start3A_958 : memref<1x1x8x128xi32, #tpu.memory_space<hbm>> -> memref<8x128xi32, #tpu.memory_space<hbm>>
      %dma_start3A_960 = arith.constant 0 : i32
      %dma_start3A_961 = arith.constant 0 : i32
      %dma_start3A_962 = tpu.memref_slice %arg10[%dma_start3A_951, %dma_start3A_960, %dma_start3A_961] : memref<2x8x128xi32, #tpu.memory_space<vmem>> -> memref<1x8x128xi32, #tpu.memory_space<vmem>>
      %dma_start3A_963 = tpu.memref_squeeze %dma_start3A_962 : memref<1x8x128xi32, #tpu.memory_space<vmem>> -> memref<8x128xi32, #tpu.memory_space<vmem>>
      %dma_start3A_964 = arith.constant 0 : i32
      %dma_start3A_965 = arith.constant 0 : i32
      %dma_start3A_966 = tpu.memref_slice %arg3[%add3A_950, %add3A, %dma_start3A_964, %dma_start3A_965] : memref<25x32x8x128xi32, #tpu.memory_space<hbm>> -> memref<1x1x8x128xi32, #tpu.memory_space<hbm>>
      %dma_start3A_967 = tpu.memref_squeeze %dma_start3A_966 : memref<1x1x8x128xi32, #tpu.memory_space<hbm>> -> memref<8x128xi32, #tpu.memory_space<hbm>>
      tpu.enqueue_dma source(%dma_start3A_967 : memref<8x128xi32, #tpu.memory_space<hbm>>) target(%dma_start3A_963 : memref<8x128xi32, #tpu.memory_space<vmem>>) target_semaphore(%arg16 : memref<!tpu.dma_semaphore, #tpu.memory_space<semaphore_mem>>)
      %dma_start3A_968 = arith.constant 0 : i32
      %dma_start3A_969 = arith.constant 0 : i32
      %dma_start3A_970 = arith.constant 0 : i32
      %dma_start3A_971 = tpu.memref_slice %arg11[%dma_start3A_968, %dma_start3A_969, %dma_start3A_970] : memref<2x8x128xi32, #tpu.memory_space<vmem>> -> memref<1x8x128xi32, #tpu.memory_space<vmem>>
      %dma_start3A_972 = tpu.memref_squeeze %dma_start3A_971 : memref<1x8x128xi32, #tpu.memory_space<vmem>> -> memref<8x128xi32, #tpu.memory_space<vmem>>
      %dma_start3A_973 = arith.constant 0 : i32
      %dma_start3A_974 = arith.constant 0 : i32
      %dma_start3A_975 = tpu.memref_slice %arg4[%add3A_950, %add3A, %dma_start3A_973, %dma_start3A_974] : memref<25x32x8x128xi32, #tpu.memory_space<hbm>> -> memref<1x1x8x128xi32, #tpu.memory_space<hbm>>
      %dma_start3A_976 = tpu.memref_squeeze %dma_start3A_975 : memref<1x1x8x128xi32, #tpu.memory_space<hbm>> -> memref<8x128xi32, #tpu.memory_space<hbm>>
      %dma_start3A_977 = arith.constant 0 : i32
      %dma_start3A_978 = arith.constant 0 : i32
      %dma_start3A_979 = tpu.memref_slice %arg11[%dma_start3A_968, %dma_start3A_977, %dma_start3A_978] : memref<2x8x128xi32, #tpu.memory_space<vmem>> -> memref<1x8x128xi32, #tpu.memory_space<vmem>>
      %dma_start3A_980 = tpu.memref_squeeze %dma_start3A_979 : memref<1x8x128xi32, #tpu.memory_space<vmem>> -> memref<8x128xi32, #tpu.memory_space<vmem>>
      %dma_start3A_981 = arith.constant 0 : i32
      %dma_start3A_982 = arith.constant 0 : i32
      %dma_start3A_983 = tpu.memref_slice %arg4[%add3A_950, %add3A, %dma_start3A_981, %dma_start3A_982] : memref<25x32x8x128xi32, #tpu.memory_space<hbm>> -> memref<1x1x8x128xi32, #tpu.memory_space<hbm>>
      %dma_start3A_984 = tpu.memref_squeeze %dma_start3A_983 : memref<1x1x8x128xi32, #tpu.memory_space<hbm>> -> memref<8x128xi32, #tpu.memory_space<hbm>>
      tpu.enqueue_dma source(%dma_start3A_984 : memref<8x128xi32, #tpu.memory_space<hbm>>) target(%dma_start3A_980 : memref<8x128xi32, #tpu.memory_space<vmem>>) target_semaphore(%arg16 : memref<!tpu.dma_semaphore, #tpu.memory_space<semaphore_mem>>)
      %dma_start3A_985 = arith.constant 0 : i32
      %dma_start3A_986 = arith.constant 0 : i32
      %dma_start3A_987 = arith.constant 0 : i32
      %dma_start3A_988 = tpu.memref_slice %arg12[%dma_start3A_985, %dma_start3A_986, %dma_start3A_987] : memref<2x8x128xi32, #tpu.memory_space<vmem>> -> memref<1x8x128xi32, #tpu.memory_space<vmem>>
      %dma_start3A_989 = tpu.memref_squeeze %dma_start3A_988 : memref<1x8x128xi32, #tpu.memory_space<vmem>> -> memref<8x128xi32, #tpu.memory_space<vmem>>
      %dma_start3A_990 = arith.constant 0 : i32
      %dma_start3A_991 = arith.constant 0 : i32
      %dma_start3A_992 = tpu.memref_slice %arg5[%add3A_950, %add3A, %dma_start3A_990, %dma_start3A_991] : memref<25x32x8x128xi32, #tpu.memory_space<hbm>> -> memref<1x1x8x128xi32, #tpu.memory_space<hbm>>
      %dma_start3A_993 = tpu.memref_squeeze %dma_start3A_992 : memref<1x1x8x128xi32, #tpu.memory_space<hbm>> -> memref<8x128xi32, #tpu.memory_space<hbm>>
      %dma_start3A_994 = arith.constant 0 : i32
      %dma_start3A_995 = arith.constant 0 : i32
      %dma_start3A_996 = tpu.memref_slice %arg12[%dma_start3A_985, %dma_start3A_994, %dma_start3A_995] : memref<2x8x128xi32, #tpu.memory_space<vmem>> -> memref<1x8x128xi32, #tpu.memory_space<vmem>>
      %dma_start3A_997 = tpu.memref_squeeze %dma_start3A_996 : memref<1x8x128xi32, #tpu.memory_space<vmem>> -> memref<8x128xi32, #tpu.memory_space<vmem>>
      %dma_start3A_998 = arith.constant 0 : i32
      %dma_start3A_999 = arith.constant 0 : i32
      %dma_start3A_1000 = tpu.memref_slice %arg5[%add3A_950, %add3A, %dma_start3A_998, %dma_start3A_999] : memref<25x32x8x128xi32, #tpu.memory_space<hbm>> -> memref<1x1x8x128xi32, #tpu.memory_space<hbm>>
      %dma_start3A_1001 = tpu.memref_squeeze %dma_start3A_1000 : memref<1x1x8x128xi32, #tpu.memory_space<hbm>> -> memref<8x128xi32, #tpu.memory_space<hbm>>
      tpu.enqueue_dma source(%dma_start3A_1001 : memref<8x128xi32, #tpu.memory_space<hbm>>) target(%dma_start3A_997 : memref<8x128xi32, #tpu.memory_space<vmem>>) target_semaphore(%arg16 : memref<!tpu.dma_semaphore, #tpu.memory_space<semaphore_mem>>)
      %dma_start3A_1002 = arith.constant 0 : i32
      %dma_start3A_1003 = arith.constant 0 : i32
      %dma_start3A_1004 = arith.constant 0 : i32
      %dma_start3A_1005 = tpu.memref_slice %arg13[%dma_start3A_1002, %dma_start3A_1003, %dma_start3A_1004] : memref<2x8x128xf32, #tpu.memory_space<vmem>> -> memref<1x8x128xf32, #tpu.memory_space<vmem>>
      %dma_start3A_1006 = tpu.memref_squeeze %dma_start3A_1005 : memref<1x8x128xf32, #tpu.memory_space<vmem>> -> memref<8x128xf32, #tpu.memory_space<vmem>>
      %dma_start3A_1007 = arith.constant 0 : i32
      %dma_start3A_1008 = arith.constant 0 : i32
      %dma_start3A_1009 = tpu.memref_slice %arg6[%add3A_950, %add3A, %dma_start3A_1007, %dma_start3A_1008] : memref<25x32x8x128xf32, #tpu.memory_space<hbm>> -> memref<1x1x8x128xf32, #tpu.memory_space<hbm>>
      %dma_start3A_1010 = tpu.memref_squeeze %dma_start3A_1009 : memref<1x1x8x128xf32, #tpu.memory_space<hbm>> -> memref<8x128xf32, #tpu.memory_space<hbm>>
      %dma_start3A_1011 = arith.constant 0 : i32
      %dma_start3A_1012 = arith.constant 0 : i32
      %dma_start3A_1013 = tpu.memref_slice %arg13[%dma_start3A_1002, %dma_start3A_1011, %dma_start3A_1012] : memref<2x8x128xf32, #tpu.memory_space<vmem>> -> memref<1x8x128xf32, #tpu.memory_space<vmem>>
      %dma_start3A_1014 = tpu.memref_squeeze %dma_start3A_1013 : memref<1x8x128xf32, #tpu.memory_space<vmem>> -> memref<8x128xf32, #tpu.memory_space<vmem>>
      %dma_start3A_1015 = arith.constant 0 : i32
      %dma_start3A_1016 = arith.constant 0 : i32
      %dma_start3A_1017 = tpu.memref_slice %arg6[%add3A_950, %add3A, %dma_start3A_1015, %dma_start3A_1016] : memref<25x32x8x128xf32, #tpu.memory_space<hbm>> -> memref<1x1x8x128xf32, #tpu.memory_space<hbm>>
      %dma_start3A_1018 = tpu.memref_squeeze %dma_start3A_1017 : memref<1x1x8x128xf32, #tpu.memory_space<hbm>> -> memref<8x128xf32, #tpu.memory_space<hbm>>
      tpu.enqueue_dma source(%dma_start3A_1018 : memref<8x128xf32, #tpu.memory_space<hbm>>) target(%dma_start3A_1014 : memref<8x128xf32, #tpu.memory_space<vmem>>) target_semaphore(%arg16 : memref<!tpu.dma_semaphore, #tpu.memory_space<semaphore_mem>>)
      %dma_start3A_1019 = arith.constant 0 : i32
      %dma_start3A_1020 = arith.constant 0 : i32
      %dma_start3A_1021 = arith.constant 0 : i32
      %dma_start3A_1022 = tpu.memref_slice %arg14[%dma_start3A_1019, %dma_start3A_1020, %dma_start3A_1021] : memref<2x8x128xf32, #tpu.memory_space<vmem>> -> memref<1x8x128xf32, #tpu.memory_space<vmem>>
      %dma_start3A_1023 = tpu.memref_squeeze %dma_start3A_1022 : memref<1x8x128xf32, #tpu.memory_space<vmem>> -> memref<8x128xf32, #tpu.memory_space<vmem>>
      %dma_start3A_1024 = arith.constant 0 : i32
      %dma_start3A_1025 = arith.constant 0 : i32
      %dma_start3A_1026 = tpu.memref_slice %arg7[%add3A_950, %add3A, %dma_start3A_1024, %dma_start3A_1025] : memref<25x32x8x128xf32, #tpu.memory_space<hbm>> -> memref<1x1x8x128xf32, #tpu.memory_space<hbm>>
      %dma_start3A_1027 = tpu.memref_squeeze %dma_start3A_1026 : memref<1x1x8x128xf32, #tpu.memory_space<hbm>> -> memref<8x128xf32, #tpu.memory_space<hbm>>
      %dma_start3A_1028 = arith.constant 0 : i32
      %dma_start3A_1029 = arith.constant 0 : i32
      %dma_start3A_1030 = tpu.memref_slice %arg14[%dma_start3A_1019, %dma_start3A_1028, %dma_start3A_1029] : memref<2x8x128xf32, #tpu.memory_space<vmem>> -> memref<1x8x128xf32, #tpu.memory_space<vmem>>
      %dma_start3A_1031 = tpu.memref_squeeze %dma_start3A_1030 : memref<1x8x128xf32, #tpu.memory_space<vmem>> -> memref<8x128xf32, #tpu.memory_space<vmem>>
      %dma_start3A_1032 = arith.constant 0 : i32
      %dma_start3A_1033 = arith.constant 0 : i32
      %dma_start3A_1034 = tpu.memref_slice %arg7[%add3A_950, %add3A, %dma_start3A_1032, %dma_start3A_1033] : memref<25x32x8x128xf32, #tpu.memory_space<hbm>> -> memref<1x1x8x128xf32, #tpu.memory_space<hbm>>
      %dma_start3A_1035 = tpu.memref_squeeze %dma_start3A_1034 : memref<1x1x8x128xf32, #tpu.memory_space<hbm>> -> memref<8x128xf32, #tpu.memory_space<hbm>>
      tpu.enqueue_dma source(%dma_start3A_1035 : memref<8x128xf32, #tpu.memory_space<hbm>>) target(%dma_start3A_1031 : memref<8x128xf32, #tpu.memory_space<vmem>>) target_semaphore(%arg16 : memref<!tpu.dma_semaphore, #tpu.memory_space<semaphore_mem>>)
      %ge3A_1036 = arith.constant 2 : i32
      %ge3A_1037 = arith.cmpi sge, %add3A_863, %ge3A_1036 : i32
      %convert_element_type3A_1038 = arith.extui %ge3A_1037 : i1 to i32
      %cond3A_1039 = arith.constant 0 : i32
      %cond3A_1040 = arith.cmpi ne, %convert_element_type3A_1038, %cond3A_1039 : i32
      scf.if %cond3A_1040 {
        %sub3A = arith.constant 2 : i32
        %sub3A_1116 = arith.subi %add3A_863, %sub3A : i32
        %mul3A_1117 = arith.constant 8 : i32
        %mul3A_1118 = arith.muli %sub3A_1116, %mul3A_1117 : i32
        %dma_wait3A_1119 = arith.constant 1 : i32
        %dma_wait3A_1120 = arith.constant 0 : i32
        %dma_wait3A_1121 = arith.constant 0 : i32
        %dma_wait3A_1122 = arith.constant 0 : i32
        %dma_wait3A_1123 = arith.constant 0 : i32
        %dma_wait3A_1124 = arith.constant 0 : i32
        %dma_wait3A_1125 = tpu.memref_slice %arg15[%dma_wait3A_1119, %dma_wait3A_1122, %dma_wait3A_1120, %dma_wait3A_1123, %dma_wait3A_1124] : memref<2x8x3x8x128xf32, #tpu.memory_space<vmem>> -> memref<1x8x1x8x128xf32, #tpu.memory_space<vmem>>
        %dma_wait3A_1126 = tpu.memref_squeeze %dma_wait3A_1125 : memref<1x8x1x8x128xf32, #tpu.memory_space<vmem>> -> memref<8x8x128xf32, #tpu.memory_space<vmem>>
        %dma_wait3A_1127 = arith.constant 0 : i32
        %dma_wait3A_1128 = arith.constant 0 : i32
        %dma_wait3A_1129 = tpu.memref_slice %arg8[%mul3A_1118, %dma_wait3A_1121, %add3A, %dma_wait3A_1127, %dma_wait3A_1128] : memref<200x3x32x8x128xf32, #tpu.memory_space<hbm>> -> memref<8x1x1x8x128xf32, #tpu.memory_space<hbm>>
        %dma_wait3A_1130 = tpu.memref_squeeze %dma_wait3A_1129 : memref<8x1x1x8x128xf32, #tpu.memory_space<hbm>> -> memref<8x8x128xf32, #tpu.memory_space<hbm>>
        %dma_wait3A_1131 = arith.constant 0 : i32
        %dma_wait3A_1132 = arith.constant 0 : i32
        %dma_wait3A_1133 = tpu.memref_slice %arg8[%mul3A_1118, %dma_wait3A_1121, %add3A, %dma_wait3A_1131, %dma_wait3A_1132] : memref<200x3x32x8x128xf32, #tpu.memory_space<hbm>> -> memref<8x1x1x8x128xf32, #tpu.memory_space<hbm>>
        %dma_wait3A_1134 = tpu.memref_squeeze %dma_wait3A_1133 : memref<8x1x1x8x128xf32, #tpu.memory_space<hbm>> -> memref<8x8x128xf32, #tpu.memory_space<hbm>>
        %dma_wait3A_1135 = arith.constant 0 : i32
        %dma_wait3A_1136 = arith.constant 0 : i32
        %dma_wait3A_1137 = arith.constant 0 : i32
        %dma_wait3A_1138 = tpu.memref_slice %arg15[%dma_wait3A_1119, %dma_wait3A_1135, %dma_wait3A_1120, %dma_wait3A_1136, %dma_wait3A_1137] : memref<2x8x3x8x128xf32, #tpu.memory_space<vmem>> -> memref<1x8x1x8x128xf32, #tpu.memory_space<vmem>>
        %dma_wait3A_1139 = tpu.memref_squeeze %dma_wait3A_1138 : memref<1x8x1x8x128xf32, #tpu.memory_space<vmem>> -> memref<8x8x128xf32, #tpu.memory_space<vmem>>
        tpu.wait_dma2 semaphore(%arg19 : memref<!tpu.dma_semaphore, #tpu.memory_space<semaphore_mem>>) src(%dma_wait3A_1139 : memref<8x8x128xf32, #tpu.memory_space<vmem>>) dst(%dma_wait3A_1134 : memref<8x8x128xf32, #tpu.memory_space<hbm>>)
        %mul3A_1140 = arith.constant 8 : i32
        %mul3A_1141 = arith.muli %sub3A_1116, %mul3A_1140 : i32
        %dma_wait3A_1142 = arith.constant 1 : i32
        %dma_wait3A_1143 = arith.constant 1 : i32
        %dma_wait3A_1144 = arith.constant 1 : i32
        %dma_wait3A_1145 = arith.constant 0 : i32
        %dma_wait3A_1146 = arith.constant 0 : i32
        %dma_wait3A_1147 = arith.constant 0 : i32
        %dma_wait3A_1148 = tpu.memref_slice %arg15[%dma_wait3A_1142, %dma_wait3A_1145, %dma_wait3A_1143, %dma_wait3A_1146, %dma_wait3A_1147] : memref<2x8x3x8x128xf32, #tpu.memory_space<vmem>> -> memref<1x8x1x8x128xf32, #tpu.memory_space<vmem>>
        %dma_wait3A_1149 = tpu.memref_squeeze %dma_wait3A_1148 : memref<1x8x1x8x128xf32, #tpu.memory_space<vmem>> -> memref<8x8x128xf32, #tpu.memory_space<vmem>>
        %dma_wait3A_1150 = arith.constant 0 : i32
        %dma_wait3A_1151 = arith.constant 0 : i32
        %dma_wait3A_1152 = tpu.memref_slice %arg8[%mul3A_1141, %dma_wait3A_1144, %add3A, %dma_wait3A_1150, %dma_wait3A_1151] : memref<200x3x32x8x128xf32, #tpu.memory_space<hbm>> -> memref<8x1x1x8x128xf32, #tpu.memory_space<hbm>>
        %dma_wait3A_1153 = tpu.memref_squeeze %dma_wait3A_1152 : memref<8x1x1x8x128xf32, #tpu.memory_space<hbm>> -> memref<8x8x128xf32, #tpu.memory_space<hbm>>
        %dma_wait3A_1154 = arith.constant 0 : i32
        %dma_wait3A_1155 = arith.constant 0 : i32
        %dma_wait3A_1156 = tpu.memref_slice %arg8[%mul3A_1141, %dma_wait3A_1144, %add3A, %dma_wait3A_1154, %dma_wait3A_1155] : memref<200x3x32x8x128xf32, #tpu.memory_space<hbm>> -> memref<8x1x1x8x128xf32, #tpu.memory_space<hbm>>
        %dma_wait3A_1157 = tpu.memref_squeeze %dma_wait3A_1156 : memref<8x1x1x8x128xf32, #tpu.memory_space<hbm>> -> memref<8x8x128xf32, #tpu.memory_space<hbm>>
        %dma_wait3A_1158 = arith.constant 0 : i32
        %dma_wait3A_1159 = arith.constant 0 : i32
        %dma_wait3A_1160 = arith.constant 0 : i32
        %dma_wait3A_1161 = tpu.memref_slice %arg15[%dma_wait3A_1142, %dma_wait3A_1158, %dma_wait3A_1143, %dma_wait3A_1159, %dma_wait3A_1160] : memref<2x8x3x8x128xf32, #tpu.memory_space<vmem>> -> memref<1x8x1x8x128xf32, #tpu.memory_space<vmem>>
        %dma_wait3A_1162 = tpu.memref_squeeze %dma_wait3A_1161 : memref<1x8x1x8x128xf32, #tpu.memory_space<vmem>> -> memref<8x8x128xf32, #tpu.memory_space<vmem>>
        tpu.wait_dma2 semaphore(%arg19 : memref<!tpu.dma_semaphore, #tpu.memory_space<semaphore_mem>>) src(%dma_wait3A_1162 : memref<8x8x128xf32, #tpu.memory_space<vmem>>) dst(%dma_wait3A_1157 : memref<8x8x128xf32, #tpu.memory_space<hbm>>)
        %mul3A_1163 = arith.constant 8 : i32
        %mul3A_1164 = arith.muli %sub3A_1116, %mul3A_1163 : i32
        %dma_wait3A_1165 = arith.constant 1 : i32
        %dma_wait3A_1166 = arith.constant 2 : i32
        %dma_wait3A_1167 = arith.constant 2 : i32
        %dma_wait3A_1168 = arith.constant 0 : i32
        %dma_wait3A_1169 = arith.constant 0 : i32
        %dma_wait3A_1170 = arith.constant 0 : i32
        %dma_wait3A_1171 = tpu.memref_slice %arg15[%dma_wait3A_1165, %dma_wait3A_1168, %dma_wait3A_1166, %dma_wait3A_1169, %dma_wait3A_1170] : memref<2x8x3x8x128xf32, #tpu.memory_space<vmem>> -> memref<1x8x1x8x128xf32, #tpu.memory_space<vmem>>
        %dma_wait3A_1172 = tpu.memref_squeeze %dma_wait3A_1171 : memref<1x8x1x8x128xf32, #tpu.memory_space<vmem>> -> memref<8x8x128xf32, #tpu.memory_space<vmem>>
        %dma_wait3A_1173 = arith.constant 0 : i32
        %dma_wait3A_1174 = arith.constant 0 : i32
        %dma_wait3A_1175 = tpu.memref_slice %arg8[%mul3A_1164, %dma_wait3A_1167, %add3A, %dma_wait3A_1173, %dma_wait3A_1174] : memref<200x3x32x8x128xf32, #tpu.memory_space<hbm>> -> memref<8x1x1x8x128xf32, #tpu.memory_space<hbm>>
        %dma_wait3A_1176 = tpu.memref_squeeze %dma_wait3A_1175 : memref<8x1x1x8x128xf32, #tpu.memory_space<hbm>> -> memref<8x8x128xf32, #tpu.memory_space<hbm>>
        %dma_wait3A_1177 = arith.constant 0 : i32
        %dma_wait3A_1178 = arith.constant 0 : i32
        %dma_wait3A_1179 = tpu.memref_slice %arg8[%mul3A_1164, %dma_wait3A_1167, %add3A, %dma_wait3A_1177, %dma_wait3A_1178] : memref<200x3x32x8x128xf32, #tpu.memory_space<hbm>> -> memref<8x1x1x8x128xf32, #tpu.memory_space<hbm>>
        %dma_wait3A_1180 = tpu.memref_squeeze %dma_wait3A_1179 : memref<8x1x1x8x128xf32, #tpu.memory_space<hbm>> -> memref<8x8x128xf32, #tpu.memory_space<hbm>>
        %dma_wait3A_1181 = arith.constant 0 : i32
        %dma_wait3A_1182 = arith.constant 0 : i32
        %dma_wait3A_1183 = arith.constant 0 : i32
        %dma_wait3A_1184 = tpu.memref_slice %arg15[%dma_wait3A_1165, %dma_wait3A_1181, %dma_wait3A_1166, %dma_wait3A_1182, %dma_wait3A_1183] : memref<2x8x3x8x128xf32, #tpu.memory_space<vmem>> -> memref<1x8x1x8x128xf32, #tpu.memory_space<vmem>>
        %dma_wait3A_1185 = tpu.memref_squeeze %dma_wait3A_1184 : memref<1x8x1x8x128xf32, #tpu.memory_space<vmem>> -> memref<8x8x128xf32, #tpu.memory_space<vmem>>
        tpu.wait_dma2 semaphore(%arg19 : memref<!tpu.dma_semaphore, #tpu.memory_space<semaphore_mem>>) src(%dma_wait3A_1185 : memref<8x8x128xf32, #tpu.memory_space<vmem>>) dst(%dma_wait3A_1180 : memref<8x8x128xf32, #tpu.memory_space<hbm>>)
      } else {
      }
      %scan3A_1041 = arith.constant 0 : i32
      %scan3A_1042 = arith.constant 0 : i32
      %scan3A_1043 = arith.constant 64 : i32
      %scan3A_1044 = arith.addi %scan3A_1042, %scan3A_1043 : i32
      %scan3A_1045 = arith.constant 1 : i32
      scf.for %scan3A_1116 = %scan3A_1042 to %scan3A_1044 step %scan3A_1045  : i32 {
        %shift_right_arithmetic3A = arith.constant 3 : i32
        %shift_right_arithmetic3A_1117 = arith.shrsi %scan3A_1116, %shift_right_arithmetic3A : i32
        %and3A = arith.constant 7 : i32
        %and3A_1118 = arith.andi %scan3A_1116, %and3A : i32
        %mul3A_1119 = arith.constant 16 : i32
        %mul3A_1120 = arith.muli %and3A_1118, %mul3A_1119 : i32
        %get3A = arith.constant 1 : i32
        %get3A_1121 = arith.index_cast %get3A : i32 to index
        %get3A_1122 = arith.index_cast %shift_right_arithmetic3A_1117 : i32 to index
        %get3A_1123 = arith.index_cast %mul3A_1120 : i32 to index
        %get3A_1124 = tpu.vector_load %arg10[%get3A_1121, %get3A_1122, %get3A_1123] {strides = array<i32>} : memref<2x8x128xi32, #tpu.memory_space<vmem>>, vector<16xi32>,
        %get3A_1125 = arith.constant 1 : i32
        %get3A_1126 = arith.index_cast %get3A_1125 : i32 to index
        %get3A_1127 = arith.index_cast %shift_right_arithmetic3A_1117 : i32 to index
        %get3A_1128 = arith.index_cast %mul3A_1120 : i32 to index
        %get3A_1129 = tpu.vector_load %arg11[%get3A_1126, %get3A_1127, %get3A_1128] {strides = array<i32>} : memref<2x8x128xi32, #tpu.memory_space<vmem>>, vector<16xi32>,
        %get3A_1130 = arith.constant 1 : i32
        %get3A_1131 = arith.index_cast %get3A_1130 : i32 to index
        %get3A_1132 = arith.index_cast %shift_right_arithmetic3A_1117 : i32 to index
        %get3A_1133 = arith.index_cast %mul3A_1120 : i32 to index
        %get3A_1134 = tpu.vector_load %arg12[%get3A_1131, %get3A_1132, %get3A_1133] {strides = array<i32>} : memref<2x8x128xi32, #tpu.memory_space<vmem>>, vector<16xi32>,
        %get3A_1135 = arith.constant 1 : i32
        %get3A_1136 = arith.index_cast %get3A_1135 : i32 to index
        %get3A_1137 = arith.index_cast %shift_right_arithmetic3A_1117 : i32 to index
        %get3A_1138 = arith.index_cast %mul3A_1120 : i32 to index
        %get3A_1139 = tpu.vector_load %arg13[%get3A_1136, %get3A_1137, %get3A_1138] {strides = array<i32>} : memref<2x8x128xf32, #tpu.memory_space<vmem>>, vector<16xf32>,
        %get3A_1140 = arith.constant 1 : i32
        %get3A_1141 = arith.index_cast %get3A_1140 : i32 to index
        %get3A_1142 = arith.index_cast %shift_right_arithmetic3A_1117 : i32 to index
        %get3A_1143 = arith.index_cast %mul3A_1120 : i32 to index
        %get3A_1144 = tpu.vector_load %arg14[%get3A_1141, %get3A_1142, %get3A_1143] {strides = array<i32>} : memref<2x8x128xf32, #tpu.memory_space<vmem>>, vector<16xf32>,
        %gather3A_1145 = arith.constant 0 : i32
        %gather3A_1146 = tpu.memref_slice %arg9[%gather3A_1145] : memref<2432xf32, #tpu.memory_space<vmem>> -> memref<2432xf32, #tpu.memory_space<vmem>>
        %gather3A_1147 = tpu.vector_load_idx %gather3A_1146[%get3A_1124] : memref<2432xf32, #tpu.memory_space<vmem>>[vector<16xi32>], vector<16xf32>,
        %gather3A_1148 = arith.constant 128 : i32
        %gather3A_1149 = tpu.memref_slice %arg9[%gather3A_1148] : memref<2432xf32, #tpu.memory_space<vmem>> -> memref<2304xf32, #tpu.memory_space<vmem>>
        %gather3A_1150 = tpu.vector_load_idx %gather3A_1149[%get3A_1124] : memref<2304xf32, #tpu.memory_space<vmem>>[vector<16xi32>], vector<16xf32>,
        %gather3A_1151 = arith.constant 256 : i32
        %gather3A_1152 = tpu.memref_slice %arg9[%gather3A_1151] : memref<2432xf32, #tpu.memory_space<vmem>> -> memref<2176xf32, #tpu.memory_space<vmem>>
        %gather3A_1153 = tpu.vector_load_idx %gather3A_1152[%get3A_1124] : memref<2176xf32, #tpu.memory_space<vmem>>[vector<16xi32>], vector<16xf32>,
        %gather3A_1154 = arith.constant 384 : i32
        %gather3A_1155 = tpu.memref_slice %arg9[%gather3A_1154] : memref<2432xf32, #tpu.memory_space<vmem>> -> memref<2048xf32, #tpu.memory_space<vmem>>
        %gather3A_1156 = tpu.vector_load_idx %gather3A_1155[%get3A_1124] : memref<2048xf32, #tpu.memory_space<vmem>>[vector<16xi32>], vector<16xf32>,
        %gather3A_1157 = arith.constant 512 : i32
        %gather3A_1158 = tpu.memref_slice %arg9[%gather3A_1157] : memref<2432xf32, #tpu.memory_space<vmem>> -> memref<1920xf32, #tpu.memory_space<vmem>>
        %gather3A_1159 = tpu.vector_load_idx %gather3A_1158[%get3A_1124] : memref<1920xf32, #tpu.memory_space<vmem>>[vector<16xi32>], vector<16xf32>,
        %gather3A_1160 = arith.constant 640 : i32
        %gather3A_1161 = tpu.memref_slice %arg9[%gather3A_1160] : memref<2432xf32, #tpu.memory_space<vmem>> -> memref<1792xf32, #tpu.memory_space<vmem>>
        %gather3A_1162 = tpu.vector_load_idx %gather3A_1161[%get3A_1124] : memref<1792xf32, #tpu.memory_space<vmem>>[vector<16xi32>], vector<16xf32>,
        %gather3A_1163 = arith.constant 768 : i32
        %gather3A_1164 = tpu.memref_slice %arg9[%gather3A_1163] : memref<2432xf32, #tpu.memory_space<vmem>> -> memref<1664xf32, #tpu.memory_space<vmem>>
        %gather3A_1165 = tpu.vector_load_idx %gather3A_1164[%get3A_1124] : memref<1664xf32, #tpu.memory_space<vmem>>[vector<16xi32>], vector<16xf32>,
        %gather3A_1166 = arith.constant 896 : i32
        %gather3A_1167 = tpu.memref_slice %arg9[%gather3A_1166] : memref<2432xf32, #tpu.memory_space<vmem>> -> memref<1536xf32, #tpu.memory_space<vmem>>
        %gather3A_1168 = tpu.vector_load_idx %gather3A_1167[%get3A_1124] : memref<1536xf32, #tpu.memory_space<vmem>>[vector<16xi32>], vector<16xf32>,
        %gather3A_1169 = arith.constant 1024 : i32
        %gather3A_1170 = tpu.memref_slice %arg9[%gather3A_1169] : memref<2432xf32, #tpu.memory_space<vmem>> -> memref<1408xf32, #tpu.memory_space<vmem>>
        %gather3A_1171 = tpu.vector_load_idx %gather3A_1170[%get3A_1124] : memref<1408xf32, #tpu.memory_space<vmem>>[vector<16xi32>], vector<16xf32>,
        %gather3A_1172 = arith.constant 1152 : i32
        %gather3A_1173 = tpu.memref_slice %arg9[%gather3A_1172] : memref<2432xf32, #tpu.memory_space<vmem>> -> memref<1280xf32, #tpu.memory_space<vmem>>
        %gather3A_1174 = tpu.vector_load_idx %gather3A_1173[%get3A_1124] : memref<1280xf32, #tpu.memory_space<vmem>>[vector<16xi32>], vector<16xf32>,
        %gather3A_1175 = arith.constant 1280 : i32
        %gather3A_1176 = tpu.memref_slice %arg9[%gather3A_1175] : memref<2432xf32, #tpu.memory_space<vmem>> -> memref<1152xf32, #tpu.memory_space<vmem>>
        %gather3A_1177 = tpu.vector_load_idx %gather3A_1176[%get3A_1124] : memref<1152xf32, #tpu.memory_space<vmem>>[vector<16xi32>], vector<16xf32>,
        %gather3A_1178 = arith.constant 1408 : i32
        %gather3A_1179 = tpu.memref_slice %arg9[%gather3A_1178] : memref<2432xf32, #tpu.memory_space<vmem>> -> memref<1024xf32, #tpu.memory_space<vmem>>
        %gather3A_1180 = tpu.vector_load_idx %gather3A_1179[%get3A_1124] : memref<1024xf32, #tpu.memory_space<vmem>>[vector<16xi32>], vector<16xf32>,
        %gather3A_1181 = arith.constant 1536 : i32
        %gather3A_1182 = tpu.memref_slice %arg9[%gather3A_1181] : memref<2432xf32, #tpu.memory_space<vmem>> -> memref<896xf32, #tpu.memory_space<vmem>>
        %gather3A_1183 = tpu.vector_load_idx %gather3A_1182[%get3A_1124] : memref<896xf32, #tpu.memory_space<vmem>>[vector<16xi32>], vector<16xf32>,
        %gather3A_1184 = arith.constant 1664 : i32
        %gather3A_1185 = tpu.memref_slice %arg9[%gather3A_1184] : memref<2432xf32, #tpu.memory_space<vmem>> -> memref<768xf32, #tpu.memory_space<vmem>>
        %gather3A_1186 = tpu.vector_load_idx %gather3A_1185[%get3A_1124] : memref<768xf32, #tpu.memory_space<vmem>>[vector<16xi32>], vector<16xf32>,
        %gather3A_1187 = arith.constant 1792 : i32
        %gather3A_1188 = tpu.memref_slice %arg9[%gather3A_1187] : memref<2432xf32, #tpu.memory_space<vmem>> -> memref<640xf32, #tpu.memory_space<vmem>>
        %gather3A_1189 = tpu.vector_load_idx %gather3A_1188[%get3A_1124] : memref<640xf32, #tpu.memory_space<vmem>>[vector<16xi32>], vector<16xf32>,
        %gather3A_1190 = arith.constant 1920 : i32
        %gather3A_1191 = tpu.memref_slice %arg9[%gather3A_1190] : memref<2432xf32, #tpu.memory_space<vmem>> -> memref<512xf32, #tpu.memory_space<vmem>>
        %gather3A_1192 = tpu.vector_load_idx %gather3A_1191[%get3A_1124] : memref<512xf32, #tpu.memory_space<vmem>>[vector<16xi32>], vector<16xf32>,
        %gather3A_1193 = arith.constant 2048 : i32
        %gather3A_1194 = tpu.memref_slice %arg9[%gather3A_1193] : memref<2432xf32, #tpu.memory_space<vmem>> -> memref<384xf32, #tpu.memory_space<vmem>>
        %gather3A_1195 = tpu.vector_load_idx %gather3A_1194[%get3A_1129] : memref<384xf32, #tpu.memory_space<vmem>>[vector<16xi32>], vector<16xf32>,
        %gather3A_1196 = arith.constant 2056 : i32
        %gather3A_1197 = tpu.memref_slice %arg9[%gather3A_1196] : memref<2432xf32, #tpu.memory_space<vmem>> -> memref<376xf32, #tpu.memory_space<vmem>>
        %gather3A_1198 = tpu.vector_load_idx %gather3A_1197[%get3A_1129] : memref<376xf32, #tpu.memory_space<vmem>>[vector<16xi32>], vector<16xf32>,
        %gather3A_1199 = arith.constant 2064 : i32
        %gather3A_1200 = tpu.memref_slice %arg9[%gather3A_1199] : memref<2432xf32, #tpu.memory_space<vmem>> -> memref<368xf32, #tpu.memory_space<vmem>>
        %gather3A_1201 = tpu.vector_load_idx %gather3A_1200[%get3A_1129] : memref<368xf32, #tpu.memory_space<vmem>>[vector<16xi32>], vector<16xf32>,
        %gather3A_1202 = arith.constant 2072 : i32
        %gather3A_1203 = tpu.memref_slice %arg9[%gather3A_1202] : memref<2432xf32, #tpu.memory_space<vmem>> -> memref<360xf32, #tpu.memory_space<vmem>>
        %gather3A_1204 = tpu.vector_load_idx %gather3A_1203[%get3A_1129] : memref<360xf32, #tpu.memory_space<vmem>>[vector<16xi32>], vector<16xf32>,
        %gather3A_1205 = arith.constant 2080 : i32
        %gather3A_1206 = tpu.memref_slice %arg9[%gather3A_1205] : memref<2432xf32, #tpu.memory_space<vmem>> -> memref<352xf32, #tpu.memory_space<vmem>>
        %gather3A_1207 = tpu.vector_load_idx %gather3A_1206[%get3A_1134] : memref<352xf32, #tpu.memory_space<vmem>>[vector<16xi32>], vector<16xf32>,
        %gather3A_1208 = arith.constant 2088 : i32
        %gather3A_1209 = tpu.memref_slice %arg9[%gather3A_1208] : memref<2432xf32, #tpu.memory_space<vmem>> -> memref<344xf32, #tpu.memory_space<vmem>>
        %gather3A_1210 = tpu.vector_load_idx %gather3A_1209[%get3A_1134] : memref<344xf32, #tpu.memory_space<vmem>>[vector<16xi32>], vector<16xf32>,
        %gather3A_1211 = arith.constant 2096 : i32
        %gather3A_1212 = tpu.memref_slice %arg9[%gather3A_1211] : memref<2432xf32, #tpu.memory_space<vmem>> -> memref<336xf32, #tpu.memory_space<vmem>>
        %gather3A_1213 = tpu.vector_load_idx %gather3A_1212[%get3A_1124] : memref<336xf32, #tpu.memory_space<vmem>>[vector<16xi32>], vector<16xf32>,
        %gather3A_1214 = arith.constant 2352 : i32
        %gather3A_1215 = tpu.memref_slice %arg9[%gather3A_1214] : memref<2432xf32, #tpu.memory_space<vmem>> -> memref<80xf32, #tpu.memory_space<vmem>>
        %gather3A_1216 = tpu.vector_load_idx %gather3A_1215[%get3A_1129] : memref<80xf32, #tpu.memory_space<vmem>>[vector<16xi32>], vector<16xf32>,
        %add3A_1217 = arith.addf %gather3A_1213, %gather3A_1216 : vector<16xf32>
        %gather3A_1218 = arith.constant 2368 : i32
        %gather3A_1219 = tpu.memref_slice %arg9[%gather3A_1218] : memref<2432xf32, #tpu.memory_space<vmem>> -> memref<64xf32, #tpu.memory_space<vmem>>
        %gather3A_1220 = tpu.vector_load_idx %gather3A_1219[%get3A_1134] : memref<64xf32, #tpu.memory_space<vmem>>[vector<16xi32>], vector<16xf32>,
        %add3A_1221 = arith.addf %add3A_1217, %gather3A_1220 : vector<16xf32>
        %add3A_1222 = arith.addf %add3A_1221, %get3A_1139 : vector<16xf32>
        %add3A_1223 = arith.addf %add3A_1222, %get3A_1144 : vector<16xf32>
        %gather3A_1224 = arith.constant 2224 : i32
        %gather3A_1225 = tpu.memref_slice %arg9[%gather3A_1224] : memref<2432xf32, #tpu.memory_space<vmem>> -> memref<208xf32, #tpu.memory_space<vmem>>
        %gather3A_1226 = tpu.vector_load_idx %gather3A_1225[%get3A_1124] : memref<208xf32, #tpu.memory_space<vmem>>[vector<16xi32>], vector<16xf32>,
        %gather3A_1227 = arith.constant 2360 : i32
        %gather3A_1228 = tpu.memref_slice %arg9[%gather3A_1227] : memref<2432xf32, #tpu.memory_space<vmem>> -> memref<72xf32, #tpu.memory_space<vmem>>
        %gather3A_1229 = tpu.vector_load_idx %gather3A_1228[%get3A_1129] : memref<72xf32, #tpu.memory_space<vmem>>[vector<16xi32>], vector<16xf32>,
        %add3A_1230 = arith.addf %gather3A_1226, %gather3A_1229 : vector<16xf32>
        %gather3A_1231 = arith.constant 2376 : i32
        %gather3A_1232 = tpu.memref_slice %arg9[%gather3A_1231] : memref<2432xf32, #tpu.memory_space<vmem>> -> memref<56xf32, #tpu.memory_space<vmem>>
        %gather3A_1233 = tpu.vector_load_idx %gather3A_1232[%get3A_1134] : memref<56xf32, #tpu.memory_space<vmem>>[vector<16xi32>], vector<16xf32>,
        %add3A_1234 = arith.addf %add3A_1230, %gather3A_1233 : vector<16xf32>
        %mul3A_1235 = arith.mulf %get3A_1139, %get3A_1139 : vector<16xf32>
        %add3A_1236 = arith.addf %add3A_1234, %mul3A_1235 : vector<16xf32>
        %mul3A_1237 = arith.mulf %get3A_1144, %get3A_1144 : vector<16xf32>
        %add3A_1238 = arith.addf %add3A_1236, %mul3A_1237 : vector<16xf32>
        %mul3A_1239 = arith.constant 0.0416666679 : f32
        %mul3A_1240 = vector.broadcast %mul3A_1239 : f32 to vector<16xf32>
        %mul3A_1241 = arith.mulf %add3A_1223, %mul3A_1240 : vector<16xf32>
        %mul3A_1242 = arith.constant 0.0416666679 : f32
        %mul3A_1243 = vector.broadcast %mul3A_1242 : f32 to vector<16xf32>
        %mul3A_1244 = arith.mulf %add3A_1238, %mul3A_1243 : vector<16xf32>
        %mul3A_1245 = arith.mulf %mul3A_1241, %mul3A_1241 : vector<16xf32>
        %sub3A = arith.subf %mul3A_1244, %mul3A_1245 : vector<16xf32>
        %add3A_1246 = arith.constant 9.99999974E-6 : f32
        %add3A_1247 = vector.broadcast %add3A_1246 : f32 to vector<16xf32>
        %add3A_1248 = arith.addf %sub3A, %add3A_1247 : vector<16xf32>
        %bitcast_convert_type3A = tpu.bitcast %add3A_1248 : vector<16xf32> -> vector<16xi32>
        %shift_right_arithmetic3A_1249 = arith.constant 1 : i32
        %shift_right_arithmetic3A_1250 = vector.broadcast %shift_right_arithmetic3A_1249 : i32 to vector<16xi32>
        %shift_right_arithmetic3A_1251 = arith.shrsi %bitcast_convert_type3A, %shift_right_arithmetic3A_1250 : vector<16xi32>
        %sub3A_1252 = arith.constant 1597463007 : i32
        %sub3A_1253 = vector.broadcast %sub3A_1252 : i32 to vector<16xi32>
        %sub3A_1254 = arith.subi %sub3A_1253, %shift_right_arithmetic3A_1251 : vector<16xi32>
        %bitcast_convert_type3A_1255 = tpu.bitcast %sub3A_1254 : vector<16xi32> -> vector<16xf32>
        %mul3A_1256 = arith.constant 5.000000e-01 : f32
        %mul3A_1257 = vector.broadcast %mul3A_1256 : f32 to vector<16xf32>
        %mul3A_1258 = arith.mulf %mul3A_1257, %add3A_1248 : vector<16xf32>
        %mul3A_1259 = arith.mulf %mul3A_1258, %bitcast_convert_type3A_1255 : vector<16xf32>
        %mul3A_1260 = arith.mulf %mul3A_1259, %bitcast_convert_type3A_1255 : vector<16xf32>
        %sub3A_1261 = arith.constant 1.500000e+00 : f32
        %sub3A_1262 = vector.broadcast %sub3A_1261 : f32 to vector<16xf32>
        %sub3A_1263 = arith.subf %sub3A_1262, %mul3A_1260 : vector<16xf32>
        %mul3A_1264 = arith.mulf %bitcast_convert_type3A_1255, %sub3A_1263 : vector<16xf32>
        %neg3A = arith.constant 0.000000e+00 : f32
        %neg3A_1265 = vector.broadcast %neg3A : f32 to vector<16xf32>
        %neg3A_1266 = arith.subf %neg3A_1265, %mul3A_1241 : vector<16xf32>
        %mul3A_1267 = arith.mulf %neg3A_1266, %mul3A_1264 : vector<16xf32>
        %mul3A_1268 = arith.mulf %gather3A_1147, %mul3A_1264 : vector<16xf32>
        %add3A_1269 = arith.addf %mul3A_1268, %mul3A_1267 : vector<16xf32>
        %mul3A_1270 = arith.mulf %add3A_1269, %gather3A : vector<16xf32>
        %add3A_1271 = arith.addf %mul3A_1270, %gather3A_73 : vector<16xf32>
        %swap3A = arith.constant 1 : i32
        %swap3A_1272 = arith.constant 0 : i32
        %swap3A_1273 = arith.constant 0 : i32
        %swap3A_1274 = arith.index_cast %swap3A : i32 to index
        %swap3A_1275 = arith.index_cast %shift_right_arithmetic3A_1117 : i32 to index
        %swap3A_1276 = arith.index_cast %swap3A_1272 : i32 to index
        %swap3A_1277 = arith.index_cast %swap3A_1273 : i32 to index
        %swap3A_1278 = arith.index_cast %mul3A_1120 : i32 to index
        %swap3A_1279 = tpu.vector_load %arg15[%swap3A_1274, %swap3A_1275, %swap3A_1276, %swap3A_1277, %swap3A_1278] {strides = array<i32>} : memref<2x8x3x8x128xf32, #tpu.memory_space<vmem>>, vector<16xf32>,
        tpu.vector_store %arg15[%swap3A_1274, %swap3A_1275, %swap3A_1276, %swap3A_1277, %swap3A_1278], %add3A_1271 {strides = array<i32>} : memref<2x8x3x8x128xf32, #tpu.memory_space<vmem>>, vector<16xf32>,
        %mul3A_1280 = arith.mulf %gather3A_1150, %mul3A_1264 : vector<16xf32>
        %add3A_1281 = arith.addf %mul3A_1280, %mul3A_1267 : vector<16xf32>
        %mul3A_1282 = arith.mulf %add3A_1281, %gather3A_4 : vector<16xf32>
        %add3A_1283 = arith.addf %mul3A_1282, %gather3A_76 : vector<16xf32>
        %swap3A_1284 = arith.constant 1 : i32
        %swap3A_1285 = arith.constant 0 : i32
        %swap3A_1286 = arith.constant 1 : i32
        %swap3A_1287 = arith.index_cast %swap3A_1284 : i32 to index
        %swap3A_1288 = arith.index_cast %shift_right_arithmetic3A_1117 : i32 to index
        %swap3A_1289 = arith.index_cast %swap3A_1285 : i32 to index
        %swap3A_1290 = arith.index_cast %swap3A_1286 : i32 to index
        %swap3A_1291 = arith.index_cast %mul3A_1120 : i32 to index
        %swap3A_1292 = tpu.vector_load %arg15[%swap3A_1287, %swap3A_1288, %swap3A_1289, %swap3A_1290, %swap3A_1291] {strides = array<i32>} : memref<2x8x3x8x128xf32, #tpu.memory_space<vmem>>, vector<16xf32>,
        tpu.vector_store %arg15[%swap3A_1287, %swap3A_1288, %swap3A_1289, %swap3A_1290, %swap3A_1291], %add3A_1283 {strides = array<i32>} : memref<2x8x3x8x128xf32, #tpu.memory_space<vmem>>, vector<16xf32>,
        %mul3A_1293 = arith.mulf %gather3A_1153, %mul3A_1264 : vector<16xf32>
        %add3A_1294 = arith.addf %mul3A_1293, %mul3A_1267 : vector<16xf32>
        %mul3A_1295 = arith.mulf %add3A_1294, %gather3A_7 : vector<16xf32>
        %add3A_1296 = arith.addf %mul3A_1295, %gather3A_79 : vector<16xf32>
        %swap3A_1297 = arith.constant 1 : i32
        %swap3A_1298 = arith.constant 0 : i32
        %swap3A_1299 = arith.constant 2 : i32
        %swap3A_1300 = arith.index_cast %swap3A_1297 : i32 to index
        %swap3A_1301 = arith.index_cast %shift_right_arithmetic3A_1117 : i32 to index
        %swap3A_1302 = arith.index_cast %swap3A_1298 : i32 to index
        %swap3A_1303 = arith.index_cast %swap3A_1299 : i32 to index
        %swap3A_1304 = arith.index_cast %mul3A_1120 : i32 to index
        %swap3A_1305 = tpu.vector_load %arg15[%swap3A_1300, %swap3A_1301, %swap3A_1302, %swap3A_1303, %swap3A_1304] {strides = array<i32>} : memref<2x8x3x8x128xf32, #tpu.memory_space<vmem>>, vector<16xf32>,
        tpu.vector_store %arg15[%swap3A_1300, %swap3A_1301, %swap3A_1302, %swap3A_1303, %swap3A_1304], %add3A_1296 {strides = array<i32>} : memref<2x8x3x8x128xf32, #tpu.memory_space<vmem>>, vector<16xf32>,
        %mul3A_1306 = arith.mulf %gather3A_1156, %mul3A_1264 : vector<16xf32>
        %add3A_1307 = arith.addf %mul3A_1306, %mul3A_1267 : vector<16xf32>
        %mul3A_1308 = arith.mulf %add3A_1307, %gather3A_10 : vector<16xf32>
        %add3A_1309 = arith.addf %mul3A_1308, %gather3A_82 : vector<16xf32>
        %swap3A_1310 = arith.constant 1 : i32
        %swap3A_1311 = arith.constant 0 : i32
        %swap3A_1312 = arith.constant 3 : i32
        %swap3A_1313 = arith.index_cast %swap3A_1310 : i32 to index
        %swap3A_1314 = arith.index_cast %shift_right_arithmetic3A_1117 : i32 to index
        %swap3A_1315 = arith.index_cast %swap3A_1311 : i32 to index
        %swap3A_1316 = arith.index_cast %swap3A_1312 : i32 to index
        %swap3A_1317 = arith.index_cast %mul3A_1120 : i32 to index
        %swap3A_1318 = tpu.vector_load %arg15[%swap3A_1313, %swap3A_1314, %swap3A_1315, %swap3A_1316, %swap3A_1317] {strides = array<i32>} : memref<2x8x3x8x128xf32, #tpu.memory_space<vmem>>, vector<16xf32>,
        tpu.vector_store %arg15[%swap3A_1313, %swap3A_1314, %swap3A_1315, %swap3A_1316, %swap3A_1317], %add3A_1309 {strides = array<i32>} : memref<2x8x3x8x128xf32, #tpu.memory_space<vmem>>, vector<16xf32>,
        %mul3A_1319 = arith.mulf %gather3A_1159, %mul3A_1264 : vector<16xf32>
        %add3A_1320 = arith.addf %mul3A_1319, %mul3A_1267 : vector<16xf32>
        %mul3A_1321 = arith.mulf %add3A_1320, %gather3A_13 : vector<16xf32>
        %add3A_1322 = arith.addf %mul3A_1321, %gather3A_85 : vector<16xf32>
        %swap3A_1323 = arith.constant 1 : i32
        %swap3A_1324 = arith.constant 0 : i32
        %swap3A_1325 = arith.constant 4 : i32
        %swap3A_1326 = arith.index_cast %swap3A_1323 : i32 to index
        %swap3A_1327 = arith.index_cast %shift_right_arithmetic3A_1117 : i32 to index
        %swap3A_1328 = arith.index_cast %swap3A_1324 : i32 to index
        %swap3A_1329 = arith.index_cast %swap3A_1325 : i32 to index
        %swap3A_1330 = arith.index_cast %mul3A_1120 : i32 to index
        %swap3A_1331 = tpu.vector_load %arg15[%swap3A_1326, %swap3A_1327, %swap3A_1328, %swap3A_1329, %swap3A_1330] {strides = array<i32>} : memref<2x8x3x8x128xf32, #tpu.memory_space<vmem>>, vector<16xf32>,
        tpu.vector_store %arg15[%swap3A_1326, %swap3A_1327, %swap3A_1328, %swap3A_1329, %swap3A_1330], %add3A_1322 {strides = array<i32>} : memref<2x8x3x8x128xf32, #tpu.memory_space<vmem>>, vector<16xf32>,
        %mul3A_1332 = arith.mulf %gather3A_1162, %mul3A_1264 : vector<16xf32>
        %add3A_1333 = arith.addf %mul3A_1332, %mul3A_1267 : vector<16xf32>
        %mul3A_1334 = arith.mulf %add3A_1333, %gather3A_16 : vector<16xf32>
        %add3A_1335 = arith.addf %mul3A_1334, %gather3A_88 : vector<16xf32>
        %swap3A_1336 = arith.constant 1 : i32
        %swap3A_1337 = arith.constant 0 : i32
        %swap3A_1338 = arith.constant 5 : i32
        %swap3A_1339 = arith.index_cast %swap3A_1336 : i32 to index
        %swap3A_1340 = arith.index_cast %shift_right_arithmetic3A_1117 : i32 to index
        %swap3A_1341 = arith.index_cast %swap3A_1337 : i32 to index
        %swap3A_1342 = arith.index_cast %swap3A_1338 : i32 to index
        %swap3A_1343 = arith.index_cast %mul3A_1120 : i32 to index
        %swap3A_1344 = tpu.vector_load %arg15[%swap3A_1339, %swap3A_1340, %swap3A_1341, %swap3A_1342, %swap3A_1343] {strides = array<i32>} : memref<2x8x3x8x128xf32, #tpu.memory_space<vmem>>, vector<16xf32>,
        tpu.vector_store %arg15[%swap3A_1339, %swap3A_1340, %swap3A_1341, %swap3A_1342, %swap3A_1343], %add3A_1335 {strides = array<i32>} : memref<2x8x3x8x128xf32, #tpu.memory_space<vmem>>, vector<16xf32>,
        %mul3A_1345 = arith.mulf %gather3A_1165, %mul3A_1264 : vector<16xf32>
        %add3A_1346 = arith.addf %mul3A_1345, %mul3A_1267 : vector<16xf32>
        %mul3A_1347 = arith.mulf %add3A_1346, %gather3A_19 : vector<16xf32>
        %add3A_1348 = arith.addf %mul3A_1347, %gather3A_91 : vector<16xf32>
        %swap3A_1349 = arith.constant 1 : i32
        %swap3A_1350 = arith.constant 0 : i32
        %swap3A_1351 = arith.constant 6 : i32
        %swap3A_1352 = arith.index_cast %swap3A_1349 : i32 to index
        %swap3A_1353 = arith.index_cast %shift_right_arithmetic3A_1117 : i32 to index
        %swap3A_1354 = arith.index_cast %swap3A_1350 : i32 to index
        %swap3A_1355 = arith.index_cast %swap3A_1351 : i32 to index
        %swap3A_1356 = arith.index_cast %mul3A_1120 : i32 to index
        %swap3A_1357 = tpu.vector_load %arg15[%swap3A_1352, %swap3A_1353, %swap3A_1354, %swap3A_1355, %swap3A_1356] {strides = array<i32>} : memref<2x8x3x8x128xf32, #tpu.memory_space<vmem>>, vector<16xf32>,
        tpu.vector_store %arg15[%swap3A_1352, %swap3A_1353, %swap3A_1354, %swap3A_1355, %swap3A_1356], %add3A_1348 {strides = array<i32>} : memref<2x8x3x8x128xf32, #tpu.memory_space<vmem>>, vector<16xf32>,
        %mul3A_1358 = arith.mulf %gather3A_1168, %mul3A_1264 : vector<16xf32>
        %add3A_1359 = arith.addf %mul3A_1358, %mul3A_1267 : vector<16xf32>
        %mul3A_1360 = arith.mulf %add3A_1359, %gather3A_22 : vector<16xf32>
        %add3A_1361 = arith.addf %mul3A_1360, %gather3A_94 : vector<16xf32>
        %swap3A_1362 = arith.constant 1 : i32
        %swap3A_1363 = arith.constant 0 : i32
        %swap3A_1364 = arith.constant 7 : i32
        %swap3A_1365 = arith.index_cast %swap3A_1362 : i32 to index
        %swap3A_1366 = arith.index_cast %shift_right_arithmetic3A_1117 : i32 to index
        %swap3A_1367 = arith.index_cast %swap3A_1363 : i32 to index
        %swap3A_1368 = arith.index_cast %swap3A_1364 : i32 to index
        %swap3A_1369 = arith.index_cast %mul3A_1120 : i32 to index
        %swap3A_1370 = tpu.vector_load %arg15[%swap3A_1365, %swap3A_1366, %swap3A_1367, %swap3A_1368, %swap3A_1369] {strides = array<i32>} : memref<2x8x3x8x128xf32, #tpu.memory_space<vmem>>, vector<16xf32>,
        tpu.vector_store %arg15[%swap3A_1365, %swap3A_1366, %swap3A_1367, %swap3A_1368, %swap3A_1369], %add3A_1361 {strides = array<i32>} : memref<2x8x3x8x128xf32, #tpu.memory_space<vmem>>, vector<16xf32>,
        %mul3A_1371 = arith.mulf %gather3A_1171, %mul3A_1264 : vector<16xf32>
        %add3A_1372 = arith.addf %mul3A_1371, %mul3A_1267 : vector<16xf32>
        %mul3A_1373 = arith.mulf %add3A_1372, %gather3A_25 : vector<16xf32>
        %add3A_1374 = arith.addf %mul3A_1373, %gather3A_97 : vector<16xf32>
        %swap3A_1375 = arith.constant 1 : i32
        %swap3A_1376 = arith.constant 1 : i32
        %swap3A_1377 = arith.constant 0 : i32
        %swap3A_1378 = arith.index_cast %swap3A_1375 : i32 to index
        %swap3A_1379 = arith.index_cast %shift_right_arithmetic3A_1117 : i32 to index
        %swap3A_1380 = arith.index_cast %swap3A_1376 : i32 to index
        %swap3A_1381 = arith.index_cast %swap3A_1377 : i32 to index
        %swap3A_1382 = arith.index_cast %mul3A_1120 : i32 to index
        %swap3A_1383 = tpu.vector_load %arg15[%swap3A_1378, %swap3A_1379, %swap3A_1380, %swap3A_1381, %swap3A_1382] {strides = array<i32>} : memref<2x8x3x8x128xf32, #tpu.memory_space<vmem>>, vector<16xf32>,
        tpu.vector_store %arg15[%swap3A_1378, %swap3A_1379, %swap3A_1380, %swap3A_1381, %swap3A_1382], %add3A_1374 {strides = array<i32>} : memref<2x8x3x8x128xf32, #tpu.memory_space<vmem>>, vector<16xf32>,
        %mul3A_1384 = arith.mulf %gather3A_1174, %mul3A_1264 : vector<16xf32>
        %add3A_1385 = arith.addf %mul3A_1384, %mul3A_1267 : vector<16xf32>
        %mul3A_1386 = arith.mulf %add3A_1385, %gather3A_28 : vector<16xf32>
        %add3A_1387 = arith.addf %mul3A_1386, %gather3A_100 : vector<16xf32>
        %swap3A_1388 = arith.constant 1 : i32
        %swap3A_1389 = arith.constant 1 : i32
        %swap3A_1390 = arith.constant 1 : i32
        %swap3A_1391 = arith.index_cast %swap3A_1388 : i32 to index
        %swap3A_1392 = arith.index_cast %shift_right_arithmetic3A_1117 : i32 to index
        %swap3A_1393 = arith.index_cast %swap3A_1389 : i32 to index
        %swap3A_1394 = arith.index_cast %swap3A_1390 : i32 to index
        %swap3A_1395 = arith.index_cast %mul3A_1120 : i32 to index
        %swap3A_1396 = tpu.vector_load %arg15[%swap3A_1391, %swap3A_1392, %swap3A_1393, %swap3A_1394, %swap3A_1395] {strides = array<i32>} : memref<2x8x3x8x128xf32, #tpu.memory_space<vmem>>, vector<16xf32>,
        tpu.vector_store %arg15[%swap3A_1391, %swap3A_1392, %swap3A_1393, %swap3A_1394, %swap3A_1395], %add3A_1387 {strides = array<i32>} : memref<2x8x3x8x128xf32, #tpu.memory_space<vmem>>, vector<16xf32>,
        %mul3A_1397 = arith.mulf %gather3A_1177, %mul3A_1264 : vector<16xf32>
        %add3A_1398 = arith.addf %mul3A_1397, %mul3A_1267 : vector<16xf32>
        %mul3A_1399 = arith.mulf %add3A_1398, %gather3A_31 : vector<16xf32>
        %add3A_1400 = arith.addf %mul3A_1399, %gather3A_103 : vector<16xf32>
        %swap3A_1401 = arith.constant 1 : i32
        %swap3A_1402 = arith.constant 1 : i32
        %swap3A_1403 = arith.constant 2 : i32
        %swap3A_1404 = arith.index_cast %swap3A_1401 : i32 to index
        %swap3A_1405 = arith.index_cast %shift_right_arithmetic3A_1117 : i32 to index
        %swap3A_1406 = arith.index_cast %swap3A_1402 : i32 to index
        %swap3A_1407 = arith.index_cast %swap3A_1403 : i32 to index
        %swap3A_1408 = arith.index_cast %mul3A_1120 : i32 to index
        %swap3A_1409 = tpu.vector_load %arg15[%swap3A_1404, %swap3A_1405, %swap3A_1406, %swap3A_1407, %swap3A_1408] {strides = array<i32>} : memref<2x8x3x8x128xf32, #tpu.memory_space<vmem>>, vector<16xf32>,
        tpu.vector_store %arg15[%swap3A_1404, %swap3A_1405, %swap3A_1406, %swap3A_1407, %swap3A_1408], %add3A_1400 {strides = array<i32>} : memref<2x8x3x8x128xf32, #tpu.memory_space<vmem>>, vector<16xf32>,
        %mul3A_1410 = arith.mulf %gather3A_1180, %mul3A_1264 : vector<16xf32>
        %add3A_1411 = arith.addf %mul3A_1410, %mul3A_1267 : vector<16xf32>
        %mul3A_1412 = arith.mulf %add3A_1411, %gather3A_34 : vector<16xf32>
        %add3A_1413 = arith.addf %mul3A_1412, %gather3A_106 : vector<16xf32>
        %swap3A_1414 = arith.constant 1 : i32
        %swap3A_1415 = arith.constant 1 : i32
        %swap3A_1416 = arith.constant 3 : i32
        %swap3A_1417 = arith.index_cast %swap3A_1414 : i32 to index
        %swap3A_1418 = arith.index_cast %shift_right_arithmetic3A_1117 : i32 to index
        %swap3A_1419 = arith.index_cast %swap3A_1415 : i32 to index
        %swap3A_1420 = arith.index_cast %swap3A_1416 : i32 to index
        %swap3A_1421 = arith.index_cast %mul3A_1120 : i32 to index
        %swap3A_1422 = tpu.vector_load %arg15[%swap3A_1417, %swap3A_1418, %swap3A_1419, %swap3A_1420, %swap3A_1421] {strides = array<i32>} : memref<2x8x3x8x128xf32, #tpu.memory_space<vmem>>, vector<16xf32>,
        tpu.vector_store %arg15[%swap3A_1417, %swap3A_1418, %swap3A_1419, %swap3A_1420, %swap3A_1421], %add3A_1413 {strides = array<i32>} : memref<2x8x3x8x128xf32, #tpu.memory_space<vmem>>, vector<16xf32>,
        %mul3A_1423 = arith.mulf %gather3A_1183, %mul3A_1264 : vector<16xf32>
        %add3A_1424 = arith.addf %mul3A_1423, %mul3A_1267 : vector<16xf32>
        %mul3A_1425 = arith.mulf %add3A_1424, %gather3A_37 : vector<16xf32>
        %add3A_1426 = arith.addf %mul3A_1425, %gather3A_109 : vector<16xf32>
        %swap3A_1427 = arith.constant 1 : i32
        %swap3A_1428 = arith.constant 1 : i32
        %swap3A_1429 = arith.constant 4 : i32
        %swap3A_1430 = arith.index_cast %swap3A_1427 : i32 to index
        %swap3A_1431 = arith.index_cast %shift_right_arithmetic3A_1117 : i32 to index
        %swap3A_1432 = arith.index_cast %swap3A_1428 : i32 to index
        %swap3A_1433 = arith.index_cast %swap3A_1429 : i32 to index
        %swap3A_1434 = arith.index_cast %mul3A_1120 : i32 to index
        %swap3A_1435 = tpu.vector_load %arg15[%swap3A_1430, %swap3A_1431, %swap3A_1432, %swap3A_1433, %swap3A_1434] {strides = array<i32>} : memref<2x8x3x8x128xf32, #tpu.memory_space<vmem>>, vector<16xf32>,
        tpu.vector_store %arg15[%swap3A_1430, %swap3A_1431, %swap3A_1432, %swap3A_1433, %swap3A_1434], %add3A_1426 {strides = array<i32>} : memref<2x8x3x8x128xf32, #tpu.memory_space<vmem>>, vector<16xf32>,
        %mul3A_1436 = arith.mulf %gather3A_1186, %mul3A_1264 : vector<16xf32>
        %add3A_1437 = arith.addf %mul3A_1436, %mul3A_1267 : vector<16xf32>
        %mul3A_1438 = arith.mulf %add3A_1437, %gather3A_40 : vector<16xf32>
        %add3A_1439 = arith.addf %mul3A_1438, %gather3A_112 : vector<16xf32>
        %swap3A_1440 = arith.constant 1 : i32
        %swap3A_1441 = arith.constant 1 : i32
        %swap3A_1442 = arith.constant 5 : i32
        %swap3A_1443 = arith.index_cast %swap3A_1440 : i32 to index
        %swap3A_1444 = arith.index_cast %shift_right_arithmetic3A_1117 : i32 to index
        %swap3A_1445 = arith.index_cast %swap3A_1441 : i32 to index
        %swap3A_1446 = arith.index_cast %swap3A_1442 : i32 to index
        %swap3A_1447 = arith.index_cast %mul3A_1120 : i32 to index
        %swap3A_1448 = tpu.vector_load %arg15[%swap3A_1443, %swap3A_1444, %swap3A_1445, %swap3A_1446, %swap3A_1447] {strides = array<i32>} : memref<2x8x3x8x128xf32, #tpu.memory_space<vmem>>, vector<16xf32>,
        tpu.vector_store %arg15[%swap3A_1443, %swap3A_1444, %swap3A_1445, %swap3A_1446, %swap3A_1447], %add3A_1439 {strides = array<i32>} : memref<2x8x3x8x128xf32, #tpu.memory_space<vmem>>, vector<16xf32>,
        %mul3A_1449 = arith.mulf %gather3A_1189, %mul3A_1264 : vector<16xf32>
        %add3A_1450 = arith.addf %mul3A_1449, %mul3A_1267 : vector<16xf32>
        %mul3A_1451 = arith.mulf %add3A_1450, %gather3A_43 : vector<16xf32>
        %add3A_1452 = arith.addf %mul3A_1451, %gather3A_115 : vector<16xf32>
        %swap3A_1453 = arith.constant 1 : i32
        %swap3A_1454 = arith.constant 1 : i32
        %swap3A_1455 = arith.constant 6 : i32
        %swap3A_1456 = arith.index_cast %swap3A_1453 : i32 to index
        %swap3A_1457 = arith.index_cast %shift_right_arithmetic3A_1117 : i32 to index
        %swap3A_1458 = arith.index_cast %swap3A_1454 : i32 to index
        %swap3A_1459 = arith.index_cast %swap3A_1455 : i32 to index
        %swap3A_1460 = arith.index_cast %mul3A_1120 : i32 to index
        %swap3A_1461 = tpu.vector_load %arg15[%swap3A_1456, %swap3A_1457, %swap3A_1458, %swap3A_1459, %swap3A_1460] {strides = array<i32>} : memref<2x8x3x8x128xf32, #tpu.memory_space<vmem>>, vector<16xf32>,
        tpu.vector_store %arg15[%swap3A_1456, %swap3A_1457, %swap3A_1458, %swap3A_1459, %swap3A_1460], %add3A_1452 {strides = array<i32>} : memref<2x8x3x8x128xf32, #tpu.memory_space<vmem>>, vector<16xf32>,
        %mul3A_1462 = arith.mulf %gather3A_1192, %mul3A_1264 : vector<16xf32>
        %add3A_1463 = arith.addf %mul3A_1462, %mul3A_1267 : vector<16xf32>
        %mul3A_1464 = arith.mulf %add3A_1463, %gather3A_46 : vector<16xf32>
        %add3A_1465 = arith.addf %mul3A_1464, %gather3A_118 : vector<16xf32>
        %swap3A_1466 = arith.constant 1 : i32
        %swap3A_1467 = arith.constant 1 : i32
        %swap3A_1468 = arith.constant 7 : i32
        %swap3A_1469 = arith.index_cast %swap3A_1466 : i32 to index
        %swap3A_1470 = arith.index_cast %shift_right_arithmetic3A_1117 : i32 to index
        %swap3A_1471 = arith.index_cast %swap3A_1467 : i32 to index
        %swap3A_1472 = arith.index_cast %swap3A_1468 : i32 to index
        %swap3A_1473 = arith.index_cast %mul3A_1120 : i32 to index
        %swap3A_1474 = tpu.vector_load %arg15[%swap3A_1469, %swap3A_1470, %swap3A_1471, %swap3A_1472, %swap3A_1473] {strides = array<i32>} : memref<2x8x3x8x128xf32, #tpu.memory_space<vmem>>, vector<16xf32>,
        tpu.vector_store %arg15[%swap3A_1469, %swap3A_1470, %swap3A_1471, %swap3A_1472, %swap3A_1473], %add3A_1465 {strides = array<i32>} : memref<2x8x3x8x128xf32, #tpu.memory_space<vmem>>, vector<16xf32>,
        %mul3A_1475 = arith.mulf %gather3A_1195, %mul3A_1264 : vector<16xf32>
        %add3A_1476 = arith.addf %mul3A_1475, %mul3A_1267 : vector<16xf32>
        %mul3A_1477 = arith.mulf %add3A_1476, %gather3A_49 : vector<16xf32>
        %add3A_1478 = arith.addf %mul3A_1477, %gather3A_121 : vector<16xf32>
        %swap3A_1479 = arith.constant 1 : i32
        %swap3A_1480 = arith.constant 2 : i32
        %swap3A_1481 = arith.constant 0 : i32
        %swap3A_1482 = arith.index_cast %swap3A_1479 : i32 to index
        %swap3A_1483 = arith.index_cast %shift_right_arithmetic3A_1117 : i32 to index
        %swap3A_1484 = arith.index_cast %swap3A_1480 : i32 to index
        %swap3A_1485 = arith.index_cast %swap3A_1481 : i32 to index
        %swap3A_1486 = arith.index_cast %mul3A_1120 : i32 to index
        %swap3A_1487 = tpu.vector_load %arg15[%swap3A_1482, %swap3A_1483, %swap3A_1484, %swap3A_1485, %swap3A_1486] {strides = array<i32>} : memref<2x8x3x8x128xf32, #tpu.memory_space<vmem>>, vector<16xf32>,
        tpu.vector_store %arg15[%swap3A_1482, %swap3A_1483, %swap3A_1484, %swap3A_1485, %swap3A_1486], %add3A_1478 {strides = array<i32>} : memref<2x8x3x8x128xf32, #tpu.memory_space<vmem>>, vector<16xf32>,
        %mul3A_1488 = arith.mulf %gather3A_1198, %mul3A_1264 : vector<16xf32>
        %add3A_1489 = arith.addf %mul3A_1488, %mul3A_1267 : vector<16xf32>
        %mul3A_1490 = arith.mulf %add3A_1489, %gather3A_52 : vector<16xf32>
        %add3A_1491 = arith.addf %mul3A_1490, %gather3A_124 : vector<16xf32>
        %swap3A_1492 = arith.constant 1 : i32
        %swap3A_1493 = arith.constant 2 : i32
        %swap3A_1494 = arith.constant 1 : i32
        %swap3A_1495 = arith.index_cast %swap3A_1492 : i32 to index
        %swap3A_1496 = arith.index_cast %shift_right_arithmetic3A_1117 : i32 to index
        %swap3A_1497 = arith.index_cast %swap3A_1493 : i32 to index
        %swap3A_1498 = arith.index_cast %swap3A_1494 : i32 to index
        %swap3A_1499 = arith.index_cast %mul3A_1120 : i32 to index
        %swap3A_1500 = tpu.vector_load %arg15[%swap3A_1495, %swap3A_1496, %swap3A_1497, %swap3A_1498, %swap3A_1499] {strides = array<i32>} : memref<2x8x3x8x128xf32, #tpu.memory_space<vmem>>, vector<16xf32>,
        tpu.vector_store %arg15[%swap3A_1495, %swap3A_1496, %swap3A_1497, %swap3A_1498, %swap3A_1499], %add3A_1491 {strides = array<i32>} : memref<2x8x3x8x128xf32, #tpu.memory_space<vmem>>, vector<16xf32>,
        %mul3A_1501 = arith.mulf %gather3A_1201, %mul3A_1264 : vector<16xf32>
        %add3A_1502 = arith.addf %mul3A_1501, %mul3A_1267 : vector<16xf32>
        %mul3A_1503 = arith.mulf %add3A_1502, %gather3A_55 : vector<16xf32>
        %add3A_1504 = arith.addf %mul3A_1503, %gather3A_127 : vector<16xf32>
        %swap3A_1505 = arith.constant 1 : i32
        %swap3A_1506 = arith.constant 2 : i32
        %swap3A_1507 = arith.constant 2 : i32
        %swap3A_1508 = arith.index_cast %swap3A_1505 : i32 to index
        %swap3A_1509 = arith.index_cast %shift_right_arithmetic3A_1117 : i32 to index
        %swap3A_1510 = arith.index_cast %swap3A_1506 : i32 to index
        %swap3A_1511 = arith.index_cast %swap3A_1507 : i32 to index
        %swap3A_1512 = arith.index_cast %mul3A_1120 : i32 to index
        %swap3A_1513 = tpu.vector_load %arg15[%swap3A_1508, %swap3A_1509, %swap3A_1510, %swap3A_1511, %swap3A_1512] {strides = array<i32>} : memref<2x8x3x8x128xf32, #tpu.memory_space<vmem>>, vector<16xf32>,
        tpu.vector_store %arg15[%swap3A_1508, %swap3A_1509, %swap3A_1510, %swap3A_1511, %swap3A_1512], %add3A_1504 {strides = array<i32>} : memref<2x8x3x8x128xf32, #tpu.memory_space<vmem>>, vector<16xf32>,
        %mul3A_1514 = arith.mulf %gather3A_1204, %mul3A_1264 : vector<16xf32>
        %add3A_1515 = arith.addf %mul3A_1514, %mul3A_1267 : vector<16xf32>
        %mul3A_1516 = arith.mulf %add3A_1515, %gather3A_58 : vector<16xf32>
        %add3A_1517 = arith.addf %mul3A_1516, %gather3A_130 : vector<16xf32>
        %swap3A_1518 = arith.constant 1 : i32
        %swap3A_1519 = arith.constant 2 : i32
        %swap3A_1520 = arith.constant 3 : i32
        %swap3A_1521 = arith.index_cast %swap3A_1518 : i32 to index
        %swap3A_1522 = arith.index_cast %shift_right_arithmetic3A_1117 : i32 to index
        %swap3A_1523 = arith.index_cast %swap3A_1519 : i32 to index
        %swap3A_1524 = arith.index_cast %swap3A_1520 : i32 to index
        %swap3A_1525 = arith.index_cast %mul3A_1120 : i32 to index
        %swap3A_1526 = tpu.vector_load %arg15[%swap3A_1521, %swap3A_1522, %swap3A_1523, %swap3A_1524, %swap3A_1525] {strides = array<i32>} : memref<2x8x3x8x128xf32, #tpu.memory_space<vmem>>, vector<16xf32>,
        tpu.vector_store %arg15[%swap3A_1521, %swap3A_1522, %swap3A_1523, %swap3A_1524, %swap3A_1525], %add3A_1517 {strides = array<i32>} : memref<2x8x3x8x128xf32, #tpu.memory_space<vmem>>, vector<16xf32>,
        %mul3A_1527 = arith.mulf %gather3A_1207, %mul3A_1264 : vector<16xf32>
        %add3A_1528 = arith.addf %mul3A_1527, %mul3A_1267 : vector<16xf32>
        %mul3A_1529 = arith.mulf %add3A_1528, %gather3A_61 : vector<16xf32>
        %add3A_1530 = arith.addf %mul3A_1529, %gather3A_133 : vector<16xf32>
        %swap3A_1531 = arith.constant 1 : i32
        %swap3A_1532 = arith.constant 2 : i32
        %swap3A_1533 = arith.constant 4 : i32
        %swap3A_1534 = arith.index_cast %swap3A_1531 : i32 to index
        %swap3A_1535 = arith.index_cast %shift_right_arithmetic3A_1117 : i32 to index
        %swap3A_1536 = arith.index_cast %swap3A_1532 : i32 to index
        %swap3A_1537 = arith.index_cast %swap3A_1533 : i32 to index
        %swap3A_1538 = arith.index_cast %mul3A_1120 : i32 to index
        %swap3A_1539 = tpu.vector_load %arg15[%swap3A_1534, %swap3A_1535, %swap3A_1536, %swap3A_1537, %swap3A_1538] {strides = array<i32>} : memref<2x8x3x8x128xf32, #tpu.memory_space<vmem>>, vector<16xf32>,
        tpu.vector_store %arg15[%swap3A_1534, %swap3A_1535, %swap3A_1536, %swap3A_1537, %swap3A_1538], %add3A_1530 {strides = array<i32>} : memref<2x8x3x8x128xf32, #tpu.memory_space<vmem>>, vector<16xf32>,
        %mul3A_1540 = arith.mulf %gather3A_1210, %mul3A_1264 : vector<16xf32>
        %add3A_1541 = arith.addf %mul3A_1540, %mul3A_1267 : vector<16xf32>
        %mul3A_1542 = arith.mulf %add3A_1541, %gather3A_64 : vector<16xf32>
        %add3A_1543 = arith.addf %mul3A_1542, %gather3A_136 : vector<16xf32>
        %swap3A_1544 = arith.constant 1 : i32
        %swap3A_1545 = arith.constant 2 : i32
        %swap3A_1546 = arith.constant 5 : i32
        %swap3A_1547 = arith.index_cast %swap3A_1544 : i32 to index
        %swap3A_1548 = arith.index_cast %shift_right_arithmetic3A_1117 : i32 to index
        %swap3A_1549 = arith.index_cast %swap3A_1545 : i32 to index
        %swap3A_1550 = arith.index_cast %swap3A_1546 : i32 to index
        %swap3A_1551 = arith.index_cast %mul3A_1120 : i32 to index
        %swap3A_1552 = tpu.vector_load %arg15[%swap3A_1547, %swap3A_1548, %swap3A_1549, %swap3A_1550, %swap3A_1551] {strides = array<i32>} : memref<2x8x3x8x128xf32, #tpu.memory_space<vmem>>, vector<16xf32>,
        tpu.vector_store %arg15[%swap3A_1547, %swap3A_1548, %swap3A_1549, %swap3A_1550, %swap3A_1551], %add3A_1543 {strides = array<i32>} : memref<2x8x3x8x128xf32, #tpu.memory_space<vmem>>, vector<16xf32>,
        %mul3A_1553 = arith.mulf %get3A_1139, %mul3A_1264 : vector<16xf32>
        %add3A_1554 = arith.addf %mul3A_1553, %mul3A_1267 : vector<16xf32>
        %mul3A_1555 = arith.mulf %add3A_1554, %gather3A_67 : vector<16xf32>
        %add3A_1556 = arith.addf %mul3A_1555, %gather3A_139 : vector<16xf32>
        %swap3A_1557 = arith.constant 1 : i32
        %swap3A_1558 = arith.constant 2 : i32
        %swap3A_1559 = arith.constant 6 : i32
        %swap3A_1560 = arith.index_cast %swap3A_1557 : i32 to index
        %swap3A_1561 = arith.index_cast %shift_right_arithmetic3A_1117 : i32 to index
        %swap3A_1562 = arith.index_cast %swap3A_1558 : i32 to index
        %swap3A_1563 = arith.index_cast %swap3A_1559 : i32 to index
        %swap3A_1564 = arith.index_cast %mul3A_1120 : i32 to index
        %swap3A_1565 = tpu.vector_load %arg15[%swap3A_1560, %swap3A_1561, %swap3A_1562, %swap3A_1563, %swap3A_1564] {strides = array<i32>} : memref<2x8x3x8x128xf32, #tpu.memory_space<vmem>>, vector<16xf32>,
        tpu.vector_store %arg15[%swap3A_1560, %swap3A_1561, %swap3A_1562, %swap3A_1563, %swap3A_1564], %add3A_1556 {strides = array<i32>} : memref<2x8x3x8x128xf32, #tpu.memory_space<vmem>>, vector<16xf32>,
        %mul3A_1566 = arith.mulf %get3A_1144, %mul3A_1264 : vector<16xf32>
        %add3A_1567 = arith.addf %mul3A_1566, %mul3A_1267 : vector<16xf32>
        %mul3A_1568 = arith.mulf %add3A_1567, %gather3A_70 : vector<16xf32>
        %add3A_1569 = arith.addf %mul3A_1568, %gather3A_142 : vector<16xf32>
        %swap3A_1570 = arith.constant 1 : i32
        %swap3A_1571 = arith.constant 2 : i32
        %swap3A_1572 = arith.constant 7 : i32
        %swap3A_1573 = arith.index_cast %swap3A_1570 : i32 to index
        %swap3A_1574 = arith.index_cast %shift_right_arithmetic3A_1117 : i32 to index
        %swap3A_1575 = arith.index_cast %swap3A_1571 : i32 to index
        %swap3A_1576 = arith.index_cast %swap3A_1572 : i32 to index
        %swap3A_1577 = arith.index_cast %mul3A_1120 : i32 to index
        %swap3A_1578 = tpu.vector_load %arg15[%swap3A_1573, %swap3A_1574, %swap3A_1575, %swap3A_1576, %swap3A_1577] {strides = array<i32>} : memref<2x8x3x8x128xf32, #tpu.memory_space<vmem>>, vector<16xf32>,
        tpu.vector_store %arg15[%swap3A_1573, %swap3A_1574, %swap3A_1575, %swap3A_1576, %swap3A_1577], %add3A_1569 {strides = array<i32>} : memref<2x8x3x8x128xf32, #tpu.memory_space<vmem>>, vector<16xf32>,
      }
      %scan3A_1046 = arith.constant 64 : i32
      %mul3A_1047 = arith.constant 8 : i32
      %mul3A_1048 = arith.muli %add3A_863, %mul3A_1047 : i32
      %dma_start3A_1049 = arith.constant 1 : i32
      %dma_start3A_1050 = arith.constant 0 : i32
      %dma_start3A_1051 = arith.constant 0 : i32
      %dma_start3A_1052 = arith.constant 0 : i32
      %dma_start3A_1053 = arith.constant 0 : i32
      %dma_start3A_1054 = arith.constant 0 : i32
      %dma_start3A_1055 = tpu.memref_slice %arg15[%dma_start3A_1049, %dma_start3A_1052, %dma_start3A_1050, %dma_start3A_1053, %dma_start3A_1054] : memref<2x8x3x8x128xf32, #tpu.memory_space<vmem>> -> memref<1x8x1x8x128xf32, #tpu.memory_space<vmem>>
      %dma_start3A_1056 = tpu.memref_squeeze %dma_start3A_1055 : memref<1x8x1x8x128xf32, #tpu.memory_space<vmem>> -> memref<8x8x128xf32, #tpu.memory_space<vmem>>
      %dma_start3A_1057 = arith.constant 0 : i32
      %dma_start3A_1058 = arith.constant 0 : i32
      %dma_start3A_1059 = tpu.memref_slice %arg8[%mul3A_1048, %dma_start3A_1051, %add3A, %dma_start3A_1057, %dma_start3A_1058] : memref<200x3x32x8x128xf32, #tpu.memory_space<hbm>> -> memref<8x1x1x8x128xf32, #tpu.memory_space<hbm>>
      %dma_start3A_1060 = tpu.memref_squeeze %dma_start3A_1059 : memref<8x1x1x8x128xf32, #tpu.memory_space<hbm>> -> memref<8x8x128xf32, #tpu.memory_space<hbm>>
      %dma_start3A_1061 = arith.constant 0 : i32
      %dma_start3A_1062 = arith.constant 0 : i32
      %dma_start3A_1063 = tpu.memref_slice %arg8[%mul3A_1048, %dma_start3A_1051, %add3A, %dma_start3A_1061, %dma_start3A_1062] : memref<200x3x32x8x128xf32, #tpu.memory_space<hbm>> -> memref<8x1x1x8x128xf32, #tpu.memory_space<hbm>>
      %dma_start3A_1064 = tpu.memref_squeeze %dma_start3A_1063 : memref<8x1x1x8x128xf32, #tpu.memory_space<hbm>> -> memref<8x8x128xf32, #tpu.memory_space<hbm>>
      %dma_start3A_1065 = arith.constant 0 : i32
      %dma_start3A_1066 = arith.constant 0 : i32
      %dma_start3A_1067 = arith.constant 0 : i32
      %dma_start3A_1068 = tpu.memref_slice %arg15[%dma_start3A_1049, %dma_start3A_1065, %dma_start3A_1050, %dma_start3A_1066, %dma_start3A_1067] : memref<2x8x3x8x128xf32, #tpu.memory_space<vmem>> -> memref<1x8x1x8x128xf32, #tpu.memory_space<vmem>>
      %dma_start3A_1069 = tpu.memref_squeeze %dma_start3A_1068 : memref<1x8x1x8x128xf32, #tpu.memory_space<vmem>> -> memref<8x8x128xf32, #tpu.memory_space<vmem>>
      tpu.enqueue_dma source(%dma_start3A_1069 : memref<8x8x128xf32, #tpu.memory_space<vmem>>) target(%dma_start3A_1064 : memref<8x8x128xf32, #tpu.memory_space<hbm>>) target_semaphore(%arg19 : memref<!tpu.dma_semaphore, #tpu.memory_space<semaphore_mem>>)
      %mul3A_1070 = arith.constant 8 : i32
      %mul3A_1071 = arith.muli %add3A_863, %mul3A_1070 : i32
      %dma_start3A_1072 = arith.constant 1 : i32
      %dma_start3A_1073 = arith.constant 1 : i32
      %dma_start3A_1074 = arith.constant 1 : i32
      %dma_start3A_1075 = arith.constant 0 : i32
      %dma_start3A_1076 = arith.constant 0 : i32
      %dma_start3A_1077 = arith.constant 0 : i32
      %dma_start3A_1078 = tpu.memref_slice %arg15[%dma_start3A_1072, %dma_start3A_1075, %dma_start3A_1073, %dma_start3A_1076, %dma_start3A_1077] : memref<2x8x3x8x128xf32, #tpu.memory_space<vmem>> -> memref<1x8x1x8x128xf32, #tpu.memory_space<vmem>>
      %dma_start3A_1079 = tpu.memref_squeeze %dma_start3A_1078 : memref<1x8x1x8x128xf32, #tpu.memory_space<vmem>> -> memref<8x8x128xf32, #tpu.memory_space<vmem>>
      %dma_start3A_1080 = arith.constant 0 : i32
      %dma_start3A_1081 = arith.constant 0 : i32
      %dma_start3A_1082 = tpu.memref_slice %arg8[%mul3A_1071, %dma_start3A_1074, %add3A, %dma_start3A_1080, %dma_start3A_1081] : memref<200x3x32x8x128xf32, #tpu.memory_space<hbm>> -> memref<8x1x1x8x128xf32, #tpu.memory_space<hbm>>
      %dma_start3A_1083 = tpu.memref_squeeze %dma_start3A_1082 : memref<8x1x1x8x128xf32, #tpu.memory_space<hbm>> -> memref<8x8x128xf32, #tpu.memory_space<hbm>>
      %dma_start3A_1084 = arith.constant 0 : i32
      %dma_start3A_1085 = arith.constant 0 : i32
      %dma_start3A_1086 = tpu.memref_slice %arg8[%mul3A_1071, %dma_start3A_1074, %add3A, %dma_start3A_1084, %dma_start3A_1085] : memref<200x3x32x8x128xf32, #tpu.memory_space<hbm>> -> memref<8x1x1x8x128xf32, #tpu.memory_space<hbm>>
      %dma_start3A_1087 = tpu.memref_squeeze %dma_start3A_1086 : memref<8x1x1x8x128xf32, #tpu.memory_space<hbm>> -> memref<8x8x128xf32, #tpu.memory_space<hbm>>
      %dma_start3A_1088 = arith.constant 0 : i32
      %dma_start3A_1089 = arith.constant 0 : i32
      %dma_start3A_1090 = arith.constant 0 : i32
      %dma_start3A_1091 = tpu.memref_slice %arg15[%dma_start3A_1072, %dma_start3A_1088, %dma_start3A_1073, %dma_start3A_1089, %dma_start3A_1090] : memref<2x8x3x8x128xf32, #tpu.memory_space<vmem>> -> memref<1x8x1x8x128xf32, #tpu.memory_space<vmem>>
      %dma_start3A_1092 = tpu.memref_squeeze %dma_start3A_1091 : memref<1x8x1x8x128xf32, #tpu.memory_space<vmem>> -> memref<8x8x128xf32, #tpu.memory_space<vmem>>
      tpu.enqueue_dma source(%dma_start3A_1092 : memref<8x8x128xf32, #tpu.memory_space<vmem>>) target(%dma_start3A_1087 : memref<8x8x128xf32, #tpu.memory_space<hbm>>) target_semaphore(%arg19 : memref<!tpu.dma_semaphore, #tpu.memory_space<semaphore_mem>>)
      %mul3A_1093 = arith.constant 8 : i32
      %mul3A_1094 = arith.muli %add3A_863, %mul3A_1093 : i32
      %dma_start3A_1095 = arith.constant 1 : i32
      %dma_start3A_1096 = arith.constant 2 : i32
      %dma_start3A_1097 = arith.constant 2 : i32
      %dma_start3A_1098 = arith.constant 0 : i32
      %dma_start3A_1099 = arith.constant 0 : i32
      %dma_start3A_1100 = arith.constant 0 : i32
      %dma_start3A_1101 = tpu.memref_slice %arg15[%dma_start3A_1095, %dma_start3A_1098, %dma_start3A_1096, %dma_start3A_1099, %dma_start3A_1100] : memref<2x8x3x8x128xf32, #tpu.memory_space<vmem>> -> memref<1x8x1x8x128xf32, #tpu.memory_space<vmem>>
      %dma_start3A_1102 = tpu.memref_squeeze %dma_start3A_1101 : memref<1x8x1x8x128xf32, #tpu.memory_space<vmem>> -> memref<8x8x128xf32, #tpu.memory_space<vmem>>
      %dma_start3A_1103 = arith.constant 0 : i32
      %dma_start3A_1104 = arith.constant 0 : i32
      %dma_start3A_1105 = tpu.memref_slice %arg8[%mul3A_1094, %dma_start3A_1097, %add3A, %dma_start3A_1103, %dma_start3A_1104] : memref<200x3x32x8x128xf32, #tpu.memory_space<hbm>> -> memref<8x1x1x8x128xf32, #tpu.memory_space<hbm>>
      %dma_start3A_1106 = tpu.memref_squeeze %dma_start3A_1105 : memref<8x1x1x8x128xf32, #tpu.memory_space<hbm>> -> memref<8x8x128xf32, #tpu.memory_space<hbm>>
      %dma_start3A_1107 = arith.constant 0 : i32
      %dma_start3A_1108 = arith.constant 0 : i32
      %dma_start3A_1109 = tpu.memref_slice %arg8[%mul3A_1094, %dma_start3A_1097, %add3A, %dma_start3A_1107, %dma_start3A_1108] : memref<200x3x32x8x128xf32, #tpu.memory_space<hbm>> -> memref<8x1x1x8x128xf32, #tpu.memory_space<hbm>>
      %dma_start3A_1110 = tpu.memref_squeeze %dma_start3A_1109 : memref<8x1x1x8x128xf32, #tpu.memory_space<hbm>> -> memref<8x8x128xf32, #tpu.memory_space<hbm>>
      %dma_start3A_1111 = arith.constant 0 : i32
      %dma_start3A_1112 = arith.constant 0 : i32
      %dma_start3A_1113 = arith.constant 0 : i32
      %dma_start3A_1114 = tpu.memref_slice %arg15[%dma_start3A_1095, %dma_start3A_1111, %dma_start3A_1096, %dma_start3A_1112, %dma_start3A_1113] : memref<2x8x3x8x128xf32, #tpu.memory_space<vmem>> -> memref<1x8x1x8x128xf32, #tpu.memory_space<vmem>>
      %dma_start3A_1115 = tpu.memref_squeeze %dma_start3A_1114 : memref<1x8x1x8x128xf32, #tpu.memory_space<vmem>> -> memref<8x8x128xf32, #tpu.memory_space<vmem>>
      tpu.enqueue_dma source(%dma_start3A_1115 : memref<8x8x128xf32, #tpu.memory_space<vmem>>) target(%dma_start3A_1110 : memref<8x8x128xf32, #tpu.memory_space<hbm>>) target_semaphore(%arg19 : memref<!tpu.dma_semaphore, #tpu.memory_space<semaphore_mem>>)
    }
    %scan3A_236 = arith.constant 12 : i32
    %dma_wait3A = arith.constant 24 : i32
    %dma_wait3A_237 = arith.constant 0 : i32
    %dma_wait3A_238 = arith.constant 0 : i32
    %dma_wait3A_239 = arith.constant 0 : i32
    %dma_wait3A_240 = tpu.memref_slice %arg10[%dma_wait3A_237, %dma_wait3A_238, %dma_wait3A_239] : memref<2x8x128xi32, #tpu.memory_space<vmem>> -> memref<1x8x128xi32, #tpu.memory_space<vmem>>
    %dma_wait3A_241 = tpu.memref_squeeze %dma_wait3A_240 : memref<1x8x128xi32, #tpu.memory_space<vmem>> -> memref<8x128xi32, #tpu.memory_space<vmem>>
    %dma_wait3A_242 = arith.constant 0 : i32
    %dma_wait3A_243 = arith.constant 0 : i32
    %dma_wait3A_244 = tpu.memref_slice %arg3[%dma_wait3A, %add3A, %dma_wait3A_242, %dma_wait3A_243] : memref<25x32x8x128xi32, #tpu.memory_space<hbm>> -> memref<1x1x8x128xi32, #tpu.memory_space<hbm>>
    %dma_wait3A_245 = tpu.memref_squeeze %dma_wait3A_244 : memref<1x1x8x128xi32, #tpu.memory_space<hbm>> -> memref<8x128xi32, #tpu.memory_space<hbm>>
    %dma_wait3A_246 = arith.constant 0 : i32
    %dma_wait3A_247 = arith.constant 0 : i32
    %dma_wait3A_248 = tpu.memref_slice %arg10[%dma_wait3A_237, %dma_wait3A_246, %dma_wait3A_247] : memref<2x8x128xi32, #tpu.memory_space<vmem>> -> memref<1x8x128xi32, #tpu.memory_space<vmem>>
    %dma_wait3A_249 = tpu.memref_squeeze %dma_wait3A_248 : memref<1x8x128xi32, #tpu.memory_space<vmem>> -> memref<8x128xi32, #tpu.memory_space<vmem>>
    %dma_wait3A_250 = arith.constant 0 : i32
    %dma_wait3A_251 = arith.constant 0 : i32
    %dma_wait3A_252 = tpu.memref_slice %arg3[%dma_wait3A, %add3A, %dma_wait3A_250, %dma_wait3A_251] : memref<25x32x8x128xi32, #tpu.memory_space<hbm>> -> memref<1x1x8x128xi32, #tpu.memory_space<hbm>>
    %dma_wait3A_253 = tpu.memref_squeeze %dma_wait3A_252 : memref<1x1x8x128xi32, #tpu.memory_space<hbm>> -> memref<8x128xi32, #tpu.memory_space<hbm>>
    tpu.wait_dma2 semaphore(%arg16 : memref<!tpu.dma_semaphore, #tpu.memory_space<semaphore_mem>>) src(%dma_wait3A_253 : memref<8x128xi32, #tpu.memory_space<hbm>>) dst(%dma_wait3A_249 : memref<8x128xi32, #tpu.memory_space<vmem>>)
    %dma_wait3A_254 = arith.constant 24 : i32
    %dma_wait3A_255 = arith.constant 0 : i32
    %dma_wait3A_256 = arith.constant 0 : i32
    %dma_wait3A_257 = arith.constant 0 : i32
    %dma_wait3A_258 = tpu.memref_slice %arg11[%dma_wait3A_255, %dma_wait3A_256, %dma_wait3A_257] : memref<2x8x128xi32, #tpu.memory_space<vmem>> -> memref<1x8x128xi32, #tpu.memory_space<vmem>>
    %dma_wait3A_259 = tpu.memref_squeeze %dma_wait3A_258 : memref<1x8x128xi32, #tpu.memory_space<vmem>> -> memref<8x128xi32, #tpu.memory_space<vmem>>
    %dma_wait3A_260 = arith.constant 0 : i32
    %dma_wait3A_261 = arith.constant 0 : i32
    %dma_wait3A_262 = tpu.memref_slice %arg4[%dma_wait3A_254, %add3A, %dma_wait3A_260, %dma_wait3A_261] : memref<25x32x8x128xi32, #tpu.memory_space<hbm>> -> memref<1x1x8x128xi32, #tpu.memory_space<hbm>>
    %dma_wait3A_263 = tpu.memref_squeeze %dma_wait3A_262 : memref<1x1x8x128xi32, #tpu.memory_space<hbm>> -> memref<8x128xi32, #tpu.memory_space<hbm>>
    %dma_wait3A_264 = arith.constant 0 : i32
    %dma_wait3A_265 = arith.constant 0 : i32
    %dma_wait3A_266 = tpu.memref_slice %arg11[%dma_wait3A_255, %dma_wait3A_264, %dma_wait3A_265] : memref<2x8x128xi32, #tpu.memory_space<vmem>> -> memref<1x8x128xi32, #tpu.memory_space<vmem>>
    %dma_wait3A_267 = tpu.memref_squeeze %dma_wait3A_266 : memref<1x8x128xi32, #tpu.memory_space<vmem>> -> memref<8x128xi32, #tpu.memory_space<vmem>>
    %dma_wait3A_268 = arith.constant 0 : i32
    %dma_wait3A_269 = arith.constant 0 : i32
    %dma_wait3A_270 = tpu.memref_slice %arg4[%dma_wait3A_254, %add3A, %dma_wait3A_268, %dma_wait3A_269] : memref<25x32x8x128xi32, #tpu.memory_space<hbm>> -> memref<1x1x8x128xi32, #tpu.memory_space<hbm>>
    %dma_wait3A_271 = tpu.memref_squeeze %dma_wait3A_270 : memref<1x1x8x128xi32, #tpu.memory_space<hbm>> -> memref<8x128xi32, #tpu.memory_space<hbm>>
    tpu.wait_dma2 semaphore(%arg16 : memref<!tpu.dma_semaphore, #tpu.memory_space<semaphore_mem>>) src(%dma_wait3A_271 : memref<8x128xi32, #tpu.memory_space<hbm>>) dst(%dma_wait3A_267 : memref<8x128xi32, #tpu.memory_space<vmem>>)
    %dma_wait3A_272 = arith.constant 24 : i32
    %dma_wait3A_273 = arith.constant 0 : i32
    %dma_wait3A_274 = arith.constant 0 : i32
    %dma_wait3A_275 = arith.constant 0 : i32
    %dma_wait3A_276 = tpu.memref_slice %arg12[%dma_wait3A_273, %dma_wait3A_274, %dma_wait3A_275] : memref<2x8x128xi32, #tpu.memory_space<vmem>> -> memref<1x8x128xi32, #tpu.memory_space<vmem>>
    %dma_wait3A_277 = tpu.memref_squeeze %dma_wait3A_276 : memref<1x8x128xi32, #tpu.memory_space<vmem>> -> memref<8x128xi32, #tpu.memory_space<vmem>>
    %dma_wait3A_278 = arith.constant 0 : i32
    %dma_wait3A_279 = arith.constant 0 : i32
    %dma_wait3A_280 = tpu.memref_slice %arg5[%dma_wait3A_272, %add3A, %dma_wait3A_278, %dma_wait3A_279] : memref<25x32x8x128xi32, #tpu.memory_space<hbm>> -> memref<1x1x8x128xi32, #tpu.memory_space<hbm>>
    %dma_wait3A_281 = tpu.memref_squeeze %dma_wait3A_280 : memref<1x1x8x128xi32, #tpu.memory_space<hbm>> -> memref<8x128xi32, #tpu.memory_space<hbm>>
    %dma_wait3A_282 = arith.constant 0 : i32
    %dma_wait3A_283 = arith.constant 0 : i32
    %dma_wait3A_284 = tpu.memref_slice %arg12[%dma_wait3A_273, %dma_wait3A_282, %dma_wait3A_283] : memref<2x8x128xi32, #tpu.memory_space<vmem>> -> memref<1x8x128xi32, #tpu.memory_space<vmem>>
    %dma_wait3A_285 = tpu.memref_squeeze %dma_wait3A_284 : memref<1x8x128xi32, #tpu.memory_space<vmem>> -> memref<8x128xi32, #tpu.memory_space<vmem>>
    %dma_wait3A_286 = arith.constant 0 : i32
    %dma_wait3A_287 = arith.constant 0 : i32
    %dma_wait3A_288 = tpu.memref_slice %arg5[%dma_wait3A_272, %add3A, %dma_wait3A_286, %dma_wait3A_287] : memref<25x32x8x128xi32, #tpu.memory_space<hbm>> -> memref<1x1x8x128xi32, #tpu.memory_space<hbm>>
    %dma_wait3A_289 = tpu.memref_squeeze %dma_wait3A_288 : memref<1x1x8x128xi32, #tpu.memory_space<hbm>> -> memref<8x128xi32, #tpu.memory_space<hbm>>
    tpu.wait_dma2 semaphore(%arg16 : memref<!tpu.dma_semaphore, #tpu.memory_space<semaphore_mem>>) src(%dma_wait3A_289 : memref<8x128xi32, #tpu.memory_space<hbm>>) dst(%dma_wait3A_285 : memref<8x128xi32, #tpu.memory_space<vmem>>)
    %dma_wait3A_290 = arith.constant 24 : i32
    %dma_wait3A_291 = arith.constant 0 : i32
    %dma_wait3A_292 = arith.constant 0 : i32
    %dma_wait3A_293 = arith.constant 0 : i32
    %dma_wait3A_294 = tpu.memref_slice %arg13[%dma_wait3A_291, %dma_wait3A_292, %dma_wait3A_293] : memref<2x8x128xf32, #tpu.memory_space<vmem>> -> memref<1x8x128xf32, #tpu.memory_space<vmem>>
    %dma_wait3A_295 = tpu.memref_squeeze %dma_wait3A_294 : memref<1x8x128xf32, #tpu.memory_space<vmem>> -> memref<8x128xf32, #tpu.memory_space<vmem>>
    %dma_wait3A_296 = arith.constant 0 : i32
    %dma_wait3A_297 = arith.constant 0 : i32
    %dma_wait3A_298 = tpu.memref_slice %arg6[%dma_wait3A_290, %add3A, %dma_wait3A_296, %dma_wait3A_297] : memref<25x32x8x128xf32, #tpu.memory_space<hbm>> -> memref<1x1x8x128xf32, #tpu.memory_space<hbm>>
    %dma_wait3A_299 = tpu.memref_squeeze %dma_wait3A_298 : memref<1x1x8x128xf32, #tpu.memory_space<hbm>> -> memref<8x128xf32, #tpu.memory_space<hbm>>
    %dma_wait3A_300 = arith.constant 0 : i32
    %dma_wait3A_301 = arith.constant 0 : i32
    %dma_wait3A_302 = tpu.memref_slice %arg13[%dma_wait3A_291, %dma_wait3A_300, %dma_wait3A_301] : memref<2x8x128xf32, #tpu.memory_space<vmem>> -> memref<1x8x128xf32, #tpu.memory_space<vmem>>
    %dma_wait3A_303 = tpu.memref_squeeze %dma_wait3A_302 : memref<1x8x128xf32, #tpu.memory_space<vmem>> -> memref<8x128xf32, #tpu.memory_space<vmem>>
    %dma_wait3A_304 = arith.constant 0 : i32
    %dma_wait3A_305 = arith.constant 0 : i32
    %dma_wait3A_306 = tpu.memref_slice %arg6[%dma_wait3A_290, %add3A, %dma_wait3A_304, %dma_wait3A_305] : memref<25x32x8x128xf32, #tpu.memory_space<hbm>> -> memref<1x1x8x128xf32, #tpu.memory_space<hbm>>
    %dma_wait3A_307 = tpu.memref_squeeze %dma_wait3A_306 : memref<1x1x8x128xf32, #tpu.memory_space<hbm>> -> memref<8x128xf32, #tpu.memory_space<hbm>>
    tpu.wait_dma2 semaphore(%arg16 : memref<!tpu.dma_semaphore, #tpu.memory_space<semaphore_mem>>) src(%dma_wait3A_307 : memref<8x128xf32, #tpu.memory_space<hbm>>) dst(%dma_wait3A_303 : memref<8x128xf32, #tpu.memory_space<vmem>>)
    %dma_wait3A_308 = arith.constant 24 : i32
    %dma_wait3A_309 = arith.constant 0 : i32
    %dma_wait3A_310 = arith.constant 0 : i32
    %dma_wait3A_311 = arith.constant 0 : i32
    %dma_wait3A_312 = tpu.memref_slice %arg14[%dma_wait3A_309, %dma_wait3A_310, %dma_wait3A_311] : memref<2x8x128xf32, #tpu.memory_space<vmem>> -> memref<1x8x128xf32, #tpu.memory_space<vmem>>
    %dma_wait3A_313 = tpu.memref_squeeze %dma_wait3A_312 : memref<1x8x128xf32, #tpu.memory_space<vmem>> -> memref<8x128xf32, #tpu.memory_space<vmem>>
    %dma_wait3A_314 = arith.constant 0 : i32
    %dma_wait3A_315 = arith.constant 0 : i32
    %dma_wait3A_316 = tpu.memref_slice %arg7[%dma_wait3A_308, %add3A, %dma_wait3A_314, %dma_wait3A_315] : memref<25x32x8x128xf32, #tpu.memory_space<hbm>> -> memref<1x1x8x128xf32, #tpu.memory_space<hbm>>
    %dma_wait3A_317 = tpu.memref_squeeze %dma_wait3A_316 : memref<1x1x8x128xf32, #tpu.memory_space<hbm>> -> memref<8x128xf32, #tpu.memory_space<hbm>>
    %dma_wait3A_318 = arith.constant 0 : i32
    %dma_wait3A_319 = arith.constant 0 : i32
    %dma_wait3A_320 = tpu.memref_slice %arg14[%dma_wait3A_309, %dma_wait3A_318, %dma_wait3A_319] : memref<2x8x128xf32, #tpu.memory_space<vmem>> -> memref<1x8x128xf32, #tpu.memory_space<vmem>>
    %dma_wait3A_321 = tpu.memref_squeeze %dma_wait3A_320 : memref<1x8x128xf32, #tpu.memory_space<vmem>> -> memref<8x128xf32, #tpu.memory_space<vmem>>
    %dma_wait3A_322 = arith.constant 0 : i32
    %dma_wait3A_323 = arith.constant 0 : i32
    %dma_wait3A_324 = tpu.memref_slice %arg7[%dma_wait3A_308, %add3A, %dma_wait3A_322, %dma_wait3A_323] : memref<25x32x8x128xf32, #tpu.memory_space<hbm>> -> memref<1x1x8x128xf32, #tpu.memory_space<hbm>>
    %dma_wait3A_325 = tpu.memref_squeeze %dma_wait3A_324 : memref<1x1x8x128xf32, #tpu.memory_space<hbm>> -> memref<8x128xf32, #tpu.memory_space<hbm>>
    tpu.wait_dma2 semaphore(%arg16 : memref<!tpu.dma_semaphore, #tpu.memory_space<semaphore_mem>>) src(%dma_wait3A_325 : memref<8x128xf32, #tpu.memory_space<hbm>>) dst(%dma_wait3A_321 : memref<8x128xf32, #tpu.memory_space<vmem>>)
    %dma_wait3A_326 = arith.constant 0 : i32
    %dma_wait3A_327 = arith.constant 0 : i32
    %dma_wait3A_328 = arith.constant 0 : i32
    %dma_wait3A_329 = arith.constant 0 : i32
    %dma_wait3A_330 = arith.constant 0 : i32
    %dma_wait3A_331 = arith.constant 0 : i32
    %dma_wait3A_332 = tpu.memref_slice %arg15[%dma_wait3A_326, %dma_wait3A_329, %dma_wait3A_327, %dma_wait3A_330, %dma_wait3A_331] : memref<2x8x3x8x128xf32, #tpu.memory_space<vmem>> -> memref<1x8x1x8x128xf32, #tpu.memory_space<vmem>>
    %dma_wait3A_333 = tpu.memref_squeeze %dma_wait3A_332 : memref<1x8x1x8x128xf32, #tpu.memory_space<vmem>> -> memref<8x8x128xf32, #tpu.memory_space<vmem>>
    %dma_wait3A_334 = arith.constant 176 : i32
    %dma_wait3A_335 = arith.constant 0 : i32
    %dma_wait3A_336 = arith.constant 0 : i32
    %dma_wait3A_337 = tpu.memref_slice %arg8[%dma_wait3A_334, %dma_wait3A_328, %add3A, %dma_wait3A_335, %dma_wait3A_336] : memref<200x3x32x8x128xf32, #tpu.memory_space<hbm>> -> memref<8x1x1x8x128xf32, #tpu.memory_space<hbm>>
    %dma_wait3A_338 = tpu.memref_squeeze %dma_wait3A_337 : memref<8x1x1x8x128xf32, #tpu.memory_space<hbm>> -> memref<8x8x128xf32, #tpu.memory_space<hbm>>
    %dma_wait3A_339 = arith.constant 176 : i32
    %dma_wait3A_340 = arith.constant 0 : i32
    %dma_wait3A_341 = arith.constant 0 : i32
    %dma_wait3A_342 = tpu.memref_slice %arg8[%dma_wait3A_339, %dma_wait3A_328, %add3A, %dma_wait3A_340, %dma_wait3A_341] : memref<200x3x32x8x128xf32, #tpu.memory_space<hbm>> -> memref<8x1x1x8x128xf32, #tpu.memory_space<hbm>>
    %dma_wait3A_343 = tpu.memref_squeeze %dma_wait3A_342 : memref<8x1x1x8x128xf32, #tpu.memory_space<hbm>> -> memref<8x8x128xf32, #tpu.memory_space<hbm>>
    %dma_wait3A_344 = arith.constant 0 : i32
    %dma_wait3A_345 = arith.constant 0 : i32
    %dma_wait3A_346 = arith.constant 0 : i32
    %dma_wait3A_347 = tpu.memref_slice %arg15[%dma_wait3A_326, %dma_wait3A_344, %dma_wait3A_327, %dma_wait3A_345, %dma_wait3A_346] : memref<2x8x3x8x128xf32, #tpu.memory_space<vmem>> -> memref<1x8x1x8x128xf32, #tpu.memory_space<vmem>>
    %dma_wait3A_348 = tpu.memref_squeeze %dma_wait3A_347 : memref<1x8x1x8x128xf32, #tpu.memory_space<vmem>> -> memref<8x8x128xf32, #tpu.memory_space<vmem>>
    tpu.wait_dma2 semaphore(%arg18 : memref<!tpu.dma_semaphore, #tpu.memory_space<semaphore_mem>>) src(%dma_wait3A_348 : memref<8x8x128xf32, #tpu.memory_space<vmem>>) dst(%dma_wait3A_343 : memref<8x8x128xf32, #tpu.memory_space<hbm>>)
    %dma_wait3A_349 = arith.constant 0 : i32
    %dma_wait3A_350 = arith.constant 1 : i32
    %dma_wait3A_351 = arith.constant 1 : i32
    %dma_wait3A_352 = arith.constant 0 : i32
    %dma_wait3A_353 = arith.constant 0 : i32
    %dma_wait3A_354 = arith.constant 0 : i32
    %dma_wait3A_355 = tpu.memref_slice %arg15[%dma_wait3A_349, %dma_wait3A_352, %dma_wait3A_350, %dma_wait3A_353, %dma_wait3A_354] : memref<2x8x3x8x128xf32, #tpu.memory_space<vmem>> -> memref<1x8x1x8x128xf32, #tpu.memory_space<vmem>>
    %dma_wait3A_356 = tpu.memref_squeeze %dma_wait3A_355 : memref<1x8x1x8x128xf32, #tpu.memory_space<vmem>> -> memref<8x8x128xf32, #tpu.memory_space<vmem>>
    %dma_wait3A_357 = arith.constant 176 : i32
    %dma_wait3A_358 = arith.constant 0 : i32
    %dma_wait3A_359 = arith.constant 0 : i32
    %dma_wait3A_360 = tpu.memref_slice %arg8[%dma_wait3A_357, %dma_wait3A_351, %add3A, %dma_wait3A_358, %dma_wait3A_359] : memref<200x3x32x8x128xf32, #tpu.memory_space<hbm>> -> memref<8x1x1x8x128xf32, #tpu.memory_space<hbm>>
    %dma_wait3A_361 = tpu.memref_squeeze %dma_wait3A_360 : memref<8x1x1x8x128xf32, #tpu.memory_space<hbm>> -> memref<8x8x128xf32, #tpu.memory_space<hbm>>
    %dma_wait3A_362 = arith.constant 176 : i32
    %dma_wait3A_363 = arith.constant 0 : i32
    %dma_wait3A_364 = arith.constant 0 : i32
    %dma_wait3A_365 = tpu.memref_slice %arg8[%dma_wait3A_362, %dma_wait3A_351, %add3A, %dma_wait3A_363, %dma_wait3A_364] : memref<200x3x32x8x128xf32, #tpu.memory_space<hbm>> -> memref<8x1x1x8x128xf32, #tpu.memory_space<hbm>>
    %dma_wait3A_366 = tpu.memref_squeeze %dma_wait3A_365 : memref<8x1x1x8x128xf32, #tpu.memory_space<hbm>> -> memref<8x8x128xf32, #tpu.memory_space<hbm>>
    %dma_wait3A_367 = arith.constant 0 : i32
    %dma_wait3A_368 = arith.constant 0 : i32
    %dma_wait3A_369 = arith.constant 0 : i32
    %dma_wait3A_370 = tpu.memref_slice %arg15[%dma_wait3A_349, %dma_wait3A_367, %dma_wait3A_350, %dma_wait3A_368, %dma_wait3A_369] : memref<2x8x3x8x128xf32, #tpu.memory_space<vmem>> -> memref<1x8x1x8x128xf32, #tpu.memory_space<vmem>>
    %dma_wait3A_371 = tpu.memref_squeeze %dma_wait3A_370 : memref<1x8x1x8x128xf32, #tpu.memory_space<vmem>> -> memref<8x8x128xf32, #tpu.memory_space<vmem>>
    tpu.wait_dma2 semaphore(%arg18 : memref<!tpu.dma_semaphore, #tpu.memory_space<semaphore_mem>>) src(%dma_wait3A_371 : memref<8x8x128xf32, #tpu.memory_space<vmem>>) dst(%dma_wait3A_366 : memref<8x8x128xf32, #tpu.memory_space<hbm>>)
    %dma_wait3A_372 = arith.constant 0 : i32
    %dma_wait3A_373 = arith.constant 2 : i32
    %dma_wait3A_374 = arith.constant 2 : i32
    %dma_wait3A_375 = arith.constant 0 : i32
    %dma_wait3A_376 = arith.constant 0 : i32
    %dma_wait3A_377 = arith.constant 0 : i32
    %dma_wait3A_378 = tpu.memref_slice %arg15[%dma_wait3A_372, %dma_wait3A_375, %dma_wait3A_373, %dma_wait3A_376, %dma_wait3A_377] : memref<2x8x3x8x128xf32, #tpu.memory_space<vmem>> -> memref<1x8x1x8x128xf32, #tpu.memory_space<vmem>>
    %dma_wait3A_379 = tpu.memref_squeeze %dma_wait3A_378 : memref<1x8x1x8x128xf32, #tpu.memory_space<vmem>> -> memref<8x8x128xf32, #tpu.memory_space<vmem>>
    %dma_wait3A_380 = arith.constant 176 : i32
    %dma_wait3A_381 = arith.constant 0 : i32
    %dma_wait3A_382 = arith.constant 0 : i32
    %dma_wait3A_383 = tpu.memref_slice %arg8[%dma_wait3A_380, %dma_wait3A_374, %add3A, %dma_wait3A_381, %dma_wait3A_382] : memref<200x3x32x8x128xf32, #tpu.memory_space<hbm>> -> memref<8x1x1x8x128xf32, #tpu.memory_space<hbm>>
    %dma_wait3A_384 = tpu.memref_squeeze %dma_wait3A_383 : memref<8x1x1x8x128xf32, #tpu.memory_space<hbm>> -> memref<8x8x128xf32, #tpu.memory_space<hbm>>
    %dma_wait3A_385 = arith.constant 176 : i32
    %dma_wait3A_386 = arith.constant 0 : i32
    %dma_wait3A_387 = arith.constant 0 : i32
    %dma_wait3A_388 = tpu.memref_slice %arg8[%dma_wait3A_385, %dma_wait3A_374, %add3A, %dma_wait3A_386, %dma_wait3A_387] : memref<200x3x32x8x128xf32, #tpu.memory_space<hbm>> -> memref<8x1x1x8x128xf32, #tpu.memory_space<hbm>>
    %dma_wait3A_389 = tpu.memref_squeeze %dma_wait3A_388 : memref<8x1x1x8x128xf32, #tpu.memory_space<hbm>> -> memref<8x8x128xf32, #tpu.memory_space<hbm>>
    %dma_wait3A_390 = arith.constant 0 : i32
    %dma_wait3A_391 = arith.constant 0 : i32
    %dma_wait3A_392 = arith.constant 0 : i32
    %dma_wait3A_393 = tpu.memref_slice %arg15[%dma_wait3A_372, %dma_wait3A_390, %dma_wait3A_373, %dma_wait3A_391, %dma_wait3A_392] : memref<2x8x3x8x128xf32, #tpu.memory_space<vmem>> -> memref<1x8x1x8x128xf32, #tpu.memory_space<vmem>>
    %dma_wait3A_394 = tpu.memref_squeeze %dma_wait3A_393 : memref<1x8x1x8x128xf32, #tpu.memory_space<vmem>> -> memref<8x8x128xf32, #tpu.memory_space<vmem>>
    tpu.wait_dma2 semaphore(%arg18 : memref<!tpu.dma_semaphore, #tpu.memory_space<semaphore_mem>>) src(%dma_wait3A_394 : memref<8x8x128xf32, #tpu.memory_space<vmem>>) dst(%dma_wait3A_389 : memref<8x8x128xf32, #tpu.memory_space<hbm>>)
    %scan3A_395 = arith.constant 0 : i32
    %scan3A_396 = arith.constant 0 : i32
    %scan3A_397 = arith.constant 64 : i32
    %scan3A_398 = arith.addi %scan3A_396, %scan3A_397 : i32
    %scan3A_399 = arith.constant 1 : i32
    scf.for %scan3A_608 = %scan3A_396 to %scan3A_398 step %scan3A_399  : i32 {
      %shift_right_arithmetic3A = arith.constant 3 : i32
      %shift_right_arithmetic3A_609 = arith.shrsi %scan3A_608, %shift_right_arithmetic3A : i32
      %and3A = arith.constant 7 : i32
      %and3A_610 = arith.andi %scan3A_608, %and3A : i32
      %mul3A_611 = arith.constant 16 : i32
      %mul3A_612 = arith.muli %and3A_610, %mul3A_611 : i32
      %get3A = arith.constant 0 : i32
      %get3A_613 = arith.index_cast %get3A : i32 to index
      %get3A_614 = arith.index_cast %shift_right_arithmetic3A_609 : i32 to index
      %get3A_615 = arith.index_cast %mul3A_612 : i32 to index
      %get3A_616 = tpu.vector_load %arg10[%get3A_613, %get3A_614, %get3A_615] {strides = array<i32>} : memref<2x8x128xi32, #tpu.memory_space<vmem>>, vector<16xi32>,
      %get3A_617 = arith.constant 0 : i32
      %get3A_618 = arith.index_cast %get3A_617 : i32 to index
      %get3A_619 = arith.index_cast %shift_right_arithmetic3A_609 : i32 to index
      %get3A_620 = arith.index_cast %mul3A_612 : i32 to index
      %get3A_621 = tpu.vector_load %arg11[%get3A_618, %get3A_619, %get3A_620] {strides = array<i32>} : memref<2x8x128xi32, #tpu.memory_space<vmem>>, vector<16xi32>,
      %get3A_622 = arith.constant 0 : i32
      %get3A_623 = arith.index_cast %get3A_622 : i32 to index
      %get3A_624 = arith.index_cast %shift_right_arithmetic3A_609 : i32 to index
      %get3A_625 = arith.index_cast %mul3A_612 : i32 to index
      %get3A_626 = tpu.vector_load %arg12[%get3A_623, %get3A_624, %get3A_625] {strides = array<i32>} : memref<2x8x128xi32, #tpu.memory_space<vmem>>, vector<16xi32>,
      %get3A_627 = arith.constant 0 : i32
      %get3A_628 = arith.index_cast %get3A_627 : i32 to index
      %get3A_629 = arith.index_cast %shift_right_arithmetic3A_609 : i32 to index
      %get3A_630 = arith.index_cast %mul3A_612 : i32 to index
      %get3A_631 = tpu.vector_load %arg13[%get3A_628, %get3A_629, %get3A_630] {strides = array<i32>} : memref<2x8x128xf32, #tpu.memory_space<vmem>>, vector<16xf32>,
      %get3A_632 = arith.constant 0 : i32
      %get3A_633 = arith.index_cast %get3A_632 : i32 to index
      %get3A_634 = arith.index_cast %shift_right_arithmetic3A_609 : i32 to index
      %get3A_635 = arith.index_cast %mul3A_612 : i32 to index
      %get3A_636 = tpu.vector_load %arg14[%get3A_633, %get3A_634, %get3A_635] {strides = array<i32>} : memref<2x8x128xf32, #tpu.memory_space<vmem>>, vector<16xf32>,
      %gather3A_637 = arith.constant 0 : i32
      %gather3A_638 = tpu.memref_slice %arg9[%gather3A_637] : memref<2432xf32, #tpu.memory_space<vmem>> -> memref<2432xf32, #tpu.memory_space<vmem>>
      %gather3A_639 = tpu.vector_load_idx %gather3A_638[%get3A_616] : memref<2432xf32, #tpu.memory_space<vmem>>[vector<16xi32>], vector<16xf32>,
      %gather3A_640 = arith.constant 128 : i32
      %gather3A_641 = tpu.memref_slice %arg9[%gather3A_640] : memref<2432xf32, #tpu.memory_space<vmem>> -> memref<2304xf32, #tpu.memory_space<vmem>>
      %gather3A_642 = tpu.vector_load_idx %gather3A_641[%get3A_616] : memref<2304xf32, #tpu.memory_space<vmem>>[vector<16xi32>], vector<16xf32>,
      %gather3A_643 = arith.constant 256 : i32
      %gather3A_644 = tpu.memref_slice %arg9[%gather3A_643] : memref<2432xf32, #tpu.memory_space<vmem>> -> memref<2176xf32, #tpu.memory_space<vmem>>
      %gather3A_645 = tpu.vector_load_idx %gather3A_644[%get3A_616] : memref<2176xf32, #tpu.memory_space<vmem>>[vector<16xi32>], vector<16xf32>,
      %gather3A_646 = arith.constant 384 : i32
      %gather3A_647 = tpu.memref_slice %arg9[%gather3A_646] : memref<2432xf32, #tpu.memory_space<vmem>> -> memref<2048xf32, #tpu.memory_space<vmem>>
      %gather3A_648 = tpu.vector_load_idx %gather3A_647[%get3A_616] : memref<2048xf32, #tpu.memory_space<vmem>>[vector<16xi32>], vector<16xf32>,
      %gather3A_649 = arith.constant 512 : i32
      %gather3A_650 = tpu.memref_slice %arg9[%gather3A_649] : memref<2432xf32, #tpu.memory_space<vmem>> -> memref<1920xf32, #tpu.memory_space<vmem>>
      %gather3A_651 = tpu.vector_load_idx %gather3A_650[%get3A_616] : memref<1920xf32, #tpu.memory_space<vmem>>[vector<16xi32>], vector<16xf32>,
      %gather3A_652 = arith.constant 640 : i32
      %gather3A_653 = tpu.memref_slice %arg9[%gather3A_652] : memref<2432xf32, #tpu.memory_space<vmem>> -> memref<1792xf32, #tpu.memory_space<vmem>>
      %gather3A_654 = tpu.vector_load_idx %gather3A_653[%get3A_616] : memref<1792xf32, #tpu.memory_space<vmem>>[vector<16xi32>], vector<16xf32>,
      %gather3A_655 = arith.constant 768 : i32
      %gather3A_656 = tpu.memref_slice %arg9[%gather3A_655] : memref<2432xf32, #tpu.memory_space<vmem>> -> memref<1664xf32, #tpu.memory_space<vmem>>
      %gather3A_657 = tpu.vector_load_idx %gather3A_656[%get3A_616] : memref<1664xf32, #tpu.memory_space<vmem>>[vector<16xi32>], vector<16xf32>,
      %gather3A_658 = arith.constant 896 : i32
      %gather3A_659 = tpu.memref_slice %arg9[%gather3A_658] : memref<2432xf32, #tpu.memory_space<vmem>> -> memref<1536xf32, #tpu.memory_space<vmem>>
      %gather3A_660 = tpu.vector_load_idx %gather3A_659[%get3A_616] : memref<1536xf32, #tpu.memory_space<vmem>>[vector<16xi32>], vector<16xf32>,
      %gather3A_661 = arith.constant 1024 : i32
      %gather3A_662 = tpu.memref_slice %arg9[%gather3A_661] : memref<2432xf32, #tpu.memory_space<vmem>> -> memref<1408xf32, #tpu.memory_space<vmem>>
      %gather3A_663 = tpu.vector_load_idx %gather3A_662[%get3A_616] : memref<1408xf32, #tpu.memory_space<vmem>>[vector<16xi32>], vector<16xf32>,
      %gather3A_664 = arith.constant 1152 : i32
      %gather3A_665 = tpu.memref_slice %arg9[%gather3A_664] : memref<2432xf32, #tpu.memory_space<vmem>> -> memref<1280xf32, #tpu.memory_space<vmem>>
      %gather3A_666 = tpu.vector_load_idx %gather3A_665[%get3A_616] : memref<1280xf32, #tpu.memory_space<vmem>>[vector<16xi32>], vector<16xf32>,
      %gather3A_667 = arith.constant 1280 : i32
      %gather3A_668 = tpu.memref_slice %arg9[%gather3A_667] : memref<2432xf32, #tpu.memory_space<vmem>> -> memref<1152xf32, #tpu.memory_space<vmem>>
      %gather3A_669 = tpu.vector_load_idx %gather3A_668[%get3A_616] : memref<1152xf32, #tpu.memory_space<vmem>>[vector<16xi32>], vector<16xf32>,
      %gather3A_670 = arith.constant 1408 : i32
      %gather3A_671 = tpu.memref_slice %arg9[%gather3A_670] : memref<2432xf32, #tpu.memory_space<vmem>> -> memref<1024xf32, #tpu.memory_space<vmem>>
      %gather3A_672 = tpu.vector_load_idx %gather3A_671[%get3A_616] : memref<1024xf32, #tpu.memory_space<vmem>>[vector<16xi32>], vector<16xf32>,
      %gather3A_673 = arith.constant 1536 : i32
      %gather3A_674 = tpu.memref_slice %arg9[%gather3A_673] : memref<2432xf32, #tpu.memory_space<vmem>> -> memref<896xf32, #tpu.memory_space<vmem>>
      %gather3A_675 = tpu.vector_load_idx %gather3A_674[%get3A_616] : memref<896xf32, #tpu.memory_space<vmem>>[vector<16xi32>], vector<16xf32>,
      %gather3A_676 = arith.constant 1664 : i32
      %gather3A_677 = tpu.memref_slice %arg9[%gather3A_676] : memref<2432xf32, #tpu.memory_space<vmem>> -> memref<768xf32, #tpu.memory_space<vmem>>
      %gather3A_678 = tpu.vector_load_idx %gather3A_677[%get3A_616] : memref<768xf32, #tpu.memory_space<vmem>>[vector<16xi32>], vector<16xf32>,
      %gather3A_679 = arith.constant 1792 : i32
      %gather3A_680 = tpu.memref_slice %arg9[%gather3A_679] : memref<2432xf32, #tpu.memory_space<vmem>> -> memref<640xf32, #tpu.memory_space<vmem>>
      %gather3A_681 = tpu.vector_load_idx %gather3A_680[%get3A_616] : memref<640xf32, #tpu.memory_space<vmem>>[vector<16xi32>], vector<16xf32>,
      %gather3A_682 = arith.constant 1920 : i32
      %gather3A_683 = tpu.memref_slice %arg9[%gather3A_682] : memref<2432xf32, #tpu.memory_space<vmem>> -> memref<512xf32, #tpu.memory_space<vmem>>
      %gather3A_684 = tpu.vector_load_idx %gather3A_683[%get3A_616] : memref<512xf32, #tpu.memory_space<vmem>>[vector<16xi32>], vector<16xf32>,
      %gather3A_685 = arith.constant 2048 : i32
      %gather3A_686 = tpu.memref_slice %arg9[%gather3A_685] : memref<2432xf32, #tpu.memory_space<vmem>> -> memref<384xf32, #tpu.memory_space<vmem>>
      %gather3A_687 = tpu.vector_load_idx %gather3A_686[%get3A_621] : memref<384xf32, #tpu.memory_space<vmem>>[vector<16xi32>], vector<16xf32>,
      %gather3A_688 = arith.constant 2056 : i32
      %gather3A_689 = tpu.memref_slice %arg9[%gather3A_688] : memref<2432xf32, #tpu.memory_space<vmem>> -> memref<376xf32, #tpu.memory_space<vmem>>
      %gather3A_690 = tpu.vector_load_idx %gather3A_689[%get3A_621] : memref<376xf32, #tpu.memory_space<vmem>>[vector<16xi32>], vector<16xf32>,
      %gather3A_691 = arith.constant 2064 : i32
      %gather3A_692 = tpu.memref_slice %arg9[%gather3A_691] : memref<2432xf32, #tpu.memory_space<vmem>> -> memref<368xf32, #tpu.memory_space<vmem>>
      %gather3A_693 = tpu.vector_load_idx %gather3A_692[%get3A_621] : memref<368xf32, #tpu.memory_space<vmem>>[vector<16xi32>], vector<16xf32>,
      %gather3A_694 = arith.constant 2072 : i32
      %gather3A_695 = tpu.memref_slice %arg9[%gather3A_694] : memref<2432xf32, #tpu.memory_space<vmem>> -> memref<360xf32, #tpu.memory_space<vmem>>
      %gather3A_696 = tpu.vector_load_idx %gather3A_695[%get3A_621] : memref<360xf32, #tpu.memory_space<vmem>>[vector<16xi32>], vector<16xf32>,
      %gather3A_697 = arith.constant 2080 : i32
      %gather3A_698 = tpu.memref_slice %arg9[%gather3A_697] : memref<2432xf32, #tpu.memory_space<vmem>> -> memref<352xf32, #tpu.memory_space<vmem>>
      %gather3A_699 = tpu.vector_load_idx %gather3A_698[%get3A_626] : memref<352xf32, #tpu.memory_space<vmem>>[vector<16xi32>], vector<16xf32>,
      %gather3A_700 = arith.constant 2088 : i32
      %gather3A_701 = tpu.memref_slice %arg9[%gather3A_700] : memref<2432xf32, #tpu.memory_space<vmem>> -> memref<344xf32, #tpu.memory_space<vmem>>
      %gather3A_702 = tpu.vector_load_idx %gather3A_701[%get3A_626] : memref<344xf32, #tpu.memory_space<vmem>>[vector<16xi32>], vector<16xf32>,
      %gather3A_703 = arith.constant 2096 : i32
      %gather3A_704 = tpu.memref_slice %arg9[%gather3A_703] : memref<2432xf32, #tpu.memory_space<vmem>> -> memref<336xf32, #tpu.memory_space<vmem>>
      %gather3A_705 = tpu.vector_load_idx %gather3A_704[%get3A_616] : memref<336xf32, #tpu.memory_space<vmem>>[vector<16xi32>], vector<16xf32>,
      %gather3A_706 = arith.constant 2352 : i32
      %gather3A_707 = tpu.memref_slice %arg9[%gather3A_706] : memref<2432xf32, #tpu.memory_space<vmem>> -> memref<80xf32, #tpu.memory_space<vmem>>
      %gather3A_708 = tpu.vector_load_idx %gather3A_707[%get3A_621] : memref<80xf32, #tpu.memory_space<vmem>>[vector<16xi32>], vector<16xf32>,
      %add3A_709 = arith.addf %gather3A_705, %gather3A_708 : vector<16xf32>
      %gather3A_710 = arith.constant 2368 : i32
      %gather3A_711 = tpu.memref_slice %arg9[%gather3A_710] : memref<2432xf32, #tpu.memory_space<vmem>> -> memref<64xf32, #tpu.memory_space<vmem>>
      %gather3A_712 = tpu.vector_load_idx %gather3A_711[%get3A_626] : memref<64xf32, #tpu.memory_space<vmem>>[vector<16xi32>], vector<16xf32>,
      %add3A_713 = arith.addf %add3A_709, %gather3A_712 : vector<16xf32>
      %add3A_714 = arith.addf %add3A_713, %get3A_631 : vector<16xf32>
      %add3A_715 = arith.addf %add3A_714, %get3A_636 : vector<16xf32>
      %gather3A_716 = arith.constant 2224 : i32
      %gather3A_717 = tpu.memref_slice %arg9[%gather3A_716] : memref<2432xf32, #tpu.memory_space<vmem>> -> memref<208xf32, #tpu.memory_space<vmem>>
      %gather3A_718 = tpu.vector_load_idx %gather3A_717[%get3A_616] : memref<208xf32, #tpu.memory_space<vmem>>[vector<16xi32>], vector<16xf32>,
      %gather3A_719 = arith.constant 2360 : i32
      %gather3A_720 = tpu.memref_slice %arg9[%gather3A_719] : memref<2432xf32, #tpu.memory_space<vmem>> -> memref<72xf32, #tpu.memory_space<vmem>>
      %gather3A_721 = tpu.vector_load_idx %gather3A_720[%get3A_621] : memref<72xf32, #tpu.memory_space<vmem>>[vector<16xi32>], vector<16xf32>,
      %add3A_722 = arith.addf %gather3A_718, %gather3A_721 : vector<16xf32>
      %gather3A_723 = arith.constant 2376 : i32
      %gather3A_724 = tpu.memref_slice %arg9[%gather3A_723] : memref<2432xf32, #tpu.memory_space<vmem>> -> memref<56xf32, #tpu.memory_space<vmem>>
      %gather3A_725 = tpu.vector_load_idx %gather3A_724[%get3A_626] : memref<56xf32, #tpu.memory_space<vmem>>[vector<16xi32>], vector<16xf32>,
      %add3A_726 = arith.addf %add3A_722, %gather3A_725 : vector<16xf32>
      %mul3A_727 = arith.mulf %get3A_631, %get3A_631 : vector<16xf32>
      %add3A_728 = arith.addf %add3A_726, %mul3A_727 : vector<16xf32>
      %mul3A_729 = arith.mulf %get3A_636, %get3A_636 : vector<16xf32>
      %add3A_730 = arith.addf %add3A_728, %mul3A_729 : vector<16xf32>
      %mul3A_731 = arith.constant 0.0416666679 : f32
      %mul3A_732 = vector.broadcast %mul3A_731 : f32 to vector<16xf32>
      %mul3A_733 = arith.mulf %add3A_715, %mul3A_732 : vector<16xf32>
      %mul3A_734 = arith.constant 0.0416666679 : f32
      %mul3A_735 = vector.broadcast %mul3A_734 : f32 to vector<16xf32>
      %mul3A_736 = arith.mulf %add3A_730, %mul3A_735 : vector<16xf32>
      %mul3A_737 = arith.mulf %mul3A_733, %mul3A_733 : vector<16xf32>
      %sub3A = arith.subf %mul3A_736, %mul3A_737 : vector<16xf32>
      %add3A_738 = arith.constant 9.99999974E-6 : f32
      %add3A_739 = vector.broadcast %add3A_738 : f32 to vector<16xf32>
      %add3A_740 = arith.addf %sub3A, %add3A_739 : vector<16xf32>
      %bitcast_convert_type3A = tpu.bitcast %add3A_740 : vector<16xf32> -> vector<16xi32>
      %shift_right_arithmetic3A_741 = arith.constant 1 : i32
      %shift_right_arithmetic3A_742 = vector.broadcast %shift_right_arithmetic3A_741 : i32 to vector<16xi32>
      %shift_right_arithmetic3A_743 = arith.shrsi %bitcast_convert_type3A, %shift_right_arithmetic3A_742 : vector<16xi32>
      %sub3A_744 = arith.constant 1597463007 : i32
      %sub3A_745 = vector.broadcast %sub3A_744 : i32 to vector<16xi32>
      %sub3A_746 = arith.subi %sub3A_745, %shift_right_arithmetic3A_743 : vector<16xi32>
      %bitcast_convert_type3A_747 = tpu.bitcast %sub3A_746 : vector<16xi32> -> vector<16xf32>
      %mul3A_748 = arith.constant 5.000000e-01 : f32
      %mul3A_749 = vector.broadcast %mul3A_748 : f32 to vector<16xf32>
      %mul3A_750 = arith.mulf %mul3A_749, %add3A_740 : vector<16xf32>
      %mul3A_751 = arith.mulf %mul3A_750, %bitcast_convert_type3A_747 : vector<16xf32>
      %mul3A_752 = arith.mulf %mul3A_751, %bitcast_convert_type3A_747 : vector<16xf32>
      %sub3A_753 = arith.constant 1.500000e+00 : f32
      %sub3A_754 = vector.broadcast %sub3A_753 : f32 to vector<16xf32>
      %sub3A_755 = arith.subf %sub3A_754, %mul3A_752 : vector<16xf32>
      %mul3A_756 = arith.mulf %bitcast_convert_type3A_747, %sub3A_755 : vector<16xf32>
      %neg3A = arith.constant 0.000000e+00 : f32
      %neg3A_757 = vector.broadcast %neg3A : f32 to vector<16xf32>
      %neg3A_758 = arith.subf %neg3A_757, %mul3A_733 : vector<16xf32>
      %mul3A_759 = arith.mulf %neg3A_758, %mul3A_756 : vector<16xf32>
      %mul3A_760 = arith.mulf %gather3A_639, %mul3A_756 : vector<16xf32>
      %add3A_761 = arith.addf %mul3A_760, %mul3A_759 : vector<16xf32>
      %mul3A_762 = arith.mulf %add3A_761, %gather3A : vector<16xf32>
      %add3A_763 = arith.addf %mul3A_762, %gather3A_73 : vector<16xf32>
      %swap3A = arith.constant 0 : i32
      %swap3A_764 = arith.constant 0 : i32
      %swap3A_765 = arith.constant 0 : i32
      %swap3A_766 = arith.index_cast %swap3A : i32 to index
      %swap3A_767 = arith.index_cast %shift_right_arithmetic3A_609 : i32 to index
      %swap3A_768 = arith.index_cast %swap3A_764 : i32 to index
      %swap3A_769 = arith.index_cast %swap3A_765 : i32 to index
      %swap3A_770 = arith.index_cast %mul3A_612 : i32 to index
      %swap3A_771 = tpu.vector_load %arg15[%swap3A_766, %swap3A_767, %swap3A_768, %swap3A_769, %swap3A_770] {strides = array<i32>} : memref<2x8x3x8x128xf32, #tpu.memory_space<vmem>>, vector<16xf32>,
      tpu.vector_store %arg15[%swap3A_766, %swap3A_767, %swap3A_768, %swap3A_769, %swap3A_770], %add3A_763 {strides = array<i32>} : memref<2x8x3x8x128xf32, #tpu.memory_space<vmem>>, vector<16xf32>,
      %mul3A_772 = arith.mulf %gather3A_642, %mul3A_756 : vector<16xf32>
      %add3A_773 = arith.addf %mul3A_772, %mul3A_759 : vector<16xf32>
      %mul3A_774 = arith.mulf %add3A_773, %gather3A_4 : vector<16xf32>
      %add3A_775 = arith.addf %mul3A_774, %gather3A_76 : vector<16xf32>
      %swap3A_776 = arith.constant 0 : i32
      %swap3A_777 = arith.constant 0 : i32
      %swap3A_778 = arith.constant 1 : i32
      %swap3A_779 = arith.index_cast %swap3A_776 : i32 to index
      %swap3A_780 = arith.index_cast %shift_right_arithmetic3A_609 : i32 to index
      %swap3A_781 = arith.index_cast %swap3A_777 : i32 to index
      %swap3A_782 = arith.index_cast %swap3A_778 : i32 to index
      %swap3A_783 = arith.index_cast %mul3A_612 : i32 to index
      %swap3A_784 = tpu.vector_load %arg15[%swap3A_779, %swap3A_780, %swap3A_781, %swap3A_782, %swap3A_783] {strides = array<i32>} : memref<2x8x3x8x128xf32, #tpu.memory_space<vmem>>, vector<16xf32>,
      tpu.vector_store %arg15[%swap3A_779, %swap3A_780, %swap3A_781, %swap3A_782, %swap3A_783], %add3A_775 {strides = array<i32>} : memref<2x8x3x8x128xf32, #tpu.memory_space<vmem>>, vector<16xf32>,
      %mul3A_785 = arith.mulf %gather3A_645, %mul3A_756 : vector<16xf32>
      %add3A_786 = arith.addf %mul3A_785, %mul3A_759 : vector<16xf32>
      %mul3A_787 = arith.mulf %add3A_786, %gather3A_7 : vector<16xf32>
      %add3A_788 = arith.addf %mul3A_787, %gather3A_79 : vector<16xf32>
      %swap3A_789 = arith.constant 0 : i32
      %swap3A_790 = arith.constant 0 : i32
      %swap3A_791 = arith.constant 2 : i32
      %swap3A_792 = arith.index_cast %swap3A_789 : i32 to index
      %swap3A_793 = arith.index_cast %shift_right_arithmetic3A_609 : i32 to index
      %swap3A_794 = arith.index_cast %swap3A_790 : i32 to index
      %swap3A_795 = arith.index_cast %swap3A_791 : i32 to index
      %swap3A_796 = arith.index_cast %mul3A_612 : i32 to index
      %swap3A_797 = tpu.vector_load %arg15[%swap3A_792, %swap3A_793, %swap3A_794, %swap3A_795, %swap3A_796] {strides = array<i32>} : memref<2x8x3x8x128xf32, #tpu.memory_space<vmem>>, vector<16xf32>,
      tpu.vector_store %arg15[%swap3A_792, %swap3A_793, %swap3A_794, %swap3A_795, %swap3A_796], %add3A_788 {strides = array<i32>} : memref<2x8x3x8x128xf32, #tpu.memory_space<vmem>>, vector<16xf32>,
      %mul3A_798 = arith.mulf %gather3A_648, %mul3A_756 : vector<16xf32>
      %add3A_799 = arith.addf %mul3A_798, %mul3A_759 : vector<16xf32>
      %mul3A_800 = arith.mulf %add3A_799, %gather3A_10 : vector<16xf32>
      %add3A_801 = arith.addf %mul3A_800, %gather3A_82 : vector<16xf32>
      %swap3A_802 = arith.constant 0 : i32
      %swap3A_803 = arith.constant 0 : i32
      %swap3A_804 = arith.constant 3 : i32
      %swap3A_805 = arith.index_cast %swap3A_802 : i32 to index
      %swap3A_806 = arith.index_cast %shift_right_arithmetic3A_609 : i32 to index
      %swap3A_807 = arith.index_cast %swap3A_803 : i32 to index
      %swap3A_808 = arith.index_cast %swap3A_804 : i32 to index
      %swap3A_809 = arith.index_cast %mul3A_612 : i32 to index
      %swap3A_810 = tpu.vector_load %arg15[%swap3A_805, %swap3A_806, %swap3A_807, %swap3A_808, %swap3A_809] {strides = array<i32>} : memref<2x8x3x8x128xf32, #tpu.memory_space<vmem>>, vector<16xf32>,
      tpu.vector_store %arg15[%swap3A_805, %swap3A_806, %swap3A_807, %swap3A_808, %swap3A_809], %add3A_801 {strides = array<i32>} : memref<2x8x3x8x128xf32, #tpu.memory_space<vmem>>, vector<16xf32>,
      %mul3A_811 = arith.mulf %gather3A_651, %mul3A_756 : vector<16xf32>
      %add3A_812 = arith.addf %mul3A_811, %mul3A_759 : vector<16xf32>
      %mul3A_813 = arith.mulf %add3A_812, %gather3A_13 : vector<16xf32>
      %add3A_814 = arith.addf %mul3A_813, %gather3A_85 : vector<16xf32>
      %swap3A_815 = arith.constant 0 : i32
      %swap3A_816 = arith.constant 0 : i32
      %swap3A_817 = arith.constant 4 : i32
      %swap3A_818 = arith.index_cast %swap3A_815 : i32 to index
      %swap3A_819 = arith.index_cast %shift_right_arithmetic3A_609 : i32 to index
      %swap3A_820 = arith.index_cast %swap3A_816 : i32 to index
      %swap3A_821 = arith.index_cast %swap3A_817 : i32 to index
      %swap3A_822 = arith.index_cast %mul3A_612 : i32 to index
      %swap3A_823 = tpu.vector_load %arg15[%swap3A_818, %swap3A_819, %swap3A_820, %swap3A_821, %swap3A_822] {strides = array<i32>} : memref<2x8x3x8x128xf32, #tpu.memory_space<vmem>>, vector<16xf32>,
      tpu.vector_store %arg15[%swap3A_818, %swap3A_819, %swap3A_820, %swap3A_821, %swap3A_822], %add3A_814 {strides = array<i32>} : memref<2x8x3x8x128xf32, #tpu.memory_space<vmem>>, vector<16xf32>,
      %mul3A_824 = arith.mulf %gather3A_654, %mul3A_756 : vector<16xf32>
      %add3A_825 = arith.addf %mul3A_824, %mul3A_759 : vector<16xf32>
      %mul3A_826 = arith.mulf %add3A_825, %gather3A_16 : vector<16xf32>
      %add3A_827 = arith.addf %mul3A_826, %gather3A_88 : vector<16xf32>
      %swap3A_828 = arith.constant 0 : i32
      %swap3A_829 = arith.constant 0 : i32
      %swap3A_830 = arith.constant 5 : i32
      %swap3A_831 = arith.index_cast %swap3A_828 : i32 to index
      %swap3A_832 = arith.index_cast %shift_right_arithmetic3A_609 : i32 to index
      %swap3A_833 = arith.index_cast %swap3A_829 : i32 to index
      %swap3A_834 = arith.index_cast %swap3A_830 : i32 to index
      %swap3A_835 = arith.index_cast %mul3A_612 : i32 to index
      %swap3A_836 = tpu.vector_load %arg15[%swap3A_831, %swap3A_832, %swap3A_833, %swap3A_834, %swap3A_835] {strides = array<i32>} : memref<2x8x3x8x128xf32, #tpu.memory_space<vmem>>, vector<16xf32>,
      tpu.vector_store %arg15[%swap3A_831, %swap3A_832, %swap3A_833, %swap3A_834, %swap3A_835], %add3A_827 {strides = array<i32>} : memref<2x8x3x8x128xf32, #tpu.memory_space<vmem>>, vector<16xf32>,
      %mul3A_837 = arith.mulf %gather3A_657, %mul3A_756 : vector<16xf32>
      %add3A_838 = arith.addf %mul3A_837, %mul3A_759 : vector<16xf32>
      %mul3A_839 = arith.mulf %add3A_838, %gather3A_19 : vector<16xf32>
      %add3A_840 = arith.addf %mul3A_839, %gather3A_91 : vector<16xf32>
      %swap3A_841 = arith.constant 0 : i32
      %swap3A_842 = arith.constant 0 : i32
      %swap3A_843 = arith.constant 6 : i32
      %swap3A_844 = arith.index_cast %swap3A_841 : i32 to index
      %swap3A_845 = arith.index_cast %shift_right_arithmetic3A_609 : i32 to index
      %swap3A_846 = arith.index_cast %swap3A_842 : i32 to index
      %swap3A_847 = arith.index_cast %swap3A_843 : i32 to index
      %swap3A_848 = arith.index_cast %mul3A_612 : i32 to index
      %swap3A_849 = tpu.vector_load %arg15[%swap3A_844, %swap3A_845, %swap3A_846, %swap3A_847, %swap3A_848] {strides = array<i32>} : memref<2x8x3x8x128xf32, #tpu.memory_space<vmem>>, vector<16xf32>,
      tpu.vector_store %arg15[%swap3A_844, %swap3A_845, %swap3A_846, %swap3A_847, %swap3A_848], %add3A_840 {strides = array<i32>} : memref<2x8x3x8x128xf32, #tpu.memory_space<vmem>>, vector<16xf32>,
      %mul3A_850 = arith.mulf %gather3A_660, %mul3A_756 : vector<16xf32>
      %add3A_851 = arith.addf %mul3A_850, %mul3A_759 : vector<16xf32>
      %mul3A_852 = arith.mulf %add3A_851, %gather3A_22 : vector<16xf32>
      %add3A_853 = arith.addf %mul3A_852, %gather3A_94 : vector<16xf32>
      %swap3A_854 = arith.constant 0 : i32
      %swap3A_855 = arith.constant 0 : i32
      %swap3A_856 = arith.constant 7 : i32
      %swap3A_857 = arith.index_cast %swap3A_854 : i32 to index
      %swap3A_858 = arith.index_cast %shift_right_arithmetic3A_609 : i32 to index
      %swap3A_859 = arith.index_cast %swap3A_855 : i32 to index
      %swap3A_860 = arith.index_cast %swap3A_856 : i32 to index
      %swap3A_861 = arith.index_cast %mul3A_612 : i32 to index
      %swap3A_862 = tpu.vector_load %arg15[%swap3A_857, %swap3A_858, %swap3A_859, %swap3A_860, %swap3A_861] {strides = array<i32>} : memref<2x8x3x8x128xf32, #tpu.memory_space<vmem>>, vector<16xf32>,
      tpu.vector_store %arg15[%swap3A_857, %swap3A_858, %swap3A_859, %swap3A_860, %swap3A_861], %add3A_853 {strides = array<i32>} : memref<2x8x3x8x128xf32, #tpu.memory_space<vmem>>, vector<16xf32>,
      %mul3A_863 = arith.mulf %gather3A_663, %mul3A_756 : vector<16xf32>
      %add3A_864 = arith.addf %mul3A_863, %mul3A_759 : vector<16xf32>
      %mul3A_865 = arith.mulf %add3A_864, %gather3A_25 : vector<16xf32>
      %add3A_866 = arith.addf %mul3A_865, %gather3A_97 : vector<16xf32>
      %swap3A_867 = arith.constant 0 : i32
      %swap3A_868 = arith.constant 1 : i32
      %swap3A_869 = arith.constant 0 : i32
      %swap3A_870 = arith.index_cast %swap3A_867 : i32 to index
      %swap3A_871 = arith.index_cast %shift_right_arithmetic3A_609 : i32 to index
      %swap3A_872 = arith.index_cast %swap3A_868 : i32 to index
      %swap3A_873 = arith.index_cast %swap3A_869 : i32 to index
      %swap3A_874 = arith.index_cast %mul3A_612 : i32 to index
      %swap3A_875 = tpu.vector_load %arg15[%swap3A_870, %swap3A_871, %swap3A_872, %swap3A_873, %swap3A_874] {strides = array<i32>} : memref<2x8x3x8x128xf32, #tpu.memory_space<vmem>>, vector<16xf32>,
      tpu.vector_store %arg15[%swap3A_870, %swap3A_871, %swap3A_872, %swap3A_873, %swap3A_874], %add3A_866 {strides = array<i32>} : memref<2x8x3x8x128xf32, #tpu.memory_space<vmem>>, vector<16xf32>,
      %mul3A_876 = arith.mulf %gather3A_666, %mul3A_756 : vector<16xf32>
      %add3A_877 = arith.addf %mul3A_876, %mul3A_759 : vector<16xf32>
      %mul3A_878 = arith.mulf %add3A_877, %gather3A_28 : vector<16xf32>
      %add3A_879 = arith.addf %mul3A_878, %gather3A_100 : vector<16xf32>
      %swap3A_880 = arith.constant 0 : i32
      %swap3A_881 = arith.constant 1 : i32
      %swap3A_882 = arith.constant 1 : i32
      %swap3A_883 = arith.index_cast %swap3A_880 : i32 to index
      %swap3A_884 = arith.index_cast %shift_right_arithmetic3A_609 : i32 to index
      %swap3A_885 = arith.index_cast %swap3A_881 : i32 to index
      %swap3A_886 = arith.index_cast %swap3A_882 : i32 to index
      %swap3A_887 = arith.index_cast %mul3A_612 : i32 to index
      %swap3A_888 = tpu.vector_load %arg15[%swap3A_883, %swap3A_884, %swap3A_885, %swap3A_886, %swap3A_887] {strides = array<i32>} : memref<2x8x3x8x128xf32, #tpu.memory_space<vmem>>, vector<16xf32>,
      tpu.vector_store %arg15[%swap3A_883, %swap3A_884, %swap3A_885, %swap3A_886, %swap3A_887], %add3A_879 {strides = array<i32>} : memref<2x8x3x8x128xf32, #tpu.memory_space<vmem>>, vector<16xf32>,
      %mul3A_889 = arith.mulf %gather3A_669, %mul3A_756 : vector<16xf32>
      %add3A_890 = arith.addf %mul3A_889, %mul3A_759 : vector<16xf32>
      %mul3A_891 = arith.mulf %add3A_890, %gather3A_31 : vector<16xf32>
      %add3A_892 = arith.addf %mul3A_891, %gather3A_103 : vector<16xf32>
      %swap3A_893 = arith.constant 0 : i32
      %swap3A_894 = arith.constant 1 : i32
      %swap3A_895 = arith.constant 2 : i32
      %swap3A_896 = arith.index_cast %swap3A_893 : i32 to index
      %swap3A_897 = arith.index_cast %shift_right_arithmetic3A_609 : i32 to index
      %swap3A_898 = arith.index_cast %swap3A_894 : i32 to index
      %swap3A_899 = arith.index_cast %swap3A_895 : i32 to index
      %swap3A_900 = arith.index_cast %mul3A_612 : i32 to index
      %swap3A_901 = tpu.vector_load %arg15[%swap3A_896, %swap3A_897, %swap3A_898, %swap3A_899, %swap3A_900] {strides = array<i32>} : memref<2x8x3x8x128xf32, #tpu.memory_space<vmem>>, vector<16xf32>,
      tpu.vector_store %arg15[%swap3A_896, %swap3A_897, %swap3A_898, %swap3A_899, %swap3A_900], %add3A_892 {strides = array<i32>} : memref<2x8x3x8x128xf32, #tpu.memory_space<vmem>>, vector<16xf32>,
      %mul3A_902 = arith.mulf %gather3A_672, %mul3A_756 : vector<16xf32>
      %add3A_903 = arith.addf %mul3A_902, %mul3A_759 : vector<16xf32>
      %mul3A_904 = arith.mulf %add3A_903, %gather3A_34 : vector<16xf32>
      %add3A_905 = arith.addf %mul3A_904, %gather3A_106 : vector<16xf32>
      %swap3A_906 = arith.constant 0 : i32
      %swap3A_907 = arith.constant 1 : i32
      %swap3A_908 = arith.constant 3 : i32
      %swap3A_909 = arith.index_cast %swap3A_906 : i32 to index
      %swap3A_910 = arith.index_cast %shift_right_arithmetic3A_609 : i32 to index
      %swap3A_911 = arith.index_cast %swap3A_907 : i32 to index
      %swap3A_912 = arith.index_cast %swap3A_908 : i32 to index
      %swap3A_913 = arith.index_cast %mul3A_612 : i32 to index
      %swap3A_914 = tpu.vector_load %arg15[%swap3A_909, %swap3A_910, %swap3A_911, %swap3A_912, %swap3A_913] {strides = array<i32>} : memref<2x8x3x8x128xf32, #tpu.memory_space<vmem>>, vector<16xf32>,
      tpu.vector_store %arg15[%swap3A_909, %swap3A_910, %swap3A_911, %swap3A_912, %swap3A_913], %add3A_905 {strides = array<i32>} : memref<2x8x3x8x128xf32, #tpu.memory_space<vmem>>, vector<16xf32>,
      %mul3A_915 = arith.mulf %gather3A_675, %mul3A_756 : vector<16xf32>
      %add3A_916 = arith.addf %mul3A_915, %mul3A_759 : vector<16xf32>
      %mul3A_917 = arith.mulf %add3A_916, %gather3A_37 : vector<16xf32>
      %add3A_918 = arith.addf %mul3A_917, %gather3A_109 : vector<16xf32>
      %swap3A_919 = arith.constant 0 : i32
      %swap3A_920 = arith.constant 1 : i32
      %swap3A_921 = arith.constant 4 : i32
      %swap3A_922 = arith.index_cast %swap3A_919 : i32 to index
      %swap3A_923 = arith.index_cast %shift_right_arithmetic3A_609 : i32 to index
      %swap3A_924 = arith.index_cast %swap3A_920 : i32 to index
      %swap3A_925 = arith.index_cast %swap3A_921 : i32 to index
      %swap3A_926 = arith.index_cast %mul3A_612 : i32 to index
      %swap3A_927 = tpu.vector_load %arg15[%swap3A_922, %swap3A_923, %swap3A_924, %swap3A_925, %swap3A_926] {strides = array<i32>} : memref<2x8x3x8x128xf32, #tpu.memory_space<vmem>>, vector<16xf32>,
      tpu.vector_store %arg15[%swap3A_922, %swap3A_923, %swap3A_924, %swap3A_925, %swap3A_926], %add3A_918 {strides = array<i32>} : memref<2x8x3x8x128xf32, #tpu.memory_space<vmem>>, vector<16xf32>,
      %mul3A_928 = arith.mulf %gather3A_678, %mul3A_756 : vector<16xf32>
      %add3A_929 = arith.addf %mul3A_928, %mul3A_759 : vector<16xf32>
      %mul3A_930 = arith.mulf %add3A_929, %gather3A_40 : vector<16xf32>
      %add3A_931 = arith.addf %mul3A_930, %gather3A_112 : vector<16xf32>
      %swap3A_932 = arith.constant 0 : i32
      %swap3A_933 = arith.constant 1 : i32
      %swap3A_934 = arith.constant 5 : i32
      %swap3A_935 = arith.index_cast %swap3A_932 : i32 to index
      %swap3A_936 = arith.index_cast %shift_right_arithmetic3A_609 : i32 to index
      %swap3A_937 = arith.index_cast %swap3A_933 : i32 to index
      %swap3A_938 = arith.index_cast %swap3A_934 : i32 to index
      %swap3A_939 = arith.index_cast %mul3A_612 : i32 to index
      %swap3A_940 = tpu.vector_load %arg15[%swap3A_935, %swap3A_936, %swap3A_937, %swap3A_938, %swap3A_939] {strides = array<i32>} : memref<2x8x3x8x128xf32, #tpu.memory_space<vmem>>, vector<16xf32>,
      tpu.vector_store %arg15[%swap3A_935, %swap3A_936, %swap3A_937, %swap3A_938, %swap3A_939], %add3A_931 {strides = array<i32>} : memref<2x8x3x8x128xf32, #tpu.memory_space<vmem>>, vector<16xf32>,
      %mul3A_941 = arith.mulf %gather3A_681, %mul3A_756 : vector<16xf32>
      %add3A_942 = arith.addf %mul3A_941, %mul3A_759 : vector<16xf32>
      %mul3A_943 = arith.mulf %add3A_942, %gather3A_43 : vector<16xf32>
      %add3A_944 = arith.addf %mul3A_943, %gather3A_115 : vector<16xf32>
      %swap3A_945 = arith.constant 0 : i32
      %swap3A_946 = arith.constant 1 : i32
      %swap3A_947 = arith.constant 6 : i32
      %swap3A_948 = arith.index_cast %swap3A_945 : i32 to index
      %swap3A_949 = arith.index_cast %shift_right_arithmetic3A_609 : i32 to index
      %swap3A_950 = arith.index_cast %swap3A_946 : i32 to index
      %swap3A_951 = arith.index_cast %swap3A_947 : i32 to index
      %swap3A_952 = arith.index_cast %mul3A_612 : i32 to index
      %swap3A_953 = tpu.vector_load %arg15[%swap3A_948, %swap3A_949, %swap3A_950, %swap3A_951, %swap3A_952] {strides = array<i32>} : memref<2x8x3x8x128xf32, #tpu.memory_space<vmem>>, vector<16xf32>,
      tpu.vector_store %arg15[%swap3A_948, %swap3A_949, %swap3A_950, %swap3A_951, %swap3A_952], %add3A_944 {strides = array<i32>} : memref<2x8x3x8x128xf32, #tpu.memory_space<vmem>>, vector<16xf32>,
      %mul3A_954 = arith.mulf %gather3A_684, %mul3A_756 : vector<16xf32>
      %add3A_955 = arith.addf %mul3A_954, %mul3A_759 : vector<16xf32>
      %mul3A_956 = arith.mulf %add3A_955, %gather3A_46 : vector<16xf32>
      %add3A_957 = arith.addf %mul3A_956, %gather3A_118 : vector<16xf32>
      %swap3A_958 = arith.constant 0 : i32
      %swap3A_959 = arith.constant 1 : i32
      %swap3A_960 = arith.constant 7 : i32
      %swap3A_961 = arith.index_cast %swap3A_958 : i32 to index
      %swap3A_962 = arith.index_cast %shift_right_arithmetic3A_609 : i32 to index
      %swap3A_963 = arith.index_cast %swap3A_959 : i32 to index
      %swap3A_964 = arith.index_cast %swap3A_960 : i32 to index
      %swap3A_965 = arith.index_cast %mul3A_612 : i32 to index
      %swap3A_966 = tpu.vector_load %arg15[%swap3A_961, %swap3A_962, %swap3A_963, %swap3A_964, %swap3A_965] {strides = array<i32>} : memref<2x8x3x8x128xf32, #tpu.memory_space<vmem>>, vector<16xf32>,
      tpu.vector_store %arg15[%swap3A_961, %swap3A_962, %swap3A_963, %swap3A_964, %swap3A_965], %add3A_957 {strides = array<i32>} : memref<2x8x3x8x128xf32, #tpu.memory_space<vmem>>, vector<16xf32>,
      %mul3A_967 = arith.mulf %gather3A_687, %mul3A_756 : vector<16xf32>
      %add3A_968 = arith.addf %mul3A_967, %mul3A_759 : vector<16xf32>
      %mul3A_969 = arith.mulf %add3A_968, %gather3A_49 : vector<16xf32>
      %add3A_970 = arith.addf %mul3A_969, %gather3A_121 : vector<16xf32>
      %swap3A_971 = arith.constant 0 : i32
      %swap3A_972 = arith.constant 2 : i32
      %swap3A_973 = arith.constant 0 : i32
      %swap3A_974 = arith.index_cast %swap3A_971 : i32 to index
      %swap3A_975 = arith.index_cast %shift_right_arithmetic3A_609 : i32 to index
      %swap3A_976 = arith.index_cast %swap3A_972 : i32 to index
      %swap3A_977 = arith.index_cast %swap3A_973 : i32 to index
      %swap3A_978 = arith.index_cast %mul3A_612 : i32 to index
      %swap3A_979 = tpu.vector_load %arg15[%swap3A_974, %swap3A_975, %swap3A_976, %swap3A_977, %swap3A_978] {strides = array<i32>} : memref<2x8x3x8x128xf32, #tpu.memory_space<vmem>>, vector<16xf32>,
      tpu.vector_store %arg15[%swap3A_974, %swap3A_975, %swap3A_976, %swap3A_977, %swap3A_978], %add3A_970 {strides = array<i32>} : memref<2x8x3x8x128xf32, #tpu.memory_space<vmem>>, vector<16xf32>,
      %mul3A_980 = arith.mulf %gather3A_690, %mul3A_756 : vector<16xf32>
      %add3A_981 = arith.addf %mul3A_980, %mul3A_759 : vector<16xf32>
      %mul3A_982 = arith.mulf %add3A_981, %gather3A_52 : vector<16xf32>
      %add3A_983 = arith.addf %mul3A_982, %gather3A_124 : vector<16xf32>
      %swap3A_984 = arith.constant 0 : i32
      %swap3A_985 = arith.constant 2 : i32
      %swap3A_986 = arith.constant 1 : i32
      %swap3A_987 = arith.index_cast %swap3A_984 : i32 to index
      %swap3A_988 = arith.index_cast %shift_right_arithmetic3A_609 : i32 to index
      %swap3A_989 = arith.index_cast %swap3A_985 : i32 to index
      %swap3A_990 = arith.index_cast %swap3A_986 : i32 to index
      %swap3A_991 = arith.index_cast %mul3A_612 : i32 to index
      %swap3A_992 = tpu.vector_load %arg15[%swap3A_987, %swap3A_988, %swap3A_989, %swap3A_990, %swap3A_991] {strides = array<i32>} : memref<2x8x3x8x128xf32, #tpu.memory_space<vmem>>, vector<16xf32>,
      tpu.vector_store %arg15[%swap3A_987, %swap3A_988, %swap3A_989, %swap3A_990, %swap3A_991], %add3A_983 {strides = array<i32>} : memref<2x8x3x8x128xf32, #tpu.memory_space<vmem>>, vector<16xf32>,
      %mul3A_993 = arith.mulf %gather3A_693, %mul3A_756 : vector<16xf32>
      %add3A_994 = arith.addf %mul3A_993, %mul3A_759 : vector<16xf32>
      %mul3A_995 = arith.mulf %add3A_994, %gather3A_55 : vector<16xf32>
      %add3A_996 = arith.addf %mul3A_995, %gather3A_127 : vector<16xf32>
      %swap3A_997 = arith.constant 0 : i32
      %swap3A_998 = arith.constant 2 : i32
      %swap3A_999 = arith.constant 2 : i32
      %swap3A_1000 = arith.index_cast %swap3A_997 : i32 to index
      %swap3A_1001 = arith.index_cast %shift_right_arithmetic3A_609 : i32 to index
      %swap3A_1002 = arith.index_cast %swap3A_998 : i32 to index
      %swap3A_1003 = arith.index_cast %swap3A_999 : i32 to index
      %swap3A_1004 = arith.index_cast %mul3A_612 : i32 to index
      %swap3A_1005 = tpu.vector_load %arg15[%swap3A_1000, %swap3A_1001, %swap3A_1002, %swap3A_1003, %swap3A_1004] {strides = array<i32>} : memref<2x8x3x8x128xf32, #tpu.memory_space<vmem>>, vector<16xf32>,
      tpu.vector_store %arg15[%swap3A_1000, %swap3A_1001, %swap3A_1002, %swap3A_1003, %swap3A_1004], %add3A_996 {strides = array<i32>} : memref<2x8x3x8x128xf32, #tpu.memory_space<vmem>>, vector<16xf32>,
      %mul3A_1006 = arith.mulf %gather3A_696, %mul3A_756 : vector<16xf32>
      %add3A_1007 = arith.addf %mul3A_1006, %mul3A_759 : vector<16xf32>
      %mul3A_1008 = arith.mulf %add3A_1007, %gather3A_58 : vector<16xf32>
      %add3A_1009 = arith.addf %mul3A_1008, %gather3A_130 : vector<16xf32>
      %swap3A_1010 = arith.constant 0 : i32
      %swap3A_1011 = arith.constant 2 : i32
      %swap3A_1012 = arith.constant 3 : i32
      %swap3A_1013 = arith.index_cast %swap3A_1010 : i32 to index
      %swap3A_1014 = arith.index_cast %shift_right_arithmetic3A_609 : i32 to index
      %swap3A_1015 = arith.index_cast %swap3A_1011 : i32 to index
      %swap3A_1016 = arith.index_cast %swap3A_1012 : i32 to index
      %swap3A_1017 = arith.index_cast %mul3A_612 : i32 to index
      %swap3A_1018 = tpu.vector_load %arg15[%swap3A_1013, %swap3A_1014, %swap3A_1015, %swap3A_1016, %swap3A_1017] {strides = array<i32>} : memref<2x8x3x8x128xf32, #tpu.memory_space<vmem>>, vector<16xf32>,
      tpu.vector_store %arg15[%swap3A_1013, %swap3A_1014, %swap3A_1015, %swap3A_1016, %swap3A_1017], %add3A_1009 {strides = array<i32>} : memref<2x8x3x8x128xf32, #tpu.memory_space<vmem>>, vector<16xf32>,
      %mul3A_1019 = arith.mulf %gather3A_699, %mul3A_756 : vector<16xf32>
      %add3A_1020 = arith.addf %mul3A_1019, %mul3A_759 : vector<16xf32>
      %mul3A_1021 = arith.mulf %add3A_1020, %gather3A_61 : vector<16xf32>
      %add3A_1022 = arith.addf %mul3A_1021, %gather3A_133 : vector<16xf32>
      %swap3A_1023 = arith.constant 0 : i32
      %swap3A_1024 = arith.constant 2 : i32
      %swap3A_1025 = arith.constant 4 : i32
      %swap3A_1026 = arith.index_cast %swap3A_1023 : i32 to index
      %swap3A_1027 = arith.index_cast %shift_right_arithmetic3A_609 : i32 to index
      %swap3A_1028 = arith.index_cast %swap3A_1024 : i32 to index
      %swap3A_1029 = arith.index_cast %swap3A_1025 : i32 to index
      %swap3A_1030 = arith.index_cast %mul3A_612 : i32 to index
      %swap3A_1031 = tpu.vector_load %arg15[%swap3A_1026, %swap3A_1027, %swap3A_1028, %swap3A_1029, %swap3A_1030] {strides = array<i32>} : memref<2x8x3x8x128xf32, #tpu.memory_space<vmem>>, vector<16xf32>,
      tpu.vector_store %arg15[%swap3A_1026, %swap3A_1027, %swap3A_1028, %swap3A_1029, %swap3A_1030], %add3A_1022 {strides = array<i32>} : memref<2x8x3x8x128xf32, #tpu.memory_space<vmem>>, vector<16xf32>,
      %mul3A_1032 = arith.mulf %gather3A_702, %mul3A_756 : vector<16xf32>
      %add3A_1033 = arith.addf %mul3A_1032, %mul3A_759 : vector<16xf32>
      %mul3A_1034 = arith.mulf %add3A_1033, %gather3A_64 : vector<16xf32>
      %add3A_1035 = arith.addf %mul3A_1034, %gather3A_136 : vector<16xf32>
      %swap3A_1036 = arith.constant 0 : i32
      %swap3A_1037 = arith.constant 2 : i32
      %swap3A_1038 = arith.constant 5 : i32
      %swap3A_1039 = arith.index_cast %swap3A_1036 : i32 to index
      %swap3A_1040 = arith.index_cast %shift_right_arithmetic3A_609 : i32 to index
      %swap3A_1041 = arith.index_cast %swap3A_1037 : i32 to index
      %swap3A_1042 = arith.index_cast %swap3A_1038 : i32 to index
      %swap3A_1043 = arith.index_cast %mul3A_612 : i32 to index
      %swap3A_1044 = tpu.vector_load %arg15[%swap3A_1039, %swap3A_1040, %swap3A_1041, %swap3A_1042, %swap3A_1043] {strides = array<i32>} : memref<2x8x3x8x128xf32, #tpu.memory_space<vmem>>, vector<16xf32>,
      tpu.vector_store %arg15[%swap3A_1039, %swap3A_1040, %swap3A_1041, %swap3A_1042, %swap3A_1043], %add3A_1035 {strides = array<i32>} : memref<2x8x3x8x128xf32, #tpu.memory_space<vmem>>, vector<16xf32>,
      %mul3A_1045 = arith.mulf %get3A_631, %mul3A_756 : vector<16xf32>
      %add3A_1046 = arith.addf %mul3A_1045, %mul3A_759 : vector<16xf32>
      %mul3A_1047 = arith.mulf %add3A_1046, %gather3A_67 : vector<16xf32>
      %add3A_1048 = arith.addf %mul3A_1047, %gather3A_139 : vector<16xf32>
      %swap3A_1049 = arith.constant 0 : i32
      %swap3A_1050 = arith.constant 2 : i32
      %swap3A_1051 = arith.constant 6 : i32
      %swap3A_1052 = arith.index_cast %swap3A_1049 : i32 to index
      %swap3A_1053 = arith.index_cast %shift_right_arithmetic3A_609 : i32 to index
      %swap3A_1054 = arith.index_cast %swap3A_1050 : i32 to index
      %swap3A_1055 = arith.index_cast %swap3A_1051 : i32 to index
      %swap3A_1056 = arith.index_cast %mul3A_612 : i32 to index
      %swap3A_1057 = tpu.vector_load %arg15[%swap3A_1052, %swap3A_1053, %swap3A_1054, %swap3A_1055, %swap3A_1056] {strides = array<i32>} : memref<2x8x3x8x128xf32, #tpu.memory_space<vmem>>, vector<16xf32>,
      tpu.vector_store %arg15[%swap3A_1052, %swap3A_1053, %swap3A_1054, %swap3A_1055, %swap3A_1056], %add3A_1048 {strides = array<i32>} : memref<2x8x3x8x128xf32, #tpu.memory_space<vmem>>, vector<16xf32>,
      %mul3A_1058 = arith.mulf %get3A_636, %mul3A_756 : vector<16xf32>
      %add3A_1059 = arith.addf %mul3A_1058, %mul3A_759 : vector<16xf32>
      %mul3A_1060 = arith.mulf %add3A_1059, %gather3A_70 : vector<16xf32>
      %add3A_1061 = arith.addf %mul3A_1060, %gather3A_142 : vector<16xf32>
      %swap3A_1062 = arith.constant 0 : i32
      %swap3A_1063 = arith.constant 2 : i32
      %swap3A_1064 = arith.constant 7 : i32
      %swap3A_1065 = arith.index_cast %swap3A_1062 : i32 to index
      %swap3A_1066 = arith.index_cast %shift_right_arithmetic3A_609 : i32 to index
      %swap3A_1067 = arith.index_cast %swap3A_1063 : i32 to index
      %swap3A_1068 = arith.index_cast %swap3A_1064 : i32 to index
      %swap3A_1069 = arith.index_cast %mul3A_612 : i32 to index
      %swap3A_1070 = tpu.vector_load %arg15[%swap3A_1065, %swap3A_1066, %swap3A_1067, %swap3A_1068, %swap3A_1069] {strides = array<i32>} : memref<2x8x3x8x128xf32, #tpu.memory_space<vmem>>, vector<16xf32>,
      tpu.vector_store %arg15[%swap3A_1065, %swap3A_1066, %swap3A_1067, %swap3A_1068, %swap3A_1069], %add3A_1061 {strides = array<i32>} : memref<2x8x3x8x128xf32, #tpu.memory_space<vmem>>, vector<16xf32>,
    }
    %scan3A_400 = arith.constant 64 : i32
    %dma_start3A_401 = arith.constant 0 : i32
    %dma_start3A_402 = arith.constant 0 : i32
    %dma_start3A_403 = arith.constant 0 : i32
    %dma_start3A_404 = arith.constant 0 : i32
    %dma_start3A_405 = arith.constant 0 : i32
    %dma_start3A_406 = arith.constant 0 : i32
    %dma_start3A_407 = tpu.memref_slice %arg15[%dma_start3A_401, %dma_start3A_404, %dma_start3A_402, %dma_start3A_405, %dma_start3A_406] : memref<2x8x3x8x128xf32, #tpu.memory_space<vmem>> -> memref<1x8x1x8x128xf32, #tpu.memory_space<vmem>>
    %dma_start3A_408 = tpu.memref_squeeze %dma_start3A_407 : memref<1x8x1x8x128xf32, #tpu.memory_space<vmem>> -> memref<8x8x128xf32, #tpu.memory_space<vmem>>
    %dma_start3A_409 = arith.constant 192 : i32
    %dma_start3A_410 = arith.constant 0 : i32
    %dma_start3A_411 = arith.constant 0 : i32
    %dma_start3A_412 = tpu.memref_slice %arg8[%dma_start3A_409, %dma_start3A_403, %add3A, %dma_start3A_410, %dma_start3A_411] : memref<200x3x32x8x128xf32, #tpu.memory_space<hbm>> -> memref<8x1x1x8x128xf32, #tpu.memory_space<hbm>>
    %dma_start3A_413 = tpu.memref_squeeze %dma_start3A_412 : memref<8x1x1x8x128xf32, #tpu.memory_space<hbm>> -> memref<8x8x128xf32, #tpu.memory_space<hbm>>
    %dma_start3A_414 = arith.constant 192 : i32
    %dma_start3A_415 = arith.constant 0 : i32
    %dma_start3A_416 = arith.constant 0 : i32
    %dma_start3A_417 = tpu.memref_slice %arg8[%dma_start3A_414, %dma_start3A_403, %add3A, %dma_start3A_415, %dma_start3A_416] : memref<200x3x32x8x128xf32, #tpu.memory_space<hbm>> -> memref<8x1x1x8x128xf32, #tpu.memory_space<hbm>>
    %dma_start3A_418 = tpu.memref_squeeze %dma_start3A_417 : memref<8x1x1x8x128xf32, #tpu.memory_space<hbm>> -> memref<8x8x128xf32, #tpu.memory_space<hbm>>
    %dma_start3A_419 = arith.constant 0 : i32
    %dma_start3A_420 = arith.constant 0 : i32
    %dma_start3A_421 = arith.constant 0 : i32
    %dma_start3A_422 = tpu.memref_slice %arg15[%dma_start3A_401, %dma_start3A_419, %dma_start3A_402, %dma_start3A_420, %dma_start3A_421] : memref<2x8x3x8x128xf32, #tpu.memory_space<vmem>> -> memref<1x8x1x8x128xf32, #tpu.memory_space<vmem>>
    %dma_start3A_423 = tpu.memref_squeeze %dma_start3A_422 : memref<1x8x1x8x128xf32, #tpu.memory_space<vmem>> -> memref<8x8x128xf32, #tpu.memory_space<vmem>>
    tpu.enqueue_dma source(%dma_start3A_423 : memref<8x8x128xf32, #tpu.memory_space<vmem>>) target(%dma_start3A_418 : memref<8x8x128xf32, #tpu.memory_space<hbm>>) target_semaphore(%arg18 : memref<!tpu.dma_semaphore, #tpu.memory_space<semaphore_mem>>)
    %dma_start3A_424 = arith.constant 0 : i32
    %dma_start3A_425 = arith.constant 1 : i32
    %dma_start3A_426 = arith.constant 1 : i32
    %dma_start3A_427 = arith.constant 0 : i32
    %dma_start3A_428 = arith.constant 0 : i32
    %dma_start3A_429 = arith.constant 0 : i32
    %dma_start3A_430 = tpu.memref_slice %arg15[%dma_start3A_424, %dma_start3A_427, %dma_start3A_425, %dma_start3A_428, %dma_start3A_429] : memref<2x8x3x8x128xf32, #tpu.memory_space<vmem>> -> memref<1x8x1x8x128xf32, #tpu.memory_space<vmem>>
    %dma_start3A_431 = tpu.memref_squeeze %dma_start3A_430 : memref<1x8x1x8x128xf32, #tpu.memory_space<vmem>> -> memref<8x8x128xf32, #tpu.memory_space<vmem>>
    %dma_start3A_432 = arith.constant 192 : i32
    %dma_start3A_433 = arith.constant 0 : i32
    %dma_start3A_434 = arith.constant 0 : i32
    %dma_start3A_435 = tpu.memref_slice %arg8[%dma_start3A_432, %dma_start3A_426, %add3A, %dma_start3A_433, %dma_start3A_434] : memref<200x3x32x8x128xf32, #tpu.memory_space<hbm>> -> memref<8x1x1x8x128xf32, #tpu.memory_space<hbm>>
    %dma_start3A_436 = tpu.memref_squeeze %dma_start3A_435 : memref<8x1x1x8x128xf32, #tpu.memory_space<hbm>> -> memref<8x8x128xf32, #tpu.memory_space<hbm>>
    %dma_start3A_437 = arith.constant 192 : i32
    %dma_start3A_438 = arith.constant 0 : i32
    %dma_start3A_439 = arith.constant 0 : i32
    %dma_start3A_440 = tpu.memref_slice %arg8[%dma_start3A_437, %dma_start3A_426, %add3A, %dma_start3A_438, %dma_start3A_439] : memref<200x3x32x8x128xf32, #tpu.memory_space<hbm>> -> memref<8x1x1x8x128xf32, #tpu.memory_space<hbm>>
    %dma_start3A_441 = tpu.memref_squeeze %dma_start3A_440 : memref<8x1x1x8x128xf32, #tpu.memory_space<hbm>> -> memref<8x8x128xf32, #tpu.memory_space<hbm>>
    %dma_start3A_442 = arith.constant 0 : i32
    %dma_start3A_443 = arith.constant 0 : i32
    %dma_start3A_444 = arith.constant 0 : i32
    %dma_start3A_445 = tpu.memref_slice %arg15[%dma_start3A_424, %dma_start3A_442, %dma_start3A_425, %dma_start3A_443, %dma_start3A_444] : memref<2x8x3x8x128xf32, #tpu.memory_space<vmem>> -> memref<1x8x1x8x128xf32, #tpu.memory_space<vmem>>
    %dma_start3A_446 = tpu.memref_squeeze %dma_start3A_445 : memref<1x8x1x8x128xf32, #tpu.memory_space<vmem>> -> memref<8x8x128xf32, #tpu.memory_space<vmem>>
    tpu.enqueue_dma source(%dma_start3A_446 : memref<8x8x128xf32, #tpu.memory_space<vmem>>) target(%dma_start3A_441 : memref<8x8x128xf32, #tpu.memory_space<hbm>>) target_semaphore(%arg18 : memref<!tpu.dma_semaphore, #tpu.memory_space<semaphore_mem>>)
    %dma_start3A_447 = arith.constant 0 : i32
    %dma_start3A_448 = arith.constant 2 : i32
    %dma_start3A_449 = arith.constant 2 : i32
    %dma_start3A_450 = arith.constant 0 : i32
    %dma_start3A_451 = arith.constant 0 : i32
    %dma_start3A_452 = arith.constant 0 : i32
    %dma_start3A_453 = tpu.memref_slice %arg15[%dma_start3A_447, %dma_start3A_450, %dma_start3A_448, %dma_start3A_451, %dma_start3A_452] : memref<2x8x3x8x128xf32, #tpu.memory_space<vmem>> -> memref<1x8x1x8x128xf32, #tpu.memory_space<vmem>>
    %dma_start3A_454 = tpu.memref_squeeze %dma_start3A_453 : memref<1x8x1x8x128xf32, #tpu.memory_space<vmem>> -> memref<8x8x128xf32, #tpu.memory_space<vmem>>
    %dma_start3A_455 = arith.constant 192 : i32
    %dma_start3A_456 = arith.constant 0 : i32
    %dma_start3A_457 = arith.constant 0 : i32
    %dma_start3A_458 = tpu.memref_slice %arg8[%dma_start3A_455, %dma_start3A_449, %add3A, %dma_start3A_456, %dma_start3A_457] : memref<200x3x32x8x128xf32, #tpu.memory_space<hbm>> -> memref<8x1x1x8x128xf32, #tpu.memory_space<hbm>>
    %dma_start3A_459 = tpu.memref_squeeze %dma_start3A_458 : memref<8x1x1x8x128xf32, #tpu.memory_space<hbm>> -> memref<8x8x128xf32, #tpu.memory_space<hbm>>
    %dma_start3A_460 = arith.constant 192 : i32
    %dma_start3A_461 = arith.constant 0 : i32
    %dma_start3A_462 = arith.constant 0 : i32
    %dma_start3A_463 = tpu.memref_slice %arg8[%dma_start3A_460, %dma_start3A_449, %add3A, %dma_start3A_461, %dma_start3A_462] : memref<200x3x32x8x128xf32, #tpu.memory_space<hbm>> -> memref<8x1x1x8x128xf32, #tpu.memory_space<hbm>>
    %dma_start3A_464 = tpu.memref_squeeze %dma_start3A_463 : memref<8x1x1x8x128xf32, #tpu.memory_space<hbm>> -> memref<8x8x128xf32, #tpu.memory_space<hbm>>
    %dma_start3A_465 = arith.constant 0 : i32
    %dma_start3A_466 = arith.constant 0 : i32
    %dma_start3A_467 = arith.constant 0 : i32
    %dma_start3A_468 = tpu.memref_slice %arg15[%dma_start3A_447, %dma_start3A_465, %dma_start3A_448, %dma_start3A_466, %dma_start3A_467] : memref<2x8x3x8x128xf32, #tpu.memory_space<vmem>> -> memref<1x8x1x8x128xf32, #tpu.memory_space<vmem>>
    %dma_start3A_469 = tpu.memref_squeeze %dma_start3A_468 : memref<1x8x1x8x128xf32, #tpu.memory_space<vmem>> -> memref<8x8x128xf32, #tpu.memory_space<vmem>>
    tpu.enqueue_dma source(%dma_start3A_469 : memref<8x8x128xf32, #tpu.memory_space<vmem>>) target(%dma_start3A_464 : memref<8x8x128xf32, #tpu.memory_space<hbm>>) target_semaphore(%arg18 : memref<!tpu.dma_semaphore, #tpu.memory_space<semaphore_mem>>)
    %dma_wait3A_470 = arith.constant 1 : i32
    %dma_wait3A_471 = arith.constant 0 : i32
    %dma_wait3A_472 = arith.constant 0 : i32
    %dma_wait3A_473 = arith.constant 0 : i32
    %dma_wait3A_474 = arith.constant 0 : i32
    %dma_wait3A_475 = arith.constant 0 : i32
    %dma_wait3A_476 = tpu.memref_slice %arg15[%dma_wait3A_470, %dma_wait3A_473, %dma_wait3A_471, %dma_wait3A_474, %dma_wait3A_475] : memref<2x8x3x8x128xf32, #tpu.memory_space<vmem>> -> memref<1x8x1x8x128xf32, #tpu.memory_space<vmem>>
    %dma_wait3A_477 = tpu.memref_squeeze %dma_wait3A_476 : memref<1x8x1x8x128xf32, #tpu.memory_space<vmem>> -> memref<8x8x128xf32, #tpu.memory_space<vmem>>
    %dma_wait3A_478 = arith.constant 184 : i32
    %dma_wait3A_479 = arith.constant 0 : i32
    %dma_wait3A_480 = arith.constant 0 : i32
    %dma_wait3A_481 = tpu.memref_slice %arg8[%dma_wait3A_478, %dma_wait3A_472, %add3A, %dma_wait3A_479, %dma_wait3A_480] : memref<200x3x32x8x128xf32, #tpu.memory_space<hbm>> -> memref<8x1x1x8x128xf32, #tpu.memory_space<hbm>>
    %dma_wait3A_482 = tpu.memref_squeeze %dma_wait3A_481 : memref<8x1x1x8x128xf32, #tpu.memory_space<hbm>> -> memref<8x8x128xf32, #tpu.memory_space<hbm>>
    %dma_wait3A_483 = arith.constant 184 : i32
    %dma_wait3A_484 = arith.constant 0 : i32
    %dma_wait3A_485 = arith.constant 0 : i32
    %dma_wait3A_486 = tpu.memref_slice %arg8[%dma_wait3A_483, %dma_wait3A_472, %add3A, %dma_wait3A_484, %dma_wait3A_485] : memref<200x3x32x8x128xf32, #tpu.memory_space<hbm>> -> memref<8x1x1x8x128xf32, #tpu.memory_space<hbm>>
    %dma_wait3A_487 = tpu.memref_squeeze %dma_wait3A_486 : memref<8x1x1x8x128xf32, #tpu.memory_space<hbm>> -> memref<8x8x128xf32, #tpu.memory_space<hbm>>
    %dma_wait3A_488 = arith.constant 0 : i32
    %dma_wait3A_489 = arith.constant 0 : i32
    %dma_wait3A_490 = arith.constant 0 : i32
    %dma_wait3A_491 = tpu.memref_slice %arg15[%dma_wait3A_470, %dma_wait3A_488, %dma_wait3A_471, %dma_wait3A_489, %dma_wait3A_490] : memref<2x8x3x8x128xf32, #tpu.memory_space<vmem>> -> memref<1x8x1x8x128xf32, #tpu.memory_space<vmem>>
    %dma_wait3A_492 = tpu.memref_squeeze %dma_wait3A_491 : memref<1x8x1x8x128xf32, #tpu.memory_space<vmem>> -> memref<8x8x128xf32, #tpu.memory_space<vmem>>
    tpu.wait_dma2 semaphore(%arg19 : memref<!tpu.dma_semaphore, #tpu.memory_space<semaphore_mem>>) src(%dma_wait3A_492 : memref<8x8x128xf32, #tpu.memory_space<vmem>>) dst(%dma_wait3A_487 : memref<8x8x128xf32, #tpu.memory_space<hbm>>)
    %dma_wait3A_493 = arith.constant 1 : i32
    %dma_wait3A_494 = arith.constant 1 : i32
    %dma_wait3A_495 = arith.constant 1 : i32
    %dma_wait3A_496 = arith.constant 0 : i32
    %dma_wait3A_497 = arith.constant 0 : i32
    %dma_wait3A_498 = arith.constant 0 : i32
    %dma_wait3A_499 = tpu.memref_slice %arg15[%dma_wait3A_493, %dma_wait3A_496, %dma_wait3A_494, %dma_wait3A_497, %dma_wait3A_498] : memref<2x8x3x8x128xf32, #tpu.memory_space<vmem>> -> memref<1x8x1x8x128xf32, #tpu.memory_space<vmem>>
    %dma_wait3A_500 = tpu.memref_squeeze %dma_wait3A_499 : memref<1x8x1x8x128xf32, #tpu.memory_space<vmem>> -> memref<8x8x128xf32, #tpu.memory_space<vmem>>
    %dma_wait3A_501 = arith.constant 184 : i32
    %dma_wait3A_502 = arith.constant 0 : i32
    %dma_wait3A_503 = arith.constant 0 : i32
    %dma_wait3A_504 = tpu.memref_slice %arg8[%dma_wait3A_501, %dma_wait3A_495, %add3A, %dma_wait3A_502, %dma_wait3A_503] : memref<200x3x32x8x128xf32, #tpu.memory_space<hbm>> -> memref<8x1x1x8x128xf32, #tpu.memory_space<hbm>>
    %dma_wait3A_505 = tpu.memref_squeeze %dma_wait3A_504 : memref<8x1x1x8x128xf32, #tpu.memory_space<hbm>> -> memref<8x8x128xf32, #tpu.memory_space<hbm>>
    %dma_wait3A_506 = arith.constant 184 : i32
    %dma_wait3A_507 = arith.constant 0 : i32
    %dma_wait3A_508 = arith.constant 0 : i32
    %dma_wait3A_509 = tpu.memref_slice %arg8[%dma_wait3A_506, %dma_wait3A_495, %add3A, %dma_wait3A_507, %dma_wait3A_508] : memref<200x3x32x8x128xf32, #tpu.memory_space<hbm>> -> memref<8x1x1x8x128xf32, #tpu.memory_space<hbm>>
    %dma_wait3A_510 = tpu.memref_squeeze %dma_wait3A_509 : memref<8x1x1x8x128xf32, #tpu.memory_space<hbm>> -> memref<8x8x128xf32, #tpu.memory_space<hbm>>
    %dma_wait3A_511 = arith.constant 0 : i32
    %dma_wait3A_512 = arith.constant 0 : i32
    %dma_wait3A_513 = arith.constant 0 : i32
    %dma_wait3A_514 = tpu.memref_slice %arg15[%dma_wait3A_493, %dma_wait3A_511, %dma_wait3A_494, %dma_wait3A_512, %dma_wait3A_513] : memref<2x8x3x8x128xf32, #tpu.memory_space<vmem>> -> memref<1x8x1x8x128xf32, #tpu.memory_space<vmem>>
    %dma_wait3A_515 = tpu.memref_squeeze %dma_wait3A_514 : memref<1x8x1x8x128xf32, #tpu.memory_space<vmem>> -> memref<8x8x128xf32, #tpu.memory_space<vmem>>
    tpu.wait_dma2 semaphore(%arg19 : memref<!tpu.dma_semaphore, #tpu.memory_space<semaphore_mem>>) src(%dma_wait3A_515 : memref<8x8x128xf32, #tpu.memory_space<vmem>>) dst(%dma_wait3A_510 : memref<8x8x128xf32, #tpu.memory_space<hbm>>)
    %dma_wait3A_516 = arith.constant 1 : i32
    %dma_wait3A_517 = arith.constant 2 : i32
    %dma_wait3A_518 = arith.constant 2 : i32
    %dma_wait3A_519 = arith.constant 0 : i32
    %dma_wait3A_520 = arith.constant 0 : i32
    %dma_wait3A_521 = arith.constant 0 : i32
    %dma_wait3A_522 = tpu.memref_slice %arg15[%dma_wait3A_516, %dma_wait3A_519, %dma_wait3A_517, %dma_wait3A_520, %dma_wait3A_521] : memref<2x8x3x8x128xf32, #tpu.memory_space<vmem>> -> memref<1x8x1x8x128xf32, #tpu.memory_space<vmem>>
    %dma_wait3A_523 = tpu.memref_squeeze %dma_wait3A_522 : memref<1x8x1x8x128xf32, #tpu.memory_space<vmem>> -> memref<8x8x128xf32, #tpu.memory_space<vmem>>
    %dma_wait3A_524 = arith.constant 184 : i32
    %dma_wait3A_525 = arith.constant 0 : i32
    %dma_wait3A_526 = arith.constant 0 : i32
    %dma_wait3A_527 = tpu.memref_slice %arg8[%dma_wait3A_524, %dma_wait3A_518, %add3A, %dma_wait3A_525, %dma_wait3A_526] : memref<200x3x32x8x128xf32, #tpu.memory_space<hbm>> -> memref<8x1x1x8x128xf32, #tpu.memory_space<hbm>>
    %dma_wait3A_528 = tpu.memref_squeeze %dma_wait3A_527 : memref<8x1x1x8x128xf32, #tpu.memory_space<hbm>> -> memref<8x8x128xf32, #tpu.memory_space<hbm>>
    %dma_wait3A_529 = arith.constant 184 : i32
    %dma_wait3A_530 = arith.constant 0 : i32
    %dma_wait3A_531 = arith.constant 0 : i32
    %dma_wait3A_532 = tpu.memref_slice %arg8[%dma_wait3A_529, %dma_wait3A_518, %add3A, %dma_wait3A_530, %dma_wait3A_531] : memref<200x3x32x8x128xf32, #tpu.memory_space<hbm>> -> memref<8x1x1x8x128xf32, #tpu.memory_space<hbm>>
    %dma_wait3A_533 = tpu.memref_squeeze %dma_wait3A_532 : memref<8x1x1x8x128xf32, #tpu.memory_space<hbm>> -> memref<8x8x128xf32, #tpu.memory_space<hbm>>
    %dma_wait3A_534 = arith.constant 0 : i32
    %dma_wait3A_535 = arith.constant 0 : i32
    %dma_wait3A_536 = arith.constant 0 : i32
    %dma_wait3A_537 = tpu.memref_slice %arg15[%dma_wait3A_516, %dma_wait3A_534, %dma_wait3A_517, %dma_wait3A_535, %dma_wait3A_536] : memref<2x8x3x8x128xf32, #tpu.memory_space<vmem>> -> memref<1x8x1x8x128xf32, #tpu.memory_space<vmem>>
    %dma_wait3A_538 = tpu.memref_squeeze %dma_wait3A_537 : memref<1x8x1x8x128xf32, #tpu.memory_space<vmem>> -> memref<8x8x128xf32, #tpu.memory_space<vmem>>
    tpu.wait_dma2 semaphore(%arg19 : memref<!tpu.dma_semaphore, #tpu.memory_space<semaphore_mem>>) src(%dma_wait3A_538 : memref<8x8x128xf32, #tpu.memory_space<vmem>>) dst(%dma_wait3A_533 : memref<8x8x128xf32, #tpu.memory_space<hbm>>)
    %dma_wait3A_539 = arith.constant 0 : i32
    %dma_wait3A_540 = arith.constant 0 : i32
    %dma_wait3A_541 = arith.constant 0 : i32
    %dma_wait3A_542 = arith.constant 0 : i32
    %dma_wait3A_543 = arith.constant 0 : i32
    %dma_wait3A_544 = arith.constant 0 : i32
    %dma_wait3A_545 = tpu.memref_slice %arg15[%dma_wait3A_539, %dma_wait3A_542, %dma_wait3A_540, %dma_wait3A_543, %dma_wait3A_544] : memref<2x8x3x8x128xf32, #tpu.memory_space<vmem>> -> memref<1x8x1x8x128xf32, #tpu.memory_space<vmem>>
    %dma_wait3A_546 = tpu.memref_squeeze %dma_wait3A_545 : memref<1x8x1x8x128xf32, #tpu.memory_space<vmem>> -> memref<8x8x128xf32, #tpu.memory_space<vmem>>
    %dma_wait3A_547 = arith.constant 192 : i32
    %dma_wait3A_548 = arith.constant 0 : i32
    %dma_wait3A_549 = arith.constant 0 : i32
    %dma_wait3A_550 = tpu.memref_slice %arg8[%dma_wait3A_547, %dma_wait3A_541, %add3A, %dma_wait3A_548, %dma_wait3A_549] : memref<200x3x32x8x128xf32, #tpu.memory_space<hbm>> -> memref<8x1x1x8x128xf32, #tpu.memory_space<hbm>>
    %dma_wait3A_551 = tpu.memref_squeeze %dma_wait3A_550 : memref<8x1x1x8x128xf32, #tpu.memory_space<hbm>> -> memref<8x8x128xf32, #tpu.memory_space<hbm>>
    %dma_wait3A_552 = arith.constant 192 : i32
    %dma_wait3A_553 = arith.constant 0 : i32
    %dma_wait3A_554 = arith.constant 0 : i32
    %dma_wait3A_555 = tpu.memref_slice %arg8[%dma_wait3A_552, %dma_wait3A_541, %add3A, %dma_wait3A_553, %dma_wait3A_554] : memref<200x3x32x8x128xf32, #tpu.memory_space<hbm>> -> memref<8x1x1x8x128xf32, #tpu.memory_space<hbm>>
    %dma_wait3A_556 = tpu.memref_squeeze %dma_wait3A_555 : memref<8x1x1x8x128xf32, #tpu.memory_space<hbm>> -> memref<8x8x128xf32, #tpu.memory_space<hbm>>
    %dma_wait3A_557 = arith.constant 0 : i32
    %dma_wait3A_558 = arith.constant 0 : i32
    %dma_wait3A_559 = arith.constant 0 : i32
    %dma_wait3A_560 = tpu.memref_slice %arg15[%dma_wait3A_539, %dma_wait3A_557, %dma_wait3A_540, %dma_wait3A_558, %dma_wait3A_559] : memref<2x8x3x8x128xf32, #tpu.memory_space<vmem>> -> memref<1x8x1x8x128xf32, #tpu.memory_space<vmem>>
    %dma_wait3A_561 = tpu.memref_squeeze %dma_wait3A_560 : memref<1x8x1x8x128xf32, #tpu.memory_space<vmem>> -> memref<8x8x128xf32, #tpu.memory_space<vmem>>
    tpu.wait_dma2 semaphore(%arg18 : memref<!tpu.dma_semaphore, #tpu.memory_space<semaphore_mem>>) src(%dma_wait3A_561 : memref<8x8x128xf32, #tpu.memory_space<vmem>>) dst(%dma_wait3A_556 : memref<8x8x128xf32, #tpu.memory_space<hbm>>)
    %dma_wait3A_562 = arith.constant 0 : i32
    %dma_wait3A_563 = arith.constant 1 : i32
    %dma_wait3A_564 = arith.constant 1 : i32
    %dma_wait3A_565 = arith.constant 0 : i32
    %dma_wait3A_566 = arith.constant 0 : i32
    %dma_wait3A_567 = arith.constant 0 : i32
    %dma_wait3A_568 = tpu.memref_slice %arg15[%dma_wait3A_562, %dma_wait3A_565, %dma_wait3A_563, %dma_wait3A_566, %dma_wait3A_567] : memref<2x8x3x8x128xf32, #tpu.memory_space<vmem>> -> memref<1x8x1x8x128xf32, #tpu.memory_space<vmem>>
    %dma_wait3A_569 = tpu.memref_squeeze %dma_wait3A_568 : memref<1x8x1x8x128xf32, #tpu.memory_space<vmem>> -> memref<8x8x128xf32, #tpu.memory_space<vmem>>
    %dma_wait3A_570 = arith.constant 192 : i32
    %dma_wait3A_571 = arith.constant 0 : i32
    %dma_wait3A_572 = arith.constant 0 : i32
    %dma_wait3A_573 = tpu.memref_slice %arg8[%dma_wait3A_570, %dma_wait3A_564, %add3A, %dma_wait3A_571, %dma_wait3A_572] : memref<200x3x32x8x128xf32, #tpu.memory_space<hbm>> -> memref<8x1x1x8x128xf32, #tpu.memory_space<hbm>>
    %dma_wait3A_574 = tpu.memref_squeeze %dma_wait3A_573 : memref<8x1x1x8x128xf32, #tpu.memory_space<hbm>> -> memref<8x8x128xf32, #tpu.memory_space<hbm>>
    %dma_wait3A_575 = arith.constant 192 : i32
    %dma_wait3A_576 = arith.constant 0 : i32
    %dma_wait3A_577 = arith.constant 0 : i32
    %dma_wait3A_578 = tpu.memref_slice %arg8[%dma_wait3A_575, %dma_wait3A_564, %add3A, %dma_wait3A_576, %dma_wait3A_577] : memref<200x3x32x8x128xf32, #tpu.memory_space<hbm>> -> memref<8x1x1x8x128xf32, #tpu.memory_space<hbm>>
    %dma_wait3A_579 = tpu.memref_squeeze %dma_wait3A_578 : memref<8x1x1x8x128xf32, #tpu.memory_space<hbm>> -> memref<8x8x128xf32, #tpu.memory_space<hbm>>
    %dma_wait3A_580 = arith.constant 0 : i32
    %dma_wait3A_581 = arith.constant 0 : i32
    %dma_wait3A_582 = arith.constant 0 : i32
    %dma_wait3A_583 = tpu.memref_slice %arg15[%dma_wait3A_562, %dma_wait3A_580, %dma_wait3A_563, %dma_wait3A_581, %dma_wait3A_582] : memref<2x8x3x8x128xf32, #tpu.memory_space<vmem>> -> memref<1x8x1x8x128xf32, #tpu.memory_space<vmem>>
    %dma_wait3A_584 = tpu.memref_squeeze %dma_wait3A_583 : memref<1x8x1x8x128xf32, #tpu.memory_space<vmem>> -> memref<8x8x128xf32, #tpu.memory_space<vmem>>
    tpu.wait_dma2 semaphore(%arg18 : memref<!tpu.dma_semaphore, #tpu.memory_space<semaphore_mem>>) src(%dma_wait3A_584 : memref<8x8x128xf32, #tpu.memory_space<vmem>>) dst(%dma_wait3A_579 : memref<8x8x128xf32, #tpu.memory_space<hbm>>)
    %dma_wait3A_585 = arith.constant 0 : i32
    %dma_wait3A_586 = arith.constant 2 : i32
    %dma_wait3A_587 = arith.constant 2 : i32
    %dma_wait3A_588 = arith.constant 0 : i32
    %dma_wait3A_589 = arith.constant 0 : i32
    %dma_wait3A_590 = arith.constant 0 : i32
    %dma_wait3A_591 = tpu.memref_slice %arg15[%dma_wait3A_585, %dma_wait3A_588, %dma_wait3A_586, %dma_wait3A_589, %dma_wait3A_590] : memref<2x8x3x8x128xf32, #tpu.memory_space<vmem>> -> memref<1x8x1x8x128xf32, #tpu.memory_space<vmem>>
    %dma_wait3A_592 = tpu.memref_squeeze %dma_wait3A_591 : memref<1x8x1x8x128xf32, #tpu.memory_space<vmem>> -> memref<8x8x128xf32, #tpu.memory_space<vmem>>
    %dma_wait3A_593 = arith.constant 192 : i32
    %dma_wait3A_594 = arith.constant 0 : i32
    %dma_wait3A_595 = arith.constant 0 : i32
    %dma_wait3A_596 = tpu.memref_slice %arg8[%dma_wait3A_593, %dma_wait3A_587, %add3A, %dma_wait3A_594, %dma_wait3A_595] : memref<200x3x32x8x128xf32, #tpu.memory_space<hbm>> -> memref<8x1x1x8x128xf32, #tpu.memory_space<hbm>>
    %dma_wait3A_597 = tpu.memref_squeeze %dma_wait3A_596 : memref<8x1x1x8x128xf32, #tpu.memory_space<hbm>> -> memref<8x8x128xf32, #tpu.memory_space<hbm>>
    %dma_wait3A_598 = arith.constant 192 : i32
    %dma_wait3A_599 = arith.constant 0 : i32
    %dma_wait3A_600 = arith.constant 0 : i32
    %dma_wait3A_601 = tpu.memref_slice %arg8[%dma_wait3A_598, %dma_wait3A_587, %add3A, %dma_wait3A_599, %dma_wait3A_600] : memref<200x3x32x8x128xf32, #tpu.memory_space<hbm>> -> memref<8x1x1x8x128xf32, #tpu.memory_space<hbm>>
    %dma_wait3A_602 = tpu.memref_squeeze %dma_wait3A_601 : memref<8x1x1x8x128xf32, #tpu.memory_space<hbm>> -> memref<8x8x128xf32, #tpu.memory_space<hbm>>
    %dma_wait3A_603 = arith.constant 0 : i32
    %dma_wait3A_604 = arith.constant 0 : i32
    %dma_wait3A_605 = arith.constant 0 : i32
    %dma_wait3A_606 = tpu.memref_slice %arg15[%dma_wait3A_585, %dma_wait3A_603, %dma_wait3A_586, %dma_wait3A_604, %dma_wait3A_605] : memref<2x8x3x8x128xf32, #tpu.memory_space<vmem>> -> memref<1x8x1x8x128xf32, #tpu.memory_space<vmem>>
    %dma_wait3A_607 = tpu.memref_squeeze %dma_wait3A_606 : memref<1x8x1x8x128xf32, #tpu.memory_space<vmem>> -> memref<8x8x128xf32, #tpu.memory_space<vmem>>
    tpu.wait_dma2 semaphore(%arg18 : memref<!tpu.dma_semaphore, #tpu.memory_space<semaphore_mem>>) src(%dma_wait3A_607 : memref<8x8x128xf32, #tpu.memory_space<vmem>>) dst(%dma_wait3A_602 : memref<8x8x128xf32, #tpu.memory_space<hbm>>)
    return
  }
}

</mosaic_0001>

<sc_bundles>
// kernel: kernel.3.cloned.1.call-start
scs
__scs_entry_jumppad:
0x0: {  	(pc) =	sbr.rel $0x88, $3  }
0x1: {  	(tag) =	ssettag $0x0;
	lr =	simm.s32 $0x1  }
0x2: {  	[smem:$0x3F97] =	sst lr;
	_ =	strace $0xD0000000  }
0x3: {  	_ = 	snop  }
0x4: {  	_ = 	snop  }
0x5: {  	_ = 	snop  }
0x6: {  	_ = 	snop  }
0x7: {  	_ = 	snop  }
__scs_overlays_trampoline_lowered:
0x8: {  	[smem:$0x3FA6] =	sst s0  }
0x9: {  	[smem:$0x3FA7] =	sst s1  }
0xa: {  	[smem:$0x3FA8] =	sst s2  }
0xb: {  	[smem:$0x3FA9] =	sst s3  }
0xc: {  	[smem:$0x3FAA] =	sst s4  }
0xd: {  	[smem:$0x3FAB] =	sst s5  }
0xe: {  	[smem:$0x3FAC] =	sst s6  }
0xf: {  	[smem:$0x3FAD] =	sst s7  }
0x10: {  	[smem:$0x3FAE] =	sst s8  }
0x11: {  	[smem:$0x3FAF] =	sst s9;
	s0 =	simm.s32 @!p0 $0x0  }
0x12: {  	s1 =	sld [smem:$0x3F95];
	s0 =	simm.s32 @p0 $0x1  }
0x13: {  	[smem:$0x3FB0] =	sst s0;
	s0 =	simm.s32 @!p1 $0x0  }
0x14: {  	s2 =	sld [smem:$0x3F94];
	s0 =	simm.s32 @p1 $0x1  }
0x15: {  	[smem:$0x3FB1] =	sst s0;
	s0 =	simm.s32 @!p2 $0x0  }
0x16: {  	s3 =	sld [smem:$0x3FDB];
	s0 =	simm.s32 @p2 $0x1  }
0x17: {  	s4 =	simm.s32 $0x1BF5;
	[smem:$0x3FB3] =	sst s0  }
0x18: {  	s0 =	sld [smem:$0x3F96];
	_ =	swait.ge [sflag:s4], $0x0  }
0x19: {  	s7 =	sld [smem:$0x3F97]  }
0x1a: {  	s8 =	sadd.s32 $0xFFFFE003, lr  }
0x1b: {  	s9 =	sadd.s32 $0xFFFFFEF7, lr;
	s5 =	simm.s32 $0xFFFFFFFF;
	p2 =	slt.u32 s8, $0xFFFFF086  }
0x1c: {  	p1 =	slt.u32 s9, $0xF7A;
	s5 =	simm.s32 @!p2 $0x0  }
0x1d: {  	s5 =	simm.s32 @p1 $0x1;
	p0 =	seq.s32 s7, s2  }
0x1e: {  	s7 =	smul.u32 @!p0 $0xF7A, s2;
	p2 =	seq.s32 @!p0 s5, $0x0  }
0x1f: {  	s9 =	smul.u32 $0xF7A, s1;
	s8 =	simm.s32 @!p0 $0x1BF5;
	p2 =	por !p2, p0  }
0x20: {  	[sflag:s8] =	ssyncset.s32 @!p0 $0xFFFFF086;
	s6 =	sadd.s32 @!p0 s3, s7;
	s7 =	simm.s32 @!p0 $0x108  }
0x21: {  	s3 =	sadd.s32 s3, s9;
	s6 =	sadd.s32 @!p0 $0x88, s6;
	s7 =	simm.s32 @p2 $0x1082  }
0x22: {  	[simem:s7], [sflag:s8] =	dma.local @!p0 [hbm:s6], $0xF7A  }
0x23: {  	s9 =	sor.u32 $0xD0000000, s2;
	s6 =	simm.s32 $0x108;
	_ =	swait.ge @!p0 [sflag:s8], $0x0  }
0x24: {  	s3 =	sadd.s32 $0x88, s3;
	s6 =	simm.s32 @!p1 $0x1082;
	[sflag:s4] =	ssyncset.s32 $0xFFFFF086  }
0x25: {  	[simem:s6], [sflag:s4] =	dma.local [hbm:s3], $0xF7A  }
0x26: {  	[smem:$0x3F97] =	sst s1;
	(tag) =	ssettag s2;
	_ =	strace s9  }
0x27: {  	s1 =	sld [smem:$0x3FA7]  }
0x28: {  	s2 =	sld [smem:$0x3FA8]  }
0x29: {  	s4 =	sld [smem:$0x3FAA]  }
0x2a: {  	p0 =	seq.s32 s5, $0x0;
	s5 =	sld [smem:$0x3FAB]  }
0x2b: {  	s6 =	sld [smem:$0x3FAC]  }
0x2c: {  	s7 =	sld [smem:$0x3FAD]  }
0x2d: {  	s3 =	simm.s32 $0x108;
	s8 =	sld [smem:$0x3FAE]  }
0x2e: {  	s3 =	simm.s32 @!p0 $0x1082;
	s9 =	sld [smem:$0x3FAF]  }
0x2f: {  	lr =	sadd.s32 s0, s3;
	s0 =	sld [smem:$0x3FA6]  }
0x30: {  	s3 =	sld [smem:$0x3FA9]  }
0x31: {  	[smem:$0x3FB2] =	sst s10  }
0x32: {  	s10 =	sld [smem:$0x3FB0];
	_ =	sdelay $0x3  }
0x33: {  	p0 =	seq.s32 s10, $0x1;
	s10 =	sld [smem:$0x3FB2];
	_ =	sdelay $0x3  }
0x34: {  	[smem:$0x3FB2] =	sst s10  }
0x35: {  	s10 =	sld [smem:$0x3FB1];
	_ =	sdelay $0x3  }
0x36: {  	p1 =	seq.s32 s10, $0x1;
	s10 =	sld [smem:$0x3FB2];
	_ =	sdelay $0x3  }
0x37: {  	[smem:$0x3FB2] =	sst s10  }
0x38: {  	s10 =	sld [smem:$0x3FB3]  }
0x39: {  	_ = 	snop;
	(pc) =	sbr.ind lr, $3  }
0x3a: {  	_ = 	snop  }
0x3b: {  	_ = 	snop  }
0x3c: {  	p2 =	seq.s32 s10, $0x1;
	s10 =	sld [smem:$0x3FB2]  }
0x3d: {  	_ =	shalt  }
0x3e: {  	_ =	shalt  }
0x3f: {  	_ =	shalt  }
0x40: {  	_ =	shalt  }
0x41: {  	_ =	shalt  }
0x42: {  	_ =	shalt  }
0x43: {  	_ =	shalt  }
0x44: {  	_ =	shalt  }
0x45: {  	_ =	shalt  }
0x46: {  	_ =	shalt  }
0x47: {  	_ =	shalt  }
0x48: {  	_ =	shalt  }
0x49: {  	_ =	shalt  }
0x4a: {  	_ =	shalt  }
0x4b: {  	_ =	shalt  }
0x4c: {  	_ =	shalt  }
0x4d: {  	_ =	shalt  }
0x4e: {  	_ =	shalt  }
0x4f: {  	_ =	shalt  }
0x50: {  	_ =	shalt  }
0x51: {  	_ =	shalt  }
0x52: {  	_ =	shalt  }
0x53: {  	_ =	shalt  }
0x54: {  	_ =	shalt  }
0x55: {  	_ =	shalt  }
0x56: {  	_ =	shalt  }
0x57: {  	_ =	shalt  }
0x58: {  	_ =	shalt  }
0x59: {  	_ =	shalt  }
0x5a: {  	_ =	shalt  }
0x5b: {  	_ =	shalt  }
0x5c: {  	_ =	shalt  }
0x5d: {  	_ =	shalt  }
0x5e: {  	_ =	shalt  }
0x5f: {  	_ =	shalt  }
0x60: {  	_ =	shalt  }
0x61: {  	_ =	shalt  }
0x62: {  	_ =	shalt  }
0x63: {  	_ =	shalt  }
0x64: {  	_ =	shalt  }
0x65: {  	_ =	shalt  }
0x66: {  	_ =	shalt  }
0x67: {  	_ =	shalt  }
0x68: {  	_ =	shalt  }
0x69: {  	_ =	shalt  }
0x6a: {  	_ =	shalt  }
0x6b: {  	_ =	shalt  }
0x6c: {  	_ =	shalt  }
0x6d: {  	_ =	shalt  }
0x6e: {  	_ =	shalt  }
0x6f: {  	_ =	shalt  }
0x70: {  	_ =	shalt  }
0x71: {  	_ =	shalt  }
0x72: {  	_ =	shalt  }
0x73: {  	_ =	shalt  }
0x74: {  	_ =	shalt  }
0x75: {  	_ =	shalt  }
0x76: {  	_ =	shalt  }
0x77: {  	_ =	shalt  }
0x78: {  	_ =	shalt  }
0x79: {  	_ =	shalt  }
0x7a: {  	_ =	shalt  }
0x7b: {  	_ =	shalt  }
0x7c: {  	_ =	shalt  }
0x7d: {  	_ =	shalt  }
0x7e: {  	_ =	shalt  }
0x7f: {  	_ =	shalt  }
0x80: {  	_ =	shalt  }
0x81: {  	_ =	shalt  }
0x82: {  	_ =	shalt  }
0x83: {  	_ =	shalt  }
0x84: {  	_ =	shalt  }
0x85: {  	_ =	shalt  }
0x86: {  	_ =	shalt  }
0x87: {  	_ =	shalt  }
.Lfunc_end0:
.L_simem_size_0:
called_computation_lowered:
.L_overlay_start_0:
0x88: {  	s2 =	sld [smem:$0x3FD9]  }
0x89: {  	s3 =	sld [smem:$0x3FFE];
	_ =	sdelay $0x1  }
0x8a: {  	s1 =	srdreg.scid  }
0x8b: {  	s0 =	sand.u32 $0x1, s1  }
0x8c: {  	s17 =	sshll.u32 s0, $0xA;
	s2 =	sadd.s32 s3, s2  }
0x8d: {  	s2 =	sadd.s32 s2, s17  }
0x8e: {  	[smem:$0x3FBE] =	sst s2  }
0x8f: {  	_ = 	snop  }
0x90: {  	s2 =	sld [smem:$0x3FC9]  }
0x91: {  	s18 =	sld [smem:$0x3FC8]  }
0x92: {  	s4 =	sld [smem:$0x3FC7]  }
0x93: {  	s5 =	sld [smem:$0x3FC6]  }
0x94: {  	s6 =	sld [smem:$0x3FC5]  }
0x95: {  	s7 =	sld [smem:$0x3FD0];
	(tm) =	ssettm $0x1  }
0x96: {  	s8 =	sld [smem:$0x3FFB];
	_ =	sdelay $0x3  }
0x97: {  	_ =	strace s8  }
0x98: {  	s8 =	sld [smem:$0x3FFC];
	_ =	sdelay $0x3  }
0x99: {  	_ =	strace s8  }
0x9a: {  	s8 =	sld [smem:$0x3FFD];
	_ =	sdelay $0x3  }
0x9b: {  	_ =	strace s8  }
0x9c: {  	_ =	strace $0x8FFFFFFF  }
0x9d: {  	s19 =	sld [smem:$0x3FDB];
	_ =	sdelay $0x1  }
0x9e: {  	s9 =	simm.s32 $_scs_section_size  }
0x9f: {  	s10 =	simm.s32 $_size__tile_overlayer_lowered;
	s11 =	simm.s32 $_tile_overlayer_lowered  }
0xa0: {  	s22 =	simm.s32 $0x1BFF;
	s21 =	sshll.u32 s11, $0x1;
	s8 =	sadd.s32 s9, s19  }
0xa1: {  	s12 =	simm.s32 $0x0;
	s20 =	sshll.u32 s10, $0x1;
	s10 =	sadd.s32 s21, s8  }
0xa2: {  	[timem:s12], [sflag:s22] =	dma.local [hbm:s10], s20  }
0xa3: {  	_ =	swait.ge [sflag:s22], s20  }
0xa4: {  	s9 =	ssub.s32 $0x0, s20;
	[sflag:s22] =	ssyncset.done $0x0  }
0xa5: {  	[sflag:s22] =	ssyncadd.s32 s9;
	_ =	sdelay $0x1  }
0xa6: {  	s23 =	simm.s32 $0x1B8B  }
0xa7: {  	_ =	swait.ge [sflag:s23], $0x1  }
0xa8: {  	[sflag:s23] =	ssyncset.done $0x0  }
0xa9: {  	s25 =	simm.s32 $0x1B8E;
	s24 =	sld [smem:$0x3FFE];
	[sflag:s23] =	ssyncadd.s32 $0xFFFFFFFF  }
0xaa: {  	s26 =	simm.s32 $execute0_lowered;
	[smem:$0x3FD2] =	sst s25  }
0xab: {  	s10 =	sshll.u32 s26, $0x1;
	_ =	strace $0x80000046;
	[dreg:$0x1] =	wrdreg $0xFFFFFFFF  }
0xac: {  	s28 =	simm.s32 $_size_execute0_lowered;
	s8 =	sadd.s32 s8, s10;
	[dreg:$0x0] =	wrdreg $0x0  }
0xad: {  	s10 =	sshll.u32 s28, $0x1;
	[dreg:$0x2] =	wrdreg s8  }
0xae: {  	[dreg:$0x3] =	wrdreg s10  }
0xaf: {  	[dreg:$0x4] =	wrdreg $0xC0  }
0xb0: {  	_ =	task [dreg:s12], $0x5FFFF  }
0xb1: {  	[dreg:$0x1] =	wrdreg $0xFFFFFFFF  }
0xb2: {  	[dreg:$0x0] =	wrdreg $0x60  }
0xb3: {  	[dreg:$0x2] =	wrdreg s24  }
0xb4: {  	[dreg:$0x3] =	wrdreg s2  }
0xb5: {  	[dreg:$0x4] =	wrdreg s18  }
0xb6: {  	[dreg:$0x5] =	wrdreg s4  }
0xb7: {  	[dreg:$0x6] =	wrdreg s5  }
0xb8: {  	[dreg:$0x7] =	wrdreg s6  }
0xb9: {  	[dreg:$0x8] =	wrdreg s7  }
0xba: {  	[dreg:$0x9] =	wrdreg $0x9  }
0xbb: {  	_ =	task.clear_ibuf [dreg:s12], $0xAFFFF;
	_ =	strace $0x90000046  }
0xbc: {  	s29 =	simm.s32 $0x9;
	_ =	strace $0x80000048  }
0xbd: {  	_ =	swait.ge [sflag:s29], $0x1  }
0xbe: {  	[sflag:s29] =	ssyncadd.s32 $0xFFFFFFFF  }
0xbf: {  	_ =	strace $0x90000048  }
0xc0: {  	_ =	sfence  }
0xc1: {  	s30 =	sld [smem:$0x0];
	_ =	sdelay $0x2  }
0xc2: {  	s31 =	sshll.u32 s1, $0xD;
	s1 =	sshrl.u32 s1, $0x2  }
0xc3: {  	s3 =	sand.u32 $0x4000, s31;
	s1 =	sadd.s32 s1, s30  }
0xc4: {  	s0 =	sor.u32 s3, s0;
	s1 =	sshll.u32 s1, $0x11  }
0xc5: {  	s0 =	sor.u32 s1, s0  }
0xc6: {  	s0 =	sadd.s32 $0x8F2B, s0  }
0xc7: {  	[sflag:s0] =	ssyncadd.remote.s32 $0x1  }
0xc8: {  	_ =	sfence.sel $0xFFFF  }
0xc9: {  	[dreg:$0x0] =	wrdreg $0xFFFFFFFF;
	(pc) =	sbr.abs _section_cstart, $3  }
0xca: {  	[dreg:$0x1] =	wrdreg $0xFFFFFFFF  }
0xcb: {  	_ =	task.clear_ibuf [dreg:s12], $0x2FFFF;
	_ =	strace $0x9FFFFFFF  }
0xcc: {  	(tm) =	ssettm $0x7FFFFFFF  }
0xcd: {  	_ =	shalt  }
tec
execute0_lowered:
.L_overlay_start_1:
0x0: {  	(tag) =	ssettag $0x1  }
0x1: {  	s3 =	rddreg [dreg:$0x1]  }
0x2: {  	s4 =	rddreg [dreg:$0x2]  }
0x3: {  	s5 =	rddreg [dreg:$0x3]  }
0x4: {  	s6 =	rddreg [dreg:$0x4]  }
0x5: {  	s7 =	rddreg [dreg:$0x5]  }
0x6: {  	s8 =	rddreg [dreg:$0x6]  }
0x7: {  	s0 =	srdreg.scid;
	s1 =	stileid.u32  }
0x8: {  	s9 =	simm.s32 $0x0;
	s15 =	simm.s32 $0x100;
	s31 =	simm.s32 $0x400  }
0x9: {  	s11 =	simm.s32 $0x600;
	s28 =	simm.s32 $0x800;
	s29 =	simm.s32 $0x808  }
0xa: {  	s13 =	simm.s32 $0x0;
	s0 =	sand.u32 $0x1, s0;
	s1 =	sshll.u32 s1, $0xB  }
0xb: {  	[smem:$0x7FF] =	sst s9;
	s23 =	sadd.s32 $0x1000, s8;
	s25 =	sadd.s32 $0x2000, s8  }
0xc: {  	s2 =	sshll.u32 s0, $0xA;
	_ =	strace $0x80000047;
	[dreg:$0xf] =	wrdreg s23  }
0xd: {  	s0 =	ssub.s32 $0x2, s0;
	[dreg:$0x10] =	wrdreg s25;
	s23 =	simm.s32 $0x200  }
0xe: {  	s25 =	simm.s32 $0x700;
	s14 =	sor.u32 s2, s1;
	s16 =	sshrl.u32 s0, $0x1  }
0xf: {  	s2 =	sshrl.u32 s14, $0x3;
	s0 =	ssub.s32 s0, s16;
	s22 =	sor.u32 $0x10000, s14  }
0x10: {  	s16 =	simm.s32 $0x940;
	[dreg:$0x8] =	wrdreg s14;
	s17 =	sadd.s32 s3, s2  }
0x11: {  	s18 =	sadd.s32 s4, s2;
	s19 =	sadd.s32 s5, s2;
	s20 =	sadd.s32 s6, s2  }
0x12: {  	s21 =	sadd.s32 s7, s2;
	[dreg:$0xe] =	wrdreg s22;
	s24 =	sadd.s32 s2, s8  }
0x13: {  	s0 =	smax.u32 s0, $0x1;
	s22 =	simm.s32 $0x180;
	[dreg:$0x9] =	wrdreg s17  }
0x14: {  	s2 =	simm.s32 $0x480;
	s6 =	simm.s32 $0x500;
	[dreg:$0xa] =	wrdreg s18  }
0x15: {  	s3 =	simm.s32 $0x818;
	s4 =	simm.s32 $0x820;
	[dreg:$0xb] =	wrdreg s19  }
0x16: {  	s5 =	simm.s32 $0x828;
	s7 =	simm.s32 $0x830;
	[dreg:$0xc] =	wrdreg s20  }
0x17: {  	s8 =	simm.s32 $0x930;
	[dreg:$0xd] =	wrdreg s21;
	s26 =	sadd.s32 $0x240000, s24  }
0x18: {  	s30 =	sadd.s32 $0x241000, s24;
	s1 =	sadd.s32 $0x242000, s24;
	[dreg:$0x14] =	wrdreg s0  }
0x19: {  	s19 =	simm.s32 $0x280;
	s20 =	simm.s32 $0x300;
	s21 =	simm.s32 $0x380  }
0x1a: {  	s0 =	simm.s32 $0x580;
	s24 =	simm.s32 $0x680;
	[dreg:$0x11] =	wrdreg s26  }
0x1b: {  	s17 =	simm.s32 $0x8B0;
	s18 =	simm.s32 $0x938;
	[dreg:$0x12] =	wrdreg s30  }
0x1c: {  	[dreg:$0x13] =	wrdreg s1;
	s26 =	simm.s32 $0x780;
	s1 =	simm.s32 $0x810  }
.LBB2_1:
0x1d: {  	[dreg:$0x15] =	wrdreg s13  }
0x1e: {  	s10 =	rddreg [dreg:$0x0];
	s12 =	simm.s32 $0x5;
	v0 =	vimm.s32 $0x950  }
0x1f: {  	[tilespmem:s9], [sflag:$0x5] =	stream.linear.gather [hbm4b:s10+s9], $0x980, $0x38;
	[tilespmem:$0xF180] =	vst v63  }
0x20: {  	_ =	swait.ge [sflag:s12], $0x980  }
0x21: {  	[sflag:s12] =	ssyncset.done $0x0  }
0x22: {  	[sflag:s12] =	ssyncadd.s32 $0xFFFFF680  }
0x23: {  	v52 =	vimm.s32 $0x951;
	v0 =	vld.idx.msk [tilespmem:v0+s9+$0x0], $0xffff;
	_ =	sdelay $0x4  }
0x24: {  	v53 =	vimm.s32 $0x952;
	[tilespmem:$0x1FDC0] =	vst v0;
	v0 =	vld.idx.msk [tilespmem:v52+s9+$0x0], $0xffff;
	_ =	sdelay $0x4  }
0x25: {  	v57 =	vimm.s32 $0x955;
	[tilespmem:$0x1FDD0] =	vst v0;
	v0 =	vld.idx.msk [tilespmem:v53+s9+$0x0], $0xffff;
	_ =	sdelay $0x4  }
0x26: {  	v59 =	vimm.s32 $0x957;
	[tilespmem:$0x1FDE0] =	vst v0;
	v0 =	vld.idx.msk [tilespmem:v57+s9+$0x0], $0xffff;
	_ =	sdelay $0x4  }
0x27: {  	v60 =	vimm.s32 $0x958;
	[tilespmem:$0x1FDF0] =	vst v0;
	v0 =	vld.idx.msk [tilespmem:v59+s9+$0x0], $0xffff;
	_ =	sdelay $0x4  }
0x28: {  	v61 =	vimm.s32 $0x959;
	[tilespmem:$0x1FE00] =	vst v0;
	v0 =	vld.idx.msk [tilespmem:v60+s9+$0x0], $0xffff;
	_ =	sdelay $0x4  }
0x29: {  	v62 =	vimm.s32 $0x95A;
	[tilespmem:$0x1FE10] =	vst v0;
	v0 =	vld.idx.msk [tilespmem:v61+s9+$0x0], $0xffff;
	_ =	sdelay $0x4  }
0x2a: {  	v63 =	vimm.s32 $0x95B;
	[tilespmem:$0x1FE20] =	vst v0;
	v0 =	vld.idx.msk [tilespmem:v62+s9+$0x0], $0xffff;
	_ =	sdelay $0x4  }
0x2b: {  	v24 =	vimm.s32 $0x95C;
	[tilespmem:$0x1FE30] =	vst v0;
	v0 =	vld.idx.msk [tilespmem:v63+s9+$0x0], $0xffff;
	_ =	sdelay $0x4  }
0x2c: {  	v25 =	vimm.s32 $0x95D;
	[tilespmem:$0x1FE40] =	vst v0;
	v0 =	vld.idx.msk [tilespmem:v24+s9+$0x0], $0xffff;
	_ =	sdelay $0x4  }
0x2d: {  	v26 =	vimm.s32 $0x95E;
	[tilespmem:$0x1FE50] =	vst v0;
	v0 =	vld.idx.msk [tilespmem:v25+s9+$0x0], $0xffff;
	_ =	sdelay $0x4  }
0x2e: {  	v32 =	vimm.s32 $0x95F;
	[tilespmem:$0x1FE60] =	vst v0;
	v0 =	vld.idx.msk [tilespmem:v26+s9+$0x0], $0xffff;
	_ =	sdelay $0x4  }
0x2f: {  	v33 =	vimm.s32 $0x960;
	[tilespmem:$0x1FE70] =	vst v0;
	v0 =	vld.idx.msk [tilespmem:v32+s9+$0x0], $0xffff;
	_ =	sdelay $0x4  }
0x30: {  	v34 =	vimm.s32 $0x961;
	[tilespmem:$0x1FE80] =	vst v0;
	v0 =	vld.idx.msk [tilespmem:v33+s9+$0x0], $0xffff;
	_ =	sdelay $0x4  }
0x31: {  	v35 =	vimm.s32 $0x962;
	[tilespmem:$0x1FE90] =	vst v0;
	v0 =	vld.idx.msk [tilespmem:v34+s9+$0x0], $0xffff;
	_ =	sdelay $0x4  }
0x32: {  	v37 =	vimm.s32 $0x964;
	[tilespmem:$0x1FEA0] =	vst v0;
	v0 =	vld.idx.msk [tilespmem:v35+s9+$0x0], $0xffff;
	_ =	sdelay $0x4  }
0x33: {  	v39 =	vimm.s32 $0x966;
	[tilespmem:$0x1FEB0] =	vst v0;
	v0 =	vld.idx.msk [tilespmem:v37+s9+$0x0], $0xffff;
	_ =	sdelay $0x4  }
0x34: {  	v40 =	vimm.s32 $0x967;
	[tilespmem:$0x1FEC0] =	vst v0;
	v0 =	vld.idx.msk [tilespmem:v39+s9+$0x0], $0xffff;
	_ =	sdelay $0x4  }
0x35: {  	v41 =	vimm.s32 $0x968;
	[tilespmem:$0x1FED0] =	vst v0;
	v0 =	vld.idx.msk [tilespmem:v40+s9+$0x0], $0xffff;
	_ =	sdelay $0x4  }
0x36: {  	v42 =	vimm.s32 $0x969;
	[tilespmem:$0x1FEE0] =	vst v0;
	v0 =	vld.idx.msk [tilespmem:v41+s9+$0x0], $0xffff;
	_ =	sdelay $0x4  }
0x37: {  	v43 =	vimm.s32 $0x96A;
	[tilespmem:$0x1FEF0] =	vst v0;
	v0 =	vld.idx.msk [tilespmem:v42+s9+$0x0], $0xffff;
	_ =	sdelay $0x4  }
0x38: {  	v44 =	vimm.s32 $0x96B;
	[tilespmem:$0x1FF00] =	vst v0;
	v0 =	vld.idx.msk [tilespmem:v43+s9+$0x0], $0xffff;
	_ =	sdelay $0x4  }
0x39: {  	v45 =	vimm.s32 $0x96C;
	[tilespmem:$0x1FF10] =	vst v0;
	v0 =	vld.idx.msk [tilespmem:v44+s9+$0x0], $0xffff;
	_ =	sdelay $0x4  }
0x3a: {  	v46 =	vimm.s32 $0x96D;
	[tilespmem:$0x1FF20] =	vst v0;
	v0 =	vld.idx.msk [tilespmem:v45+s9+$0x0], $0xffff;
	_ =	sdelay $0x2  }
0x3b: {  	v54 =	vimm.s32 $0x953  }
0x3c: {  	v55 =	vimm.s32 $0x954  }
0x3d: {  	v49 =	vimm.s32 $0x970;
	[tilespmem:$0x1FF30] =	vst v0;
	v0 =	vld.idx.msk [tilespmem:v46+s9+$0x0], $0xffff  }
0x3e: {  	v58 =	vimm.s32 $0x956  }
0x3f: {  	v36 =	vimm.s32 $0x963  }
0x40: {  	v38 =	vimm.s32 $0x965;
	v56 =	vld.idx.msk [tilespmem:v54+s9+$0x0], $0xffff  }
0x41: {  	v47 =	vimm.s32 $0x96E;
	v22 =	vld.idx.msk [tilespmem:v55+s9+$0x0], $0xffff  }
0x42: {  	v52 =	vimm.s32 $0x973;
	[tilespmem:$0x1FF40] =	vst v0;
	v0 =	vld.idx.msk [tilespmem:v49+s9+$0x0], $0xffff  }
0x43: {  	v48 =	vimm.s32 $0x96F;
	v6 =	vld.idx.msk [tilespmem:v58+s9+$0x0], $0xffff  }
0x44: {  	v50 =	vimm.s32 $0x971;
	v11 =	vld.idx.msk [tilespmem:v36+s9+$0x0], $0xffff  }
0x45: {  	v51 =	vimm.s32 $0x972;
	v4 =	vld.idx.msk [tilespmem:v38+s9+$0x0], $0xffff  }
0x46: {  	v23 =	vld.idx.msk [tilespmem:v47+s9+$0x0], $0xffff;
	v58 =	vimm.s32 $0x978  }
0x47: {  	v53 =	vimm.s32 $0x974;
	[tilespmem:$0x1FF50] =	vst v0;
	v0 =	vld.idx.msk [tilespmem:v52+s9+$0x0], $0xffff  }
0x48: {  	v8 =	vld.idx.msk [tilespmem:v48+s9+$0x0], $0xffff;
	v57 =	vimm.s32 $0x977  }
0x49: {  	v3 =	vimm.s32 $0x97A;
	v19 =	vld.idx.msk [tilespmem:v50+s9+$0x0], $0xffff  }
0x4a: {  	v16 =	vld.idx.msk [tilespmem:v51+s9+$0x0], $0xffff;
	v59 =	vimm.s32 $0x979  }
0x4b: {  	v18 =	vld.idx.msk [tilespmem:v58+s9+$0x0], $0xffff;
	v61 =	vimm.s32 $0x97D  }
0x4c: {  	v54 =	vimm.s32 $0x975;
	[tilespmem:$0x1FF60] =	vst v0;
	v0 =	vld.idx.msk [tilespmem:v53+s9+$0x0], $0xffff  }
0x4d: {  	v28 =	vld.idx.msk [tilespmem:v57+s9+$0x0], $0xffff;
	v63 =	vimm.s32 $0x97F  }
0x4e: {  	v60 =	vld.idx.msk [tilespmem:v3+s9+$0x0], $0xffff;
	v3 =	vimm.s32 $0x97B  }
0x4f: {  	v31 =	vld.idx.msk [tilespmem:v59+s9+$0x0], $0xffff;
	v62 =	vimm.s32 $0x97E  }
0x50: {  	v5 =	vld.idx.msk [tilespmem:v61+s9+$0x0], $0xffff;
	v32 =	vimm.s32 $0x97C  }
0x51: {  	v55 =	vimm.s32 $0x976;
	[tilespmem:$0x1FF70] =	vst v0;
	v0 =	vld.idx.msk [tilespmem:v54+s9+$0x0], $0xffff  }
0x52: {  	v7 =	vld.idx.msk [tilespmem:v63+s9+$0x0], $0xffff  }
0x53: {  	[tilespmem:$0x1FFC0] =	vst v16;
	v12 =	vld.idx.msk [tilespmem:v3+s9+$0x0], $0xffff  }
0x54: {  	[tilespmem:$0x1FFA0] =	vst v60;
	v26 =	vld.idx.msk [tilespmem:v62+s9+$0x0], $0xffff  }
0x55: {  	s13 =	rddreg [dreg:$0x9];
	s12 =	simm.s32 $0x980;
	[tilespmem:$0x1FFE0] =	vst v5;
	v25 =	vld.idx.msk [tilespmem:v32+s9+$0x0], $0xffff  }
0x56: {  	[tilespmem:$0x1FF80] =	vst v0;
	v0 =	vld.idx.msk [tilespmem:v55+s9+$0x0], $0xffff;
	[tilespmem:s12], [sflag:$0x1] =	stream.linear.gather [hbm4b:s13+s9], $0x400, $0x38  }
0x57: {  	[tilespmem:$0x1FFD0] =	vst v7;
	s12 =	rddreg [dreg:$0xa];
	s13 =	simm.s32 $0x1180  }
0x58: {  	[tilespmem:s13], [sflag:$0x1] =	stream.linear.gather [hbm4b:s12+s9], $0x400, $0x38;
	[tilespmem:$0xF180] =	vst v63  }
0x59: {  	[tilespmem:$0x1FFB0] =	vst v26;
	s12 =	rddreg [dreg:$0xb];
	s13 =	simm.s32 $0x1980  }
0x5a: {  	[tilespmem:s13], [sflag:$0x1] =	stream.linear.gather [hbm4b:s12+s9], $0x400, $0x38;
	[tilespmem:$0xF180] =	vst v63  }
0x5b: {  	[tilespmem:$0x1FFF0] =	vst v25;
	s12 =	rddreg [dreg:$0xc];
	s13 =	simm.s32 $0x2180  }
0x5c: {  	[tilespmem:s13], [sflag:$0x1] =	stream.linear.gather [hbm4b:s12+s9], $0x400, $0x38;
	[tilespmem:$0xF180] =	vst v63  }
0x5d: {  	s30 =	simm.s32 $0x0;
	[tilespmem:$0x1FF90] =	vst v0;
	s12 =	rddreg [dreg:$0xd];
	s13 =	simm.s32 $0x2980  }
0x5e: {  	[tilespmem:s13], [sflag:$0x1] =	stream.linear.gather [hbm4b:s12+s9], $0x400, $0x38;
	[tilespmem:$0xF180] =	vst v63  }
.LBB2_2:
0x5f: {  	s12 =	simm.s32 $0x1  }
0x60: {  	_ =	swait.ge [sflag:s12], $0x400  }
0x61: {  	[sflag:s12] =	ssyncset.done $0x0  }
0x62: {  	[sflag:s12] =	ssyncadd.s32 $0xFFFFFC00  }
0x63: {  	_ =	swait.ge [sflag:s12], $0x400  }
0x64: {  	[sflag:s12] =	ssyncset.done $0x0  }
0x65: {  	[sflag:s12] =	ssyncadd.s32 $0xFFFFFC00  }
0x66: {  	_ =	swait.ge [sflag:s12], $0x400  }
0x67: {  	[sflag:s12] =	ssyncset.done $0x0  }
0x68: {  	[sflag:s12] =	ssyncadd.s32 $0xFFFFFC00  }
0x69: {  	_ =	swait.ge [sflag:s12], $0x400  }
0x6a: {  	s10 =	sshllo.u32 s30, $0x1;
	[sflag:s12] =	ssyncset.done $0x0  }
0x6b: {  	[dreg:$0x17] =	wrdreg s10;
	[sflag:s12] =	ssyncadd.s32 $0xFFFFFC00  }
0x6c: {  	_ =	swait.ge [sflag:s12], $0x400  }
0x6d: {  	s10 =	sshll.u32 s10, $0xF;
	[sflag:s12] =	ssyncset.done $0x0  }
0x6e: {  	s10 =	sor.u32 s14, s10;
	[sflag:s12] =	ssyncadd.s32 $0xFFFFFC00  }
0x6f: {  	s10 =	sshrl.u32 s10, $0x3;
	s12 =	rddreg [dreg:$0x1]  }
0x70: {  	s13 =	simm.s32 $0xD80;
	s12 =	sadd.s32 s12, s10  }
0x71: {  	[tilespmem:s13], [sflag:$0x2] =	stream.linear.gather [hbm4b:s12+s9], $0x400, $0x38;
	[tilespmem:$0xF180] =	vst v63  }
0x72: {  	s13 =	rddreg [dreg:$0x2]  }
0x73: {  	s14 =	simm.s32 $0x1580;
	s12 =	sadd.s32 s13, s10;
	s13 =	rddreg [dreg:$0x3]  }
0x74: {  	[tilespmem:s14], [sflag:$0x2] =	stream.linear.gather [hbm4b:s12+s9], $0x400, $0x38;
	[tilespmem:$0xF180] =	vst v63  }
0x75: {  	s12 =	sadd.s32 s13, s10;
	s14 =	simm.s32 $0x1D80;
	s13 =	rddreg [dreg:$0x4]  }
0x76: {  	[tilespmem:s14], [sflag:$0x2] =	stream.linear.gather [hbm4b:s12+s9], $0x400, $0x38;
	[tilespmem:$0xF180] =	vst v63  }
0x77: {  	[dreg:$0x16] =	wrdreg s30;
	s12 =	sadd.s32 s13, s10;
	s14 =	simm.s32 $0x2580  }
0x78: {  	[tilespmem:s14], [sflag:$0x2] =	stream.linear.gather [hbm4b:s12+s9], $0x400, $0x38;
	[tilespmem:$0xF180] =	vst v63  }
0x79: {  	p0 =	seq.s32 s30, $0x0;
	s14 =	rddreg [dreg:$0x5]  }
0x7a: {  	s13 =	simm.s32 $0x2D80;
	s12 =	simm.s32 @!p0 $0x3;
	s10 =	sadd.s32 s14, s10  }
0x7b: {  	[tilespmem:s13], [sflag:$0x2] =	stream.linear.gather [hbm4b:s10+s9], $0x400, $0x38;
	[tilespmem:$0xF180] =	vst v63  }
0x7c: {  	_ =	swait.ge @!p0 [sflag:s12], $0x2000  }
0x7d: {  	[sflag:s12] =	ssyncset.done @!p0 $0x0  }
0x7e: {  	[sflag:s12] =	ssyncadd.s32 @!p0 $0xFFFFE000  }
0x7f: {  	_ =	swait.ge @!p0 [sflag:s12], $0x2000  }
0x80: {  	[sflag:s12] =	ssyncset.done @!p0 $0x0  }
0x81: {  	[sflag:s12] =	ssyncadd.s32 @!p0 $0xFFFFE000  }
0x82: {  	_ =	swait.ge @!p0 [sflag:s12], $0x2000  }
0x83: {  	v1 =	vld [tilespmem:$0x1FEC0]  }
0x84: {  	v2 =	vld [tilespmem:$0x1FEA0]  }
0x85: {  	v5 =	vld [tilespmem:$0x1FE10]  }
0x86: {  	s30 =	simm.s32 $0x0;
	v7 =	vld [tilespmem:$0x1FE00]  }
0x87: {  	v30 =	vmov v11;
	s14 =	simm.s32 $0x0;
	s10 =	sand.u32 $0x70, s30;
	[sflag:s12] =	ssyncset.done @!p0 $0x0;
	v11 =	vld [tilespmem:$0x1FEB0]  }
0x88: {  	v26 =	vmov v12;
	s14 =	sor.u32 s10, s14;
	v12 =	vld [tilespmem:$0x1FE20];
	[sflag:s12] =	ssyncadd.s32 @!p0 $0xFFFFE000  }
0x89: {  	v40 =	vld [tilespmem:s14+$0x980]  }
0x8a: {  	v14 =	vld [tilespmem:$0x1FFA0]  }
0x8b: {  	v38 =	vld [tilespmem:s14+$0x1180]  }
0x8c: {  	v36 =	vld [tilespmem:s14+$0x1980]  }
0x8d: {  	v15 =	vld [tilespmem:$0x1FF50]  }
0x8e: {  	v16 =	vld [tilespmem:$0x1FDF0]  }
0x8f: {  	v13 =	vmov v8;
	v8 =	vmov v19;
	v19 =	vld [tilespmem:$0x1FF40]  }
0x90: {  	v20 =	vld [tilespmem:$0x1FE90]  }
0x91: {  	v32 =	vld.idx.msk [tilespmem:v40+s7+$0x0], $0xffff  }
0x92: {  	v33 =	vld.idx.msk [tilespmem:v40+s17+$0x0], $0xffff  }
0x93: {  	v34 =	vld.idx.msk [tilespmem:v38+s8+$0x0], $0xffff  }
0x94: {  	v35 =	vld.idx.msk [tilespmem:v36+s16+$0x0], $0xffff  }
0x95: {  	v39 =	vld.idx.msk [tilespmem:v38+s18+$0x0], $0xffff  }
0x96: {  	v37 =	vld [tilespmem:s14+$0x2180];
	s18 =	simm.s32 $0x948  }
0x97: {  	v41 =	vld.idx.msk [tilespmem:v36+s18+$0x0], $0xffff  }
0x98: {  	v21 =	vld [tilespmem:$0x1FE60];
	v34 =	vadd.f32 v34, v32  }
0x99: {  	v32 =	vld [tilespmem:s14+$0x2980]  }
0x9a: {  	v9 =	vmov v22;
	v22 =	vld [tilespmem:$0x1FE80];
	v33 =	vadd.f32 v39, v33;
	v34 =	vadd.f32 v35, v34  }
0x9b: {  	v24 =	vld [tilespmem:$0x1FF20]  }
0x9c: {  	v25 =	vld [tilespmem:$0x1FE70];
	v58 =	vmul.f32 v37, v37;
	v33 =	vadd.f32 v41, v33;
	v34 =	vadd.f32 v34, v37  }
0x9d: {  	v17 =	vmov v4;
	v27 =	vld [tilespmem:$0x1FF80]  }
0x9e: {  	v4 =	vmovc v28;
	v28 =	vld [tilespmem:$0x1FDE0];
	v33 =	vadd.f32 v33, v58;
	v59 =	vmul.f32 v32, v32;
	v34 =	vadd.f32 v34, v32  }
0x9f: {  	v3 =	vld [tilespmem:$0x1FF10]  }
0xa0: {  	v10 =	vld [tilespmem:$0x1FF70];
	v33 =	vadd.f32 v33, v59;
	v34 =	vmul.f32 $4.166666790e-02, v34  }
0xa1: {  	v42 =	vld.idx.msk [tilespmem:v40+s31+$0x0], $0xffff  }
0xa2: {  	v0 =	vld.idx.msk [tilespmem:v40+s20+$0x0], $0xffff;
	v33 =	vmul.f32 $4.166666790e-02, v33;
	v60 =	vmul.f32 v34, v34  }
0xa3: {  	v44 =	vld.idx.msk [tilespmem:v40+s23+$0x0], $0xffff  }
0xa4: {  	v45 =	vld.idx.msk [tilespmem:v40+s15+$0x0], $0xffff;
	v33 =	vsub.f32 v33, v60  }
0xa5: {  	v46 =	vld.idx.msk [tilespmem:v40+s9+$0x0], $0xffff  }
0xa6: {  	v43 =	vld.idx.msk [tilespmem:v40+s0+$0x0], $0xffff;
	v33 =	vadd.f32 $9.999999740e-06, v33  }
0xa7: {  	v50 =	vld.idx.msk [tilespmem:v40+s22+$0x0], $0xffff  }
0xa8: {  	v54 =	vld.idx.msk [tilespmem:v40+s19+$0x0], $0xffff;
	v61 =	vshra.s32 v33, $0x1;
	v33 =	vmul.f32 $-5.000000000e-01, v33  }
0xa9: {  	v49 =	vld.idx.msk [tilespmem:v40+s21+$0x0], $0xffff;
	v35 =	vsub.s32 $0x5F3759DF, v61  }
0xaa: {  	v48 =	vld.idx.msk [tilespmem:v40+s2+$0x0], $0xffff;
	v33 =	vmul.f32 v35, v33  }
0xab: {  	v39 =	vld.idx.msk [tilespmem:v36+s4+$0x0], $0xffff;
	s14 =	simm.s32 $0x80  }
0xac: {  	v47 =	vld.idx.msk [tilespmem:v40+s14+$0x0], $0xffff;
	v33 =	vmul.f32 v35, v33  }
0xad: {  	v41 =	vld.idx.msk [tilespmem:v40+s6+$0x0], $0xffff  }
0xae: {  	v58 =	vld [tilespmem:$0x1FE40];
	v33 =	vadd.f32 $1.500000000e+00, v33  }
0xaf: {  	v59 =	vld [tilespmem:$0x1FDD0]  }
0xb0: {  	v60 =	vld [tilespmem:$0x1FF00];
	v35 =	vmul.f32 v35, v33  }
0xb1: {  	v62 =	vsub.f32 $0.0e+00, v34;
	v61 =	vld [tilespmem:$0x1FF30]  }
0xb2: {  	v63 =	vmul.f32 v35, v46;
	v46 =	vld.idx.msk [tilespmem:v40+s11+$0x0], $0xffff  }
0xb3: {  	v34 =	vmul.f32 v35, v62;
	v53 =	vmul.f32 v35, v45;
	v45 =	vld.idx.msk [tilespmem:v40+s24+$0x0], $0xffff  }
0xb4: {  	s18 =	simm.s32 $0x0;
	v51 =	vmul.f32 v35, v47;
	v52 =	vmul.f32 v35, v50;
	v47 =	vld.idx.msk [tilespmem:v40+s25+$0x0], $0xffff  }
0xb5: {  	s12 =	smul.u32 $0x3000, s18;
	v50 =	vmul.f32 v35, v54;
	v54 =	vmul.f32 v35, v0;
	v0 =	vmovc v18;
	v18 =	vmov v6;
	v6 =	vld [tilespmem:$0x1FE50]  }
0xb6: {  	v62 =	vld [tilespmem:$0x1FF60]  }
0xb7: {  	v29 =	vmovc v56;
	s18 =	simm.s32 $0x1;
	s12 =	sshra.s32 s12, $0x2;
	v44 =	vmul.f32 v35, v44;
	v33 =	vadd.f32 v34, v63;
	v51 =	vadd.f32 v34, v51;
	v63 =	vld [tilespmem:$0x1FF90]  }
.LBB2_3:
0xb8: {  	v37 =	vmul.f32 v35, v37  }
0xb9: {  	v32 =	vmul.f32 v35, v32;
	v53 =	vadd.f32 v34, v53;
	v52 =	vadd.f32 v34, v52  }
0xba: {  	v54 =	vadd.f32 v34, v54;
	v51 =	vmul.f32 v51, v59;
	v44 =	vadd.f32 v34, v44  }
0xbb: {  	v50 =	vadd.f32 v34, v50;
	v52 =	vmul.f32 v52, v29;
	v53 =	vmul.f32 v53, v28  }
0xbc: {  	v54 =	vmul.f32 v54, v18;
	v44 =	vmul.f32 v44, v9  }
0xbd: {  	v40 =	vld.idx.msk [tilespmem:v40+s26+$0x0], $0xffff;
	v50 =	vmul.f32 v50, v16;
	v49 =	vmul.f32 v35, v49  }
0xbe: {  	v55 =	vld.idx.msk [tilespmem:v38+s28+$0x0], $0xffff;
	v32 =	vadd.f32 v34, v32;
	v42 =	vmul.f32 v35, v42;
	v48 =	vmul.f32 v35, v48  }
0xbf: {  	v56 =	vld.idx.msk [tilespmem:v38+s3+$0x0], $0xffff;
	v51 =	vadd.f32 v51, v60;
	v43 =	vmul.f32 v35, v43;
	v46 =	vmul.f32 v35, v46  }
0xc0: {  	v57 =	vld.idx.msk [tilespmem:v38+s1+$0x0], $0xffff;
	v47 =	vmul.f32 v35, v47;
	v53 =	vadd.f32 v53, v3;
	v44 =	vadd.f32 v44, v61  }
0xc1: {  	v38 =	vld.idx.msk [tilespmem:v38+s29+$0x0], $0xffff;
	v39 =	vmul.f32 v35, v39;
	v54 =	vadd.f32 v54, v23;
	v52 =	vadd.f32 v52, v24  }
0xc2: {  	v40 =	vmul.f32 v35, v40;
	v48 =	vadd.f32 v34, v48;
	v43 =	vadd.f32 v34, v43  }
0xc3: {  	v36 =	vld.idx.msk [tilespmem:v36+s5+$0x0], $0xffff;
	s14 =	sor.u32 s10, s12;
	v55 =	vmul.f32 v35, v55;
	v46 =	vadd.f32 v34, v46;
	v47 =	vadd.f32 v34, v47  }
0xc4: {  	[tilespmem:s14+$0x3200] =	vst v51;
	v42 =	vadd.f32 v34, v42;
	v49 =	vadd.f32 v34, v49;
	v43 =	vmul.f32 v43, v58  }
0xc5: {  	v45 =	vmul.f32 v35, v45;
	v40 =	vadd.f32 v34, v40;
	v55 =	vadd.f32 v34, v55;
	[tilespmem:s14+$0x3280] =	vst v53  }
0xc6: {  	v38 =	vmul.f32 v35, v38;
	v39 =	vadd.f32 v34, v39;
	[tilespmem:s14+$0x3480] =	vst v54;
	v43 =	vadd.f32 v43, v62  }
0xc7: {  	v54 =	vadd.f32 v50, v19;
	[tilespmem:s14+$0x3380] =	vst v44;
	v40 =	vmul.f32 v40, v22;
	v55 =	vmul.f32 v55, v20  }
0xc8: {  	v49 =	vmul.f32 v49, v7;
	v42 =	vmul.f32 v42, v5;
	[tilespmem:s14+$0x3700] =	vst v43;
	v43 =	vadd.f32 v34, v45  }
0xc9: {  	[tilespmem:s14+$0x3300] =	vst v52;
	v40 =	vadd.f32 v40, v4;
	v53 =	vadd.f32 v55, v0;
	v55 =	vmul.f32 v35, v57  }
0xca: {  	v38 =	vadd.f32 v34, v38;
	[tilespmem:s14+$0x3400] =	vst v54;
	v44 =	vadd.f32 v49, v13;
	v43 =	vmul.f32 v43, v21  }
0xcb: {  	v46 =	vmul.f32 v46, v6;
	v54 =	vld [tilespmem:$0x1FE30];
	v42 =	vadd.f32 v42, v15;
	[tilespmem:s14+$0x3900] =	vst v40;
	v40 =	vadd.f32 v34, v55  }
0xcc: {  	v57 =	vmul.f32 v35, v56;
	v56 =	vld [tilespmem:$0x1FFF0];
	v45 =	vmul.f32 v47, v25;
	[tilespmem:s14+$0x3500] =	vst v44;
	v43 =	vadd.f32 v43, v27  }
0xcd: {  	v48 =	vmul.f32 v48, v12;
	v46 =	vadd.f32 v46, v10;
	[tilespmem:s14+$0x3580] =	vst v42;
	v42 =	vld [tilespmem:$0x1FFC0];
	v40 =	vmul.f32 v40, v11  }
0xce: {  	v41 =	vmul.f32 v35, v41;
	v44 =	vld [tilespmem:$0x1FFD0];
	v45 =	vadd.f32 v45, v63;
	[tilespmem:s14+$0x3800] =	vst v43;
	v43 =	vadd.f32 v34, v57  }
0xcf: {  	v51 =	vmul.f32 v38, v2;
	v50 =	vadd.f32 v48, v8;
	[tilespmem:s14+$0x3780] =	vst v46;
	v52 =	vadd.f32 v40, v14;
	v40 =	vld [tilespmem:$0x1FEE0]  }
0xd0: {  	v41 =	vadd.f32 v34, v41;
	v39 =	vmul.f32 v39, v1;
	[tilespmem:s14+$0x3880] =	vst v45;
	v45 =	vld [tilespmem:$0x1FDC0];
	v43 =	vmul.f32 v43, v30  }
0xd1: {  	v36 =	vmul.f32 v35, v36;
	v35 =	vadd.f32 v51, v31;
	[tilespmem:s14+$0x3600] =	vst v50;
	v55 =	vadd.f32 v34, v37;
	v57 =	vld [tilespmem:$0x1FFE0]  }
0xd2: {  	[tilespmem:s14+$0x3980] =	vst v53;
	v41 =	vmul.f32 v41, v54;
	v37 =	vadd.f32 v39, v56;
	v53 =	vadd.f32 v43, v26;
	v43 =	vld [tilespmem:$0x1FED0]  }
0xd3: {  	v36 =	vadd.f32 v34, v36;
	v47 =	vld [tilespmem:$0x1FEF0];
	[tilespmem:s14+$0x3A00] =	vst v35  }
0xd4: {  	v46 =	vld [tilespmem:$0x1FFB0];
	v38 =	vadd.f32 v41, v42;
	[tilespmem:s14+$0x3B80] =	vst v37;
	v32 =	vmul.f32 v32, v40  }
0xd5: {  	v36 =	vmul.f32 v36, v17;
	[tilespmem:s14+$0x3A80] =	vst v52  }
0xd6: {  	[tilespmem:s14+$0x3680] =	vst v38;
	v33 =	vmul.f32 v33, v45;
	v32 =	vadd.f32 v32, v44  }
0xd7: {  	v36 =	vadd.f32 v36, v57;
	[tilespmem:s14+$0x3B00] =	vst v53;
	v34 =	vmul.f32 v55, v43  }
0xd8: {  	s13 =	smov.u32 s18;
	[tilespmem:s14+$0x3D00] =	vst v32;
	v32 =	vadd.f32 v33, v47  }
0xd9: {  	s30 =	sadd.s32 $0x10, s30;
	s25 =	sshrl.u32 s13, $0x3;
	[tilespmem:s14+$0x3C00] =	vst v36;
	v34 =	vadd.f32 v34, v46  }
0xda: {  	s10 =	sand.u32 $0x70, s30;
	s13 =	sshll.u32 s25, $0x7;
	[tilespmem:s14+$0x3180] =	vst v32  }
0xdb: {  	s13 =	sor.u32 s10, s13;
	[tilespmem:s14+$0x3C80] =	vst v34  }
0xdc: {  	v40 =	vld [tilespmem:s13+$0x980];
	_ =	sdelay $0x1  }
0xdd: {  	v38 =	vld [tilespmem:s13+$0x1180]  }
0xde: {  	v36 =	vld [tilespmem:s13+$0x1980];
	_ =	sdelay $0x4  }
0xdf: {  	v48 =	vld.idx.msk [tilespmem:v40+s7+$0x0], $0xffff  }
0xe0: {  	v34 =	vld.idx.msk [tilespmem:v40+s17+$0x0], $0xffff  }
0xe1: {  	v49 =	vld.idx.msk [tilespmem:v38+s8+$0x0], $0xffff  }
0xe2: {  	s12 =	smul.u32 $0x3000, s25;
	s25 =	simm.s32 $0x938;
	v50 =	vld.idx.msk [tilespmem:v36+s16+$0x0], $0xffff  }
0xe3: {  	v51 =	vld.idx.msk [tilespmem:v38+s25+$0x0], $0xffff  }
0xe4: {  	v37 =	vld [tilespmem:s13+$0x2180];
	s25 =	simm.s32 $0x948  }
0xe5: {  	v52 =	vld.idx.msk [tilespmem:v36+s25+$0x0], $0xffff  }
0xe6: {  	v33 =	vadd.f32 v49, v48  }
0xe7: {  	v32 =	vld [tilespmem:s13+$0x2980]  }
0xe8: {  	v34 =	vadd.f32 v51, v34;
	v33 =	vadd.f32 v50, v33;
	_ =	sdelay $0x1  }
0xe9: {  	v53 =	vmul.f32 v37, v37;
	v34 =	vadd.f32 v52, v34;
	v33 =	vadd.f32 v33, v37;
	_ =	sdelay $0x1  }
0xea: {  	v54 =	vmul.f32 v32, v32;
	v34 =	vadd.f32 v34, v53;
	v33 =	vadd.f32 v33, v32;
	_ =	sdelay $0x1  }
0xeb: {  	v34 =	vadd.f32 v34, v54;
	v33 =	vmul.f32 $4.166666790e-02, v33;
	_ =	sdelay $0x1  }
0xec: {  	v34 =	vmul.f32 $4.166666790e-02, v34;
	v55 =	vmul.f32 v33, v33;
	_ =	sdelay $0x1  }
0xed: {  	v34 =	vsub.f32 v34, v55;
	_ =	sdelay $0x1  }
0xee: {  	v34 =	vadd.f32 $9.999999740e-06, v34  }
0xef: {  	v41 =	vld.idx.msk [tilespmem:v40+s6+$0x0], $0xffff  }
0xf0: {  	v42 =	vld.idx.msk [tilespmem:v40+s31+$0x0], $0xffff;
	v56 =	vshra.s32 v34, $0x1;
	v34 =	vmul.f32 $-5.000000000e-01, v34  }
0xf1: {  	v44 =	vld.idx.msk [tilespmem:v40+s23+$0x0], $0xffff;
	v35 =	vsub.s32 $0x5F3759DF, v56  }
0xf2: {  	v47 =	vld.idx.msk [tilespmem:v40+s15+$0x0], $0xffff;
	v34 =	vmul.f32 v35, v34  }
0xf3: {  	v45 =	vld.idx.msk [tilespmem:v40+s9+$0x0], $0xffff  }
0xf4: {  	v39 =	vld.idx.msk [tilespmem:v36+s4+$0x0], $0xffff;
	v34 =	vmul.f32 v35, v34  }
0xf5: {  	s14 =	simm.s32 $0x80;
	v43 =	vld.idx.msk [tilespmem:v40+s0+$0x0], $0xffff  }
0xf6: {  	v50 =	vld.idx.msk [tilespmem:v40+s14+$0x0], $0xffff;
	v34 =	vadd.f32 $1.500000000e+00, v34  }
0xf7: {  	v51 =	vld.idx.msk [tilespmem:v40+s22+$0x0], $0xffff  }
0xf8: {  	v54 =	vld.idx.msk [tilespmem:v40+s20+$0x0], $0xffff;
	v33 =	vsub.f32 $0.0e+00, v33;
	v35 =	vmul.f32 v35, v34  }
0xf9: {  	p1 =	sne.s32 s18, $0x3F;
	v55 =	vld.idx.msk [tilespmem:v40+s19+$0x0], $0xffff  }
.Ltmp0:
0xfa: {  	v46 =	vld.idx.msk [tilespmem:v40+s11+$0x0], $0xffff;
	v34 =	vmul.f32 v35, v33;
	(pc) =	sbr.rel @p1 .LBB2_3-.Ltmp0, $4  }
0xfb: {  	v49 =	vld.idx.msk [tilespmem:v40+s21+$0x0], $0xffff;
	v57 =	vmul.f32 v35, v45;
	v50 =	vmul.f32 v35, v50  }
0xfc: {  	v48 =	vld.idx.msk [tilespmem:v40+s2+$0x0], $0xffff;
	v53 =	vmul.f32 v35, v47;
	v52 =	vmul.f32 v35, v51  }
0xfd: {  	s25 =	simm.s32 $0x700;
	v45 =	vld.idx.msk [tilespmem:v40+s24+$0x0], $0xffff;
	v44 =	vmul.f32 v35, v44;
	v54 =	vmul.f32 v35, v54  }
0xfe: {  	s18 =	sadd.s32 $0x1, s18;
	s12 =	sshra.s32 s12, $0x2;
	v47 =	vld.idx.msk [tilespmem:v40+s25+$0x0], $0xffff;
	v33 =	vadd.f32 v34, v57;
	v51 =	vadd.f32 v34, v50;
	v50 =	vmul.f32 v35, v55  }
0xff: {  	v53 =	vadd.f32 v34, v53  }
0x100: {  	v42 =	vmul.f32 v35, v42;
	v52 =	vadd.f32 v34, v52;
	v41 =	vmul.f32 v35, v41  }
0x101: {  	v43 =	vmul.f32 v35, v43;
	v54 =	vadd.f32 v34, v54;
	v46 =	vmul.f32 v35, v46  }
0x102: {  	v44 =	vadd.f32 v34, v44;
	v39 =	vmul.f32 v35, v39;
	v32 =	vmul.f32 v35, v32  }
0x103: {  	v49 =	vmul.f32 v35, v49;
	v51 =	vmul.f32 v51, v59;
	v50 =	vadd.f32 v34, v50  }
0x104: {  	v40 =	vld.idx.msk [tilespmem:v40+s26+$0x0], $0xffff;
	v48 =	vmul.f32 v35, v48;
	v43 =	vadd.f32 v34, v43;
	v52 =	vmul.f32 v52, v29  }
0x105: {  	v55 =	vld.idx.msk [tilespmem:v38+s28+$0x0], $0xffff;
	v46 =	vadd.f32 v34, v46;
	v53 =	vmul.f32 v53, v28;
	v54 =	vmul.f32 v54, v18  }
0x106: {  	v56 =	vld.idx.msk [tilespmem:v38+s3+$0x0], $0xffff;
	v44 =	vmul.f32 v44, v9;
	v42 =	vadd.f32 v34, v42;
	v39 =	vadd.f32 v34, v39  }
0x107: {  	v57 =	vld.idx.msk [tilespmem:v38+s1+$0x0], $0xffff;
	v32 =	vadd.f32 v34, v32;
	v45 =	vmul.f32 v35, v45;
	v51 =	vadd.f32 v51, v60  }
0x108: {  	v38 =	vld.idx.msk [tilespmem:v38+s29+$0x0], $0xffff;
	v50 =	vmul.f32 v50, v16;
	v48 =	vadd.f32 v34, v48;
	v47 =	vmul.f32 v35, v47  }
0x109: {  	v36 =	vld.idx.msk [tilespmem:v36+s5+$0x0], $0xffff;
	s10 =	sor.u32 s10, s12;
	v43 =	vmul.f32 v43, v58;
	v46 =	vmul.f32 v46, v6;
	v44 =	vadd.f32 v44, v61  }
0x10a: {  	v55 =	vmul.f32 v35, v55;
	[tilespmem:s10+$0x3200] =	vst v51;
	v45 =	vadd.f32 v34, v45;
	v51 =	vadd.f32 v52, v24  }
0x10b: {  	v42 =	vmul.f32 v42, v5;
	v43 =	vadd.f32 v43, v62;
	v47 =	vadd.f32 v34, v47;
	[tilespmem:s10+$0x3380] =	vst v44  }
0x10c: {  	v40 =	vmul.f32 v35, v40;
	v46 =	vadd.f32 v46, v10;
	v55 =	vadd.f32 v34, v55;
	[tilespmem:s10+$0x3300] =	vst v51  }
0x10d: {  	v38 =	vmul.f32 v35, v38;
	[tilespmem:s10+$0x3700] =	vst v43;
	v43 =	vadd.f32 v53, v3;
	v47 =	vmul.f32 v47, v25  }
0x10e: {  	v42 =	vadd.f32 v42, v15;
	v40 =	vadd.f32 v34, v40;
	[tilespmem:s10+$0x3780] =	vst v46;
	v55 =	vmul.f32 v55, v20  }
0x10f: {  	v46 =	vadd.f32 v54, v23;
	[tilespmem:s10+$0x3280] =	vst v43;
	v43 =	vmul.f32 v45, v21;
	v54 =	vadd.f32 v47, v63  }
0x110: {  	[tilespmem:s10+$0x3580] =	vst v42;
	v40 =	vmul.f32 v40, v22;
	v52 =	vadd.f32 v55, v0;
	v55 =	vadd.f32 v34, v49  }
0x111: {  	v56 =	vmul.f32 v35, v56;
	v38 =	vadd.f32 v34, v38;
	v42 =	vld [tilespmem:$0x1FFD0];
	[tilespmem:s10+$0x3480] =	vst v46;
	v43 =	vadd.f32 v43, v27  }
0x112: {  	v40 =	vadd.f32 v40, v4;
	[tilespmem:s10+$0x3880] =	vst v54;
	v54 =	vmul.f32 v35, v57;
	v57 =	vmul.f32 v55, v7;
	v55 =	vld [tilespmem:$0x1FEE0]  }
0x113: {  	v36 =	vmul.f32 v35, v36;
	v53 =	vadd.f32 v50, v19;
	[tilespmem:s10+$0x3800] =	vst v43;
	v43 =	vadd.f32 v34, v56;
	v56 =	vld [tilespmem:$0x1FE30]  }
0x114: {  	v48 =	vmul.f32 v48, v12;
	[tilespmem:s10+$0x3900] =	vst v40;
	v40 =	vadd.f32 v34, v54;
	v54 =	vld [tilespmem:$0x1FFF0];
	v44 =	vadd.f32 v57, v13  }
0x115: {  	v41 =	vadd.f32 v34, v41;
	v50 =	vmul.f32 v38, v2;
	[tilespmem:s10+$0x3400] =	vst v53;
	v57 =	vld [tilespmem:$0x1FFE0];
	v43 =	vmul.f32 v43, v30  }
0x116: {  	v48 =	vadd.f32 v48, v8;
	v49 =	vadd.f32 v34, v36;
	v40 =	vmul.f32 v40, v11;
	[tilespmem:s10+$0x3500] =	vst v44;
	v44 =	vld [tilespmem:$0x1FDC0]  }
0x117: {  	v37 =	vmul.f32 v35, v37;
	v36 =	vadd.f32 v50, v31;
	[tilespmem:s10+$0x3980] =	vst v52;
	v52 =	vadd.f32 v43, v26;
	v43 =	vld [tilespmem:$0x1FFC0]  }
0x118: {  	v39 =	vmul.f32 v39, v1;
	[tilespmem:s10+$0x3600] =	vst v48;
	v51 =	vadd.f32 v40, v14;
	v38 =	vmul.f32 v41, v56;
	v41 =	vld [tilespmem:$0x1FED0]  }
0x119: {  	v46 =	vld [tilespmem:$0x1FEF0];
	v35 =	vmul.f32 v49, v17;
	[tilespmem:s10+$0x3A00] =	vst v36  }
0x11a: {  	v53 =	vadd.f32 v34, v37;
	v45 =	vld [tilespmem:$0x1FFB0];
	v32 =	vmul.f32 v32, v55;
	v37 =	vadd.f32 v39, v54;
	[tilespmem:s10+$0x3A80] =	vst v51  }
0x11b: {  	[tilespmem:s10+$0x3B00] =	vst v52;
	v35 =	vadd.f32 v35, v57  }
0x11c: {  	s3 =	rddreg [dreg:$0x16];
	v32 =	vadd.f32 v32, v42;
	[tilespmem:s10+$0x3B80] =	vst v37;
	v33 =	vmul.f32 v33, v44  }
0x11d: {  	s4 =	smul.u32 $0x180000, s3;
	[tilespmem:s10+$0x3C00] =	vst v35;
	v36 =	vadd.f32 v38, v43;
	v34 =	vmul.f32 v53, v41  }
0x11e: {  	s13 =	rddreg [dreg:$0x8];
	[tilespmem:s10+$0x3D00] =	vst v32;
	v32 =	vadd.f32 v33, v46  }
0x11f: {  	s12 =	sor.u32 s13, s4;
	[tilespmem:s10+$0x3680] =	vst v36;
	v34 =	vadd.f32 v34, v45  }
0x120: {  	s5 =	rddreg [dreg:$0x6];
	s12 =	sshrl.u32 s12, $0x3;
	[tilespmem:s10+$0x3180] =	vst v32  }
0x121: {  	s13 =	simm.s32 $0x3180;
	[tilespmem:s10+$0x3C80] =	vst v34;
	s10 =	sadd.s32 s5, s12  }
0x122: {  	[hbm4b:s10+s9] =	stream.linear.scatter [tilespmem:s13], [sflag:$0x3], $0x400, $0x38;
	[tilespmem:$0xF180] =	vst v63  }
0x123: {  	s26 =	simm.s32 $0x3D80;
	s18 =	sadd.s32 $0x3000, s10  }
0x124: {  	[hbm4b:s18+s9] =	stream.linear.scatter [tilespmem:s26], [sflag:$0x3], $0x400, $0x38;
	[tilespmem:$0xF180] =	vst v63  }
0x125: {  	s5 =	simm.s32 $0x4980;
	s4 =	sadd.s32 $0x6000, s10  }
0x126: {  	[hbm4b:s4+s9] =	stream.linear.scatter [tilespmem:s5], [sflag:$0x3], $0x400, $0x38;
	[tilespmem:$0xF180] =	vst v63  }
0x127: {  	s18 =	sadd.s32 $0x9000, s10;
	s26 =	simm.s32 $0x5580  }
0x128: {  	[hbm4b:s18+s9] =	stream.linear.scatter [tilespmem:s26], [sflag:$0x3], $0x400, $0x38;
	[tilespmem:$0xF180] =	vst v63  }
0x129: {  	s4 =	sadd.s32 $0xC000, s10;
	s5 =	simm.s32 $0x6180  }
0x12a: {  	[hbm4b:s4+s9] =	stream.linear.scatter [tilespmem:s5], [sflag:$0x3], $0x400, $0x38;
	[tilespmem:$0xF180] =	vst v63  }
0x12b: {  	s18 =	sadd.s32 $0xF000, s10;
	s26 =	simm.s32 $0x6D80  }
0x12c: {  	[hbm4b:s18+s9] =	stream.linear.scatter [tilespmem:s26], [sflag:$0x3], $0x400, $0x38;
	[tilespmem:$0xF180] =	vst v63  }
0x12d: {  	s4 =	sadd.s32 $0x12000, s10;
	s5 =	simm.s32 $0x7980  }
0x12e: {  	[hbm4b:s4+s9] =	stream.linear.scatter [tilespmem:s5], [sflag:$0x3], $0x400, $0x38;
	[tilespmem:$0xF180] =	vst v63  }
0x12f: {  	s13 =	simm.s32 $0x8580;
	s10 =	sadd.s32 $0x15000, s10;
	s18 =	rddreg [dreg:$0xf]  }
0x130: {  	[hbm4b:s10+s9] =	stream.linear.scatter [tilespmem:s13], [sflag:$0x3], $0x400, $0x38;
	[tilespmem:$0xF180] =	vst v63  }
0x131: {  	s26 =	simm.s32 $0x3580;
	s10 =	sadd.s32 s12, s18  }
0x132: {  	[hbm4b:s10+s9] =	stream.linear.scatter [tilespmem:s26], [sflag:$0x3], $0x400, $0x38;
	[tilespmem:$0xF180] =	vst v63  }
0x133: {  	s5 =	simm.s32 $0x4180;
	s4 =	sadd.s32 $0x3000, s10  }
0x134: {  	[hbm4b:s4+s9] =	stream.linear.scatter [tilespmem:s5], [sflag:$0x3], $0x400, $0x38;
	[tilespmem:$0xF180] =	vst v63  }
0x135: {  	s18 =	sadd.s32 $0x6000, s10;
	s26 =	simm.s32 $0x4D80  }
0x136: {  	[hbm4b:s18+s9] =	stream.linear.scatter [tilespmem:s26], [sflag:$0x3], $0x400, $0x38;
	[tilespmem:$0xF180] =	vst v63  }
0x137: {  	s4 =	sadd.s32 $0x9000, s10;
	s5 =	simm.s32 $0x5980  }
0x138: {  	[hbm4b:s4+s9] =	stream.linear.scatter [tilespmem:s5], [sflag:$0x3], $0x400, $0x38;
	[tilespmem:$0xF180] =	vst v63  }
0x139: {  	s18 =	sadd.s32 $0xC000, s10;
	s26 =	simm.s32 $0x6580  }
0x13a: {  	[hbm4b:s18+s9] =	stream.linear.scatter [tilespmem:s26], [sflag:$0x3], $0x400, $0x38;
	[tilespmem:$0xF180] =	vst v63  }
0x13b: {  	s4 =	sadd.s32 $0xF000, s10;
	s5 =	simm.s32 $0x7180  }
0x13c: {  	[hbm4b:s4+s9] =	stream.linear.scatter [tilespmem:s5], [sflag:$0x3], $0x400, $0x38;
	[tilespmem:$0xF180] =	vst v63  }
0x13d: {  	s18 =	sadd.s32 $0x12000, s10;
	s26 =	simm.s32 $0x7D80  }
0x13e: {  	[hbm4b:s18+s9] =	stream.linear.scatter [tilespmem:s26], [sflag:$0x3], $0x400, $0x38;
	[tilespmem:$0xF180] =	vst v63  }
0x13f: {  	s10 =	sadd.s32 $0x15000, s10;
	s4 =	simm.s32 $0x8980;
	s5 =	rddreg [dreg:$0x10]  }
0x140: {  	[hbm4b:s10+s9] =	stream.linear.scatter [tilespmem:s4], [sflag:$0x3], $0x400, $0x38;
	[tilespmem:$0xF180] =	vst v63  }
0x141: {  	s10 =	sadd.s32 s12, s5;
	s12 =	simm.s32 $0x3980  }
0x142: {  	[hbm4b:s10+s9] =	stream.linear.scatter [tilespmem:s12], [sflag:$0x3], $0x400, $0x38;
	[tilespmem:$0xF180] =	vst v63  }
0x143: {  	s13 =	simm.s32 $0x4580;
	s12 =	sadd.s32 $0x3000, s10  }
0x144: {  	[hbm4b:s12+s9] =	stream.linear.scatter [tilespmem:s13], [sflag:$0x3], $0x400, $0x38;
	[tilespmem:$0xF180] =	vst v63  }
0x145: {  	s26 =	simm.s32 $0x5180;
	s18 =	sadd.s32 $0x6000, s10  }
0x146: {  	[hbm4b:s18+s9] =	stream.linear.scatter [tilespmem:s26], [sflag:$0x3], $0x400, $0x38;
	[tilespmem:$0xF180] =	vst v63  }
0x147: {  	s4 =	simm.s32 $0x5D80;
	s1 =	sadd.s32 $0x9000, s10  }
0x148: {  	[hbm4b:s1+s9] =	stream.linear.scatter [tilespmem:s4], [sflag:$0x3], $0x400, $0x38;
	[tilespmem:$0xF180] =	vst v63  }
0x149: {  	s5 =	sadd.s32 $0xC000, s10;
	s13 =	simm.s32 $0x6980  }
0x14a: {  	[hbm4b:s5+s9] =	stream.linear.scatter [tilespmem:s13], [sflag:$0x3], $0x400, $0x38;
	[tilespmem:$0xF180] =	vst v63  }
0x14b: {  	s18 =	sadd.s32 $0xF000, s10;
	s26 =	simm.s32 $0x7580  }
0x14c: {  	[hbm4b:s18+s9] =	stream.linear.scatter [tilespmem:s26], [sflag:$0x3], $0x400, $0x38;
	[tilespmem:$0xF180] =	vst v63  }
0x14d: {  	s4 =	sadd.s32 $0x12000, s10;
	s5 =	simm.s32 $0x8180  }
0x14e: {  	[hbm4b:s4+s9] =	stream.linear.scatter [tilespmem:s5], [sflag:$0x3], $0x400, $0x38;
	[tilespmem:$0xF180] =	vst v63  }
0x14f: {  	s12 =	simm.s32 $0x8D80;
	s10 =	sadd.s32 $0x15000, s10;
	s13 =	simm.s32 $0x2  }
0x150: {  	[hbm4b:s10+s9] =	stream.linear.scatter [tilespmem:s12], [sflag:$0x3], $0x400, $0x38;
	[tilespmem:$0xF180] =	vst v63  }
0x151: {  	_ =	swait.ge [sflag:s13], $0x400  }
0x152: {  	[sflag:s13] =	ssyncset.done $0x0  }
0x153: {  	[sflag:s13] =	ssyncadd.s32 $0xFFFFFC00  }
0x154: {  	_ =	swait.ge [sflag:s13], $0x400  }
0x155: {  	[sflag:s13] =	ssyncset.done $0x0  }
0x156: {  	[sflag:s13] =	ssyncadd.s32 $0xFFFFFC00  }
0x157: {  	_ =	swait.ge [sflag:s13], $0x400  }
0x158: {  	[sflag:s13] =	ssyncset.done $0x0  }
0x159: {  	[sflag:s13] =	ssyncadd.s32 $0xFFFFFC00  }
0x15a: {  	_ =	swait.ge [sflag:s13], $0x400  }
0x15b: {  	[sflag:s13] =	ssyncset.done $0x0  }
0x15c: {  	[sflag:s13] =	ssyncadd.s32 $0xFFFFFC00  }
0x15d: {  	_ =	swait.ge [sflag:s13], $0x400  }
0x15e: {  	s18 =	sshll.u32 s3, $0x10;
	s26 =	rddreg [dreg:$0xe];
	[sflag:s13] =	ssyncset.done $0x0  }
0x15f: {  	s10 =	sadd.s32 s26, s18;
	[sflag:s13] =	ssyncadd.s32 $0xFFFFFC00  }
0x160: {  	s10 =	sshrl.u32 s10, $0x3;
	s1 =	rddreg [dreg:$0x1]  }
0x161: {  	s3 =	simm.s32 $0x980;
	s4 =	rddreg [dreg:$0x2];
	s12 =	sadd.s32 s1, s10  }
0x162: {  	[tilespmem:s3], [sflag:$0x1] =	stream.linear.gather [hbm4b:s12+s9], $0x400, $0x38;
	[tilespmem:$0xF180] =	vst v63  }
0x163: {  	s5 =	simm.s32 $0x1180;
	s13 =	rddreg [dreg:$0x3];
	s12 =	sadd.s32 s4, s10  }
0x164: {  	[tilespmem:s5], [sflag:$0x1] =	stream.linear.gather [hbm4b:s12+s9], $0x400, $0x38;
	[tilespmem:$0xF180] =	vst v63  }
0x165: {  	s18 =	simm.s32 $0x1980;
	s26 =	rddreg [dreg:$0x4];
	s12 =	sadd.s32 s13, s10  }
0x166: {  	[tilespmem:s18], [sflag:$0x1] =	stream.linear.gather [hbm4b:s12+s9], $0x400, $0x38;
	[tilespmem:$0xF180] =	vst v63  }
0x167: {  	s1 =	simm.s32 $0x2180;
	s3 =	rddreg [dreg:$0x5];
	s12 =	sadd.s32 s26, s10  }
0x168: {  	[tilespmem:s1], [sflag:$0x1] =	stream.linear.gather [hbm4b:s12+s9], $0x400, $0x38;
	[tilespmem:$0xF180] =	vst v63  }
0x169: {  	s4 =	simm.s32 $0x2980;
	s10 =	sadd.s32 s3, s10;
	s12 =	simm.s32 @!p0 $0x4  }
0x16a: {  	[tilespmem:s4], [sflag:$0x1] =	stream.linear.gather [hbm4b:s10+s9], $0x400, $0x38;
	[tilespmem:$0xF180] =	vst v63  }
0x16b: {  	_ =	swait.ge @!p0 [sflag:s12], $0x2000  }
0x16c: {  	[sflag:s12] =	ssyncset.done @!p0 $0x0  }
0x16d: {  	[sflag:s12] =	ssyncadd.s32 @!p0 $0xFFFFE000  }
0x16e: {  	_ =	swait.ge @!p0 [sflag:s12], $0x2000  }
0x16f: {  	[sflag:s12] =	ssyncset.done @!p0 $0x0  }
0x170: {  	[sflag:s12] =	ssyncadd.s32 @!p0 $0xFFFFE000  }
0x171: {  	s30 =	simm.s32 $0x0;
	_ =	swait.ge @!p0 [sflag:s12], $0x2000  }
0x172: {  	s5 =	simm.s32 $0x0;
	s10 =	sand.u32 $0x70, s30;
	[sflag:s12] =	ssyncset.done @!p0 $0x0  }
0x173: {  	s13 =	sor.u32 s10, s5;
	[sflag:s12] =	ssyncadd.s32 @!p0 $0xFFFFE000  }
0x174: {  	v39 =	vld [tilespmem:s13+$0xD80];
	_ =	sdelay $0x1  }
0x175: {  	v36 =	vld [tilespmem:s13+$0x1580]  }
0x176: {  	v35 =	vld [tilespmem:s13+$0x1D80];
	_ =	sdelay $0x4  }
0x177: {  	v47 =	vld.idx.msk [tilespmem:v39+s7+$0x0], $0xffff  }
0x178: {  	v48 =	vld.idx.msk [tilespmem:v39+s17+$0x0], $0xffff  }
0x179: {  	v49 =	vld.idx.msk [tilespmem:v36+s8+$0x0], $0xffff  }
0x17a: {  	v50 =	vld.idx.msk [tilespmem:v35+s16+$0x0], $0xffff;
	s17 =	simm.s32 $0x938  }
0x17b: {  	v51 =	vld.idx.msk [tilespmem:v36+s17+$0x0], $0xffff  }
0x17c: {  	s18 =	simm.s32 $0x948;
	v37 =	vld [tilespmem:s13+$0x2580]  }
0x17d: {  	v52 =	vld.idx.msk [tilespmem:v35+s18+$0x0], $0xffff  }
0x17e: {  	v34 =	vadd.f32 v49, v47  }
0x17f: {  	v32 =	vld [tilespmem:s13+$0x2D80]  }
0x180: {  	v33 =	vadd.f32 v51, v48;
	v34 =	vadd.f32 v50, v34;
	_ =	sdelay $0x1  }
0x181: {  	v53 =	vmul.f32 v37, v37;
	v33 =	vadd.f32 v52, v33;
	v34 =	vadd.f32 v34, v37;
	_ =	sdelay $0x1  }
0x182: {  	v54 =	vmul.f32 v32, v32;
	v33 =	vadd.f32 v33, v53;
	v34 =	vadd.f32 v34, v32;
	_ =	sdelay $0x1  }
0x183: {  	v33 =	vadd.f32 v33, v54;
	v34 =	vmul.f32 $4.166666790e-02, v34;
	_ =	sdelay $0x1  }
0x184: {  	v33 =	vmul.f32 $4.166666790e-02, v33;
	v55 =	vmul.f32 v34, v34;
	_ =	sdelay $0x1  }
0x185: {  	v33 =	vsub.f32 v33, v55;
	_ =	sdelay $0x1  }
0x186: {  	v33 =	vadd.f32 $9.999999740e-06, v33  }
0x187: {  	v41 =	vld.idx.msk [tilespmem:v39+s6+$0x0], $0xffff  }
0x188: {  	v42 =	vld.idx.msk [tilespmem:v39+s31+$0x0], $0xffff;
	v56 =	vshra.s32 v33, $0x1;
	v33 =	vmul.f32 $-5.000000000e-01, v33  }
0x189: {  	v43 =	vld.idx.msk [tilespmem:v39+s23+$0x0], $0xffff;
	v38 =	vsub.s32 $0x5F3759DF, v56  }
0x18a: {  	v44 =	vld.idx.msk [tilespmem:v39+s15+$0x0], $0xffff;
	v33 =	vmul.f32 v38, v33  }
0x18b: {  	s5 =	simm.s32 $0x820;
	v45 =	vld.idx.msk [tilespmem:v39+s9+$0x0], $0xffff  }
0x18c: {  	v40 =	vld.idx.msk [tilespmem:v35+s5+$0x0], $0xffff;
	v33 =	vmul.f32 v38, v33  }
0x18d: {  	s26 =	simm.s32 $0x0;
	v46 =	vld.idx.msk [tilespmem:v39+s0+$0x0], $0xffff  }
0x18e: {  	s29 =	simm.s32 $0x800;
	s28 =	simm.s32 $0x780;
	s12 =	smul.u32 $0x3000, s26;
	v57 =	vld.idx.msk [tilespmem:v39+s14+$0x0], $0xffff;
	v33 =	vadd.f32 $1.500000000e+00, v33  }
0x18f: {  	s3 =	simm.s32 $0x0;
	s1 =	simm.s32 $0x808;
	s4 =	simm.s32 $0x818;
	v50 =	vld.idx.msk [tilespmem:v39+s22+$0x0], $0xffff  }
0x190: {  	s26 =	simm.s32 $0x700;
	s12 =	sshra.s32 s12, $0x2;
	s7 =	simm.s32 $0x8B0;
	v47 =	vsub.f32 $0.0e+00, v34;
	v55 =	vld.idx.msk [tilespmem:v39+s19+$0x0], $0xffff;
	v38 =	vmul.f32 v38, v33  }
0x191: {  	s16 =	simm.s32 $0x930;
	s8 =	simm.s32 $0x830;
	s18 =	simm.s32 $0x1;
	v54 =	vld.idx.msk [tilespmem:v39+s20+$0x0], $0xffff  }
0x192: {  	s9 =	simm.s32 $0x810;
	s0 =	simm.s32 $0x500;
	s6 =	simm.s32 $0x480;
	v49 =	vld.idx.msk [tilespmem:v39+s2+$0x0], $0xffff;
	v34 =	vmul.f32 v38, v47  }
0x193: {  	s31 =	simm.s32 $0x380;
	s23 =	simm.s32 $0x180;
	s15 =	simm.s32 $0x80;
	v48 =	vld.idx.msk [tilespmem:v39+s24+$0x0], $0xffff;
	v56 =	vmul.f32 v38, v45;
	v57 =	vmul.f32 v38, v57  }
0x194: {  	s17 =	simm.s32 $0x940;
	s2 =	simm.s32 $0x400;
	v51 =	vld.idx.msk [tilespmem:v39+s25+$0x0], $0xffff;
	s25 =	simm.s32 $0x680;
	v52 =	vmul.f32 v38, v44;
	v44 =	vmul.f32 v38, v50  }
0x195: {  	s24 =	simm.s32 $0x600;
	s22 =	simm.s32 $0x100;
	v53 =	vld.idx.msk [tilespmem:v39+s21+$0x0], $0xffff;
	s21 =	simm.s32 $0x300;
	v43 =	vmul.f32 v38, v43;
	v45 =	vmul.f32 v38, v55  }
0x196: {  	s20 =	simm.s32 $0x280;
	s19 =	simm.s32 $0x200;
	v47 =	vld.idx.msk [tilespmem:v39+s11+$0x0], $0xffff;
	v54 =	vmul.f32 v38, v54;
	s11 =	simm.s32 $0x580;
	v33 =	vadd.f32 v34, v56;
	v50 =	vadd.f32 v34, v57  }
.LBB2_5:
0x197: {  	v37 =	vmul.f32 v38, v37;
	v32 =	vmul.f32 v38, v32;
	v44 =	vadd.f32 v34, v44  }
0x198: {  	v52 =	vadd.f32 v34, v52;
	v54 =	vadd.f32 v34, v54;
	v50 =	vmul.f32 v50, v59  }
0x199: {  	v45 =	vadd.f32 v34, v45;
	v43 =	vadd.f32 v34, v43;
	v44 =	vmul.f32 v44, v29  }
0x19a: {  	v39 =	vld.idx.msk [tilespmem:v39+s28+$0x0], $0xffff;
	v52 =	vmul.f32 v52, v28;
	v54 =	vmul.f32 v54, v18  }
0x19b: {  	v55 =	vld.idx.msk [tilespmem:v36+s29+$0x0], $0xffff;
	v43 =	vmul.f32 v43, v9;
	v45 =	vmul.f32 v45, v16  }
0x19c: {  	v56 =	vld.idx.msk [tilespmem:v36+s4+$0x0], $0xffff;
	v53 =	vmul.f32 v38, v53;
	v42 =	vmul.f32 v38, v42  }
0x19d: {  	v57 =	vld.idx.msk [tilespmem:v36+s9+$0x0], $0xffff;
	v49 =	vmul.f32 v38, v49;
	v41 =	vmul.f32 v38, v41  }
0x19e: {  	v36 =	vld.idx.msk [tilespmem:v36+s1+$0x0], $0xffff;
	v32 =	vadd.f32 v34, v32;
	v46 =	vmul.f32 v38, v46;
	v47 =	vmul.f32 v38, v47  }
0x19f: {  	v50 =	vadd.f32 v50, v60;
	v48 =	vmul.f32 v38, v48;
	v51 =	vmul.f32 v38, v51  }
0x1a0: {  	v40 =	vmul.f32 v38, v40;
	v52 =	vadd.f32 v52, v3;
	v43 =	vadd.f32 v43, v61  }
0x1a1: {  	s14 =	simm.s32 $0x828;
	v39 =	vmul.f32 v38, v39;
	v44 =	vadd.f32 v44, v24;
	v45 =	vadd.f32 v45, v19  }
0x1a2: {  	v35 =	vld.idx.msk [tilespmem:v35+s14+$0x0], $0xffff;
	s14 =	sor.u32 s10, s12;
	v55 =	vmul.f32 v38, v55;
	v49 =	vadd.f32 v34, v49;
	v46 =	vadd.f32 v34, v46  }
0x1a3: {  	[tilespmem:s14+$0x9200] =	vst v50;
	v36 =	vmul.f32 v38, v36;
	v47 =	vadd.f32 v34, v47;
	v42 =	vadd.f32 v34, v42  }
0x1a4: {  	v41 =	vadd.f32 v34, v41;
	v39 =	vadd.f32 v34, v39;
	[tilespmem:s14+$0x9280] =	vst v52;
	v46 =	vmul.f32 v46, v58  }
0x1a5: {  	v55 =	vadd.f32 v34, v55;
	[tilespmem:s14+$0x9380] =	vst v43;
	v47 =	vmul.f32 v47, v6;
	v42 =	vmul.f32 v42, v5  }
0x1a6: {  	v51 =	vadd.f32 v34, v51;
	[tilespmem:s14+$0x9400] =	vst v45;
	v39 =	vmul.f32 v39, v22;
	v46 =	vadd.f32 v46, v62  }
0x1a7: {  	[tilespmem:s14+$0x9300] =	vst v44;
	v55 =	vmul.f32 v55, v20;
	v47 =	vadd.f32 v47, v10;
	v42 =	vadd.f32 v42, v15  }
0x1a8: {  	v39 =	vadd.f32 v39, v4;
	[tilespmem:s14+$0x9700] =	vst v46;
	v46 =	vadd.f32 v34, v48;
	v48 =	vmul.f32 v51, v25  }
0x1a9: {  	v35 =	vmul.f32 v38, v35;
	v44 =	vld [tilespmem:$0x1FED0];
	v52 =	vadd.f32 v55, v0;
	v55 =	vadd.f32 v34, v53;
	[tilespmem:s14+$0x9780] =	vst v47  }
0x1aa: {  	v51 =	vadd.f32 v54, v23;
	[tilespmem:s14+$0x9580] =	vst v42;
	v42 =	vld [tilespmem:$0x1FEE0];
	v46 =	vmul.f32 v46, v21;
	v54 =	vadd.f32 v48, v63  }
0x1ab: {  	v40 =	vadd.f32 v34, v40;
	v36 =	vadd.f32 v34, v36;
	v45 =	vld [tilespmem:$0x1FFD0];
	[tilespmem:s14+$0x9900] =	vst v39;
	v50 =	vmul.f32 v55, v7  }
0x1ac: {  	v47 =	vld [tilespmem:$0x1FFB0];
	v46 =	vadd.f32 v46, v27;
	[tilespmem:s14+$0x9880] =	vst v54;
	v54 =	vmul.f32 v38, v57;
	v57 =	vmul.f32 v38, v56  }
0x1ad: {  	v35 =	vadd.f32 v34, v35;
	v36 =	vmul.f32 v36, v2;
	[tilespmem:s14+$0x9980] =	vst v52;
	v55 =	vld [tilespmem:$0x1FE30];
	v43 =	vadd.f32 v50, v13  }
0x1ae: {  	v49 =	vmul.f32 v49, v12;
	v56 =	vadd.f32 v34, v37;
	[tilespmem:s14+$0x9800] =	vst v46;
	v46 =	vadd.f32 v34, v57;
	v57 =	vld [tilespmem:$0x1FFF0]  }
0x1af: {  	v36 =	vadd.f32 v36, v31;
	[tilespmem:s14+$0x9500] =	vst v43;
	v32 =	vmul.f32 v32, v42;
	v43 =	vld [tilespmem:$0x1FFC0];
	v39 =	vadd.f32 v34, v54  }
0x1b0: {  	[tilespmem:s14+$0x9480] =	vst v51;
	v51 =	vadd.f32 v49, v8;
	v34 =	vmul.f32 v56, v44;
	v52 =	vmul.f32 v46, v30;
	v46 =	vld [tilespmem:$0x1FDC0]  }
0x1b1: {  	v40 =	vmul.f32 v40, v1;
	[tilespmem:s14+$0x9A00] =	vst v36;
	v32 =	vadd.f32 v32, v45;
	v39 =	vmul.f32 v39, v11  }
0x1b2: {  	v48 =	vld [tilespmem:$0x1FEF0];
	[tilespmem:s14+$0x9600] =	vst v51;
	v34 =	vadd.f32 v34, v47  }
0x1b3: {  	v41 =	vmul.f32 v41, v55;
	[tilespmem:s14+$0x9D00] =	vst v32;
	v53 =	vadd.f32 v39, v14;
	v37 =	vadd.f32 v40, v57;
	v40 =	vld [tilespmem:$0x1FFE0]  }
0x1b4: {  	v54 =	vadd.f32 v52, v26;
	[tilespmem:s14+$0x9C80] =	vst v34  }
0x1b5: {  	v38 =	vadd.f32 v41, v43;
	[tilespmem:s14+$0x9A80] =	vst v53;
	v33 =	vmul.f32 v33, v46  }
0x1b6: {  	v35 =	vmul.f32 v35, v17;
	[tilespmem:s14+$0x9B00] =	vst v54  }
0x1b7: {  	s13 =	smov.u32 s18;
	[tilespmem:s14+$0x9680] =	vst v38;
	v32 =	vadd.f32 v33, v48  }
0x1b8: {  	s30 =	sadd.s32 $0x10, s30;
	s12 =	sshrl.u32 s13, $0x3;
	[tilespmem:s14+$0x9B80] =	vst v37;
	v35 =	vadd.f32 v35, v40  }
0x1b9: {  	s10 =	sand.u32 $0x70, s30;
	s13 =	sshll.u32 s12, $0x7;
	[tilespmem:s14+$0x9180] =	vst v32  }
0x1ba: {  	s13 =	sor.u32 s10, s13;
	[tilespmem:s14+$0x9C00] =	vst v35  }
0x1bb: {  	v39 =	vld [tilespmem:s13+$0xD80];
	_ =	sdelay $0x1  }
0x1bc: {  	v36 =	vld [tilespmem:s13+$0x1580]  }
0x1bd: {  	v35 =	vld [tilespmem:s13+$0x1D80];
	_ =	sdelay $0x4  }
0x1be: {  	v49 =	vld.idx.msk [tilespmem:v39+s8+$0x0], $0xffff  }
0x1bf: {  	v34 =	vld.idx.msk [tilespmem:v39+s7+$0x0], $0xffff  }
0x1c0: {  	v38 =	vld.idx.msk [tilespmem:v36+s16+$0x0], $0xffff  }
0x1c1: {  	s14 =	simm.s32 $0x938;
	v50 =	vld.idx.msk [tilespmem:v35+s17+$0x0], $0xffff  }
0x1c2: {  	v51 =	vld.idx.msk [tilespmem:v36+s14+$0x0], $0xffff  }
0x1c3: {  	v37 =	vld [tilespmem:s13+$0x2580];
	s14 =	simm.s32 $0x948  }
0x1c4: {  	v52 =	vld.idx.msk [tilespmem:v35+s14+$0x0], $0xffff  }
0x1c5: {  	v33 =	vadd.f32 v38, v49  }
0x1c6: {  	v32 =	vld [tilespmem:s13+$0x2D80]  }
0x1c7: {  	v34 =	vadd.f32 v51, v34;
	v33 =	vadd.f32 v50, v33;
	_ =	sdelay $0x1  }
0x1c8: {  	v53 =	vmul.f32 v37, v37;
	v34 =	vadd.f32 v52, v34;
	v33 =	vadd.f32 v33, v37;
	_ =	sdelay $0x1  }
0x1c9: {  	v54 =	vmul.f32 v32, v32;
	v34 =	vadd.f32 v34, v53;
	v33 =	vadd.f32 v33, v32;
	_ =	sdelay $0x1  }
0x1ca: {  	v34 =	vadd.f32 v34, v54;
	v33 =	vmul.f32 $4.166666790e-02, v33;
	_ =	sdelay $0x1  }
0x1cb: {  	v34 =	vmul.f32 $4.166666790e-02, v34;
	v55 =	vmul.f32 v33, v33;
	_ =	sdelay $0x1  }
0x1cc: {  	v34 =	vsub.f32 v34, v55;
	_ =	sdelay $0x1  }
0x1cd: {  	v34 =	vadd.f32 $9.999999740e-06, v34  }
0x1ce: {  	v41 =	vld.idx.msk [tilespmem:v39+s0+$0x0], $0xffff  }
0x1cf: {  	v42 =	vld.idx.msk [tilespmem:v39+s2+$0x0], $0xffff;
	v56 =	vshra.s32 v34, $0x1;
	v34 =	vmul.f32 $-5.000000000e-01, v34  }
0x1d0: {  	v43 =	vld.idx.msk [tilespmem:v39+s19+$0x0], $0xffff;
	v38 =	vsub.s32 $0x5F3759DF, v56  }
0x1d1: {  	v44 =	vld.idx.msk [tilespmem:v39+s22+$0x0], $0xffff;
	v34 =	vmul.f32 v38, v34  }
0x1d2: {  	v45 =	vld.idx.msk [tilespmem:v39+s3+$0x0], $0xffff  }
0x1d3: {  	v40 =	vld.idx.msk [tilespmem:v35+s5+$0x0], $0xffff;
	v34 =	vmul.f32 v38, v34  }
0x1d4: {  	v46 =	vld.idx.msk [tilespmem:v39+s11+$0x0], $0xffff  }
0x1d5: {  	v50 =	vld.idx.msk [tilespmem:v39+s15+$0x0], $0xffff;
	v34 =	vadd.f32 $1.500000000e+00, v34  }
0x1d6: {  	v55 =	vld.idx.msk [tilespmem:v39+s23+$0x0], $0xffff  }
0x1d7: {  	v33 =	vsub.f32 $0.0e+00, v33;
	v56 =	vld.idx.msk [tilespmem:v39+s20+$0x0], $0xffff;
	v38 =	vmul.f32 v38, v34  }
0x1d8: {  	p0 =	sne.s32 s18, $0x3F;
	v54 =	vld.idx.msk [tilespmem:v39+s21+$0x0], $0xffff  }
.Ltmp1:
0x1d9: {  	v47 =	vld.idx.msk [tilespmem:v39+s24+$0x0], $0xffff;
	v34 =	vmul.f32 v38, v33;
	(pc) =	sbr.rel @p0 .LBB2_5-.Ltmp1, $4  }
0x1da: {  	v48 =	vld.idx.msk [tilespmem:v39+s25+$0x0], $0xffff;
	v33 =	vmul.f32 v38, v45;
	v57 =	vmul.f32 v38, v50  }
0x1db: {  	s12 =	smul.u32 $0x3000, s12;
	v49 =	vld.idx.msk [tilespmem:v39+s6+$0x0], $0xffff;
	v52 =	vmul.f32 v38, v44;
	v44 =	vmul.f32 v38, v55  }
0x1dc: {  	v51 =	vld.idx.msk [tilespmem:v39+s26+$0x0], $0xffff;
	v43 =	vmul.f32 v38, v43;
	v45 =	vmul.f32 v38, v56  }
0x1dd: {  	s18 =	sadd.s32 $0x1, s18;
	s12 =	sshra.s32 s12, $0x2;
	v53 =	vld.idx.msk [tilespmem:v39+s31+$0x0], $0xffff;
	v54 =	vmul.f32 v38, v54;
	v33 =	vadd.f32 v34, v33;
	v50 =	vadd.f32 v34, v57  }
0x1de: {  	_ =	sdelay $0x1  }
0x1df: {  	v42 =	vmul.f32 v38, v42  }
0x1e0: {  	v46 =	vmul.f32 v38, v46;
	v41 =	vmul.f32 v38, v41  }
0x1e1: {  	v39 =	vld.idx.msk [tilespmem:v39+s28+$0x0], $0xffff;
	v47 =	vmul.f32 v38, v47;
	v37 =	vmul.f32 v38, v37  }
0x1e2: {  	v55 =	vld.idx.msk [tilespmem:v36+s29+$0x0], $0xffff;
	v40 =	vmul.f32 v38, v40;
	v32 =	vmul.f32 v38, v32  }
0x1e3: {  	v56 =	vld.idx.msk [tilespmem:v36+s4+$0x0], $0xffff;
	v45 =	vadd.f32 v34, v45;
	v44 =	vadd.f32 v34, v44;
	v48 =	vmul.f32 v38, v48  }
0x1e4: {  	v57 =	vld.idx.msk [tilespmem:v36+s1+$0x0], $0xffff;
	v50 =	vmul.f32 v50, v59;
	v49 =	vmul.f32 v38, v49;
	v46 =	vadd.f32 v34, v46  }
0x1e5: {  	v36 =	vld.idx.msk [tilespmem:v36+s9+$0x0], $0xffff;
	v47 =	vadd.f32 v34, v47;
	v45 =	vmul.f32 v45, v16;
	v42 =	vadd.f32 v34, v42  }
0x1e6: {  	s0 =	simm.s32 $0x828;
	v40 =	vadd.f32 v34, v40;
	v51 =	vmul.f32 v38, v51;
	v53 =	vmul.f32 v38, v53  }
0x1e7: {  	v35 =	vld.idx.msk [tilespmem:v35+s0+$0x0], $0xffff;
	v50 =	vadd.f32 v50, v60;
	v46 =	vmul.f32 v46, v58;
	v47 =	vmul.f32 v47, v6  }
0x1e8: {  	v48 =	vadd.f32 v34, v48;
	v42 =	vmul.f32 v42, v5;
	v39 =	vmul.f32 v38, v39  }
0x1e9: {  	v58 =	vadd.f32 v34, v54;
	v55 =	vmul.f32 v38, v55;
	v57 =	vmul.f32 v38, v57  }
0x1ea: {  	s10 =	sor.u32 s10, s12;
	v45 =	vadd.f32 v45, v19;
	v36 =	vmul.f32 v38, v36;
	v56 =	vmul.f32 v38, v56  }
0x1eb: {  	v51 =	vadd.f32 v34, v51;
	[tilespmem:s10+$0x9200] =	vst v50;
	v54 =	vmul.f32 v48, v21;
	v46 =	vadd.f32 v46, v62  }
0x1ec: {  	v35 =	vmul.f32 v38, v35;
	v38 =	vadd.f32 v34, v52;
	v47 =	vadd.f32 v47, v10;
	[tilespmem:s10+$0x9400] =	vst v45  }
0x1ed: {  	v59 =	vmul.f32 v58, v18;
	v52 =	vadd.f32 v34, v43;
	v50 =	vadd.f32 v42, v15;
	[tilespmem:s10+$0x9700] =	vst v46  }
0x1ee: {  	v39 =	vadd.f32 v34, v39;
	v60 =	vmul.f32 v51, v25;
	v43 =	vadd.f32 v54, v27;
	[tilespmem:s10+$0x9780] =	vst v47  }
0x1ef: {  	v62 =	vadd.f32 v34, v55;
	v38 =	vmul.f32 v38, v28;
	v46 =	vadd.f32 v59, v23;
	[tilespmem:s10+$0x9580] =	vst v50  }
0x1f0: {  	v40 =	vmul.f32 v40, v1;
	v39 =	vmul.f32 v39, v22;
	v55 =	vadd.f32 v60, v63;
	[tilespmem:s10+$0x9800] =	vst v43  }
0x1f1: {  	v36 =	vadd.f32 v34, v36;
	v25 =	vld [tilespmem:$0x1FFF0];
	v58 =	vmul.f32 v62, v20;
	v38 =	vadd.f32 v38, v3;
	[tilespmem:s10+$0x9480] =	vst v46  }
0x1f2: {  	v48 =	vadd.f32 v34, v56;
	v60 =	vmul.f32 v44, v29;
	v39 =	vadd.f32 v39, v4;
	[tilespmem:s10+$0x9880] =	vst v55  }
0x1f3: {  	v16 =	vld [tilespmem:$0x1FFC0];
	v59 =	vadd.f32 v34, v49;
	v36 =	vmul.f32 v36, v11;
	v46 =	vadd.f32 v58, v0;
	[tilespmem:s10+$0x9280] =	vst v38  }
0x1f4: {  	v56 =	vld [tilespmem:$0x1FEE0];
	v49 =	vadd.f32 v34, v57;
	v51 =	vmul.f32 v48, v30;
	v62 =	vadd.f32 v60, v24;
	[tilespmem:s10+$0x9900] =	vst v39  }
0x1f5: {  	v35 =	vadd.f32 v34, v35;
	v36 =	vadd.f32 v36, v14;
	v58 =	vld [tilespmem:$0x1FFE0];
	v38 =	vmul.f32 v52, v9;
	[tilespmem:s10+$0x9980] =	vst v46  }
0x1f6: {  	v57 =	vld [tilespmem:$0x1FE30];
	v52 =	vadd.f32 v51, v26;
	v55 =	vadd.f32 v40, v25;
	[tilespmem:s10+$0x9300] =	vst v62  }
0x1f7: {  	v39 =	vmul.f32 v59, v12;
	[tilespmem:s10+$0x9A80] =	vst v36;
	v59 =	vld [tilespmem:$0x1FED0];
	v38 =	vadd.f32 v38, v61;
	v61 =	vadd.f32 v34, v53  }
0x1f8: {  	v35 =	vmul.f32 v35, v17;
	v12 =	vmov v26;
	v26 =	vld [tilespmem:$0x1FFB0];
	[tilespmem:s10+$0x9B00] =	vst v52  }
0x1f9: {  	v53 =	vadd.f32 v34, v41;
	[tilespmem:s10+$0x9B80] =	vst v55;
	v39 =	vadd.f32 v39, v8;
	v63 =	vmul.f32 v61, v7;
	v61 =	vld [tilespmem:$0x1FDC0]  }
0x1fa: {  	v54 =	vadd.f32 v34, v37;
	[tilespmem:s10+$0x9380] =	vst v38;
	v38 =	vmul.f32 v49, v2;
	v35 =	vadd.f32 v35, v58;
	v7 =	vld [tilespmem:$0x1FFD0]  }
0x1fb: {  	v32 =	vadd.f32 v34, v32;
	v36 =	vmul.f32 v53, v57;
	[tilespmem:s10+$0x9600] =	vst v39;
	v43 =	vadd.f32 v63, v13;
	v63 =	vld [tilespmem:$0x1FEF0]  }
0x1fc: {  	v38 =	vadd.f32 v38, v31;
	v34 =	vmul.f32 v54, v59;
	[tilespmem:s10+$0x9C00] =	vst v35  }
0x1fd: {  	s26 =	rddreg [dreg:$0x17];
	v32 =	vmul.f32 v32, v56;
	v60 =	vadd.f32 v36, v16;
	[tilespmem:s10+$0x9500] =	vst v43  }
0x1fe: {  	s14 =	rddreg [dreg:$0x8];
	s1 =	smul.u32 $0xC0000, s26;
	[tilespmem:s10+$0x9A00] =	vst v38;
	v62 =	vadd.f32 v34, v26;
	v33 =	vmul.f32 v33, v61  }
0x1ff: {  	s2 =	rddreg [dreg:$0x6];
	s9 =	simm.s32 $0x0;
	[tilespmem:s10+$0x9680] =	vst v60;
	v32 =	vadd.f32 v32, v7  }
0x200: {  	s3 =	simm.s32 $0x9180;
	s4 =	simm.s32 $0x9D80;
	s12 =	sor.u32 s14, s1;
	[tilespmem:s10+$0x9C80] =	vst v62;
	v33 =	vadd.f32 v33, v63  }
0x201: {  	s6 =	simm.s32 $0xA980;
	s8 =	simm.s32 $0xB580;
	s12 =	sshrl.u32 s12, $0x3;
	[tilespmem:s10+$0x9D00] =	vst v32  }
0x202: {  	s15 =	simm.s32 $0xC180;
	s17 =	simm.s32 $0xCD80;
	[tilespmem:s10+$0x9180] =	vst v33;
	s10 =	sadd.s32 s2, s12  }
0x203: {  	[hbm4b:s10+s9] =	stream.linear.scatter [tilespmem:s3], [sflag:$0x4], $0x400, $0x38;
	[tilespmem:$0xF180] =	vst v63  }
0x204: {  	s19 =	simm.s32 $0xD980;
	s20 =	simm.s32 $0xE580;
	s13 =	sadd.s32 $0x3000, s10  }
0x205: {  	[hbm4b:s13+s9] =	stream.linear.scatter [tilespmem:s4], [sflag:$0x4], $0x400, $0x38;
	[tilespmem:$0xF180] =	vst v63  }
0x206: {  	s21 =	rddreg [dreg:$0xf];
	s22 =	simm.s32 $0x9580;
	s5 =	sadd.s32 $0x6000, s10  }
0x207: {  	[hbm4b:s5+s9] =	stream.linear.scatter [tilespmem:s6], [sflag:$0x4], $0x400, $0x38;
	[tilespmem:$0xF180] =	vst v63  }
0x208: {  	s24 =	simm.s32 $0xA180;
	s30 =	rddreg [dreg:$0x16];
	s7 =	sadd.s32 $0x9000, s10  }
0x209: {  	[hbm4b:s7+s9] =	stream.linear.scatter [tilespmem:s8], [sflag:$0x4], $0x400, $0x38;
	[tilespmem:$0xF180] =	vst v63  }
0x20a: {  	s31 =	simm.s32 $0x400;
	s28 =	simm.s32 $0x800;
	s11 =	sadd.s32 $0xC000, s10  }
0x20b: {  	[hbm4b:s11+s9] =	stream.linear.scatter [tilespmem:s15], [sflag:$0x4], $0x400, $0x38;
	[tilespmem:$0xF180] =	vst v63  }
0x20c: {  	s29 =	simm.s32 $0x808;
	s30 =	sadd.s32 $0x1, s30;
	s16 =	sadd.s32 $0xF000, s10  }
0x20d: {  	[hbm4b:s16+s9] =	stream.linear.scatter [tilespmem:s17], [sflag:$0x4], $0x400, $0x38;
	[tilespmem:$0xF180] =	vst v63  }
0x20e: {  	s26 =	simm.s32 $0xAD80;
	p0 =	sne.s32 s30, $0xC;
	s18 =	sadd.s32 $0x12000, s10  }
0x20f: {  	[hbm4b:s18+s9] =	stream.linear.scatter [tilespmem:s19], [sflag:$0x4], $0x400, $0x38;
	[tilespmem:$0xF180] =	vst v63  }
0x210: {  	s1 =	simm.s32 $0xB980;
	s10 =	sadd.s32 $0x15000, s10;
	s3 =	simm.s32 $0xC580  }
0x211: {  	[hbm4b:s10+s9] =	stream.linear.scatter [tilespmem:s20], [sflag:$0x4], $0x400, $0x38;
	[tilespmem:$0xF180] =	vst v63  }
0x212: {  	s13 =	simm.s32 $0x9980;
	s5 =	simm.s32 $0xD180;
	s10 =	sadd.s32 s12, s21  }
0x213: {  	[hbm4b:s10+s9] =	stream.linear.scatter [tilespmem:s22], [sflag:$0x4], $0x400, $0x38;
	[tilespmem:$0xF180] =	vst v63  }
0x214: {  	s7 =	simm.s32 $0xDD80;
	s8 =	simm.s32 $0xE980;
	s23 =	sadd.s32 $0x3000, s10  }
0x215: {  	[hbm4b:s23+s9] =	stream.linear.scatter [tilespmem:s24], [sflag:$0x4], $0x400, $0x38;
	[tilespmem:$0xF180] =	vst v63  }
0x216: {  	s11 =	rddreg [dreg:$0x10];
	s15 =	simm.s32 $0xA580;
	s25 =	sadd.s32 $0x6000, s10  }
0x217: {  	[hbm4b:s25+s9] =	stream.linear.scatter [tilespmem:s26], [sflag:$0x4], $0x400, $0x38;
	[tilespmem:$0xF180] =	vst v63  }
0x218: {  	s17 =	simm.s32 $0xB180;
	s19 =	simm.s32 $0xBD80;
	s0 =	sadd.s32 $0x9000, s10  }
0x219: {  	[hbm4b:s0+s9] =	stream.linear.scatter [tilespmem:s1], [sflag:$0x4], $0x400, $0x38;
	[tilespmem:$0xF180] =	vst v63  }
0x21a: {  	s21 =	simm.s32 $0xC980;
	s2 =	sadd.s32 $0xC000, s10;
	s4 =	sadd.s32 $0xF000, s10  }
0x21b: {  	[hbm4b:s2+s9] =	stream.linear.scatter [tilespmem:s3], [sflag:$0x4], $0x400, $0x38;
	[tilespmem:$0xF180] =	vst v63  }
0x21c: {  	s6 =	sadd.s32 $0x12000, s10;
	s10 =	sadd.s32 $0x15000, s10;
	s23 =	simm.s32 $0xD580  }
0x21d: {  	[hbm4b:s4+s9] =	stream.linear.scatter [tilespmem:s5], [sflag:$0x4], $0x400, $0x38;
	[tilespmem:$0xF180] =	vst v63  }
0x21e: {  	s25 =	simm.s32 $0xE180;
	s26 =	simm.s32 $0xED80;
	s0 =	simm.s32 $0x580  }
0x21f: {  	[hbm4b:s6+s9] =	stream.linear.scatter [tilespmem:s7], [sflag:$0x4], $0x400, $0x38;
	[tilespmem:$0xF180] =	vst v63  }
0x220: {  	s1 =	simm.s32 $0x810;
	s2 =	simm.s32 $0x480;
	s3 =	simm.s32 $0x818  }
0x221: {  	[hbm4b:s10+s9] =	stream.linear.scatter [tilespmem:s8], [sflag:$0x4], $0x400, $0x38;
	[tilespmem:$0xF180] =	vst v63  }
0x222: {  	s4 =	simm.s32 $0x820;
	s5 =	simm.s32 $0x828;
	s10 =	sadd.s32 s12, s11  }
0x223: {  	[hbm4b:s10+s9] =	stream.linear.scatter [tilespmem:s13], [sflag:$0x4], $0x400, $0x38;
	[tilespmem:$0xF180] =	vst v63  }
0x224: {  	s6 =	simm.s32 $0x500;
	s7 =	simm.s32 $0x830;
	s12 =	sadd.s32 $0x3000, s10  }
0x225: {  	[hbm4b:s12+s9] =	stream.linear.scatter [tilespmem:s15], [sflag:$0x4], $0x400, $0x38;
	[tilespmem:$0xF180] =	vst v63  }
0x226: {  	s11 =	simm.s32 $0x600;
	s8 =	simm.s32 $0x930;
	s16 =	sadd.s32 $0x6000, s10  }
0x227: {  	[hbm4b:s16+s9] =	stream.linear.scatter [tilespmem:s17], [sflag:$0x4], $0x400, $0x38;
	[tilespmem:$0xF180] =	vst v63  }
0x228: {  	s18 =	sadd.s32 $0x9000, s10;
	s20 =	sadd.s32 $0xC000, s10;
	s22 =	sadd.s32 $0xF000, s10  }
0x229: {  	[hbm4b:s18+s9] =	stream.linear.scatter [tilespmem:s19], [sflag:$0x4], $0x400, $0x38;
	[tilespmem:$0xF180] =	vst v63  }
0x22a: {  	s24 =	sadd.s32 $0x12000, s10;
	s10 =	sadd.s32 $0x15000, s10;
	s15 =	simm.s32 $0x100  }
0x22b: {  	[hbm4b:s20+s9] =	stream.linear.scatter [tilespmem:s21], [sflag:$0x4], $0x400, $0x38;
	[tilespmem:$0xF180] =	vst v63  }
0x22c: {  	s16 =	simm.s32 $0x940;
	s17 =	simm.s32 $0x8B0;
	s19 =	simm.s32 $0x280  }
0x22d: {  	[hbm4b:s22+s9] =	stream.linear.scatter [tilespmem:s23], [sflag:$0x4], $0x400, $0x38;
	[tilespmem:$0xF180] =	vst v63  }
.Ltmp2:
0x22e: {  	s18 =	simm.s32 $0x938;
	s20 =	simm.s32 $0x300;
	(pc) =	sbr.rel @p0 .LBB2_2-.Ltmp2, $4  }
0x22f: {  	[hbm4b:s24+s9] =	stream.linear.scatter [tilespmem:s25], [sflag:$0x4], $0x400, $0x38;
	[tilespmem:$0xF180] =	vst v63  }
0x230: {  	s21 =	simm.s32 $0x380;
	s22 =	simm.s32 $0x180;
	s23 =	simm.s32 $0x200  }
0x231: {  	v6 =	vmovc v18;
	v19 =	vmov v8;
	v18 =	vmov v0;
	v28 =	vmov v4;
	[hbm4b:s10+s9] =	stream.linear.scatter [tilespmem:s26], [sflag:$0x4], $0x400, $0x38;
	[tilespmem:$0xF180] =	vst v63  }
0x232: {  	v11 =	vmovc v30;
	v22 =	vmovc v9;
	v4 =	vmov v17;
	v56 =	vmov v29;
	v8 =	vmov v13;
	s24 =	simm.s32 $0x680;
	s25 =	simm.s32 $0x700;
	s26 =	simm.s32 $0x780  }
0x233: {  	s10 =	simm.s32 $0x1  }
0x234: {  	_ =	swait.ge [sflag:s10], $0x400  }
0x235: {  	[sflag:s10] =	ssyncset.done $0x0  }
0x236: {  	[sflag:s10] =	ssyncadd.s32 $0xFFFFFC00  }
0x237: {  	_ =	swait.ge [sflag:s10], $0x400  }
0x238: {  	[sflag:s10] =	ssyncset.done $0x0  }
0x239: {  	[sflag:s10] =	ssyncadd.s32 $0xFFFFFC00  }
0x23a: {  	_ =	swait.ge [sflag:s10], $0x400  }
0x23b: {  	[sflag:s10] =	ssyncset.done $0x0  }
0x23c: {  	[sflag:s10] =	ssyncadd.s32 $0xFFFFFC00  }
0x23d: {  	_ =	swait.ge [sflag:s10], $0x400  }
0x23e: {  	[sflag:s10] =	ssyncset.done $0x0  }
0x23f: {  	[sflag:s10] =	ssyncadd.s32 $0xFFFFFC00  }
0x240: {  	_ =	swait.ge [sflag:s10], $0x400  }
0x241: {  	[sflag:s10] =	ssyncset.done $0x0  }
0x242: {  	s13 =	simm.s32 $0x3;
	[sflag:s10] =	ssyncadd.s32 $0xFFFFFC00  }
0x243: {  	_ =	swait.ge [sflag:s13], $0x2000  }
0x244: {  	[sflag:s13] =	ssyncset.done $0x0  }
0x245: {  	[sflag:s13] =	ssyncadd.s32 $0xFFFFE000  }
0x246: {  	_ =	swait.ge [sflag:s13], $0x2000  }
0x247: {  	[sflag:s13] =	ssyncset.done $0x0  }
0x248: {  	[sflag:s13] =	ssyncadd.s32 $0xFFFFE000  }
0x249: {  	_ =	swait.ge [sflag:s13], $0x2000  }
0x24a: {  	v1 =	vld [tilespmem:$0x1FEA0]  }
0x24b: {  	s10 =	simm.s32 $0x0;
	v2 =	vld [tilespmem:$0x1FE10]  }
0x24c: {  	s12 =	simm.s32 $0x0;
	v30 =	vmov v6;
	s30 =	sand.u32 $0x70, s10;
	[sflag:s13] =	ssyncset.done $0x0;
	v6 =	vld [tilespmem:$0x1FE00]  }
0x24d: {  	s12 =	sor.u32 s30, s12;
	v10 =	vld [tilespmem:$0x1FEB0];
	[sflag:s13] =	ssyncadd.s32 $0xFFFFE000  }
0x24e: {  	v40 =	vld [tilespmem:s12+$0x980]  }
0x24f: {  	v29 =	vmov v28;
	v28 =	vmov v22;
	v22 =	vmov v11;
	v11 =	vld [tilespmem:$0x1FE20]  }
0x250: {  	v39 =	vld [tilespmem:s12+$0x1180]  }
0x251: {  	v37 =	vld [tilespmem:s12+$0x1980]  }
0x252: {  	v13 =	vld [tilespmem:$0x1FFA0]  }
0x253: {  	v14 =	vld [tilespmem:$0x1FF50]  }
0x254: {  	v15 =	vld [tilespmem:$0x1FDF0]  }
0x255: {  	v17 =	vmov v31;
	v31 =	vmov v8;
	v8 =	vmov v18;
	v18 =	vld [tilespmem:$0x1FF40]  }
0x256: {  	v32 =	vld.idx.msk [tilespmem:v40+s7+$0x0], $0xffff  }
0x257: {  	v33 =	vld.idx.msk [tilespmem:v40+s17+$0x0], $0xffff  }
0x258: {  	v35 =	vld.idx.msk [tilespmem:v39+s8+$0x0], $0xffff  }
0x259: {  	v36 =	vld.idx.msk [tilespmem:v37+s16+$0x0], $0xffff  }
0x25a: {  	v38 =	vld.idx.msk [tilespmem:v39+s18+$0x0], $0xffff  }
0x25b: {  	s25 =	simm.s32 $0x948;
	v34 =	vld [tilespmem:s12+$0x2180]  }
0x25c: {  	v41 =	vld.idx.msk [tilespmem:v37+s25+$0x0], $0xffff  }
0x25d: {  	v20 =	vld [tilespmem:$0x1FE60];
	v35 =	vadd.f32 v35, v32  }
0x25e: {  	v32 =	vld [tilespmem:s12+$0x2980]  }
0x25f: {  	v21 =	vld [tilespmem:$0x1FE80];
	v33 =	vadd.f32 v38, v33;
	v35 =	vadd.f32 v36, v35  }
0x260: {  	v9 =	vmov v23;
	v23 =	vld [tilespmem:$0x1FF20]  }
0x261: {  	v24 =	vld [tilespmem:$0x1FE70];
	v58 =	vmul.f32 v34, v34;
	v33 =	vadd.f32 v41, v33;
	v35 =	vadd.f32 v35, v34  }
0x262: {  	v25 =	vmov v26;
	v26 =	vld [tilespmem:$0x1FF80]  }
0x263: {  	v27 =	vld [tilespmem:$0x1FDE0];
	v33 =	vadd.f32 v33, v58;
	v59 =	vmul.f32 v32, v32;
	v35 =	vadd.f32 v35, v32  }
0x264: {  	v3 =	vld [tilespmem:$0x1FE50]  }
0x265: {  	v57 =	vld [tilespmem:$0x1FF60];
	v33 =	vadd.f32 v33, v59;
	v35 =	vmul.f32 $4.166666790e-02, v35  }
0x266: {  	[tilespmem:$0x1FDB0] =	vst v4;
	v4 =	vld [tilespmem:$0x1FF70]  }
0x267: {  	v42 =	vld.idx.msk [tilespmem:v40+s31+$0x0], $0xffff;
	v33 =	vmul.f32 $4.166666790e-02, v33;
	v60 =	vmul.f32 v35, v35  }
0x268: {  	v52 =	vld.idx.msk [tilespmem:v40+s20+$0x0], $0xffff  }
0x269: {  	v46 =	vld.idx.msk [tilespmem:v40+s23+$0x0], $0xffff;
	v33 =	vsub.f32 v33, v60  }
0x26a: {  	v47 =	vld.idx.msk [tilespmem:v40+s15+$0x0], $0xffff  }
0x26b: {  	v48 =	vld.idx.msk [tilespmem:v40+s9+$0x0], $0xffff;
	v33 =	vadd.f32 $9.999999740e-06, v33  }
0x26c: {  	v45 =	vld.idx.msk [tilespmem:v40+s0+$0x0], $0xffff  }
0x26d: {  	v53 =	vld.idx.msk [tilespmem:v40+s22+$0x0], $0xffff;
	v61 =	vshra.s32 v33, $0x1;
	v33 =	vmul.f32 $-5.000000000e-01, v33  }
0x26e: {  	v54 =	vld.idx.msk [tilespmem:v40+s19+$0x0], $0xffff;
	v36 =	vsub.s32 $0x5F3759DF, v61  }
0x26f: {  	v43 =	vld.idx.msk [tilespmem:v40+s21+$0x0], $0xffff;
	v33 =	vmul.f32 v36, v33  }
0x270: {  	v44 =	vld.idx.msk [tilespmem:v40+s2+$0x0], $0xffff  }
0x271: {  	s18 =	simm.s32 $0x80;
	v49 =	vld.idx.msk [tilespmem:v40+s11+$0x0], $0xffff;
	v33 =	vmul.f32 v36, v33  }
0x272: {  	v50 =	vld.idx.msk [tilespmem:v40+s18+$0x0], $0xffff  }
0x273: {  	v38 =	vld.idx.msk [tilespmem:v37+s4+$0x0], $0xffff;
	v33 =	vadd.f32 $1.500000000e+00, v33  }
0x274: {  	v41 =	vld.idx.msk [tilespmem:v40+s6+$0x0], $0xffff  }
0x275: {  	v58 =	vld [tilespmem:$0x1FF10];
	v62 =	vsub.f32 $0.0e+00, v35;
	v36 =	vmul.f32 v36, v33  }
0x276: {  	v59 =	vld [tilespmem:$0x1FF90]  }
0x277: {  	v60 =	vld [tilespmem:$0x1FE40];
	v35 =	vmul.f32 v36, v62;
	v63 =	vmul.f32 v36, v48  }
0x278: {  	v61 =	vld [tilespmem:$0x1FDD0]  }
0x279: {  	s14 =	simm.s32 $0x700;
	v51 =	vmul.f32 v36, v47;
	v47 =	vld.idx.msk [tilespmem:v40+s24+$0x0], $0xffff;
	v0 =	vadd.f32 v35, v63  }
0x27a: {  	s25 =	simm.s32 $0x0;
	v48 =	vld.idx.msk [tilespmem:v40+s14+$0x0], $0xffff  }
0x27b: {  	s12 =	smul.u32 $0x3000, s25;
	v50 =	vmul.f32 v36, v50;
	v53 =	vmul.f32 v36, v53;
	v62 =	vld [tilespmem:$0x1FF00]  }
0x27c: {  	v33 =	vmul.f32 v36, v46;
	v46 =	vmul.f32 v36, v54;
	v63 =	vld [tilespmem:$0x1FF30]  }
0x27d: {  	v5 =	vmovc v12;
	s18 =	simm.s32 $0x1;
	s25 =	simm.s32 $0x700;
	s12 =	sshra.s32 s12, $0x2;
	v52 =	vmul.f32 v36, v52;
	v50 =	vadd.f32 v35, v50;
	[tilespmem:$0x1FDA0] =	vst v0;
	v0 =	vmov v19;
	v19 =	vld [tilespmem:$0x1FE90]  }
.LBB2_8:
0x27e: {  	_ = 	snop  }
0x27f: {  	v49 =	vmul.f32 v36, v49  }
0x280: {  	v53 =	vadd.f32 v35, v53  }
0x281: {  	v40 =	vld.idx.msk [tilespmem:v40+s26+$0x0], $0xffff;
	v49 =	vadd.f32 v35, v49  }
0x282: {  	v12 =	vmov v56;
	v53 =	vmul.f32 v53, v56;
	v56 =	vld.idx.msk [tilespmem:v39+s1+$0x0], $0xffff  }
0x283: {  	v54 =	vld.idx.msk [tilespmem:v39+s28+$0x0], $0xffff;
	v49 =	vmul.f32 v49, v3  }
0x284: {  	v55 =	vld.idx.msk [tilespmem:v39+s3+$0x0], $0xffff  }
0x285: {  	v37 =	vld.idx.msk [tilespmem:v37+s5+$0x0], $0xffff;
	v49 =	vadd.f32 v49, v4  }
0x286: {  	s14 =	sor.u32 s30, s12;
	v39 =	vld.idx.msk [tilespmem:v39+s29+$0x0], $0xffff  }
0x287: {  	[tilespmem:s14+$0x3780] =	vst v49;
	v49 =	vadd.f32 v53, v23;
	v53 =	vmul.f32 v36, v56;
	v56 =	vmov v12;
	v12 =	vld [tilespmem:$0x1FEC0]  }
0x288: {  	v45 =	vmul.f32 v36, v45;
	v38 =	vmul.f32 v36, v38;
	_ =	sdelay $0x1  }
0x289: {  	v45 =	vadd.f32 v35, v45;
	v38 =	vadd.f32 v35, v38;
	_ =	sdelay $0x1  }
0x28a: {  	v45 =	vmul.f32 v45, v60;
	v38 =	vmul.f32 v38, v12;
	v12 =	vld [tilespmem:$0x1FDB0]  }
0x28b: {  	v48 =	vmul.f32 v36, v48;
	v37 =	vmul.f32 v36, v37  }
0x28c: {  	v51 =	vadd.f32 v35, v51;
	v47 =	vmul.f32 v36, v47;
	v45 =	vadd.f32 v45, v57  }
0x28d: {  	v54 =	vmul.f32 v36, v54;
	v48 =	vadd.f32 v35, v48;
	v37 =	vadd.f32 v35, v37  }
0x28e: {  	v52 =	vadd.f32 v35, v52;
	v50 =	vmul.f32 v50, v61;
	[tilespmem:s14+$0x3700] =	vst v45;
	v45 =	vadd.f32 v35, v47  }
0x28f: {  	v47 =	vmul.f32 v48, v24;
	v48 =	vadd.f32 v35, v54;
	v37 =	vmul.f32 v37, v12;
	v12 =	vld [tilespmem:$0x1FE30]  }
0x290: {  	v51 =	vmul.f32 v51, v27;
	v41 =	vmul.f32 v36, v41  }
0x291: {  	v52 =	vmul.f32 v52, v30;
	v48 =	vmul.f32 v48, v19  }
0x292: {  	v43 =	vmul.f32 v36, v43;
	v51 =	vadd.f32 v51, v58;
	v41 =	vadd.f32 v35, v41  }
0x293: {  	v54 =	vadd.f32 v52, v9;
	v52 =	vadd.f32 v48, v8;
	v48 =	vmul.f32 v36, v55  }
0x294: {  	v50 =	vadd.f32 v50, v62;
	v55 =	vmul.f32 v41, v12;
	v12 =	vld [tilespmem:$0x1FFF0]  }
0x295: {  	v43 =	vadd.f32 v35, v43;
	[tilespmem:s14+$0x3280] =	vst v51;
	v51 =	vadd.f32 v35, v48  }
0x296: {  	v44 =	vmul.f32 v36, v44  }
0x297: {  	[tilespmem:s14+$0x3200] =	vst v50;
	v50 =	vmul.f32 v43, v6;
	v43 =	vmul.f32 v51, v22  }
0x298: {  	v44 =	vadd.f32 v35, v44  }
0x299: {  	[tilespmem:s14+$0x3480] =	vst v54;
	v54 =	vadd.f32 v43, v5;
	v43 =	vadd.f32 v38, v12;
	v12 =	vld [tilespmem:$0x1FFE0]  }
0x29a: {  	v44 =	vmul.f32 v44, v11;
	_ =	sdelay $0x1  }
0x29b: {  	v44 =	vadd.f32 v44, v0  }
0x29c: {  	v33 =	vadd.f32 v35, v33  }
0x29d: {  	v46 =	vadd.f32 v35, v46;
	v40 =	vmul.f32 v36, v40;
	[tilespmem:s14+$0x3600] =	vst v44;
	v44 =	vadd.f32 v37, v12;
	v12 =	vld [tilespmem:$0x1FEE0]  }
0x29e: {  	v32 =	vmul.f32 v36, v32;
	v33 =	vmul.f32 v33, v28  }
0x29f: {  	v46 =	vmul.f32 v46, v15;
	v42 =	vmul.f32 v36, v42;
	v40 =	vadd.f32 v35, v40  }
0x2a0: {  	v32 =	vadd.f32 v35, v32;
	v33 =	vadd.f32 v33, v63  }
0x2a1: {  	v46 =	vadd.f32 v46, v18;
	v42 =	vadd.f32 v35, v42;
	v40 =	vmul.f32 v40, v21  }
0x2a2: {  	v34 =	vmul.f32 v36, v34;
	[tilespmem:s14+$0x3380] =	vst v33;
	v33 =	vadd.f32 v50, v31;
	v32 =	vmul.f32 v32, v12;
	v12 =	vld [tilespmem:$0x1FED0]  }
0x2a3: {  	[tilespmem:s14+$0x3400] =	vst v46;
	v42 =	vmul.f32 v42, v2;
	v40 =	vadd.f32 v40, v29  }
0x2a4: {  	v34 =	vadd.f32 v35, v34;
	v39 =	vmul.f32 v36, v39;
	[tilespmem:s14+$0x3500] =	vst v33;
	v47 =	vadd.f32 v47, v59  }
0x2a5: {  	v42 =	vadd.f32 v42, v14;
	[tilespmem:s14+$0x3900] =	vst v40;
	v40 =	vadd.f32 v35, v53  }
0x2a6: {  	v39 =	vadd.f32 v35, v39;
	v45 =	vmul.f32 v45, v20;
	[tilespmem:s14+$0x3880] =	vst v47;
	v47 =	vld [tilespmem:$0x1FDA0]  }
0x2a7: {  	[tilespmem:s14+$0x3580] =	vst v42;
	v40 =	vmul.f32 v40, v10;
	v46 =	vmul.f32 v34, v12;
	v12 =	vld [tilespmem:$0x1FDC0]  }
0x2a8: {  	v45 =	vadd.f32 v45, v26;
	[tilespmem:s14+$0x3980] =	vst v52;
	v52 =	vmul.f32 v39, v1  }
0x2a9: {  	[tilespmem:s14+$0x3300] =	vst v49;
	v53 =	vadd.f32 v40, v13  }
0x2aa: {  	[tilespmem:s14+$0x3800] =	vst v45;
	v33 =	vadd.f32 v52, v17  }
0x2ab: {  	[tilespmem:s14+$0x3A80] =	vst v53  }
0x2ac: {  	[tilespmem:s14+$0x3A00] =	vst v33;
	v45 =	vadd.f32 v55, v16;
	v34 =	vmul.f32 v47, v12;
	v12 =	vld [tilespmem:$0x1FEF0]  }
0x2ad: {  	[tilespmem:s14+$0x3B00] =	vst v54  }
0x2ae: {  	[tilespmem:s14+$0x3680] =	vst v45  }
0x2af: {  	[tilespmem:s14+$0x3B80] =	vst v43;
	v32 =	vadd.f32 v32, v7  }
0x2b0: {  	s13 =	smov.u32 s18;
	[tilespmem:s14+$0x3C00] =	vst v44;
	v33 =	vadd.f32 v46, v25  }
0x2b1: {  	s10 =	sadd.s32 $0x10, s10;
	s12 =	sshrl.u32 s13, $0x3;
	[tilespmem:s14+$0x3D00] =	vst v32;
	v48 =	vadd.f32 v34, v12  }
0x2b2: {  	s30 =	sand.u32 $0x70, s10;
	s13 =	sshll.u32 s12, $0x7;
	[tilespmem:s14+$0x3C80] =	vst v33  }
0x2b3: {  	s13 =	sor.u32 s30, s13;
	[tilespmem:s14+$0x3180] =	vst v48  }
0x2b4: {  	v40 =	vld [tilespmem:s13+$0x980];
	_ =	sdelay $0x1  }
0x2b5: {  	v39 =	vld [tilespmem:s13+$0x1180]  }
0x2b6: {  	v37 =	vld [tilespmem:s13+$0x1980];
	_ =	sdelay $0x4  }
0x2b7: {  	v33 =	vld.idx.msk [tilespmem:v40+s7+$0x0], $0xffff  }
0x2b8: {  	v35 =	vld.idx.msk [tilespmem:v40+s17+$0x0], $0xffff  }
0x2b9: {  	v36 =	vld.idx.msk [tilespmem:v39+s8+$0x0], $0xffff  }
0x2ba: {  	s14 =	simm.s32 $0x938;
	v49 =	vld.idx.msk [tilespmem:v37+s16+$0x0], $0xffff  }
0x2bb: {  	v50 =	vld.idx.msk [tilespmem:v39+s14+$0x0], $0xffff  }
0x2bc: {  	v34 =	vld [tilespmem:s13+$0x2180];
	s14 =	simm.s32 $0x948  }
0x2bd: {  	v42 =	vld.idx.msk [tilespmem:v37+s14+$0x0], $0xffff  }
0x2be: {  	v33 =	vadd.f32 v36, v33  }
0x2bf: {  	v32 =	vld [tilespmem:s13+$0x2980]  }
0x2c0: {  	v35 =	vadd.f32 v50, v35;
	v33 =	vadd.f32 v49, v33;
	_ =	sdelay $0x1  }
0x2c1: {  	v51 =	vmul.f32 v34, v34;
	v35 =	vadd.f32 v42, v35;
	v33 =	vadd.f32 v33, v34;
	_ =	sdelay $0x1  }
0x2c2: {  	v52 =	vmul.f32 v32, v32;
	v35 =	vadd.f32 v35, v51;
	v33 =	vadd.f32 v33, v32;
	_ =	sdelay $0x1  }
0x2c3: {  	v35 =	vadd.f32 v35, v52;
	v33 =	vmul.f32 $4.166666790e-02, v33;
	_ =	sdelay $0x1  }
0x2c4: {  	v35 =	vmul.f32 $4.166666790e-02, v35;
	v53 =	vmul.f32 v33, v33;
	_ =	sdelay $0x1  }
0x2c5: {  	v35 =	vsub.f32 v35, v53;
	_ =	sdelay $0x1  }
0x2c6: {  	v41 =	vld.idx.msk [tilespmem:v40+s6+$0x0], $0xffff;
	v35 =	vadd.f32 $9.999999740e-06, v35  }
0x2c7: {  	v46 =	vld.idx.msk [tilespmem:v40+s23+$0x0], $0xffff  }
0x2c8: {  	v48 =	vld.idx.msk [tilespmem:v40+s15+$0x0], $0xffff;
	v54 =	vshra.s32 v35, $0x1;
	v35 =	vmul.f32 $-5.000000000e-01, v35  }
0x2c9: {  	v47 =	vld.idx.msk [tilespmem:v40+s9+$0x0], $0xffff;
	v36 =	vsub.s32 $0x5F3759DF, v54  }
0x2ca: {  	v38 =	vld.idx.msk [tilespmem:v37+s4+$0x0], $0xffff;
	v35 =	vmul.f32 v36, v35  }
0x2cb: {  	v45 =	vld.idx.msk [tilespmem:v40+s0+$0x0], $0xffff  }
0x2cc: {  	v43 =	vld.idx.msk [tilespmem:v40+s21+$0x0], $0xffff;
	v35 =	vmul.f32 v36, v35  }
0x2cd: {  	v44 =	vld.idx.msk [tilespmem:v40+s2+$0x0], $0xffff;
	s14 =	simm.s32 $0x80  }
0x2ce: {  	v50 =	vld.idx.msk [tilespmem:v40+s14+$0x0], $0xffff;
	v35 =	vadd.f32 $1.500000000e+00, v35  }
0x2cf: {  	v52 =	vld.idx.msk [tilespmem:v40+s20+$0x0], $0xffff  }
0x2d0: {  	v33 =	vsub.f32 $0.0e+00, v33;
	v53 =	vld.idx.msk [tilespmem:v40+s22+$0x0], $0xffff;
	v36 =	vmul.f32 v36, v35  }
0x2d1: {  	p0 =	sne.s32 s18, $0x3F;
	v54 =	vld.idx.msk [tilespmem:v40+s19+$0x0], $0xffff  }
.Ltmp3:
0x2d2: {  	v42 =	vld.idx.msk [tilespmem:v40+s31+$0x0], $0xffff;
	v35 =	vmul.f32 v36, v33;
	v55 =	vmul.f32 v36, v47;
	(pc) =	sbr.rel @p0 .LBB2_8-.Ltmp3, $4  }
0x2d3: {  	v49 =	vld.idx.msk [tilespmem:v40+s11+$0x0], $0xffff  }
0x2d4: {  	s12 =	smul.u32 $0x3000, s12;
	v47 =	vld.idx.msk [tilespmem:v40+s24+$0x0], $0xffff;
	v50 =	vmul.f32 v36, v50;
	v51 =	vmul.f32 v36, v48;
	v12 =	vadd.f32 v35, v55  }
0x2d5: {  	v48 =	vld.idx.msk [tilespmem:v40+s25+$0x0], $0xffff;
	v53 =	vmul.f32 v36, v53;
	v33 =	vmul.f32 v36, v46  }
0x2d6: {  	s18 =	sadd.s32 $0x1, s18;
	s12 =	sshra.s32 s12, $0x2;
	v46 =	vmul.f32 v36, v54;
	v52 =	vmul.f32 v36, v52;
	v50 =	vadd.f32 v35, v50;
	[tilespmem:$0x1FDA0] =	vst v12  }
0x2d7: {  	_ = 	snop  }
0x2d8: {  	v45 =	vmul.f32 v36, v45  }
0x2d9: {  	v53 =	vadd.f32 v35, v53;
	v55 =	vmovc v23;
	v33 =	vadd.f32 v35, v33;
	v49 =	vmul.f32 v36, v49  }
0x2da: {  	v54 =	vmovc v28;
	v23 =	vmul.f32 v50, v61;
	v50 =	vadd.f32 v35, v51;
	v45 =	vadd.f32 v35, v45  }
0x2db: {  	v51 =	vld.idx.msk [tilespmem:v39+s28+$0x0], $0xffff;
	v61 =	vmul.f32 v53, v56;
	v49 =	vadd.f32 v35, v49;
	v56 =	vmul.f32 v36, v48  }
0x2dc: {  	v40 =	vld.idx.msk [tilespmem:v40+s26+$0x0], $0xffff;
	v23 =	vadd.f32 v23, v62;
	v62 =	vmul.f32 v36, v47;
	v48 =	vmul.f32 v33, v54  }
0x2dd: {  	v12 =	vmul.f32 v45, v60;
	v60 =	vadd.f32 v35, v52;
	v52 =	vmovc v18;
	v18 =	vmul.f32 v50, v27  }
0x2de: {  	v28 =	vmovc v16;
	v33 =	vld.idx.msk [tilespmem:v39+s1+$0x0], $0xffff;
	v47 =	vmovc v31;
	v54 =	vmov v15;
	v53 =	vmov v29;
	v29 =	vadd.f32 v35, v56  }
0x2df: {  	v27 =	vld.idx.msk [tilespmem:v39+s29+$0x0], $0xffff;
	v16 =	vmul.f32 v49, v3;
	v3 =	vadd.f32 v12, v57;
	v18 =	vadd.f32 v18, v58  }
0x2e0: {  	v45 =	vmovc v13;
	v51 =	vmul.f32 v36, v51;
	v13 =	vadd.f32 v48, v63;
	v57 =	vadd.f32 v35, v62  }
0x2e1: {  	s10 =	sor.u32 s30, s12;
	v31 =	vmovc v11;
	v63 =	vadd.f32 v35, v46;
	v49 =	vmov v20;
	v20 =	vmul.f32 v60, v30;
	v30 =	vld.idx.msk [tilespmem:v39+s3+$0x0], $0xffff  }
0x2e2: {  	v50 =	vmov v26;
	v48 =	vadd.f32 v61, v55;
	v56 =	vmul.f32 v29, v24;
	v24 =	vld.idx.msk [tilespmem:v37+s5+$0x0], $0xffff;
	[tilespmem:s10+$0x3200] =	vst v23  }
0x2e3: {  	v55 =	vmul.f32 v36, v43;
	v26 =	vadd.f32 v16, v4;
	v60 =	vmul.f32 v36, v40;
	[tilespmem:s10+$0x3700] =	vst v3  }
0x2e4: {  	v46 =	vmovc v14;
	v39 =	vmov v10;
	v62 =	vmul.f32 v57, v49;
	v49 =	vmul.f32 v36, v44;
	[tilespmem:s10+$0x3280] =	vst v18  }
0x2e5: {  	v54 =	vmul.f32 v63, v54;
	[tilespmem:s10+$0x3380] =	vst v13;
	v4 =	vadd.f32 v35, v60;
	v20 =	vadd.f32 v20, v9  }
0x2e6: {  	[tilespmem:s10+$0x3300] =	vst v48;
	v44 =	vmul.f32 v36, v34;
	v60 =	vadd.f32 v35, v51;
	v15 =	vadd.f32 v56, v59  }
0x2e7: {  	[tilespmem:s10+$0x3780] =	vst v26;
	v56 =	vmul.f32 v36, v42;
	v59 =	vadd.f32 v35, v55;
	v11 =	vadd.f32 v62, v50  }
0x2e8: {  	v42 =	vmul.f32 v36, v41;
	v51 =	vmovc v6;
	v57 =	vadd.f32 v35, v49;
	v6 =	vadd.f32 v54, v52  }
0x2e9: {  	v23 =	vmovc v1;
	v58 =	vmul.f32 v4, v21;
	v40 =	vmul.f32 v60, v19;
	v26 =	vmov v17;
	[tilespmem:s10+$0x3480] =	vst v20  }
0x2ea: {  	v55 =	vld [tilespmem:$0x1FFF0];
	[tilespmem:s10+$0x3880] =	vst v15;
	v62 =	vadd.f32 v35, v56;
	v16 =	vmul.f32 v59, v51;
	v61 =	vmul.f32 v57, v31  }
0x2eb: {  	v50 =	vld [tilespmem:$0x1FEC0];
	v63 =	vmul.f32 v36, v30;
	[tilespmem:s10+$0x3800] =	vst v11;
	v12 =	vadd.f32 v58, v53;
	v58 =	vmul.f32 v36, v33  }
0x2ec: {  	v52 =	vld [tilespmem:$0x1FDB0];
	[tilespmem:s10+$0x3400] =	vst v6;
	v43 =	vmul.f32 v36, v24;
	v10 =	vadd.f32 v40, v8;
	v31 =	vadd.f32 v16, v47  }
0x2ed: {  	v56 =	vld [tilespmem:$0x1FEE0];
	v60 =	vmovc v2;
	v33 =	vmul.f32 v36, v27;
	v40 =	vmul.f32 v36, v38;
	v18 =	vadd.f32 v35, v58  }
0x2ee: {  	v59 =	vld [tilespmem:$0x1FED0];
	v19 =	vmul.f32 v62, v60;
	v2 =	vadd.f32 v61, v0;
	v21 =	vadd.f32 v35, v63;
	[tilespmem:s10+$0x3900] =	vst v12  }
0x2ef: {  	v57 =	vld [tilespmem:$0x1FE30];
	v48 =	vadd.f32 v35, v43;
	[tilespmem:s10+$0x3980] =	vst v10;
	v9 =	vadd.f32 v35, v33;
	v30 =	vmul.f32 v18, v39  }
0x2f0: {  	v8 =	vadd.f32 v35, v40;
	[tilespmem:s10+$0x3500] =	vst v31;
	v58 =	vld [tilespmem:$0x1FFE0];
	v37 =	vadd.f32 v19, v46;
	v39 =	vmul.f32 v21, v22  }
0x2f1: {  	v61 =	vld [tilespmem:$0x1FDC0];
	[tilespmem:s10+$0x3600] =	vst v2;
	v46 =	vmul.f32 v36, v32;
	v47 =	vmul.f32 v9, v23;
	v1 =	vadd.f32 v30, v45  }
0x2f2: {  	v62 =	vld [tilespmem:$0x1FDA0];
	v2 =	vadd.f32 v35, v44;
	v8 =	vmul.f32 v8, v50;
	[tilespmem:s10+$0x3580] =	vst v37;
	v49 =	vadd.f32 v39, v5  }
0x2f3: {  	v4 =	vmul.f32 v48, v52;
	v51 =	vadd.f32 v35, v46;
	v53 =	vadd.f32 v47, v26;
	[tilespmem:s10+$0x3A80] =	vst v1  }
0x2f4: {  	v54 =	vadd.f32 v35, v42;
	v63 =	vld [tilespmem:$0x1FEF0];
	v0 =	vmul.f32 v2, v59;
	v3 =	vadd.f32 v8, v55;
	[tilespmem:s10+$0x3B00] =	vst v49  }
0x2f5: {  	v5 =	vmul.f32 v51, v56;
	v4 =	vadd.f32 v4, v58;
	[tilespmem:s10+$0x3A00] =	vst v53  }
0x2f6: {  	v20 =	vmov v7;
	v0 =	vadd.f32 v0, v25;
	v1 =	vmul.f32 v54, v57;
	[tilespmem:s10+$0x3B80] =	vst v3  }
0x2f7: {  	v3 =	vmul.f32 v62, v61;
	v60 =	vadd.f32 v5, v20;
	[tilespmem:s10+$0x3C00] =	vst v4  }
0x2f8: {  	[tilespmem:s10+$0x3C80] =	vst v0;
	v1 =	vadd.f32 v1, v28  }
0x2f9: {  	v2 =	vadd.f32 v3, v63;
	[tilespmem:s10+$0x3D00] =	vst v60  }
0x2fa: {  	[tilespmem:s10+$0x3680] =	vst v1  }
0x2fb: {  	s12 =	rddreg [dreg:$0x11];
	s14 =	simm.s32 $0x3180;
	[tilespmem:s10+$0x3180] =	vst v2  }
0x2fc: {  	[hbm4b:s12+s9] =	stream.linear.scatter [tilespmem:s14], [sflag:$0x3], $0x400, $0x38;
	[tilespmem:$0xF180] =	vst v63  }
0x2fd: {  	s13 =	simm.s32 $0x3D80;
	s18 =	sadd.s32 $0x3000, s12  }
0x2fe: {  	[hbm4b:s18+s9] =	stream.linear.scatter [tilespmem:s13], [sflag:$0x3], $0x400, $0x38;
	[tilespmem:$0xF180] =	vst v63  }
0x2ff: {  	s30 =	simm.s32 $0x4980;
	s25 =	sadd.s32 $0x6000, s12  }
0x300: {  	[hbm4b:s25+s9] =	stream.linear.scatter [tilespmem:s30], [sflag:$0x3], $0x400, $0x38;
	[tilespmem:$0xF180] =	vst v63  }
0x301: {  	s14 =	sadd.s32 $0x9000, s12;
	s18 =	simm.s32 $0x5580  }
0x302: {  	[hbm4b:s14+s9] =	stream.linear.scatter [tilespmem:s18], [sflag:$0x3], $0x400, $0x38;
	[tilespmem:$0xF180] =	vst v63  }
0x303: {  	s25 =	sadd.s32 $0xC000, s12;
	s30 =	simm.s32 $0x6180  }
0x304: {  	[hbm4b:s25+s9] =	stream.linear.scatter [tilespmem:s30], [sflag:$0x3], $0x400, $0x38;
	[tilespmem:$0xF180] =	vst v63  }
0x305: {  	s14 =	sadd.s32 $0xF000, s12;
	s18 =	simm.s32 $0x6D80  }
0x306: {  	[hbm4b:s14+s9] =	stream.linear.scatter [tilespmem:s18], [sflag:$0x3], $0x400, $0x38;
	[tilespmem:$0xF180] =	vst v63  }
0x307: {  	s25 =	sadd.s32 $0x12000, s12;
	s30 =	simm.s32 $0x7980  }
0x308: {  	[hbm4b:s25+s9] =	stream.linear.scatter [tilespmem:s30], [sflag:$0x3], $0x400, $0x38;
	[tilespmem:$0xF180] =	vst v63  }
0x309: {  	s13 =	sadd.s32 $0x15000, s12;
	s14 =	simm.s32 $0x8580  }
0x30a: {  	[hbm4b:s13+s9] =	stream.linear.scatter [tilespmem:s14], [sflag:$0x3], $0x400, $0x38;
	[tilespmem:$0xF180] =	vst v63  }
0x30b: {  	s12 =	rddreg [dreg:$0x12];
	s18 =	simm.s32 $0x3580  }
0x30c: {  	[hbm4b:s12+s9] =	stream.linear.scatter [tilespmem:s18], [sflag:$0x3], $0x400, $0x38;
	[tilespmem:$0xF180] =	vst v63  }
0x30d: {  	s25 =	sadd.s32 $0x3000, s12;
	s30 =	simm.s32 $0x4180  }
0x30e: {  	[hbm4b:s25+s9] =	stream.linear.scatter [tilespmem:s30], [sflag:$0x3], $0x400, $0x38;
	[tilespmem:$0xF180] =	vst v63  }
0x30f: {  	s14 =	sadd.s32 $0x6000, s12;
	s18 =	simm.s32 $0x4D80  }
0x310: {  	[hbm4b:s14+s9] =	stream.linear.scatter [tilespmem:s18], [sflag:$0x3], $0x400, $0x38;
	[tilespmem:$0xF180] =	vst v63  }
0x311: {  	s25 =	sadd.s32 $0x9000, s12;
	s30 =	simm.s32 $0x5980  }
0x312: {  	[hbm4b:s25+s9] =	stream.linear.scatter [tilespmem:s30], [sflag:$0x3], $0x400, $0x38;
	[tilespmem:$0xF180] =	vst v63  }
0x313: {  	s14 =	sadd.s32 $0xC000, s12;
	s18 =	simm.s32 $0x6580  }
0x314: {  	[hbm4b:s14+s9] =	stream.linear.scatter [tilespmem:s18], [sflag:$0x3], $0x400, $0x38;
	[tilespmem:$0xF180] =	vst v63  }
0x315: {  	s25 =	sadd.s32 $0xF000, s12;
	s30 =	simm.s32 $0x7180  }
0x316: {  	[hbm4b:s25+s9] =	stream.linear.scatter [tilespmem:s30], [sflag:$0x3], $0x400, $0x38;
	[tilespmem:$0xF180] =	vst v63  }
0x317: {  	s14 =	sadd.s32 $0x12000, s12;
	s18 =	simm.s32 $0x7D80  }
0x318: {  	[hbm4b:s14+s9] =	stream.linear.scatter [tilespmem:s18], [sflag:$0x3], $0x400, $0x38;
	[tilespmem:$0xF180] =	vst v63  }
0x319: {  	s25 =	sadd.s32 $0x15000, s12;
	s30 =	simm.s32 $0x8980  }
0x31a: {  	[hbm4b:s25+s9] =	stream.linear.scatter [tilespmem:s30], [sflag:$0x3], $0x400, $0x38;
	[tilespmem:$0xF180] =	vst v63  }
0x31b: {  	s13 =	simm.s32 $0x3980;
	s12 =	rddreg [dreg:$0x13]  }
0x31c: {  	[hbm4b:s12+s9] =	stream.linear.scatter [tilespmem:s13], [sflag:$0x3], $0x400, $0x38;
	[tilespmem:$0xF180] =	vst v63  }
0x31d: {  	s14 =	sadd.s32 $0x3000, s12;
	s18 =	simm.s32 $0x4580  }
0x31e: {  	[hbm4b:s14+s9] =	stream.linear.scatter [tilespmem:s18], [sflag:$0x3], $0x400, $0x38;
	[tilespmem:$0xF180] =	vst v63  }
0x31f: {  	s25 =	sadd.s32 $0x6000, s12;
	s30 =	simm.s32 $0x5180  }
0x320: {  	[hbm4b:s25+s9] =	stream.linear.scatter [tilespmem:s30], [sflag:$0x3], $0x400, $0x38;
	[tilespmem:$0xF180] =	vst v63  }
0x321: {  	s14 =	sadd.s32 $0x9000, s12;
	s18 =	simm.s32 $0x5D80  }
0x322: {  	[hbm4b:s14+s9] =	stream.linear.scatter [tilespmem:s18], [sflag:$0x3], $0x400, $0x38;
	[tilespmem:$0xF180] =	vst v63  }
0x323: {  	s25 =	sadd.s32 $0xC000, s12;
	s30 =	simm.s32 $0x6980  }
0x324: {  	[hbm4b:s25+s9] =	stream.linear.scatter [tilespmem:s30], [sflag:$0x3], $0x400, $0x38;
	[tilespmem:$0xF180] =	vst v63  }
0x325: {  	s14 =	sadd.s32 $0xF000, s12;
	s18 =	simm.s32 $0x7580  }
0x326: {  	[hbm4b:s14+s9] =	stream.linear.scatter [tilespmem:s18], [sflag:$0x3], $0x400, $0x38;
	[tilespmem:$0xF180] =	vst v63  }
0x327: {  	s25 =	sadd.s32 $0x12000, s12;
	s30 =	simm.s32 $0x8180  }
0x328: {  	[hbm4b:s25+s9] =	stream.linear.scatter [tilespmem:s30], [sflag:$0x3], $0x400, $0x38;
	[tilespmem:$0xF180] =	vst v63  }
0x329: {  	s13 =	simm.s32 $0x8D80;
	s12 =	sadd.s32 $0x15000, s12;
	s14 =	simm.s32 $0x4  }
0x32a: {  	[hbm4b:s12+s9] =	stream.linear.scatter [tilespmem:s13], [sflag:$0x3], $0x400, $0x38;
	[tilespmem:$0xF180] =	vst v63  }
0x32b: {  	_ =	swait.ge [sflag:s14], $0x2000  }
0x32c: {  	[sflag:s14] =	ssyncset.done $0x0  }
0x32d: {  	[sflag:s14] =	ssyncadd.s32 $0xFFFFE000  }
0x32e: {  	_ =	swait.ge [sflag:s14], $0x2000  }
0x32f: {  	[sflag:s14] =	ssyncset.done $0x0  }
0x330: {  	[sflag:s14] =	ssyncadd.s32 $0xFFFFE000  }
0x331: {  	_ =	swait.ge [sflag:s14], $0x2000  }
0x332: {  	[sflag:s14] =	ssyncset.done $0x0  }
0x333: {  	s18 =	simm.s32 $0x3;
	[sflag:s14] =	ssyncadd.s32 $0xFFFFE000  }
0x334: {  	_ =	swait.ge [sflag:s18], $0x2000  }
0x335: {  	[sflag:s18] =	ssyncset.done $0x0  }
0x336: {  	[sflag:s18] =	ssyncadd.s32 $0xFFFFE000  }
0x337: {  	_ =	swait.ge [sflag:s18], $0x2000  }
0x338: {  	[sflag:s18] =	ssyncset.done $0x0  }
0x339: {  	[sflag:s18] =	ssyncadd.s32 $0xFFFFE000  }
0x33a: {  	_ =	swait.ge [sflag:s18], $0x2000  }
0x33b: {  	s25 =	rddreg [dreg:$0x15]  }
0x33c: {  	s30 =	rddreg [dreg:$0x14];
	s13 =	sadd.s32 $0x1, s25  }
0x33d: {  	p0 =	sne.s32 s13, s30  }
.Ltmp4:
0x33e: {  	_ = 	snop;
	(pc) =	sbr.rel @p0 .LBB2_1-.Ltmp4, $3  }
0x33f: {  	_ =	sdelay $0x1  }
0x340: {  	[sflag:s18] =	ssyncset.done $0x0;
	s14 =	rddreg [dreg:$0x8]  }
0x341: {  	[sflag:s18] =	ssyncadd.s32 $0xFFFFE000;
	s18 =	simm.s32 $0x938;
	s25 =	simm.s32 $0x700  }
0x342: {  	_ =	sfence.sel $0x180000  }
0x343: {  	[bflag:$0x0] =	sbarrier.arrive $0xFFFF  }
0x344: {  	_ =	strace $0x90000047  }
0x345: {  	s0 =	stileid.u32;
	[bflag:$0x2] =	sbarrier.arrive $0xFFFF  }
0x346: {  	p0 =	sne.s32 s0, $0x0;
	s0 =	rddreg [dreg:$0x7]  }
0x347: {  	s0 =	sadd.s32 @!p0 $0x100000, s0  }
0x348: {  	[sflag:s0] =	ssyncadd.tile.s32 @!p0 $0x1;
	_ =	shalt  }
.Lfunc_end2:
_tile_overlayer_lowered:
.L_overlay_start_2:
0x349: {  	(tag) =	ssettag $0x2  }
0x34a: {  	s0 =	rddreg [dreg:$0x0];
	s2 =	stileid.u32  }
0x34b: {  	s1 =	rddreg [dreg:$0x1];
	p0 =	sne.s32 s2, $0x0  }
0x34c: {  	s3 =	rddreg [dreg:$0x2];
	[bflag:$0x3] =	sbarrier.arrive $0xFFFF;
	s2 =	simm.s32 @!p0 $0x1C05  }
0x34d: {  	[timem:s3], [sflag:s2] =	dma.local @!p0 [hbm:s0], s1  }
0x34e: {  	s0 =	simm.s32 @!p0 $0x5  }
0x34f: {  	_ =	swait.ge @!p0 [sflag:s0], s1  }
0x350: {  	s1 =	ssub.s32 @!p0 $0x0, s1;
	[sflag:s0] =	ssyncset.done @!p0 $0x0  }
0x351: {  	[sflag:s0] =	ssyncadd.s32 @!p0 s1  }
0x352: {  	[bflag:$0x3] =	sbarrier.arrive $0xFFFF  }
0x353: {  	_ =	shalt  }

</sc_bundles>
